<compile_context>
chip_gen: v7x
topology: tpu7x:2x2x1
jax: 0.10.2.dev20260603
libtpu: 0.0.44.dev20260713+nightly
codegen_flags: <defaults>
</compile_context>

<pallas_src>
import functools

import jax
import jax.numpy as jnp
from jax import lax
from jax.experimental import pallas as pl
from jax.experimental.pallas import tpu as pltpu
from jax.experimental.pallas import tpu_sc as plsc

E = 1_600_000
N = 100_000
C_IN = 32
C_OUT = 32
KVOL = 27

_info = plsc.get_sparse_core_info()
NC = _info.num_cores
NS = _info.num_subcores
L = _info.num_lanes
NW = NC * NS

EH = E // 2
GCH = 1000
EPW = EH // NW
GITERS = EPW // GCH


def _gather_sc(feats, edge_index, e0):
  mesh = plsc.VectorSubcoreMesh(core_axis_name="c", subcore_axis_name="s")

  @functools.partial(
      pl.kernel,
      mesh=mesh,
      compiler_params=pltpu.CompilerParams(use_tc_tiling_on_sc=False),
      out_type=jax.ShapeDtypeStruct((EH, C_IN), jnp.float32),
      scratch_types=[
          pltpu.VMEM((EPW,), jnp.int32),
          pltpu.VMEM((2, GCH, C_IN), jnp.float32),
          pltpu.SemaphoreType.DMA,
          pltpu.SemaphoreType.DMA((2,)),
      ],
  )
  def k(feats_hbm, ei_hbm, out_hbm, idx_v, rows_v, sem_g, sem_w):
    wid = lax.axis_index("s") * NC + lax.axis_index("c")
    base = wid * EPW
    pltpu.sync_copy(ei_hbm.at[0, pl.ds(e0 + base, EPW)], idx_v)

    def body(i, carry):
      p = lax.rem(i, 2)
      off = base + i * GCH

      @pl.when(i >= 2)
      def _():
        off2 = base + (i - 2) * GCH
        pltpu.make_async_copy(rows_v.at[p], out_hbm.at[pl.ds(off2, GCH)],
                              sem_w.at[p]).wait()

      pltpu.async_copy(feats_hbm.at[idx_v.at[pl.ds(i * GCH, GCH)]],
                       rows_v.at[p], sem_g).wait()
      pltpu.async_copy(rows_v.at[p], out_hbm.at[pl.ds(off, GCH)], sem_w.at[p])
      return carry

    lax.fori_loop(0, GITERS, body, 0)
    for p in range(2):
      off2 = base + (GITERS - 2 + p) * GCH
      pltpu.make_async_copy(rows_v.at[p], out_hbm.at[pl.ds(off2, GCH)],
                            sem_w.at[p]).wait()

  return k(feats, edge_index)


BE = 6400
NB = E // BE


PACK = 128 // C_IN
BR = BE // PACK


def _gemm_tc(gathered4, ek3, wblk):
  def body(ek_ref, x_ref, w_ref, o_ref):
    ek = ek_ref[0, 0, :]
    kmin = jnp.min(ek)
    kmax = jnp.max(ek)

    @pl.when(kmin == kmax)
    def _():
      wk = w_ref[pl.ds(kmin, 1), :, :][0]
      o_ref[...] = jnp.dot(x_ref[...], wk, preferred_element_type=jnp.float32)

    @pl.when(kmin != kmax)
    def _():
      x = x_ref[...]
      eidx = (PACK * lax.broadcasted_iota(jnp.int32, (BR, 128), 0)
              + lax.broadcasted_iota(jnp.int32, (BR, 128), 1) // C_IN)
      o_ref[...] = jnp.zeros_like(o_ref)
      for k in range(KVOL):
        @pl.when(jnp.logical_and(kmin <= k, k <= kmax))
        def _():
          lo = jnp.sum((ek < k).astype(jnp.int32))
          hi = jnp.sum((ek <= k).astype(jnp.int32))
          xm = jnp.where((eidx >= lo) & (eidx < hi), x, 0.0)
          o_ref[...] += jnp.dot(xm, w_ref[k],
                                preferred_element_type=jnp.float32)

  return pl.pallas_call(
      body,
      grid=(ek3.shape[0],),
      in_specs=[
          pl.BlockSpec((1, 1, BE), lambda i: (i, 0, 0)),
          pl.BlockSpec((BR, 128), lambda i: (i, 0)),
          pl.BlockSpec((KVOL, 128, 128), lambda i: (0, 0, 0)),
      ],
      out_specs=pl.BlockSpec((BR, 128), lambda i: (i, 0)),
          out_shape=jax.ShapeDtypeStruct((ek3.shape[0] * BR, 128), jnp.float32),
  )(ek3, gathered4, wblk)


SCH = 800
EPT = E // NS
SITERS = EPT // SCH
NPT = N // NS
CH = C_OUT // NC
_NCHUNKS = tuple((i * 800, 800) for i in range(7)) + ((5600, 650),)


def _scatter_sc(msgs1, msgs2, edge_index, bias):
  mesh = plsc.VectorSubcoreMesh(core_axis_name="c", subcore_axis_name="s")

  @functools.partial(
      pl.kernel,
      mesh=mesh,
      compiler_params=pltpu.CompilerParams(use_tc_tiling_on_sc=False),
      out_type=jax.ShapeDtypeStruct((N, C_OUT), jnp.float32),
      scratch_types=[
          pltpu.VMEM((2, SCH), jnp.int32),
          pltpu.VMEM((2, SCH, CH), jnp.float32),
          pltpu.VMEM((L,), jnp.float32),
          pltpu.VMEM_SHARED((N, CH), jnp.float32),
          pltpu.SemaphoreType.DMA((2,)),
          pltpu.SemaphoreType.DMA((2,)),
      ],
  )
  def k(m1_hbm, m2_hbm, ei_hbm, bias_hbm, out_hbm,
        idx_v, msg_v, bias_v, acc_sh, sem_i, sem_m):
    c = lax.axis_index("c")
    s = lax.axis_index("s")
    coff = c * CH
    nb = s * NPT
    buf_v = msg_v.at[0]

    def zero_row(i, carry):
      buf_v[i, :] = jnp.zeros((L,), jnp.float32)
      return carry

    lax.fori_loop(0, SCH, zero_row, 0)
    for off, n in _NCHUNKS:
      pltpu.sync_copy(buf_v.at[pl.ds(0, n)], acc_sh.at[pl.ds(nb + off, n)])
    plsc.subcore_barrier()

    def run(msgs_hbm, ebase, lbase):
      def _issue(i, p):
        goff = ebase + i * SCH
        loff = lbase + i * SCH
        pltpu.async_copy(ei_hbm.at[1, pl.ds(goff, SCH)], idx_v.at[p],
                         sem_i.at[p])
        pltpu.async_copy(msgs_hbm.at[pl.ds(loff, SCH), pl.ds(coff, CH)],
                         msg_v.at[p], sem_m.at[p])

      _issue(0, 0)
      _issue(1, 1)

      def body(i, carry):
        p = lax.rem(i, 2)
        goff = ebase + i * SCH
        loff = lbase + i * SCH
        pltpu.make_async_copy(ei_hbm.at[1, pl.ds(goff, SCH)], idx_v.at[p],
                              sem_i.at[p]).wait()
        pltpu.make_async_copy(msgs_hbm.at[pl.ds(loff, SCH), pl.ds(coff, CH)],
                              msg_v.at[p], sem_m.at[p]).wait()
        pltpu.sync_copy(msg_v.at[p], acc_sh.at[idx_v.at[p]], add=True)

        @pl.when(i + 2 < SITERS)
        def _():
          _issue(i + 2, p)

        return carry

      lax.fori_loop(0, SITERS, body, 0)

    @pl.when(s < NS // 2)
    def _():
      run(m1_hbm, s * EPT, s * EPT)

    @pl.when(s >= NS // 2)
    def _():
      run(m2_hbm, s * EPT, s * EPT - EH)

    plsc.subcore_barrier()

    pltpu.sync_copy(bias_hbm.at[pl.ds(coff, CH)], bias_v)
    bvec = bias_v[...]
    for off, n in _NCHUNKS:
      pltpu.sync_copy(acc_sh.at[pl.ds(nb + off, n)], buf_v.at[pl.ds(0, n)])

      def add_bias(r, carry):
        buf_v[r, :] = buf_v[r, :] + bvec
        return carry

      lax.fori_loop(0, n, add_bias, 0)
      pltpu.sync_copy(buf_v.at[pl.ds(0, n)],
                      out_hbm.at[pl.ds(nb + off, n), pl.ds(coff, CH)])

  return k(msgs1, msgs2, edge_index, bias)


def kernel(feats, edge_index, edge_kernel, weight, bias):
  w_t = jnp.transpose(weight, (0, 2, 1))
  wblk = jnp.einsum("ab,kio->kaibo", jnp.eye(PACK, dtype=weight.dtype),
                    w_t).reshape(KVOL, 128, 128)
  g1 = _gather_sc(feats, edge_index, 0)
  m1 = _gemm_tc(g1.reshape(EH // PACK, 128),
                edge_kernel[:EH].reshape(EH // BE, 1, BE), wblk)
  g2 = _gather_sc(feats, edge_index, EH)
  m2 = _gemm_tc(g2.reshape(EH // PACK, 128),
                edge_kernel[EH:].reshape(EH // BE, 1, BE), wblk)
  return _scatter_sc(m1.reshape(EH, C_OUT), m2.reshape(EH, C_OUT),
                     edge_index, bias)

# --- scband reference (transcript-rebuilt; emitter-appended) ---
"""Pipeline reference for scband-conv-transpose3d-58909771431981 (READ-ONLY COPY).

The authoritative reference and input builder live on the scoring server;
editing this copy changes nothing except your own understanding.
"""

import jax, jax.numpy as jnp
import numpy as np

K = 27  # 3x3x3 kernel volume
N_NODES = 100000
E = 1600000
IN_C = 32
OUT_C = 32


def setup_inputs(seed: int = 0) -> dict:
    key = jax.random.key(seed)
    k1, k2, k3, k4, k5 = jax.random.split(key, 5)
    feats = jax.random.normal(k1, (N_NODES, IN_C), dtype=jnp.float32)
    edge_index = jax.random.randint(k2, (2, E), 0, N_NODES, dtype=jnp.int32)
    edge_kernel = jnp.sort(jax.random.randint(k3, (E,), 0, K, dtype=jnp.int32))
    stdv = 1.0 / np.sqrt(OUT_C * K)
    weight = jax.random.uniform(k4, (K, OUT_C, IN_C), dtype=jnp.float32, minval=-stdv, maxval=stdv)
    bias = jax.random.uniform(k5, (OUT_C,), dtype=jnp.float32, minval=-stdv, maxval=stdv)
    return {"feats": feats, "edge_index": edge_index, "edge_kernel": edge_kernel,
            "weight": weight, "bias": bias}


def reference(feats, edge_index, edge_kernel, weight, bias):
    # Sparse transposed conv3d as kernel-map gather-GEMM-scatter:
    # for each kernel offset k, gather input feats along edges of that offset,
    # apply weight[k] (shape [out, in], i.e. msg = feat @ weight[k].T as in
    # transposed conv), and scatter-add into output coordinates.
    src = edge_index[0]
    dst = edge_index[1]
    gathered = feats[src]
    out = jnp.zeros((N_NODES, OUT_C), dtype=feats.dtype)
    for k in range(K):
        mask = edge_kernel == k
        msg = gathered @ weight[k].T
        msg = jnp.where(mask[:, None], msg, jnp.zeros((), dtype=feats.dtype))
        out = out.at[dst].add(msg)
    out = out + bias[None, :]
    return out

if __name__ == "__main__":
    import jax
    _d = setup_inputs()
    print(jax.jit(kernel)(*tuple(_d.values())))

</pallas_src>

<mosaic_0001>
#map = affine_map<(d0, d1) -> (0, 0)>
#map1 = affine_map<(d0, d1) -> (0)>
module attributes {stable_mosaic.version = 14 : i64} {
  func.func @k(%arg0: i32, %arg1: i32, %arg2: memref<800000x32xf32, #tpu.memory_space<hbm>>, %arg3: memref<800000x32xf32, #tpu.memory_space<hbm>>, %arg4: memref<2x1600000xi32, #tpu.memory_space<hbm>>, %arg5: memref<32xf32, #tpu.memory_space<hbm>>, %arg6: memref<100000x32xf32, #tpu.memory_space<hbm>>, %arg7: memref<2x800xi32, #tpu.memory_space<vmem>>, %arg8: memref<2x800x16xf32, #tpu.memory_space<vmem>>, %arg9: memref<16xf32, #tpu.memory_space<vmem>>, %arg10: memref<100000x16xf32, #tpu.memory_space<vmem_shared>>, %arg11: memref<2x!tpu.dma_semaphore, #tpu.memory_space<semaphore_mem>>, %arg12: memref<2x!tpu.dma_semaphore, #tpu.memory_space<semaphore_mem>>) attributes {dimension_semantics = [#tpu.dimension_semantics<core_parallel>, #tpu.dimension_semantics<subcore_parallel>], iteration_bounds = array<i64: 2, 16>, scalar_prefetch = 0 : i64, scratch_operands = 6 : i64, tpu.core_type = #tpu.core_type<sc_vector_subcore>, window_params = [{transform_indices = #map}, {transform_indices = #map}, {transform_indices = #map}, {transform_indices = #map1}, {transform_indices = #map}]} {
    %mul3A = arith.constant 16 : i32
    %mul3A_0 = arith.muli %arg0, %mul3A : i32
    %mul3A_1 = arith.constant 6250 : i32
    %mul3A_2 = arith.muli %arg1, %mul3A_1 : i32
    %scan3A = arith.constant 0 : i32
    %scan3A_3 = arith.constant 0 : i32
    %scan3A_4 = arith.constant 0 : i32
    %scan3A_5 = arith.constant 800 : i32
    %scan3A_6 = arith.addi %scan3A_4, %scan3A_5 : i32
    %scan3A_7 = arith.constant 1 : i32
    scf.for %scan3A_144 = %scan3A_4 to %scan3A_6 step %scan3A_7  : i32 {
      %broadcast_in_dim3A = arith.constant 0.000000e+00 : f32
      %broadcast_in_dim3A_145 = vector.broadcast %broadcast_in_dim3A : f32 to vector<16xf32>
      %swap3A = arith.constant 0 : i32
      %swap3A_146 = arith.constant 0 : i32
      %swap3A_147 = tpu.memref_slice %arg8[%scan3A_3, %swap3A, %swap3A_146] : memref<2x800x16xf32, #tpu.memory_space<vmem>> -> memref<1x800x16xf32, #tpu.memory_space<vmem>>
      %swap3A_148 = tpu.memref_squeeze %swap3A_147 : memref<1x800x16xf32, #tpu.memory_space<vmem>> -> memref<800x16xf32, #tpu.memory_space<vmem>>
      %swap3A_149 = arith.index_cast %scan3A_144 : i32 to index
      %swap3A_150 = arith.constant 0 : index
      %swap3A_151 = tpu.vector_load %swap3A_148[%swap3A_149, %swap3A_150] {strides = array<i32>} : memref<800x16xf32, #tpu.memory_space<vmem>>, vector<1x16xf32>,
      %swap3A_152 = vector.shape_cast %swap3A_151 : vector<1x16xf32> to vector<16xf32>
      %swap3A_153 = vector.shape_cast %broadcast_in_dim3A_145 : vector<16xf32> to vector<1x16xf32>
      tpu.vector_store %swap3A_148[%swap3A_149, %swap3A_150], %swap3A_153 {strides = array<i32>} : memref<800x16xf32, #tpu.memory_space<vmem>>, vector<1x16xf32>,
    }
    %scan3A_8 = arith.constant 800 : i32
    %add3A = arith.constant 0 : i32
    %add3A_9 = arith.addi %mul3A_2, %add3A : i32
    %run_scoped3A = arith.constant 0 : i32
    "tpu.region"() ({
      %run_scoped3A_144 = tpu.sem_alloc : memref<!tpu.dma_semaphore, #tpu.memory_space<semaphore_mem>>
      %dma_start3A = arith.constant 0 : i32
      %dma_start3A_145 = arith.constant 0 : i32
      %dma_start3A_146 = tpu.memref_slice %arg8[%run_scoped3A, %dma_start3A, %dma_start3A_145] : memref<2x800x16xf32, #tpu.memory_space<vmem>> -> memref<1x800x16xf32, #tpu.memory_space<vmem>>
      %dma_start3A_147 = tpu.memref_squeeze %dma_start3A_146 : memref<1x800x16xf32, #tpu.memory_space<vmem>> -> memref<800x16xf32, #tpu.memory_space<vmem>>
      %dma_start3A_148 = arith.constant 0 : i32
      %dma_start3A_149 = arith.constant 0 : i32
      %dma_start3A_150 = tpu.memref_slice %dma_start3A_147[%dma_start3A_148, %dma_start3A_149] : memref<800x16xf32, #tpu.memory_space<vmem>> -> memref<800x16xf32, #tpu.memory_space<vmem>>
      %dma_start3A_151 = arith.constant 0 : i32
      %dma_start3A_152 = tpu.memref_slice %arg10[%add3A_9, %dma_start3A_151] : memref<100000x16xf32, #tpu.memory_space<vmem_shared>> -> memref<800x16xf32, #tpu.memory_space<vmem_shared>>
      %dma_start3A_153 = arith.constant 0 : i32
      %dma_start3A_154 = tpu.memref_slice %arg10[%add3A_9, %dma_start3A_153] : memref<100000x16xf32, #tpu.memory_space<vmem_shared>> -> memref<800x16xf32, #tpu.memory_space<vmem_shared>>
      %dma_start3A_155 = arith.constant 0 : i32
      %dma_start3A_156 = arith.constant 0 : i32
      %dma_start3A_157 = tpu.memref_slice %arg8[%run_scoped3A, %dma_start3A_155, %dma_start3A_156] : memref<2x800x16xf32, #tpu.memory_space<vmem>> -> memref<1x800x16xf32, #tpu.memory_space<vmem>>
      %dma_start3A_158 = tpu.memref_squeeze %dma_start3A_157 : memref<1x800x16xf32, #tpu.memory_space<vmem>> -> memref<800x16xf32, #tpu.memory_space<vmem>>
      %dma_start3A_159 = arith.constant 0 : i32
      %dma_start3A_160 = arith.constant 0 : i32
      %dma_start3A_161 = tpu.memref_slice %dma_start3A_158[%dma_start3A_159, %dma_start3A_160] : memref<800x16xf32, #tpu.memory_space<vmem>> -> memref<800x16xf32, #tpu.memory_space<vmem>>
      tpu.enqueue_dma source(%dma_start3A_161 : memref<800x16xf32, #tpu.memory_space<vmem>>) target(%dma_start3A_154 : memref<800x16xf32, #tpu.memory_space<vmem_shared>>) target_semaphore(%run_scoped3A_144 : memref<!tpu.dma_semaphore, #tpu.memory_space<semaphore_mem>>)
      %dma_wait3A = arith.constant 0 : i32
      %dma_wait3A_162 = arith.constant 0 : i32
      %dma_wait3A_163 = tpu.memref_slice %arg8[%run_scoped3A, %dma_wait3A, %dma_wait3A_162] : memref<2x800x16xf32, #tpu.memory_space<vmem>> -> memref<1x800x16xf32, #tpu.memory_space<vmem>>
      %dma_wait3A_164 = tpu.memref_squeeze %dma_wait3A_163 : memref<1x800x16xf32, #tpu.memory_space<vmem>> -> memref<800x16xf32, #tpu.memory_space<vmem>>
      %dma_wait3A_165 = arith.constant 0 : i32
      %dma_wait3A_166 = arith.constant 0 : i32
      %dma_wait3A_167 = tpu.memref_slice %dma_wait3A_164[%dma_wait3A_165, %dma_wait3A_166] : memref<800x16xf32, #tpu.memory_space<vmem>> -> memref<800x16xf32, #tpu.memory_space<vmem>>
      %dma_wait3A_168 = arith.constant 0 : i32
      %dma_wait3A_169 = tpu.memref_slice %arg10[%add3A_9, %dma_wait3A_168] : memref<100000x16xf32, #tpu.memory_space<vmem_shared>> -> memref<800x16xf32, #tpu.memory_space<vmem_shared>>
      %dma_wait3A_170 = arith.constant 0 : i32
      %dma_wait3A_171 = tpu.memref_slice %arg10[%add3A_9, %dma_wait3A_170] : memref<100000x16xf32, #tpu.memory_space<vmem_shared>> -> memref<800x16xf32, #tpu.memory_space<vmem_shared>>
      %dma_wait3A_172 = arith.constant 0 : i32
      %dma_wait3A_173 = arith.constant 0 : i32
      %dma_wait3A_174 = tpu.memref_slice %arg8[%run_scoped3A, %dma_wait3A_172, %dma_wait3A_173] : memref<2x800x16xf32, #tpu.memory_space<vmem>> -> memref<1x800x16xf32, #tpu.memory_space<vmem>>
      %dma_wait3A_175 = tpu.memref_squeeze %dma_wait3A_174 : memref<1x800x16xf32, #tpu.memory_space<vmem>> -> memref<800x16xf32, #tpu.memory_space<vmem>>
      %dma_wait3A_176 = arith.constant 0 : i32
      %dma_wait3A_177 = arith.constant 0 : i32
      %dma_wait3A_178 = tpu.memref_slice %dma_wait3A_175[%dma_wait3A_176, %dma_wait3A_177] : memref<800x16xf32, #tpu.memory_space<vmem>> -> memref<800x16xf32, #tpu.memory_space<vmem>>
      tpu.wait_dma2 semaphore(%run_scoped3A_144 : memref<!tpu.dma_semaphore, #tpu.memory_space<semaphore_mem>>) src(%dma_wait3A_178 : memref<800x16xf32, #tpu.memory_space<vmem>>) dst(%dma_wait3A_171 : memref<800x16xf32, #tpu.memory_space<vmem_shared>>)
      tpu.yield
    }) : () -> ()
    %add3A_10 = arith.constant 800 : i32
    %add3A_11 = arith.addi %mul3A_2, %add3A_10 : i32
    %run_scoped3A_12 = arith.constant 0 : i32
    "tpu.region"() ({
      %run_scoped3A_144 = tpu.sem_alloc : memref<!tpu.dma_semaphore, #tpu.memory_space<semaphore_mem>>
      %dma_start3A = arith.constant 0 : i32
      %dma_start3A_145 = arith.constant 0 : i32
      %dma_start3A_146 = tpu.memref_slice %arg8[%run_scoped3A_12, %dma_start3A, %dma_start3A_145] : memref<2x800x16xf32, #tpu.memory_space<vmem>> -> memref<1x800x16xf32, #tpu.memory_space<vmem>>
      %dma_start3A_147 = tpu.memref_squeeze %dma_start3A_146 : memref<1x800x16xf32, #tpu.memory_space<vmem>> -> memref<800x16xf32, #tpu.memory_space<vmem>>
      %dma_start3A_148 = arith.constant 0 : i32
      %dma_start3A_149 = arith.constant 0 : i32
      %dma_start3A_150 = tpu.memref_slice %dma_start3A_147[%dma_start3A_148, %dma_start3A_149] : memref<800x16xf32, #tpu.memory_space<vmem>> -> memref<800x16xf32, #tpu.memory_space<vmem>>
      %dma_start3A_151 = arith.constant 0 : i32
      %dma_start3A_152 = tpu.memref_slice %arg10[%add3A_11, %dma_start3A_151] : memref<100000x16xf32, #tpu.memory_space<vmem_shared>> -> memref<800x16xf32, #tpu.memory_space<vmem_shared>>
      %dma_start3A_153 = arith.constant 0 : i32
      %dma_start3A_154 = tpu.memref_slice %arg10[%add3A_11, %dma_start3A_153] : memref<100000x16xf32, #tpu.memory_space<vmem_shared>> -> memref<800x16xf32, #tpu.memory_space<vmem_shared>>
      %dma_start3A_155 = arith.constant 0 : i32
      %dma_start3A_156 = arith.constant 0 : i32
      %dma_start3A_157 = tpu.memref_slice %arg8[%run_scoped3A_12, %dma_start3A_155, %dma_start3A_156] : memref<2x800x16xf32, #tpu.memory_space<vmem>> -> memref<1x800x16xf32, #tpu.memory_space<vmem>>
      %dma_start3A_158 = tpu.memref_squeeze %dma_start3A_157 : memref<1x800x16xf32, #tpu.memory_space<vmem>> -> memref<800x16xf32, #tpu.memory_space<vmem>>
      %dma_start3A_159 = arith.constant 0 : i32
      %dma_start3A_160 = arith.constant 0 : i32
      %dma_start3A_161 = tpu.memref_slice %dma_start3A_158[%dma_start3A_159, %dma_start3A_160] : memref<800x16xf32, #tpu.memory_space<vmem>> -> memref<800x16xf32, #tpu.memory_space<vmem>>
      tpu.enqueue_dma source(%dma_start3A_161 : memref<800x16xf32, #tpu.memory_space<vmem>>) target(%dma_start3A_154 : memref<800x16xf32, #tpu.memory_space<vmem_shared>>) target_semaphore(%run_scoped3A_144 : memref<!tpu.dma_semaphore, #tpu.memory_space<semaphore_mem>>)
      %dma_wait3A = arith.constant 0 : i32
      %dma_wait3A_162 = arith.constant 0 : i32
      %dma_wait3A_163 = tpu.memref_slice %arg8[%run_scoped3A_12, %dma_wait3A, %dma_wait3A_162] : memref<2x800x16xf32, #tpu.memory_space<vmem>> -> memref<1x800x16xf32, #tpu.memory_space<vmem>>
      %dma_wait3A_164 = tpu.memref_squeeze %dma_wait3A_163 : memref<1x800x16xf32, #tpu.memory_space<vmem>> -> memref<800x16xf32, #tpu.memory_space<vmem>>
      %dma_wait3A_165 = arith.constant 0 : i32
      %dma_wait3A_166 = arith.constant 0 : i32
      %dma_wait3A_167 = tpu.memref_slice %dma_wait3A_164[%dma_wait3A_165, %dma_wait3A_166] : memref<800x16xf32, #tpu.memory_space<vmem>> -> memref<800x16xf32, #tpu.memory_space<vmem>>
      %dma_wait3A_168 = arith.constant 0 : i32
      %dma_wait3A_169 = tpu.memref_slice %arg10[%add3A_11, %dma_wait3A_168] : memref<100000x16xf32, #tpu.memory_space<vmem_shared>> -> memref<800x16xf32, #tpu.memory_space<vmem_shared>>
      %dma_wait3A_170 = arith.constant 0 : i32
      %dma_wait3A_171 = tpu.memref_slice %arg10[%add3A_11, %dma_wait3A_170] : memref<100000x16xf32, #tpu.memory_space<vmem_shared>> -> memref<800x16xf32, #tpu.memory_space<vmem_shared>>
      %dma_wait3A_172 = arith.constant 0 : i32
      %dma_wait3A_173 = arith.constant 0 : i32
      %dma_wait3A_174 = tpu.memref_slice %arg8[%run_scoped3A_12, %dma_wait3A_172, %dma_wait3A_173] : memref<2x800x16xf32, #tpu.memory_space<vmem>> -> memref<1x800x16xf32, #tpu.memory_space<vmem>>
      %dma_wait3A_175 = tpu.memref_squeeze %dma_wait3A_174 : memref<1x800x16xf32, #tpu.memory_space<vmem>> -> memref<800x16xf32, #tpu.memory_space<vmem>>
      %dma_wait3A_176 = arith.constant 0 : i32
      %dma_wait3A_177 = arith.constant 0 : i32
      %dma_wait3A_178 = tpu.memref_slice %dma_wait3A_175[%dma_wait3A_176, %dma_wait3A_177] : memref<800x16xf32, #tpu.memory_space<vmem>> -> memref<800x16xf32, #tpu.memory_space<vmem>>
      tpu.wait_dma2 semaphore(%run_scoped3A_144 : memref<!tpu.dma_semaphore, #tpu.memory_space<semaphore_mem>>) src(%dma_wait3A_178 : memref<800x16xf32, #tpu.memory_space<vmem>>) dst(%dma_wait3A_171 : memref<800x16xf32, #tpu.memory_space<vmem_shared>>)
      tpu.yield
    }) : () -> ()
    %add3A_13 = arith.constant 1600 : i32
    %add3A_14 = arith.addi %mul3A_2, %add3A_13 : i32
    %run_scoped3A_15 = arith.constant 0 : i32
    "tpu.region"() ({
      %run_scoped3A_144 = tpu.sem_alloc : memref<!tpu.dma_semaphore, #tpu.memory_space<semaphore_mem>>
      %dma_start3A = arith.constant 0 : i32
      %dma_start3A_145 = arith.constant 0 : i32
      %dma_start3A_146 = tpu.memref_slice %arg8[%run_scoped3A_15, %dma_start3A, %dma_start3A_145] : memref<2x800x16xf32, #tpu.memory_space<vmem>> -> memref<1x800x16xf32, #tpu.memory_space<vmem>>
      %dma_start3A_147 = tpu.memref_squeeze %dma_start3A_146 : memref<1x800x16xf32, #tpu.memory_space<vmem>> -> memref<800x16xf32, #tpu.memory_space<vmem>>
      %dma_start3A_148 = arith.constant 0 : i32
      %dma_start3A_149 = arith.constant 0 : i32
      %dma_start3A_150 = tpu.memref_slice %dma_start3A_147[%dma_start3A_148, %dma_start3A_149] : memref<800x16xf32, #tpu.memory_space<vmem>> -> memref<800x16xf32, #tpu.memory_space<vmem>>
      %dma_start3A_151 = arith.constant 0 : i32
      %dma_start3A_152 = tpu.memref_slice %arg10[%add3A_14, %dma_start3A_151] : memref<100000x16xf32, #tpu.memory_space<vmem_shared>> -> memref<800x16xf32, #tpu.memory_space<vmem_shared>>
      %dma_start3A_153 = arith.constant 0 : i32
      %dma_start3A_154 = tpu.memref_slice %arg10[%add3A_14, %dma_start3A_153] : memref<100000x16xf32, #tpu.memory_space<vmem_shared>> -> memref<800x16xf32, #tpu.memory_space<vmem_shared>>
      %dma_start3A_155 = arith.constant 0 : i32
      %dma_start3A_156 = arith.constant 0 : i32
      %dma_start3A_157 = tpu.memref_slice %arg8[%run_scoped3A_15, %dma_start3A_155, %dma_start3A_156] : memref<2x800x16xf32, #tpu.memory_space<vmem>> -> memref<1x800x16xf32, #tpu.memory_space<vmem>>
      %dma_start3A_158 = tpu.memref_squeeze %dma_start3A_157 : memref<1x800x16xf32, #tpu.memory_space<vmem>> -> memref<800x16xf32, #tpu.memory_space<vmem>>
      %dma_start3A_159 = arith.constant 0 : i32
      %dma_start3A_160 = arith.constant 0 : i32
      %dma_start3A_161 = tpu.memref_slice %dma_start3A_158[%dma_start3A_159, %dma_start3A_160] : memref<800x16xf32, #tpu.memory_space<vmem>> -> memref<800x16xf32, #tpu.memory_space<vmem>>
      tpu.enqueue_dma source(%dma_start3A_161 : memref<800x16xf32, #tpu.memory_space<vmem>>) target(%dma_start3A_154 : memref<800x16xf32, #tpu.memory_space<vmem_shared>>) target_semaphore(%run_scoped3A_144 : memref<!tpu.dma_semaphore, #tpu.memory_space<semaphore_mem>>)
      %dma_wait3A = arith.constant 0 : i32
      %dma_wait3A_162 = arith.constant 0 : i32
      %dma_wait3A_163 = tpu.memref_slice %arg8[%run_scoped3A_15, %dma_wait3A, %dma_wait3A_162] : memref<2x800x16xf32, #tpu.memory_space<vmem>> -> memref<1x800x16xf32, #tpu.memory_space<vmem>>
      %dma_wait3A_164 = tpu.memref_squeeze %dma_wait3A_163 : memref<1x800x16xf32, #tpu.memory_space<vmem>> -> memref<800x16xf32, #tpu.memory_space<vmem>>
      %dma_wait3A_165 = arith.constant 0 : i32
      %dma_wait3A_166 = arith.constant 0 : i32
      %dma_wait3A_167 = tpu.memref_slice %dma_wait3A_164[%dma_wait3A_165, %dma_wait3A_166] : memref<800x16xf32, #tpu.memory_space<vmem>> -> memref<800x16xf32, #tpu.memory_space<vmem>>
      %dma_wait3A_168 = arith.constant 0 : i32
      %dma_wait3A_169 = tpu.memref_slice %arg10[%add3A_14, %dma_wait3A_168] : memref<100000x16xf32, #tpu.memory_space<vmem_shared>> -> memref<800x16xf32, #tpu.memory_space<vmem_shared>>
      %dma_wait3A_170 = arith.constant 0 : i32
      %dma_wait3A_171 = tpu.memref_slice %arg10[%add3A_14, %dma_wait3A_170] : memref<100000x16xf32, #tpu.memory_space<vmem_shared>> -> memref<800x16xf32, #tpu.memory_space<vmem_shared>>
      %dma_wait3A_172 = arith.constant 0 : i32
      %dma_wait3A_173 = arith.constant 0 : i32
      %dma_wait3A_174 = tpu.memref_slice %arg8[%run_scoped3A_15, %dma_wait3A_172, %dma_wait3A_173] : memref<2x800x16xf32, #tpu.memory_space<vmem>> -> memref<1x800x16xf32, #tpu.memory_space<vmem>>
      %dma_wait3A_175 = tpu.memref_squeeze %dma_wait3A_174 : memref<1x800x16xf32, #tpu.memory_space<vmem>> -> memref<800x16xf32, #tpu.memory_space<vmem>>
      %dma_wait3A_176 = arith.constant 0 : i32
      %dma_wait3A_177 = arith.constant 0 : i32
      %dma_wait3A_178 = tpu.memref_slice %dma_wait3A_175[%dma_wait3A_176, %dma_wait3A_177] : memref<800x16xf32, #tpu.memory_space<vmem>> -> memref<800x16xf32, #tpu.memory_space<vmem>>
      tpu.wait_dma2 semaphore(%run_scoped3A_144 : memref<!tpu.dma_semaphore, #tpu.memory_space<semaphore_mem>>) src(%dma_wait3A_178 : memref<800x16xf32, #tpu.memory_space<vmem>>) dst(%dma_wait3A_171 : memref<800x16xf32, #tpu.memory_space<vmem_shared>>)
      tpu.yield
    }) : () -> ()
    %add3A_16 = arith.constant 2400 : i32
    %add3A_17 = arith.addi %mul3A_2, %add3A_16 : i32
    %run_scoped3A_18 = arith.constant 0 : i32
    "tpu.region"() ({
      %run_scoped3A_144 = tpu.sem_alloc : memref<!tpu.dma_semaphore, #tpu.memory_space<semaphore_mem>>
      %dma_start3A = arith.constant 0 : i32
      %dma_start3A_145 = arith.constant 0 : i32
      %dma_start3A_146 = tpu.memref_slice %arg8[%run_scoped3A_18, %dma_start3A, %dma_start3A_145] : memref<2x800x16xf32, #tpu.memory_space<vmem>> -> memref<1x800x16xf32, #tpu.memory_space<vmem>>
      %dma_start3A_147 = tpu.memref_squeeze %dma_start3A_146 : memref<1x800x16xf32, #tpu.memory_space<vmem>> -> memref<800x16xf32, #tpu.memory_space<vmem>>
      %dma_start3A_148 = arith.constant 0 : i32
      %dma_start3A_149 = arith.constant 0 : i32
      %dma_start3A_150 = tpu.memref_slice %dma_start3A_147[%dma_start3A_148, %dma_start3A_149] : memref<800x16xf32, #tpu.memory_space<vmem>> -> memref<800x16xf32, #tpu.memory_space<vmem>>
      %dma_start3A_151 = arith.constant 0 : i32
      %dma_start3A_152 = tpu.memref_slice %arg10[%add3A_17, %dma_start3A_151] : memref<100000x16xf32, #tpu.memory_space<vmem_shared>> -> memref<800x16xf32, #tpu.memory_space<vmem_shared>>
      %dma_start3A_153 = arith.constant 0 : i32
      %dma_start3A_154 = tpu.memref_slice %arg10[%add3A_17, %dma_start3A_153] : memref<100000x16xf32, #tpu.memory_space<vmem_shared>> -> memref<800x16xf32, #tpu.memory_space<vmem_shared>>
      %dma_start3A_155 = arith.constant 0 : i32
      %dma_start3A_156 = arith.constant 0 : i32
      %dma_start3A_157 = tpu.memref_slice %arg8[%run_scoped3A_18, %dma_start3A_155, %dma_start3A_156] : memref<2x800x16xf32, #tpu.memory_space<vmem>> -> memref<1x800x16xf32, #tpu.memory_space<vmem>>
      %dma_start3A_158 = tpu.memref_squeeze %dma_start3A_157 : memref<1x800x16xf32, #tpu.memory_space<vmem>> -> memref<800x16xf32, #tpu.memory_space<vmem>>
      %dma_start3A_159 = arith.constant 0 : i32
      %dma_start3A_160 = arith.constant 0 : i32
      %dma_start3A_161 = tpu.memref_slice %dma_start3A_158[%dma_start3A_159, %dma_start3A_160] : memref<800x16xf32, #tpu.memory_space<vmem>> -> memref<800x16xf32, #tpu.memory_space<vmem>>
      tpu.enqueue_dma source(%dma_start3A_161 : memref<800x16xf32, #tpu.memory_space<vmem>>) target(%dma_start3A_154 : memref<800x16xf32, #tpu.memory_space<vmem_shared>>) target_semaphore(%run_scoped3A_144 : memref<!tpu.dma_semaphore, #tpu.memory_space<semaphore_mem>>)
      %dma_wait3A = arith.constant 0 : i32
      %dma_wait3A_162 = arith.constant 0 : i32
      %dma_wait3A_163 = tpu.memref_slice %arg8[%run_scoped3A_18, %dma_wait3A, %dma_wait3A_162] : memref<2x800x16xf32, #tpu.memory_space<vmem>> -> memref<1x800x16xf32, #tpu.memory_space<vmem>>
      %dma_wait3A_164 = tpu.memref_squeeze %dma_wait3A_163 : memref<1x800x16xf32, #tpu.memory_space<vmem>> -> memref<800x16xf32, #tpu.memory_space<vmem>>
      %dma_wait3A_165 = arith.constant 0 : i32
      %dma_wait3A_166 = arith.constant 0 : i32
      %dma_wait3A_167 = tpu.memref_slice %dma_wait3A_164[%dma_wait3A_165, %dma_wait3A_166] : memref<800x16xf32, #tpu.memory_space<vmem>> -> memref<800x16xf32, #tpu.memory_space<vmem>>
      %dma_wait3A_168 = arith.constant 0 : i32
      %dma_wait3A_169 = tpu.memref_slice %arg10[%add3A_17, %dma_wait3A_168] : memref<100000x16xf32, #tpu.memory_space<vmem_shared>> -> memref<800x16xf32, #tpu.memory_space<vmem_shared>>
      %dma_wait3A_170 = arith.constant 0 : i32
      %dma_wait3A_171 = tpu.memref_slice %arg10[%add3A_17, %dma_wait3A_170] : memref<100000x16xf32, #tpu.memory_space<vmem_shared>> -> memref<800x16xf32, #tpu.memory_space<vmem_shared>>
      %dma_wait3A_172 = arith.constant 0 : i32
      %dma_wait3A_173 = arith.constant 0 : i32
      %dma_wait3A_174 = tpu.memref_slice %arg8[%run_scoped3A_18, %dma_wait3A_172, %dma_wait3A_173] : memref<2x800x16xf32, #tpu.memory_space<vmem>> -> memref<1x800x16xf32, #tpu.memory_space<vmem>>
      %dma_wait3A_175 = tpu.memref_squeeze %dma_wait3A_174 : memref<1x800x16xf32, #tpu.memory_space<vmem>> -> memref<800x16xf32, #tpu.memory_space<vmem>>
      %dma_wait3A_176 = arith.constant 0 : i32
      %dma_wait3A_177 = arith.constant 0 : i32
      %dma_wait3A_178 = tpu.memref_slice %dma_wait3A_175[%dma_wait3A_176, %dma_wait3A_177] : memref<800x16xf32, #tpu.memory_space<vmem>> -> memref<800x16xf32, #tpu.memory_space<vmem>>
      tpu.wait_dma2 semaphore(%run_scoped3A_144 : memref<!tpu.dma_semaphore, #tpu.memory_space<semaphore_mem>>) src(%dma_wait3A_178 : memref<800x16xf32, #tpu.memory_space<vmem>>) dst(%dma_wait3A_171 : memref<800x16xf32, #tpu.memory_space<vmem_shared>>)
      tpu.yield
    }) : () -> ()
    %add3A_19 = arith.constant 3200 : i32
    %add3A_20 = arith.addi %mul3A_2, %add3A_19 : i32
    %run_scoped3A_21 = arith.constant 0 : i32
    "tpu.region"() ({
      %run_scoped3A_144 = tpu.sem_alloc : memref<!tpu.dma_semaphore, #tpu.memory_space<semaphore_mem>>
      %dma_start3A = arith.constant 0 : i32
      %dma_start3A_145 = arith.constant 0 : i32
      %dma_start3A_146 = tpu.memref_slice %arg8[%run_scoped3A_21, %dma_start3A, %dma_start3A_145] : memref<2x800x16xf32, #tpu.memory_space<vmem>> -> memref<1x800x16xf32, #tpu.memory_space<vmem>>
      %dma_start3A_147 = tpu.memref_squeeze %dma_start3A_146 : memref<1x800x16xf32, #tpu.memory_space<vmem>> -> memref<800x16xf32, #tpu.memory_space<vmem>>
      %dma_start3A_148 = arith.constant 0 : i32
      %dma_start3A_149 = arith.constant 0 : i32
      %dma_start3A_150 = tpu.memref_slice %dma_start3A_147[%dma_start3A_148, %dma_start3A_149] : memref<800x16xf32, #tpu.memory_space<vmem>> -> memref<800x16xf32, #tpu.memory_space<vmem>>
      %dma_start3A_151 = arith.constant 0 : i32
      %dma_start3A_152 = tpu.memref_slice %arg10[%add3A_20, %dma_start3A_151] : memref<100000x16xf32, #tpu.memory_space<vmem_shared>> -> memref<800x16xf32, #tpu.memory_space<vmem_shared>>
      %dma_start3A_153 = arith.constant 0 : i32
      %dma_start3A_154 = tpu.memref_slice %arg10[%add3A_20, %dma_start3A_153] : memref<100000x16xf32, #tpu.memory_space<vmem_shared>> -> memref<800x16xf32, #tpu.memory_space<vmem_shared>>
      %dma_start3A_155 = arith.constant 0 : i32
      %dma_start3A_156 = arith.constant 0 : i32
      %dma_start3A_157 = tpu.memref_slice %arg8[%run_scoped3A_21, %dma_start3A_155, %dma_start3A_156] : memref<2x800x16xf32, #tpu.memory_space<vmem>> -> memref<1x800x16xf32, #tpu.memory_space<vmem>>
      %dma_start3A_158 = tpu.memref_squeeze %dma_start3A_157 : memref<1x800x16xf32, #tpu.memory_space<vmem>> -> memref<800x16xf32, #tpu.memory_space<vmem>>
      %dma_start3A_159 = arith.constant 0 : i32
      %dma_start3A_160 = arith.constant 0 : i32
      %dma_start3A_161 = tpu.memref_slice %dma_start3A_158[%dma_start3A_159, %dma_start3A_160] : memref<800x16xf32, #tpu.memory_space<vmem>> -> memref<800x16xf32, #tpu.memory_space<vmem>>
      tpu.enqueue_dma source(%dma_start3A_161 : memref<800x16xf32, #tpu.memory_space<vmem>>) target(%dma_start3A_154 : memref<800x16xf32, #tpu.memory_space<vmem_shared>>) target_semaphore(%run_scoped3A_144 : memref<!tpu.dma_semaphore, #tpu.memory_space<semaphore_mem>>)
      %dma_wait3A = arith.constant 0 : i32
      %dma_wait3A_162 = arith.constant 0 : i32
      %dma_wait3A_163 = tpu.memref_slice %arg8[%run_scoped3A_21, %dma_wait3A, %dma_wait3A_162] : memref<2x800x16xf32, #tpu.memory_space<vmem>> -> memref<1x800x16xf32, #tpu.memory_space<vmem>>
      %dma_wait3A_164 = tpu.memref_squeeze %dma_wait3A_163 : memref<1x800x16xf32, #tpu.memory_space<vmem>> -> memref<800x16xf32, #tpu.memory_space<vmem>>
      %dma_wait3A_165 = arith.constant 0 : i32
      %dma_wait3A_166 = arith.constant 0 : i32
      %dma_wait3A_167 = tpu.memref_slice %dma_wait3A_164[%dma_wait3A_165, %dma_wait3A_166] : memref<800x16xf32, #tpu.memory_space<vmem>> -> memref<800x16xf32, #tpu.memory_space<vmem>>
      %dma_wait3A_168 = arith.constant 0 : i32
      %dma_wait3A_169 = tpu.memref_slice %arg10[%add3A_20, %dma_wait3A_168] : memref<100000x16xf32, #tpu.memory_space<vmem_shared>> -> memref<800x16xf32, #tpu.memory_space<vmem_shared>>
      %dma_wait3A_170 = arith.constant 0 : i32
      %dma_wait3A_171 = tpu.memref_slice %arg10[%add3A_20, %dma_wait3A_170] : memref<100000x16xf32, #tpu.memory_space<vmem_shared>> -> memref<800x16xf32, #tpu.memory_space<vmem_shared>>
      %dma_wait3A_172 = arith.constant 0 : i32
      %dma_wait3A_173 = arith.constant 0 : i32
      %dma_wait3A_174 = tpu.memref_slice %arg8[%run_scoped3A_21, %dma_wait3A_172, %dma_wait3A_173] : memref<2x800x16xf32, #tpu.memory_space<vmem>> -> memref<1x800x16xf32, #tpu.memory_space<vmem>>
      %dma_wait3A_175 = tpu.memref_squeeze %dma_wait3A_174 : memref<1x800x16xf32, #tpu.memory_space<vmem>> -> memref<800x16xf32, #tpu.memory_space<vmem>>
      %dma_wait3A_176 = arith.constant 0 : i32
      %dma_wait3A_177 = arith.constant 0 : i32
      %dma_wait3A_178 = tpu.memref_slice %dma_wait3A_175[%dma_wait3A_176, %dma_wait3A_177] : memref<800x16xf32, #tpu.memory_space<vmem>> -> memref<800x16xf32, #tpu.memory_space<vmem>>
      tpu.wait_dma2 semaphore(%run_scoped3A_144 : memref<!tpu.dma_semaphore, #tpu.memory_space<semaphore_mem>>) src(%dma_wait3A_178 : memref<800x16xf32, #tpu.memory_space<vmem>>) dst(%dma_wait3A_171 : memref<800x16xf32, #tpu.memory_space<vmem_shared>>)
      tpu.yield
    }) : () -> ()
    %add3A_22 = arith.constant 4000 : i32
    %add3A_23 = arith.addi %mul3A_2, %add3A_22 : i32
    %run_scoped3A_24 = arith.constant 0 : i32
    "tpu.region"() ({
      %run_scoped3A_144 = tpu.sem_alloc : memref<!tpu.dma_semaphore, #tpu.memory_space<semaphore_mem>>
      %dma_start3A = arith.constant 0 : i32
      %dma_start3A_145 = arith.constant 0 : i32
      %dma_start3A_146 = tpu.memref_slice %arg8[%run_scoped3A_24, %dma_start3A, %dma_start3A_145] : memref<2x800x16xf32, #tpu.memory_space<vmem>> -> memref<1x800x16xf32, #tpu.memory_space<vmem>>
      %dma_start3A_147 = tpu.memref_squeeze %dma_start3A_146 : memref<1x800x16xf32, #tpu.memory_space<vmem>> -> memref<800x16xf32, #tpu.memory_space<vmem>>
      %dma_start3A_148 = arith.constant 0 : i32
      %dma_start3A_149 = arith.constant 0 : i32
      %dma_start3A_150 = tpu.memref_slice %dma_start3A_147[%dma_start3A_148, %dma_start3A_149] : memref<800x16xf32, #tpu.memory_space<vmem>> -> memref<800x16xf32, #tpu.memory_space<vmem>>
      %dma_start3A_151 = arith.constant 0 : i32
      %dma_start3A_152 = tpu.memref_slice %arg10[%add3A_23, %dma_start3A_151] : memref<100000x16xf32, #tpu.memory_space<vmem_shared>> -> memref<800x16xf32, #tpu.memory_space<vmem_shared>>
      %dma_start3A_153 = arith.constant 0 : i32
      %dma_start3A_154 = tpu.memref_slice %arg10[%add3A_23, %dma_start3A_153] : memref<100000x16xf32, #tpu.memory_space<vmem_shared>> -> memref<800x16xf32, #tpu.memory_space<vmem_shared>>
      %dma_start3A_155 = arith.constant 0 : i32
      %dma_start3A_156 = arith.constant 0 : i32
      %dma_start3A_157 = tpu.memref_slice %arg8[%run_scoped3A_24, %dma_start3A_155, %dma_start3A_156] : memref<2x800x16xf32, #tpu.memory_space<vmem>> -> memref<1x800x16xf32, #tpu.memory_space<vmem>>
      %dma_start3A_158 = tpu.memref_squeeze %dma_start3A_157 : memref<1x800x16xf32, #tpu.memory_space<vmem>> -> memref<800x16xf32, #tpu.memory_space<vmem>>
      %dma_start3A_159 = arith.constant 0 : i32
      %dma_start3A_160 = arith.constant 0 : i32
      %dma_start3A_161 = tpu.memref_slice %dma_start3A_158[%dma_start3A_159, %dma_start3A_160] : memref<800x16xf32, #tpu.memory_space<vmem>> -> memref<800x16xf32, #tpu.memory_space<vmem>>
      tpu.enqueue_dma source(%dma_start3A_161 : memref<800x16xf32, #tpu.memory_space<vmem>>) target(%dma_start3A_154 : memref<800x16xf32, #tpu.memory_space<vmem_shared>>) target_semaphore(%run_scoped3A_144 : memref<!tpu.dma_semaphore, #tpu.memory_space<semaphore_mem>>)
      %dma_wait3A = arith.constant 0 : i32
      %dma_wait3A_162 = arith.constant 0 : i32
      %dma_wait3A_163 = tpu.memref_slice %arg8[%run_scoped3A_24, %dma_wait3A, %dma_wait3A_162] : memref<2x800x16xf32, #tpu.memory_space<vmem>> -> memref<1x800x16xf32, #tpu.memory_space<vmem>>
      %dma_wait3A_164 = tpu.memref_squeeze %dma_wait3A_163 : memref<1x800x16xf32, #tpu.memory_space<vmem>> -> memref<800x16xf32, #tpu.memory_space<vmem>>
      %dma_wait3A_165 = arith.constant 0 : i32
      %dma_wait3A_166 = arith.constant 0 : i32
      %dma_wait3A_167 = tpu.memref_slice %dma_wait3A_164[%dma_wait3A_165, %dma_wait3A_166] : memref<800x16xf32, #tpu.memory_space<vmem>> -> memref<800x16xf32, #tpu.memory_space<vmem>>
      %dma_wait3A_168 = arith.constant 0 : i32
      %dma_wait3A_169 = tpu.memref_slice %arg10[%add3A_23, %dma_wait3A_168] : memref<100000x16xf32, #tpu.memory_space<vmem_shared>> -> memref<800x16xf32, #tpu.memory_space<vmem_shared>>
      %dma_wait3A_170 = arith.constant 0 : i32
      %dma_wait3A_171 = tpu.memref_slice %arg10[%add3A_23, %dma_wait3A_170] : memref<100000x16xf32, #tpu.memory_space<vmem_shared>> -> memref<800x16xf32, #tpu.memory_space<vmem_shared>>
      %dma_wait3A_172 = arith.constant 0 : i32
      %dma_wait3A_173 = arith.constant 0 : i32
      %dma_wait3A_174 = tpu.memref_slice %arg8[%run_scoped3A_24, %dma_wait3A_172, %dma_wait3A_173] : memref<2x800x16xf32, #tpu.memory_space<vmem>> -> memref<1x800x16xf32, #tpu.memory_space<vmem>>
      %dma_wait3A_175 = tpu.memref_squeeze %dma_wait3A_174 : memref<1x800x16xf32, #tpu.memory_space<vmem>> -> memref<800x16xf32, #tpu.memory_space<vmem>>
      %dma_wait3A_176 = arith.constant 0 : i32
      %dma_wait3A_177 = arith.constant 0 : i32
      %dma_wait3A_178 = tpu.memref_slice %dma_wait3A_175[%dma_wait3A_176, %dma_wait3A_177] : memref<800x16xf32, #tpu.memory_space<vmem>> -> memref<800x16xf32, #tpu.memory_space<vmem>>
      tpu.wait_dma2 semaphore(%run_scoped3A_144 : memref<!tpu.dma_semaphore, #tpu.memory_space<semaphore_mem>>) src(%dma_wait3A_178 : memref<800x16xf32, #tpu.memory_space<vmem>>) dst(%dma_wait3A_171 : memref<800x16xf32, #tpu.memory_space<vmem_shared>>)
      tpu.yield
    }) : () -> ()
    %add3A_25 = arith.constant 4800 : i32
    %add3A_26 = arith.addi %mul3A_2, %add3A_25 : i32
    %run_scoped3A_27 = arith.constant 0 : i32
    "tpu.region"() ({
      %run_scoped3A_144 = tpu.sem_alloc : memref<!tpu.dma_semaphore, #tpu.memory_space<semaphore_mem>>
      %dma_start3A = arith.constant 0 : i32
      %dma_start3A_145 = arith.constant 0 : i32
      %dma_start3A_146 = tpu.memref_slice %arg8[%run_scoped3A_27, %dma_start3A, %dma_start3A_145] : memref<2x800x16xf32, #tpu.memory_space<vmem>> -> memref<1x800x16xf32, #tpu.memory_space<vmem>>
      %dma_start3A_147 = tpu.memref_squeeze %dma_start3A_146 : memref<1x800x16xf32, #tpu.memory_space<vmem>> -> memref<800x16xf32, #tpu.memory_space<vmem>>
      %dma_start3A_148 = arith.constant 0 : i32
      %dma_start3A_149 = arith.constant 0 : i32
      %dma_start3A_150 = tpu.memref_slice %dma_start3A_147[%dma_start3A_148, %dma_start3A_149] : memref<800x16xf32, #tpu.memory_space<vmem>> -> memref<800x16xf32, #tpu.memory_space<vmem>>
      %dma_start3A_151 = arith.constant 0 : i32
      %dma_start3A_152 = tpu.memref_slice %arg10[%add3A_26, %dma_start3A_151] : memref<100000x16xf32, #tpu.memory_space<vmem_shared>> -> memref<800x16xf32, #tpu.memory_space<vmem_shared>>
      %dma_start3A_153 = arith.constant 0 : i32
      %dma_start3A_154 = tpu.memref_slice %arg10[%add3A_26, %dma_start3A_153] : memref<100000x16xf32, #tpu.memory_space<vmem_shared>> -> memref<800x16xf32, #tpu.memory_space<vmem_shared>>
      %dma_start3A_155 = arith.constant 0 : i32
      %dma_start3A_156 = arith.constant 0 : i32
      %dma_start3A_157 = tpu.memref_slice %arg8[%run_scoped3A_27, %dma_start3A_155, %dma_start3A_156] : memref<2x800x16xf32, #tpu.memory_space<vmem>> -> memref<1x800x16xf32, #tpu.memory_space<vmem>>
      %dma_start3A_158 = tpu.memref_squeeze %dma_start3A_157 : memref<1x800x16xf32, #tpu.memory_space<vmem>> -> memref<800x16xf32, #tpu.memory_space<vmem>>
      %dma_start3A_159 = arith.constant 0 : i32
      %dma_start3A_160 = arith.constant 0 : i32
      %dma_start3A_161 = tpu.memref_slice %dma_start3A_158[%dma_start3A_159, %dma_start3A_160] : memref<800x16xf32, #tpu.memory_space<vmem>> -> memref<800x16xf32, #tpu.memory_space<vmem>>
      tpu.enqueue_dma source(%dma_start3A_161 : memref<800x16xf32, #tpu.memory_space<vmem>>) target(%dma_start3A_154 : memref<800x16xf32, #tpu.memory_space<vmem_shared>>) target_semaphore(%run_scoped3A_144 : memref<!tpu.dma_semaphore, #tpu.memory_space<semaphore_mem>>)
      %dma_wait3A = arith.constant 0 : i32
      %dma_wait3A_162 = arith.constant 0 : i32
      %dma_wait3A_163 = tpu.memref_slice %arg8[%run_scoped3A_27, %dma_wait3A, %dma_wait3A_162] : memref<2x800x16xf32, #tpu.memory_space<vmem>> -> memref<1x800x16xf32, #tpu.memory_space<vmem>>
      %dma_wait3A_164 = tpu.memref_squeeze %dma_wait3A_163 : memref<1x800x16xf32, #tpu.memory_space<vmem>> -> memref<800x16xf32, #tpu.memory_space<vmem>>
      %dma_wait3A_165 = arith.constant 0 : i32
      %dma_wait3A_166 = arith.constant 0 : i32
      %dma_wait3A_167 = tpu.memref_slice %dma_wait3A_164[%dma_wait3A_165, %dma_wait3A_166] : memref<800x16xf32, #tpu.memory_space<vmem>> -> memref<800x16xf32, #tpu.memory_space<vmem>>
      %dma_wait3A_168 = arith.constant 0 : i32
      %dma_wait3A_169 = tpu.memref_slice %arg10[%add3A_26, %dma_wait3A_168] : memref<100000x16xf32, #tpu.memory_space<vmem_shared>> -> memref<800x16xf32, #tpu.memory_space<vmem_shared>>
      %dma_wait3A_170 = arith.constant 0 : i32
      %dma_wait3A_171 = tpu.memref_slice %arg10[%add3A_26, %dma_wait3A_170] : memref<100000x16xf32, #tpu.memory_space<vmem_shared>> -> memref<800x16xf32, #tpu.memory_space<vmem_shared>>
      %dma_wait3A_172 = arith.constant 0 : i32
      %dma_wait3A_173 = arith.constant 0 : i32
      %dma_wait3A_174 = tpu.memref_slice %arg8[%run_scoped3A_27, %dma_wait3A_172, %dma_wait3A_173] : memref<2x800x16xf32, #tpu.memory_space<vmem>> -> memref<1x800x16xf32, #tpu.memory_space<vmem>>
      %dma_wait3A_175 = tpu.memref_squeeze %dma_wait3A_174 : memref<1x800x16xf32, #tpu.memory_space<vmem>> -> memref<800x16xf32, #tpu.memory_space<vmem>>
      %dma_wait3A_176 = arith.constant 0 : i32
      %dma_wait3A_177 = arith.constant 0 : i32
      %dma_wait3A_178 = tpu.memref_slice %dma_wait3A_175[%dma_wait3A_176, %dma_wait3A_177] : memref<800x16xf32, #tpu.memory_space<vmem>> -> memref<800x16xf32, #tpu.memory_space<vmem>>
      tpu.wait_dma2 semaphore(%run_scoped3A_144 : memref<!tpu.dma_semaphore, #tpu.memory_space<semaphore_mem>>) src(%dma_wait3A_178 : memref<800x16xf32, #tpu.memory_space<vmem>>) dst(%dma_wait3A_171 : memref<800x16xf32, #tpu.memory_space<vmem_shared>>)
      tpu.yield
    }) : () -> ()
    %add3A_28 = arith.constant 5600 : i32
    %add3A_29 = arith.addi %mul3A_2, %add3A_28 : i32
    %run_scoped3A_30 = arith.constant 0 : i32
    "tpu.region"() ({
      %run_scoped3A_144 = tpu.sem_alloc : memref<!tpu.dma_semaphore, #tpu.memory_space<semaphore_mem>>
      %dma_start3A = arith.constant 0 : i32
      %dma_start3A_145 = arith.constant 0 : i32
      %dma_start3A_146 = tpu.memref_slice %arg8[%run_scoped3A_30, %dma_start3A, %dma_start3A_145] : memref<2x800x16xf32, #tpu.memory_space<vmem>> -> memref<1x800x16xf32, #tpu.memory_space<vmem>>
      %dma_start3A_147 = tpu.memref_squeeze %dma_start3A_146 : memref<1x800x16xf32, #tpu.memory_space<vmem>> -> memref<800x16xf32, #tpu.memory_space<vmem>>
      %dma_start3A_148 = arith.constant 0 : i32
      %dma_start3A_149 = arith.constant 0 : i32
      %dma_start3A_150 = tpu.memref_slice %dma_start3A_147[%dma_start3A_148, %dma_start3A_149] : memref<800x16xf32, #tpu.memory_space<vmem>> -> memref<650x16xf32, #tpu.memory_space<vmem>>
      %dma_start3A_151 = arith.constant 0 : i32
      %dma_start3A_152 = tpu.memref_slice %arg10[%add3A_29, %dma_start3A_151] : memref<100000x16xf32, #tpu.memory_space<vmem_shared>> -> memref<650x16xf32, #tpu.memory_space<vmem_shared>>
      %dma_start3A_153 = arith.constant 0 : i32
      %dma_start3A_154 = tpu.memref_slice %arg10[%add3A_29, %dma_start3A_153] : memref<100000x16xf32, #tpu.memory_space<vmem_shared>> -> memref<650x16xf32, #tpu.memory_space<vmem_shared>>
      %dma_start3A_155 = arith.constant 0 : i32
      %dma_start3A_156 = arith.constant 0 : i32
      %dma_start3A_157 = tpu.memref_slice %arg8[%run_scoped3A_30, %dma_start3A_155, %dma_start3A_156] : memref<2x800x16xf32, #tpu.memory_space<vmem>> -> memref<1x800x16xf32, #tpu.memory_space<vmem>>
      %dma_start3A_158 = tpu.memref_squeeze %dma_start3A_157 : memref<1x800x16xf32, #tpu.memory_space<vmem>> -> memref<800x16xf32, #tpu.memory_space<vmem>>
      %dma_start3A_159 = arith.constant 0 : i32
      %dma_start3A_160 = arith.constant 0 : i32
      %dma_start3A_161 = tpu.memref_slice %dma_start3A_158[%dma_start3A_159, %dma_start3A_160] : memref<800x16xf32, #tpu.memory_space<vmem>> -> memref<650x16xf32, #tpu.memory_space<vmem>>
      tpu.enqueue_dma source(%dma_start3A_161 : memref<650x16xf32, #tpu.memory_space<vmem>>) target(%dma_start3A_154 : memref<650x16xf32, #tpu.memory_space<vmem_shared>>) target_semaphore(%run_scoped3A_144 : memref<!tpu.dma_semaphore, #tpu.memory_space<semaphore_mem>>)
      %dma_wait3A = arith.constant 0 : i32
      %dma_wait3A_162 = arith.constant 0 : i32
      %dma_wait3A_163 = tpu.memref_slice %arg8[%run_scoped3A_30, %dma_wait3A, %dma_wait3A_162] : memref<2x800x16xf32, #tpu.memory_space<vmem>> -> memref<1x800x16xf32, #tpu.memory_space<vmem>>
      %dma_wait3A_164 = tpu.memref_squeeze %dma_wait3A_163 : memref<1x800x16xf32, #tpu.memory_space<vmem>> -> memref<800x16xf32, #tpu.memory_space<vmem>>
      %dma_wait3A_165 = arith.constant 0 : i32
      %dma_wait3A_166 = arith.constant 0 : i32
      %dma_wait3A_167 = tpu.memref_slice %dma_wait3A_164[%dma_wait3A_165, %dma_wait3A_166] : memref<800x16xf32, #tpu.memory_space<vmem>> -> memref<650x16xf32, #tpu.memory_space<vmem>>
      %dma_wait3A_168 = arith.constant 0 : i32
      %dma_wait3A_169 = tpu.memref_slice %arg10[%add3A_29, %dma_wait3A_168] : memref<100000x16xf32, #tpu.memory_space<vmem_shared>> -> memref<650x16xf32, #tpu.memory_space<vmem_shared>>
      %dma_wait3A_170 = arith.constant 0 : i32
      %dma_wait3A_171 = tpu.memref_slice %arg10[%add3A_29, %dma_wait3A_170] : memref<100000x16xf32, #tpu.memory_space<vmem_shared>> -> memref<650x16xf32, #tpu.memory_space<vmem_shared>>
      %dma_wait3A_172 = arith.constant 0 : i32
      %dma_wait3A_173 = arith.constant 0 : i32
      %dma_wait3A_174 = tpu.memref_slice %arg8[%run_scoped3A_30, %dma_wait3A_172, %dma_wait3A_173] : memref<2x800x16xf32, #tpu.memory_space<vmem>> -> memref<1x800x16xf32, #tpu.memory_space<vmem>>
      %dma_wait3A_175 = tpu.memref_squeeze %dma_wait3A_174 : memref<1x800x16xf32, #tpu.memory_space<vmem>> -> memref<800x16xf32, #tpu.memory_space<vmem>>
      %dma_wait3A_176 = arith.constant 0 : i32
      %dma_wait3A_177 = arith.constant 0 : i32
      %dma_wait3A_178 = tpu.memref_slice %dma_wait3A_175[%dma_wait3A_176, %dma_wait3A_177] : memref<800x16xf32, #tpu.memory_space<vmem>> -> memref<650x16xf32, #tpu.memory_space<vmem>>
      tpu.wait_dma2 semaphore(%run_scoped3A_144 : memref<!tpu.dma_semaphore, #tpu.memory_space<semaphore_mem>>) src(%dma_wait3A_178 : memref<650x16xf32, #tpu.memory_space<vmem>>) dst(%dma_wait3A_171 : memref<650x16xf32, #tpu.memory_space<vmem_shared>>)
      tpu.yield
    }) : () -> ()
    %barrier3A = arith.constant 0 : index
    tpu.barrier barrier_id(%barrier3A)
    %lt3A = arith.constant 8 : i32
    %lt3A_31 = arith.cmpi slt, %arg1, %lt3A : i32
    %convert_element_type3A = arith.extui %lt3A_31 : i1 to i32
    %cond3A = arith.constant 0 : i32
    %cond3A_32 = arith.cmpi ne, %convert_element_type3A, %cond3A : i32
    scf.if %cond3A_32 {
      %mul3A_144 = arith.constant 100000 : i32
      %mul3A_145 = arith.muli %arg1, %mul3A_144 : i32
      %mul3A_146 = arith.constant 100000 : i32
      %mul3A_147 = arith.muli %arg1, %mul3A_146 : i32
      %add3A_148 = arith.constant 0 : i32
      %add3A_149 = arith.addi %mul3A_145, %add3A_148 : i32
      %add3A_150 = arith.constant 0 : i32
      %add3A_151 = arith.addi %mul3A_147, %add3A_150 : i32
      %dma_start3A = arith.constant 1 : i32
      %dma_start3A_152 = arith.constant 0 : i32
      %dma_start3A_153 = arith.constant 0 : i32
      %dma_start3A_154 = arith.constant 0 : i32
      %dma_start3A_155 = tpu.memref_slice %arg7[%dma_start3A_152, %dma_start3A_154] : memref<2x800xi32, #tpu.memory_space<vmem>> -> memref<1x800xi32, #tpu.memory_space<vmem>>
      %dma_start3A_156 = tpu.memref_squeeze %dma_start3A_155 : memref<1x800xi32, #tpu.memory_space<vmem>> -> memref<800xi32, #tpu.memory_space<vmem>>
      %dma_start3A_157 = tpu.memref_slice %arg4[%dma_start3A, %add3A_149] : memref<2x1600000xi32, #tpu.memory_space<hbm>> -> memref<1x800xi32, #tpu.memory_space<hbm>>
      %dma_start3A_158 = tpu.memref_squeeze %dma_start3A_157 : memref<1x800xi32, #tpu.memory_space<hbm>> -> memref<800xi32, #tpu.memory_space<hbm>>
      %dma_start3A_159 = tpu.memref_slice %arg11[%dma_start3A_153] : memref<2x!tpu.dma_semaphore, #tpu.memory_space<semaphore_mem>> -> memref<1x!tpu.dma_semaphore, #tpu.memory_space<semaphore_mem>>
      %dma_start3A_160 = tpu.memref_squeeze %dma_start3A_159 : memref<1x!tpu.dma_semaphore, #tpu.memory_space<semaphore_mem>> -> memref<!tpu.dma_semaphore, #tpu.memory_space<semaphore_mem>>
      %dma_start3A_161 = arith.constant 0 : i32
      %dma_start3A_162 = tpu.memref_slice %arg7[%dma_start3A_152, %dma_start3A_161] : memref<2x800xi32, #tpu.memory_space<vmem>> -> memref<1x800xi32, #tpu.memory_space<vmem>>
      %dma_start3A_163 = tpu.memref_squeeze %dma_start3A_162 : memref<1x800xi32, #tpu.memory_space<vmem>> -> memref<800xi32, #tpu.memory_space<vmem>>
      %dma_start3A_164 = tpu.memref_slice %arg4[%dma_start3A, %add3A_149] : memref<2x1600000xi32, #tpu.memory_space<hbm>> -> memref<1x800xi32, #tpu.memory_space<hbm>>
      %dma_start3A_165 = tpu.memref_squeeze %dma_start3A_164 : memref<1x800xi32, #tpu.memory_space<hbm>> -> memref<800xi32, #tpu.memory_space<hbm>>
      tpu.enqueue_dma source(%dma_start3A_165 : memref<800xi32, #tpu.memory_space<hbm>>) target(%dma_start3A_163 : memref<800xi32, #tpu.memory_space<vmem>>) target_semaphore(%dma_start3A_160 : memref<!tpu.dma_semaphore, #tpu.memory_space<semaphore_mem>>)
      %dma_start3A_166 = arith.constant 0 : i32
      %dma_start3A_167 = arith.constant 0 : i32
      %dma_start3A_168 = arith.constant 0 : i32
      %dma_start3A_169 = arith.constant 0 : i32
      %dma_start3A_170 = tpu.memref_slice %arg8[%dma_start3A_166, %dma_start3A_168, %dma_start3A_169] : memref<2x800x16xf32, #tpu.memory_space<vmem>> -> memref<1x800x16xf32, #tpu.memory_space<vmem>>
      %dma_start3A_171 = tpu.memref_squeeze %dma_start3A_170 : memref<1x800x16xf32, #tpu.memory_space<vmem>> -> memref<800x16xf32, #tpu.memory_space<vmem>>
      %dma_start3A_172 = tpu.memref_slice %arg2[%add3A_151, %mul3A_0] : memref<800000x32xf32, #tpu.memory_space<hbm>> -> memref<800x16xf32, #tpu.memory_space<hbm>>
      %dma_start3A_173 = tpu.memref_slice %arg12[%dma_start3A_167] : memref<2x!tpu.dma_semaphore, #tpu.memory_space<semaphore_mem>> -> memref<1x!tpu.dma_semaphore, #tpu.memory_space<semaphore_mem>>
      %dma_start3A_174 = tpu.memref_squeeze %dma_start3A_173 : memref<1x!tpu.dma_semaphore, #tpu.memory_space<semaphore_mem>> -> memref<!tpu.dma_semaphore, #tpu.memory_space<semaphore_mem>>
      %dma_start3A_175 = arith.constant 0 : i32
      %dma_start3A_176 = arith.constant 0 : i32
      %dma_start3A_177 = tpu.memref_slice %arg8[%dma_start3A_166, %dma_start3A_175, %dma_start3A_176] : memref<2x800x16xf32, #tpu.memory_space<vmem>> -> memref<1x800x16xf32, #tpu.memory_space<vmem>>
      %dma_start3A_178 = tpu.memref_squeeze %dma_start3A_177 : memref<1x800x16xf32, #tpu.memory_space<vmem>> -> memref<800x16xf32, #tpu.memory_space<vmem>>
      %dma_start3A_179 = tpu.memref_slice %arg2[%add3A_151, %mul3A_0] : memref<800000x32xf32, #tpu.memory_space<hbm>> -> memref<800x16xf32, #tpu.memory_space<hbm>>
      tpu.enqueue_dma source(%dma_start3A_179 : memref<800x16xf32, #tpu.memory_space<hbm>>) target(%dma_start3A_178 : memref<800x16xf32, #tpu.memory_space<vmem>>) target_semaphore(%dma_start3A_174 : memref<!tpu.dma_semaphore, #tpu.memory_space<semaphore_mem>>)
      %add3A_180 = arith.constant 800 : i32
      %add3A_181 = arith.addi %mul3A_145, %add3A_180 : i32
      %add3A_182 = arith.constant 800 : i32
      %add3A_183 = arith.addi %mul3A_147, %add3A_182 : i32
      %dma_start3A_184 = arith.constant 1 : i32
      %dma_start3A_185 = arith.constant 1 : i32
      %dma_start3A_186 = arith.constant 1 : i32
      %dma_start3A_187 = arith.constant 0 : i32
      %dma_start3A_188 = tpu.memref_slice %arg7[%dma_start3A_185, %dma_start3A_187] : memref<2x800xi32, #tpu.memory_space<vmem>> -> memref<1x800xi32, #tpu.memory_space<vmem>>
      %dma_start3A_189 = tpu.memref_squeeze %dma_start3A_188 : memref<1x800xi32, #tpu.memory_space<vmem>> -> memref<800xi32, #tpu.memory_space<vmem>>
      %dma_start3A_190 = tpu.memref_slice %arg4[%dma_start3A_184, %add3A_181] : memref<2x1600000xi32, #tpu.memory_space<hbm>> -> memref<1x800xi32, #tpu.memory_space<hbm>>
      %dma_start3A_191 = tpu.memref_squeeze %dma_start3A_190 : memref<1x800xi32, #tpu.memory_space<hbm>> -> memref<800xi32, #tpu.memory_space<hbm>>
      %dma_start3A_192 = tpu.memref_slice %arg11[%dma_start3A_186] : memref<2x!tpu.dma_semaphore, #tpu.memory_space<semaphore_mem>> -> memref<1x!tpu.dma_semaphore, #tpu.memory_space<semaphore_mem>>
      %dma_start3A_193 = tpu.memref_squeeze %dma_start3A_192 : memref<1x!tpu.dma_semaphore, #tpu.memory_space<semaphore_mem>> -> memref<!tpu.dma_semaphore, #tpu.memory_space<semaphore_mem>>
      %dma_start3A_194 = arith.constant 0 : i32
      %dma_start3A_195 = tpu.memref_slice %arg7[%dma_start3A_185, %dma_start3A_194] : memref<2x800xi32, #tpu.memory_space<vmem>> -> memref<1x800xi32, #tpu.memory_space<vmem>>
      %dma_start3A_196 = tpu.memref_squeeze %dma_start3A_195 : memref<1x800xi32, #tpu.memory_space<vmem>> -> memref<800xi32, #tpu.memory_space<vmem>>
      %dma_start3A_197 = tpu.memref_slice %arg4[%dma_start3A_184, %add3A_181] : memref<2x1600000xi32, #tpu.memory_space<hbm>> -> memref<1x800xi32, #tpu.memory_space<hbm>>
      %dma_start3A_198 = tpu.memref_squeeze %dma_start3A_197 : memref<1x800xi32, #tpu.memory_space<hbm>> -> memref<800xi32, #tpu.memory_space<hbm>>
      tpu.enqueue_dma source(%dma_start3A_198 : memref<800xi32, #tpu.memory_space<hbm>>) target(%dma_start3A_196 : memref<800xi32, #tpu.memory_space<vmem>>) target_semaphore(%dma_start3A_193 : memref<!tpu.dma_semaphore, #tpu.memory_space<semaphore_mem>>)
      %dma_start3A_199 = arith.constant 1 : i32
      %dma_start3A_200 = arith.constant 1 : i32
      %dma_start3A_201 = arith.constant 0 : i32
      %dma_start3A_202 = arith.constant 0 : i32
      %dma_start3A_203 = tpu.memref_slice %arg8[%dma_start3A_199, %dma_start3A_201, %dma_start3A_202] : memref<2x800x16xf32, #tpu.memory_space<vmem>> -> memref<1x800x16xf32, #tpu.memory_space<vmem>>
      %dma_start3A_204 = tpu.memref_squeeze %dma_start3A_203 : memref<1x800x16xf32, #tpu.memory_space<vmem>> -> memref<800x16xf32, #tpu.memory_space<vmem>>
      %dma_start3A_205 = tpu.memref_slice %arg2[%add3A_183, %mul3A_0] : memref<800000x32xf32, #tpu.memory_space<hbm>> -> memref<800x16xf32, #tpu.memory_space<hbm>>
      %dma_start3A_206 = tpu.memref_slice %arg12[%dma_start3A_200] : memref<2x!tpu.dma_semaphore, #tpu.memory_space<semaphore_mem>> -> memref<1x!tpu.dma_semaphore, #tpu.memory_space<semaphore_mem>>
      %dma_start3A_207 = tpu.memref_squeeze %dma_start3A_206 : memref<1x!tpu.dma_semaphore, #tpu.memory_space<semaphore_mem>> -> memref<!tpu.dma_semaphore, #tpu.memory_space<semaphore_mem>>
      %dma_start3A_208 = arith.constant 0 : i32
      %dma_start3A_209 = arith.constant 0 : i32
      %dma_start3A_210 = tpu.memref_slice %arg8[%dma_start3A_199, %dma_start3A_208, %dma_start3A_209] : memref<2x800x16xf32, #tpu.memory_space<vmem>> -> memref<1x800x16xf32, #tpu.memory_space<vmem>>
      %dma_start3A_211 = tpu.memref_squeeze %dma_start3A_210 : memref<1x800x16xf32, #tpu.memory_space<vmem>> -> memref<800x16xf32, #tpu.memory_space<vmem>>
      %dma_start3A_212 = tpu.memref_slice %arg2[%add3A_183, %mul3A_0] : memref<800000x32xf32, #tpu.memory_space<hbm>> -> memref<800x16xf32, #tpu.memory_space<hbm>>
      tpu.enqueue_dma source(%dma_start3A_212 : memref<800x16xf32, #tpu.memory_space<hbm>>) target(%dma_start3A_211 : memref<800x16xf32, #tpu.memory_space<vmem>>) target_semaphore(%dma_start3A_207 : memref<!tpu.dma_semaphore, #tpu.memory_space<semaphore_mem>>)
      %scan3A_213 = arith.constant 0 : i32
      %scan3A_214 = arith.constant 0 : i32
      %scan3A_215 = arith.constant 125 : i32
      %scan3A_216 = arith.addi %scan3A_214, %scan3A_215 : i32
      %scan3A_217 = arith.constant 1 : i32
      scf.for %scan3A_219 = %scan3A_214 to %scan3A_216 step %scan3A_217  : i32 {
        %rem3A = arith.constant 2 : i32
        %rem3A_220 = arith.remsi %scan3A_219, %rem3A : i32
        %mul3A_221 = arith.constant 800 : i32
        %mul3A_222 = arith.muli %scan3A_219, %mul3A_221 : i32
        %add3A_223 = arith.addi %mul3A_145, %mul3A_222 : i32
        %mul3A_224 = arith.constant 800 : i32
        %mul3A_225 = arith.muli %scan3A_219, %mul3A_224 : i32
        %add3A_226 = arith.addi %mul3A_147, %mul3A_225 : i32
        %dma_wait3A = arith.constant 1 : i32
        %dma_wait3A_227 = arith.constant 0 : i32
        %dma_wait3A_228 = tpu.memref_slice %arg7[%rem3A_220, %dma_wait3A_227] : memref<2x800xi32, #tpu.memory_space<vmem>> -> memref<1x800xi32, #tpu.memory_space<vmem>>
        %dma_wait3A_229 = tpu.memref_squeeze %dma_wait3A_228 : memref<1x800xi32, #tpu.memory_space<vmem>> -> memref<800xi32, #tpu.memory_space<vmem>>
        %dma_wait3A_230 = tpu.memref_slice %arg4[%dma_wait3A, %add3A_223] : memref<2x1600000xi32, #tpu.memory_space<hbm>> -> memref<1x800xi32, #tpu.memory_space<hbm>>
        %dma_wait3A_231 = tpu.memref_squeeze %dma_wait3A_230 : memref<1x800xi32, #tpu.memory_space<hbm>> -> memref<800xi32, #tpu.memory_space<hbm>>
        %dma_wait3A_232 = tpu.memref_slice %arg11[%rem3A_220] : memref<2x!tpu.dma_semaphore, #tpu.memory_space<semaphore_mem>> -> memref<1x!tpu.dma_semaphore, #tpu.memory_space<semaphore_mem>>
        %dma_wait3A_233 = tpu.memref_squeeze %dma_wait3A_232 : memref<1x!tpu.dma_semaphore, #tpu.memory_space<semaphore_mem>> -> memref<!tpu.dma_semaphore, #tpu.memory_space<semaphore_mem>>
        %dma_wait3A_234 = arith.constant 0 : i32
        %dma_wait3A_235 = tpu.memref_slice %arg7[%rem3A_220, %dma_wait3A_234] : memref<2x800xi32, #tpu.memory_space<vmem>> -> memref<1x800xi32, #tpu.memory_space<vmem>>
        %dma_wait3A_236 = tpu.memref_squeeze %dma_wait3A_235 : memref<1x800xi32, #tpu.memory_space<vmem>> -> memref<800xi32, #tpu.memory_space<vmem>>
        %dma_wait3A_237 = tpu.memref_slice %arg4[%dma_wait3A, %add3A_223] : memref<2x1600000xi32, #tpu.memory_space<hbm>> -> memref<1x800xi32, #tpu.memory_space<hbm>>
        %dma_wait3A_238 = tpu.memref_squeeze %dma_wait3A_237 : memref<1x800xi32, #tpu.memory_space<hbm>> -> memref<800xi32, #tpu.memory_space<hbm>>
        tpu.wait_dma2 semaphore(%dma_wait3A_233 : memref<!tpu.dma_semaphore, #tpu.memory_space<semaphore_mem>>) src(%dma_wait3A_238 : memref<800xi32, #tpu.memory_space<hbm>>) dst(%dma_wait3A_236 : memref<800xi32, #tpu.memory_space<vmem>>)
        %dma_wait3A_239 = arith.constant 0 : i32
        %dma_wait3A_240 = arith.constant 0 : i32
        %dma_wait3A_241 = tpu.memref_slice %arg8[%rem3A_220, %dma_wait3A_239, %dma_wait3A_240] : memref<2x800x16xf32, #tpu.memory_space<vmem>> -> memref<1x800x16xf32, #tpu.memory_space<vmem>>
        %dma_wait3A_242 = tpu.memref_squeeze %dma_wait3A_241 : memref<1x800x16xf32, #tpu.memory_space<vmem>> -> memref<800x16xf32, #tpu.memory_space<vmem>>
        %dma_wait3A_243 = tpu.memref_slice %arg2[%add3A_226, %mul3A_0] : memref<800000x32xf32, #tpu.memory_space<hbm>> -> memref<800x16xf32, #tpu.memory_space<hbm>>
        %dma_wait3A_244 = tpu.memref_slice %arg12[%rem3A_220] : memref<2x!tpu.dma_semaphore, #tpu.memory_space<semaphore_mem>> -> memref<1x!tpu.dma_semaphore, #tpu.memory_space<semaphore_mem>>
        %dma_wait3A_245 = tpu.memref_squeeze %dma_wait3A_244 : memref<1x!tpu.dma_semaphore, #tpu.memory_space<semaphore_mem>> -> memref<!tpu.dma_semaphore, #tpu.memory_space<semaphore_mem>>
        %dma_wait3A_246 = arith.constant 0 : i32
        %dma_wait3A_247 = arith.constant 0 : i32
        %dma_wait3A_248 = tpu.memref_slice %arg8[%rem3A_220, %dma_wait3A_246, %dma_wait3A_247] : memref<2x800x16xf32, #tpu.memory_space<vmem>> -> memref<1x800x16xf32, #tpu.memory_space<vmem>>
        %dma_wait3A_249 = tpu.memref_squeeze %dma_wait3A_248 : memref<1x800x16xf32, #tpu.memory_space<vmem>> -> memref<800x16xf32, #tpu.memory_space<vmem>>
        %dma_wait3A_250 = tpu.memref_slice %arg2[%add3A_226, %mul3A_0] : memref<800000x32xf32, #tpu.memory_space<hbm>> -> memref<800x16xf32, #tpu.memory_space<hbm>>
        tpu.wait_dma2 semaphore(%dma_wait3A_245 : memref<!tpu.dma_semaphore, #tpu.memory_space<semaphore_mem>>) src(%dma_wait3A_250 : memref<800x16xf32, #tpu.memory_space<hbm>>) dst(%dma_wait3A_249 : memref<800x16xf32, #tpu.memory_space<vmem>>)
        "tpu.region"() ({
          %run_scoped3A_258 = tpu.sem_alloc : memref<!tpu.dma_semaphore, #tpu.memory_space<semaphore_mem>>
          %dma_start3A_259 = arith.constant 0 : i32
          %dma_start3A_260 = arith.constant 0 : i32
          %dma_start3A_261 = tpu.memref_slice %arg8[%rem3A_220, %dma_start3A_259, %dma_start3A_260] : memref<2x800x16xf32, #tpu.memory_space<vmem>> -> memref<1x800x16xf32, #tpu.memory_space<vmem>>
          %dma_start3A_262 = tpu.memref_squeeze %dma_start3A_261 : memref<1x800x16xf32, #tpu.memory_space<vmem>> -> memref<800x16xf32, #tpu.memory_space<vmem>>
          %dma_start3A_263 = arith.constant 0 : i32
          %dma_start3A_264 = tpu.memref_slice %arg7[%rem3A_220, %dma_start3A_263] : memref<2x800xi32, #tpu.memory_space<vmem>> -> memref<1x800xi32, #tpu.memory_space<vmem>>
          %dma_start3A_265 = tpu.memref_squeeze %dma_start3A_264 : memref<1x800xi32, #tpu.memory_space<vmem>> -> memref<800xi32, #tpu.memory_space<vmem>>
          %dma_start3A_266 = arith.constant 0 : i32
          %dma_start3A_267 = arith.constant 0 : i32
          %dma_start3A_268 = tpu.memref_slice %arg10[%dma_start3A_266, %dma_start3A_267] : memref<100000x16xf32, #tpu.memory_space<vmem_shared>> -> memref<100000x16xf32, #tpu.memory_space<vmem_shared>>
          tpu.enqueue_indirect_dma source(%dma_start3A_262 : memref<800x16xf32, #tpu.memory_space<vmem>>) target(%dma_start3A_268 : memref<100000x16xf32, #tpu.memory_space<vmem_shared>>) offsets(%dma_start3A_265 : memref<800xi32, #tpu.memory_space<vmem>>) semaphore(%run_scoped3A_258 : memref<!tpu.dma_semaphore, #tpu.memory_space<semaphore_mem>>) {add = true}
          %dma_wait3A_269 = arith.constant 0 : i32
          %dma_wait3A_270 = arith.constant 0 : i32
          %dma_wait3A_271 = tpu.memref_slice %arg8[%rem3A_220, %dma_wait3A_269, %dma_wait3A_270] : memref<2x800x16xf32, #tpu.memory_space<vmem>> -> memref<1x800x16xf32, #tpu.memory_space<vmem>>
          %dma_wait3A_272 = tpu.memref_squeeze %dma_wait3A_271 : memref<1x800x16xf32, #tpu.memory_space<vmem>> -> memref<800x16xf32, #tpu.memory_space<vmem>>
          %dma_wait3A_273 = arith.constant 0 : i32
          %dma_wait3A_274 = tpu.memref_slice %arg7[%rem3A_220, %dma_wait3A_273] : memref<2x800xi32, #tpu.memory_space<vmem>> -> memref<1x800xi32, #tpu.memory_space<vmem>>
          %dma_wait3A_275 = tpu.memref_squeeze %dma_wait3A_274 : memref<1x800xi32, #tpu.memory_space<vmem>> -> memref<800xi32, #tpu.memory_space<vmem>>
          %dma_wait3A_276 = arith.constant 0 : i32
          %dma_wait3A_277 = arith.constant 0 : i32
          %dma_wait3A_278 = tpu.memref_slice %arg10[%dma_wait3A_276, %dma_wait3A_277] : memref<100000x16xf32, #tpu.memory_space<vmem_shared>> -> memref<100000x16xf32, #tpu.memory_space<vmem_shared>>
          tpu.wait_indirect_dma semaphore(%run_scoped3A_258 : memref<!tpu.dma_semaphore, #tpu.memory_space<semaphore_mem>>) src(%dma_wait3A_272 : memref<800x16xf32, #tpu.memory_space<vmem>>) dst(%dma_wait3A_278 : memref<100000x16xf32, #tpu.memory_space<vmem_shared>>)
          tpu.yield
        }) : () -> ()
        %add3A_251 = arith.constant 2 : i32
        %add3A_252 = arith.addi %scan3A_219, %add3A_251 : i32
        %lt3A_253 = arith.constant 125 : i32
        %lt3A_254 = arith.cmpi slt, %add3A_252, %lt3A_253 : i32
        %convert_element_type3A_255 = arith.extui %lt3A_254 : i1 to i32
        %cond3A_256 = arith.constant 0 : i32
        %cond3A_257 = arith.cmpi ne, %convert_element_type3A_255, %cond3A_256 : i32
        scf.if %cond3A_257 {
          %add3A_258 = arith.constant 2 : i32
          %add3A_259 = arith.addi %scan3A_219, %add3A_258 : i32
          %mul3A_260 = arith.constant 800 : i32
          %mul3A_261 = arith.muli %add3A_259, %mul3A_260 : i32
          %add3A_262 = arith.addi %mul3A_145, %mul3A_261 : i32
          %mul3A_263 = arith.constant 800 : i32
          %mul3A_264 = arith.muli %add3A_259, %mul3A_263 : i32
          %add3A_265 = arith.addi %mul3A_147, %mul3A_264 : i32
          %dma_start3A_266 = arith.constant 1 : i32
          %dma_start3A_267 = arith.constant 0 : i32
          %dma_start3A_268 = tpu.memref_slice %arg7[%rem3A_220, %dma_start3A_267] : memref<2x800xi32, #tpu.memory_space<vmem>> -> memref<1x800xi32, #tpu.memory_space<vmem>>
          %dma_start3A_269 = tpu.memref_squeeze %dma_start3A_268 : memref<1x800xi32, #tpu.memory_space<vmem>> -> memref<800xi32, #tpu.memory_space<vmem>>
          %dma_start3A_270 = tpu.memref_slice %arg4[%dma_start3A_266, %add3A_262] : memref<2x1600000xi32, #tpu.memory_space<hbm>> -> memref<1x800xi32, #tpu.memory_space<hbm>>
          %dma_start3A_271 = tpu.memref_squeeze %dma_start3A_270 : memref<1x800xi32, #tpu.memory_space<hbm>> -> memref<800xi32, #tpu.memory_space<hbm>>
          %dma_start3A_272 = tpu.memref_slice %arg11[%rem3A_220] : memref<2x!tpu.dma_semaphore, #tpu.memory_space<semaphore_mem>> -> memref<1x!tpu.dma_semaphore, #tpu.memory_space<semaphore_mem>>
          %dma_start3A_273 = tpu.memref_squeeze %dma_start3A_272 : memref<1x!tpu.dma_semaphore, #tpu.memory_space<semaphore_mem>> -> memref<!tpu.dma_semaphore, #tpu.memory_space<semaphore_mem>>
          %dma_start3A_274 = arith.constant 0 : i32
          %dma_start3A_275 = tpu.memref_slice %arg7[%rem3A_220, %dma_start3A_274] : memref<2x800xi32, #tpu.memory_space<vmem>> -> memref<1x800xi32, #tpu.memory_space<vmem>>
          %dma_start3A_276 = tpu.memref_squeeze %dma_start3A_275 : memref<1x800xi32, #tpu.memory_space<vmem>> -> memref<800xi32, #tpu.memory_space<vmem>>
          %dma_start3A_277 = tpu.memref_slice %arg4[%dma_start3A_266, %add3A_262] : memref<2x1600000xi32, #tpu.memory_space<hbm>> -> memref<1x800xi32, #tpu.memory_space<hbm>>
          %dma_start3A_278 = tpu.memref_squeeze %dma_start3A_277 : memref<1x800xi32, #tpu.memory_space<hbm>> -> memref<800xi32, #tpu.memory_space<hbm>>
          tpu.enqueue_dma source(%dma_start3A_278 : memref<800xi32, #tpu.memory_space<hbm>>) target(%dma_start3A_276 : memref<800xi32, #tpu.memory_space<vmem>>) target_semaphore(%dma_start3A_273 : memref<!tpu.dma_semaphore, #tpu.memory_space<semaphore_mem>>)
          %dma_start3A_279 = arith.constant 0 : i32
          %dma_start3A_280 = arith.constant 0 : i32
          %dma_start3A_281 = tpu.memref_slice %arg8[%rem3A_220, %dma_start3A_279, %dma_start3A_280] : memref<2x800x16xf32, #tpu.memory_space<vmem>> -> memref<1x800x16xf32, #tpu.memory_space<vmem>>
          %dma_start3A_282 = tpu.memref_squeeze %dma_start3A_281 : memref<1x800x16xf32, #tpu.memory_space<vmem>> -> memref<800x16xf32, #tpu.memory_space<vmem>>
          %dma_start3A_283 = tpu.memref_slice %arg2[%add3A_265, %mul3A_0] : memref<800000x32xf32, #tpu.memory_space<hbm>> -> memref<800x16xf32, #tpu.memory_space<hbm>>
          %dma_start3A_284 = tpu.memref_slice %arg12[%rem3A_220] : memref<2x!tpu.dma_semaphore, #tpu.memory_space<semaphore_mem>> -> memref<1x!tpu.dma_semaphore, #tpu.memory_space<semaphore_mem>>
          %dma_start3A_285 = tpu.memref_squeeze %dma_start3A_284 : memref<1x!tpu.dma_semaphore, #tpu.memory_space<semaphore_mem>> -> memref<!tpu.dma_semaphore, #tpu.memory_space<semaphore_mem>>
          %dma_start3A_286 = arith.constant 0 : i32
          %dma_start3A_287 = arith.constant 0 : i32
          %dma_start3A_288 = tpu.memref_slice %arg8[%rem3A_220, %dma_start3A_286, %dma_start3A_287] : memref<2x800x16xf32, #tpu.memory_space<vmem>> -> memref<1x800x16xf32, #tpu.memory_space<vmem>>
          %dma_start3A_289 = tpu.memref_squeeze %dma_start3A_288 : memref<1x800x16xf32, #tpu.memory_space<vmem>> -> memref<800x16xf32, #tpu.memory_space<vmem>>
          %dma_start3A_290 = tpu.memref_slice %arg2[%add3A_265, %mul3A_0] : memref<800000x32xf32, #tpu.memory_space<hbm>> -> memref<800x16xf32, #tpu.memory_space<hbm>>
          tpu.enqueue_dma source(%dma_start3A_290 : memref<800x16xf32, #tpu.memory_space<hbm>>) target(%dma_start3A_289 : memref<800x16xf32, #tpu.memory_space<vmem>>) target_semaphore(%dma_start3A_285 : memref<!tpu.dma_semaphore, #tpu.memory_space<semaphore_mem>>)
        } else {
        }
      }
      %scan3A_218 = arith.constant 125 : i32
    } else {
    }
    %ge3A = arith.constant 8 : i32
    %ge3A_33 = arith.cmpi sge, %arg1, %ge3A : i32
    %convert_element_type3A_34 = arith.extui %ge3A_33 : i1 to i32
    %cond3A_35 = arith.constant 0 : i32
    %cond3A_36 = arith.cmpi ne, %convert_element_type3A_34, %cond3A_35 : i32
    scf.if %cond3A_36 {
      %mul3A_144 = arith.constant 100000 : i32
      %mul3A_145 = arith.muli %arg1, %mul3A_144 : i32
      %mul3A_146 = arith.constant 100000 : i32
      %mul3A_147 = arith.muli %arg1, %mul3A_146 : i32
      %sub3A = arith.constant 800000 : i32
      %sub3A_148 = arith.subi %mul3A_147, %sub3A : i32
      %add3A_149 = arith.constant 0 : i32
      %add3A_150 = arith.addi %mul3A_145, %add3A_149 : i32
      %add3A_151 = arith.constant 0 : i32
      %add3A_152 = arith.addi %sub3A_148, %add3A_151 : i32
      %dma_start3A = arith.constant 1 : i32
      %dma_start3A_153 = arith.constant 0 : i32
      %dma_start3A_154 = arith.constant 0 : i32
      %dma_start3A_155 = arith.constant 0 : i32
      %dma_start3A_156 = tpu.memref_slice %arg7[%dma_start3A_153, %dma_start3A_155] : memref<2x800xi32, #tpu.memory_space<vmem>> -> memref<1x800xi32, #tpu.memory_space<vmem>>
      %dma_start3A_157 = tpu.memref_squeeze %dma_start3A_156 : memref<1x800xi32, #tpu.memory_space<vmem>> -> memref<800xi32, #tpu.memory_space<vmem>>
      %dma_start3A_158 = tpu.memref_slice %arg4[%dma_start3A, %add3A_150] : memref<2x1600000xi32, #tpu.memory_space<hbm>> -> memref<1x800xi32, #tpu.memory_space<hbm>>
      %dma_start3A_159 = tpu.memref_squeeze %dma_start3A_158 : memref<1x800xi32, #tpu.memory_space<hbm>> -> memref<800xi32, #tpu.memory_space<hbm>>
      %dma_start3A_160 = tpu.memref_slice %arg11[%dma_start3A_154] : memref<2x!tpu.dma_semaphore, #tpu.memory_space<semaphore_mem>> -> memref<1x!tpu.dma_semaphore, #tpu.memory_space<semaphore_mem>>
      %dma_start3A_161 = tpu.memref_squeeze %dma_start3A_160 : memref<1x!tpu.dma_semaphore, #tpu.memory_space<semaphore_mem>> -> memref<!tpu.dma_semaphore, #tpu.memory_space<semaphore_mem>>
      %dma_start3A_162 = arith.constant 0 : i32
      %dma_start3A_163 = tpu.memref_slice %arg7[%dma_start3A_153, %dma_start3A_162] : memref<2x800xi32, #tpu.memory_space<vmem>> -> memref<1x800xi32, #tpu.memory_space<vmem>>
      %dma_start3A_164 = tpu.memref_squeeze %dma_start3A_163 : memref<1x800xi32, #tpu.memory_space<vmem>> -> memref<800xi32, #tpu.memory_space<vmem>>
      %dma_start3A_165 = tpu.memref_slice %arg4[%dma_start3A, %add3A_150] : memref<2x1600000xi32, #tpu.memory_space<hbm>> -> memref<1x800xi32, #tpu.memory_space<hbm>>
      %dma_start3A_166 = tpu.memref_squeeze %dma_start3A_165 : memref<1x800xi32, #tpu.memory_space<hbm>> -> memref<800xi32, #tpu.memory_space<hbm>>
      tpu.enqueue_dma source(%dma_start3A_166 : memref<800xi32, #tpu.memory_space<hbm>>) target(%dma_start3A_164 : memref<800xi32, #tpu.memory_space<vmem>>) target_semaphore(%dma_start3A_161 : memref<!tpu.dma_semaphore, #tpu.memory_space<semaphore_mem>>)
      %dma_start3A_167 = arith.constant 0 : i32
      %dma_start3A_168 = arith.constant 0 : i32
      %dma_start3A_169 = arith.constant 0 : i32
      %dma_start3A_170 = arith.constant 0 : i32
      %dma_start3A_171 = tpu.memref_slice %arg8[%dma_start3A_167, %dma_start3A_169, %dma_start3A_170] : memref<2x800x16xf32, #tpu.memory_space<vmem>> -> memref<1x800x16xf32, #tpu.memory_space<vmem>>
      %dma_start3A_172 = tpu.memref_squeeze %dma_start3A_171 : memref<1x800x16xf32, #tpu.memory_space<vmem>> -> memref<800x16xf32, #tpu.memory_space<vmem>>
      %dma_start3A_173 = tpu.memref_slice %arg3[%add3A_152, %mul3A_0] : memref<800000x32xf32, #tpu.memory_space<hbm>> -> memref<800x16xf32, #tpu.memory_space<hbm>>
      %dma_start3A_174 = tpu.memref_slice %arg12[%dma_start3A_168] : memref<2x!tpu.dma_semaphore, #tpu.memory_space<semaphore_mem>> -> memref<1x!tpu.dma_semaphore, #tpu.memory_space<semaphore_mem>>
      %dma_start3A_175 = tpu.memref_squeeze %dma_start3A_174 : memref<1x!tpu.dma_semaphore, #tpu.memory_space<semaphore_mem>> -> memref<!tpu.dma_semaphore, #tpu.memory_space<semaphore_mem>>
      %dma_start3A_176 = arith.constant 0 : i32
      %dma_start3A_177 = arith.constant 0 : i32
      %dma_start3A_178 = tpu.memref_slice %arg8[%dma_start3A_167, %dma_start3A_176, %dma_start3A_177] : memref<2x800x16xf32, #tpu.memory_space<vmem>> -> memref<1x800x16xf32, #tpu.memory_space<vmem>>
      %dma_start3A_179 = tpu.memref_squeeze %dma_start3A_178 : memref<1x800x16xf32, #tpu.memory_space<vmem>> -> memref<800x16xf32, #tpu.memory_space<vmem>>
      %dma_start3A_180 = tpu.memref_slice %arg3[%add3A_152, %mul3A_0] : memref<800000x32xf32, #tpu.memory_space<hbm>> -> memref<800x16xf32, #tpu.memory_space<hbm>>
      tpu.enqueue_dma source(%dma_start3A_180 : memref<800x16xf32, #tpu.memory_space<hbm>>) target(%dma_start3A_179 : memref<800x16xf32, #tpu.memory_space<vmem>>) target_semaphore(%dma_start3A_175 : memref<!tpu.dma_semaphore, #tpu.memory_space<semaphore_mem>>)
      %add3A_181 = arith.constant 800 : i32
      %add3A_182 = arith.addi %mul3A_145, %add3A_181 : i32
      %add3A_183 = arith.constant 800 : i32
      %add3A_184 = arith.addi %sub3A_148, %add3A_183 : i32
      %dma_start3A_185 = arith.constant 1 : i32
      %dma_start3A_186 = arith.constant 1 : i32
      %dma_start3A_187 = arith.constant 1 : i32
      %dma_start3A_188 = arith.constant 0 : i32
      %dma_start3A_189 = tpu.memref_slice %arg7[%dma_start3A_186, %dma_start3A_188] : memref<2x800xi32, #tpu.memory_space<vmem>> -> memref<1x800xi32, #tpu.memory_space<vmem>>
      %dma_start3A_190 = tpu.memref_squeeze %dma_start3A_189 : memref<1x800xi32, #tpu.memory_space<vmem>> -> memref<800xi32, #tpu.memory_space<vmem>>
      %dma_start3A_191 = tpu.memref_slice %arg4[%dma_start3A_185, %add3A_182] : memref<2x1600000xi32, #tpu.memory_space<hbm>> -> memref<1x800xi32, #tpu.memory_space<hbm>>
      %dma_start3A_192 = tpu.memref_squeeze %dma_start3A_191 : memref<1x800xi32, #tpu.memory_space<hbm>> -> memref<800xi32, #tpu.memory_space<hbm>>
      %dma_start3A_193 = tpu.memref_slice %arg11[%dma_start3A_187] : memref<2x!tpu.dma_semaphore, #tpu.memory_space<semaphore_mem>> -> memref<1x!tpu.dma_semaphore, #tpu.memory_space<semaphore_mem>>
      %dma_start3A_194 = tpu.memref_squeeze %dma_start3A_193 : memref<1x!tpu.dma_semaphore, #tpu.memory_space<semaphore_mem>> -> memref<!tpu.dma_semaphore, #tpu.memory_space<semaphore_mem>>
      %dma_start3A_195 = arith.constant 0 : i32
      %dma_start3A_196 = tpu.memref_slice %arg7[%dma_start3A_186, %dma_start3A_195] : memref<2x800xi32, #tpu.memory_space<vmem>> -> memref<1x800xi32, #tpu.memory_space<vmem>>
      %dma_start3A_197 = tpu.memref_squeeze %dma_start3A_196 : memref<1x800xi32, #tpu.memory_space<vmem>> -> memref<800xi32, #tpu.memory_space<vmem>>
      %dma_start3A_198 = tpu.memref_slice %arg4[%dma_start3A_185, %add3A_182] : memref<2x1600000xi32, #tpu.memory_space<hbm>> -> memref<1x800xi32, #tpu.memory_space<hbm>>
      %dma_start3A_199 = tpu.memref_squeeze %dma_start3A_198 : memref<1x800xi32, #tpu.memory_space<hbm>> -> memref<800xi32, #tpu.memory_space<hbm>>
      tpu.enqueue_dma source(%dma_start3A_199 : memref<800xi32, #tpu.memory_space<hbm>>) target(%dma_start3A_197 : memref<800xi32, #tpu.memory_space<vmem>>) target_semaphore(%dma_start3A_194 : memref<!tpu.dma_semaphore, #tpu.memory_space<semaphore_mem>>)
      %dma_start3A_200 = arith.constant 1 : i32
      %dma_start3A_201 = arith.constant 1 : i32
      %dma_start3A_202 = arith.constant 0 : i32
      %dma_start3A_203 = arith.constant 0 : i32
      %dma_start3A_204 = tpu.memref_slice %arg8[%dma_start3A_200, %dma_start3A_202, %dma_start3A_203] : memref<2x800x16xf32, #tpu.memory_space<vmem>> -> memref<1x800x16xf32, #tpu.memory_space<vmem>>
      %dma_start3A_205 = tpu.memref_squeeze %dma_start3A_204 : memref<1x800x16xf32, #tpu.memory_space<vmem>> -> memref<800x16xf32, #tpu.memory_space<vmem>>
      %dma_start3A_206 = tpu.memref_slice %arg3[%add3A_184, %mul3A_0] : memref<800000x32xf32, #tpu.memory_space<hbm>> -> memref<800x16xf32, #tpu.memory_space<hbm>>
      %dma_start3A_207 = tpu.memref_slice %arg12[%dma_start3A_201] : memref<2x!tpu.dma_semaphore, #tpu.memory_space<semaphore_mem>> -> memref<1x!tpu.dma_semaphore, #tpu.memory_space<semaphore_mem>>
      %dma_start3A_208 = tpu.memref_squeeze %dma_start3A_207 : memref<1x!tpu.dma_semaphore, #tpu.memory_space<semaphore_mem>> -> memref<!tpu.dma_semaphore, #tpu.memory_space<semaphore_mem>>
      %dma_start3A_209 = arith.constant 0 : i32
      %dma_start3A_210 = arith.constant 0 : i32
      %dma_start3A_211 = tpu.memref_slice %arg8[%dma_start3A_200, %dma_start3A_209, %dma_start3A_210] : memref<2x800x16xf32, #tpu.memory_space<vmem>> -> memref<1x800x16xf32, #tpu.memory_space<vmem>>
      %dma_start3A_212 = tpu.memref_squeeze %dma_start3A_211 : memref<1x800x16xf32, #tpu.memory_space<vmem>> -> memref<800x16xf32, #tpu.memory_space<vmem>>
      %dma_start3A_213 = tpu.memref_slice %arg3[%add3A_184, %mul3A_0] : memref<800000x32xf32, #tpu.memory_space<hbm>> -> memref<800x16xf32, #tpu.memory_space<hbm>>
      tpu.enqueue_dma source(%dma_start3A_213 : memref<800x16xf32, #tpu.memory_space<hbm>>) target(%dma_start3A_212 : memref<800x16xf32, #tpu.memory_space<vmem>>) target_semaphore(%dma_start3A_208 : memref<!tpu.dma_semaphore, #tpu.memory_space<semaphore_mem>>)
      %scan3A_214 = arith.constant 0 : i32
      %scan3A_215 = arith.constant 0 : i32
      %scan3A_216 = arith.constant 125 : i32
      %scan3A_217 = arith.addi %scan3A_215, %scan3A_216 : i32
      %scan3A_218 = arith.constant 1 : i32
      scf.for %scan3A_220 = %scan3A_215 to %scan3A_217 step %scan3A_218  : i32 {
        %rem3A = arith.constant 2 : i32
        %rem3A_221 = arith.remsi %scan3A_220, %rem3A : i32
        %mul3A_222 = arith.constant 800 : i32
        %mul3A_223 = arith.muli %scan3A_220, %mul3A_222 : i32
        %add3A_224 = arith.addi %mul3A_145, %mul3A_223 : i32
        %mul3A_225 = arith.constant 800 : i32
        %mul3A_226 = arith.muli %scan3A_220, %mul3A_225 : i32
        %add3A_227 = arith.addi %sub3A_148, %mul3A_226 : i32
        %dma_wait3A = arith.constant 1 : i32
        %dma_wait3A_228 = arith.constant 0 : i32
        %dma_wait3A_229 = tpu.memref_slice %arg7[%rem3A_221, %dma_wait3A_228] : memref<2x800xi32, #tpu.memory_space<vmem>> -> memref<1x800xi32, #tpu.memory_space<vmem>>
        %dma_wait3A_230 = tpu.memref_squeeze %dma_wait3A_229 : memref<1x800xi32, #tpu.memory_space<vmem>> -> memref<800xi32, #tpu.memory_space<vmem>>
        %dma_wait3A_231 = tpu.memref_slice %arg4[%dma_wait3A, %add3A_224] : memref<2x1600000xi32, #tpu.memory_space<hbm>> -> memref<1x800xi32, #tpu.memory_space<hbm>>
        %dma_wait3A_232 = tpu.memref_squeeze %dma_wait3A_231 : memref<1x800xi32, #tpu.memory_space<hbm>> -> memref<800xi32, #tpu.memory_space<hbm>>
        %dma_wait3A_233 = tpu.memref_slice %arg11[%rem3A_221] : memref<2x!tpu.dma_semaphore, #tpu.memory_space<semaphore_mem>> -> memref<1x!tpu.dma_semaphore, #tpu.memory_space<semaphore_mem>>
        %dma_wait3A_234 = tpu.memref_squeeze %dma_wait3A_233 : memref<1x!tpu.dma_semaphore, #tpu.memory_space<semaphore_mem>> -> memref<!tpu.dma_semaphore, #tpu.memory_space<semaphore_mem>>
        %dma_wait3A_235 = arith.constant 0 : i32
        %dma_wait3A_236 = tpu.memref_slice %arg7[%rem3A_221, %dma_wait3A_235] : memref<2x800xi32, #tpu.memory_space<vmem>> -> memref<1x800xi32, #tpu.memory_space<vmem>>
        %dma_wait3A_237 = tpu.memref_squeeze %dma_wait3A_236 : memref<1x800xi32, #tpu.memory_space<vmem>> -> memref<800xi32, #tpu.memory_space<vmem>>
        %dma_wait3A_238 = tpu.memref_slice %arg4[%dma_wait3A, %add3A_224] : memref<2x1600000xi32, #tpu.memory_space<hbm>> -> memref<1x800xi32, #tpu.memory_space<hbm>>
        %dma_wait3A_239 = tpu.memref_squeeze %dma_wait3A_238 : memref<1x800xi32, #tpu.memory_space<hbm>> -> memref<800xi32, #tpu.memory_space<hbm>>
        tpu.wait_dma2 semaphore(%dma_wait3A_234 : memref<!tpu.dma_semaphore, #tpu.memory_space<semaphore_mem>>) src(%dma_wait3A_239 : memref<800xi32, #tpu.memory_space<hbm>>) dst(%dma_wait3A_237 : memref<800xi32, #tpu.memory_space<vmem>>)
        %dma_wait3A_240 = arith.constant 0 : i32
        %dma_wait3A_241 = arith.constant 0 : i32
        %dma_wait3A_242 = tpu.memref_slice %arg8[%rem3A_221, %dma_wait3A_240, %dma_wait3A_241] : memref<2x800x16xf32, #tpu.memory_space<vmem>> -> memref<1x800x16xf32, #tpu.memory_space<vmem>>
        %dma_wait3A_243 = tpu.memref_squeeze %dma_wait3A_242 : memref<1x800x16xf32, #tpu.memory_space<vmem>> -> memref<800x16xf32, #tpu.memory_space<vmem>>
        %dma_wait3A_244 = tpu.memref_slice %arg3[%add3A_227, %mul3A_0] : memref<800000x32xf32, #tpu.memory_space<hbm>> -> memref<800x16xf32, #tpu.memory_space<hbm>>
        %dma_wait3A_245 = tpu.memref_slice %arg12[%rem3A_221] : memref<2x!tpu.dma_semaphore, #tpu.memory_space<semaphore_mem>> -> memref<1x!tpu.dma_semaphore, #tpu.memory_space<semaphore_mem>>
        %dma_wait3A_246 = tpu.memref_squeeze %dma_wait3A_245 : memref<1x!tpu.dma_semaphore, #tpu.memory_space<semaphore_mem>> -> memref<!tpu.dma_semaphore, #tpu.memory_space<semaphore_mem>>
        %dma_wait3A_247 = arith.constant 0 : i32
        %dma_wait3A_248 = arith.constant 0 : i32
        %dma_wait3A_249 = tpu.memref_slice %arg8[%rem3A_221, %dma_wait3A_247, %dma_wait3A_248] : memref<2x800x16xf32, #tpu.memory_space<vmem>> -> memref<1x800x16xf32, #tpu.memory_space<vmem>>
        %dma_wait3A_250 = tpu.memref_squeeze %dma_wait3A_249 : memref<1x800x16xf32, #tpu.memory_space<vmem>> -> memref<800x16xf32, #tpu.memory_space<vmem>>
        %dma_wait3A_251 = tpu.memref_slice %arg3[%add3A_227, %mul3A_0] : memref<800000x32xf32, #tpu.memory_space<hbm>> -> memref<800x16xf32, #tpu.memory_space<hbm>>
        tpu.wait_dma2 semaphore(%dma_wait3A_246 : memref<!tpu.dma_semaphore, #tpu.memory_space<semaphore_mem>>) src(%dma_wait3A_251 : memref<800x16xf32, #tpu.memory_space<hbm>>) dst(%dma_wait3A_250 : memref<800x16xf32, #tpu.memory_space<vmem>>)
        "tpu.region"() ({
          %run_scoped3A_259 = tpu.sem_alloc : memref<!tpu.dma_semaphore, #tpu.memory_space<semaphore_mem>>
          %dma_start3A_260 = arith.constant 0 : i32
          %dma_start3A_261 = arith.constant 0 : i32
          %dma_start3A_262 = tpu.memref_slice %arg8[%rem3A_221, %dma_start3A_260, %dma_start3A_261] : memref<2x800x16xf32, #tpu.memory_space<vmem>> -> memref<1x800x16xf32, #tpu.memory_space<vmem>>
          %dma_start3A_263 = tpu.memref_squeeze %dma_start3A_262 : memref<1x800x16xf32, #tpu.memory_space<vmem>> -> memref<800x16xf32, #tpu.memory_space<vmem>>
          %dma_start3A_264 = arith.constant 0 : i32
          %dma_start3A_265 = tpu.memref_slice %arg7[%rem3A_221, %dma_start3A_264] : memref<2x800xi32, #tpu.memory_space<vmem>> -> memref<1x800xi32, #tpu.memory_space<vmem>>
          %dma_start3A_266 = tpu.memref_squeeze %dma_start3A_265 : memref<1x800xi32, #tpu.memory_space<vmem>> -> memref<800xi32, #tpu.memory_space<vmem>>
          %dma_start3A_267 = arith.constant 0 : i32
          %dma_start3A_268 = arith.constant 0 : i32
          %dma_start3A_269 = tpu.memref_slice %arg10[%dma_start3A_267, %dma_start3A_268] : memref<100000x16xf32, #tpu.memory_space<vmem_shared>> -> memref<100000x16xf32, #tpu.memory_space<vmem_shared>>
          tpu.enqueue_indirect_dma source(%dma_start3A_263 : memref<800x16xf32, #tpu.memory_space<vmem>>) target(%dma_start3A_269 : memref<100000x16xf32, #tpu.memory_space<vmem_shared>>) offsets(%dma_start3A_266 : memref<800xi32, #tpu.memory_space<vmem>>) semaphore(%run_scoped3A_259 : memref<!tpu.dma_semaphore, #tpu.memory_space<semaphore_mem>>) {add = true}
          %dma_wait3A_270 = arith.constant 0 : i32
          %dma_wait3A_271 = arith.constant 0 : i32
          %dma_wait3A_272 = tpu.memref_slice %arg8[%rem3A_221, %dma_wait3A_270, %dma_wait3A_271] : memref<2x800x16xf32, #tpu.memory_space<vmem>> -> memref<1x800x16xf32, #tpu.memory_space<vmem>>
          %dma_wait3A_273 = tpu.memref_squeeze %dma_wait3A_272 : memref<1x800x16xf32, #tpu.memory_space<vmem>> -> memref<800x16xf32, #tpu.memory_space<vmem>>
          %dma_wait3A_274 = arith.constant 0 : i32
          %dma_wait3A_275 = tpu.memref_slice %arg7[%rem3A_221, %dma_wait3A_274] : memref<2x800xi32, #tpu.memory_space<vmem>> -> memref<1x800xi32, #tpu.memory_space<vmem>>
          %dma_wait3A_276 = tpu.memref_squeeze %dma_wait3A_275 : memref<1x800xi32, #tpu.memory_space<vmem>> -> memref<800xi32, #tpu.memory_space<vmem>>
          %dma_wait3A_277 = arith.constant 0 : i32
          %dma_wait3A_278 = arith.constant 0 : i32
          %dma_wait3A_279 = tpu.memref_slice %arg10[%dma_wait3A_277, %dma_wait3A_278] : memref<100000x16xf32, #tpu.memory_space<vmem_shared>> -> memref<100000x16xf32, #tpu.memory_space<vmem_shared>>
          tpu.wait_indirect_dma semaphore(%run_scoped3A_259 : memref<!tpu.dma_semaphore, #tpu.memory_space<semaphore_mem>>) src(%dma_wait3A_273 : memref<800x16xf32, #tpu.memory_space<vmem>>) dst(%dma_wait3A_279 : memref<100000x16xf32, #tpu.memory_space<vmem_shared>>)
          tpu.yield
        }) : () -> ()
        %add3A_252 = arith.constant 2 : i32
        %add3A_253 = arith.addi %scan3A_220, %add3A_252 : i32
        %lt3A_254 = arith.constant 125 : i32
        %lt3A_255 = arith.cmpi slt, %add3A_253, %lt3A_254 : i32
        %convert_element_type3A_256 = arith.extui %lt3A_255 : i1 to i32
        %cond3A_257 = arith.constant 0 : i32
        %cond3A_258 = arith.cmpi ne, %convert_element_type3A_256, %cond3A_257 : i32
        scf.if %cond3A_258 {
          %add3A_259 = arith.constant 2 : i32
          %add3A_260 = arith.addi %scan3A_220, %add3A_259 : i32
          %mul3A_261 = arith.constant 800 : i32
          %mul3A_262 = arith.muli %add3A_260, %mul3A_261 : i32
          %add3A_263 = arith.addi %mul3A_145, %mul3A_262 : i32
          %mul3A_264 = arith.constant 800 : i32
          %mul3A_265 = arith.muli %add3A_260, %mul3A_264 : i32
          %add3A_266 = arith.addi %sub3A_148, %mul3A_265 : i32
          %dma_start3A_267 = arith.constant 1 : i32
          %dma_start3A_268 = arith.constant 0 : i32
          %dma_start3A_269 = tpu.memref_slice %arg7[%rem3A_221, %dma_start3A_268] : memref<2x800xi32, #tpu.memory_space<vmem>> -> memref<1x800xi32, #tpu.memory_space<vmem>>
          %dma_start3A_270 = tpu.memref_squeeze %dma_start3A_269 : memref<1x800xi32, #tpu.memory_space<vmem>> -> memref<800xi32, #tpu.memory_space<vmem>>
          %dma_start3A_271 = tpu.memref_slice %arg4[%dma_start3A_267, %add3A_263] : memref<2x1600000xi32, #tpu.memory_space<hbm>> -> memref<1x800xi32, #tpu.memory_space<hbm>>
          %dma_start3A_272 = tpu.memref_squeeze %dma_start3A_271 : memref<1x800xi32, #tpu.memory_space<hbm>> -> memref<800xi32, #tpu.memory_space<hbm>>
          %dma_start3A_273 = tpu.memref_slice %arg11[%rem3A_221] : memref<2x!tpu.dma_semaphore, #tpu.memory_space<semaphore_mem>> -> memref<1x!tpu.dma_semaphore, #tpu.memory_space<semaphore_mem>>
          %dma_start3A_274 = tpu.memref_squeeze %dma_start3A_273 : memref<1x!tpu.dma_semaphore, #tpu.memory_space<semaphore_mem>> -> memref<!tpu.dma_semaphore, #tpu.memory_space<semaphore_mem>>
          %dma_start3A_275 = arith.constant 0 : i32
          %dma_start3A_276 = tpu.memref_slice %arg7[%rem3A_221, %dma_start3A_275] : memref<2x800xi32, #tpu.memory_space<vmem>> -> memref<1x800xi32, #tpu.memory_space<vmem>>
          %dma_start3A_277 = tpu.memref_squeeze %dma_start3A_276 : memref<1x800xi32, #tpu.memory_space<vmem>> -> memref<800xi32, #tpu.memory_space<vmem>>
          %dma_start3A_278 = tpu.memref_slice %arg4[%dma_start3A_267, %add3A_263] : memref<2x1600000xi32, #tpu.memory_space<hbm>> -> memref<1x800xi32, #tpu.memory_space<hbm>>
          %dma_start3A_279 = tpu.memref_squeeze %dma_start3A_278 : memref<1x800xi32, #tpu.memory_space<hbm>> -> memref<800xi32, #tpu.memory_space<hbm>>
          tpu.enqueue_dma source(%dma_start3A_279 : memref<800xi32, #tpu.memory_space<hbm>>) target(%dma_start3A_277 : memref<800xi32, #tpu.memory_space<vmem>>) target_semaphore(%dma_start3A_274 : memref<!tpu.dma_semaphore, #tpu.memory_space<semaphore_mem>>)
          %dma_start3A_280 = arith.constant 0 : i32
          %dma_start3A_281 = arith.constant 0 : i32
          %dma_start3A_282 = tpu.memref_slice %arg8[%rem3A_221, %dma_start3A_280, %dma_start3A_281] : memref<2x800x16xf32, #tpu.memory_space<vmem>> -> memref<1x800x16xf32, #tpu.memory_space<vmem>>
          %dma_start3A_283 = tpu.memref_squeeze %dma_start3A_282 : memref<1x800x16xf32, #tpu.memory_space<vmem>> -> memref<800x16xf32, #tpu.memory_space<vmem>>
          %dma_start3A_284 = tpu.memref_slice %arg3[%add3A_266, %mul3A_0] : memref<800000x32xf32, #tpu.memory_space<hbm>> -> memref<800x16xf32, #tpu.memory_space<hbm>>
          %dma_start3A_285 = tpu.memref_slice %arg12[%rem3A_221] : memref<2x!tpu.dma_semaphore, #tpu.memory_space<semaphore_mem>> -> memref<1x!tpu.dma_semaphore, #tpu.memory_space<semaphore_mem>>
          %dma_start3A_286 = tpu.memref_squeeze %dma_start3A_285 : memref<1x!tpu.dma_semaphore, #tpu.memory_space<semaphore_mem>> -> memref<!tpu.dma_semaphore, #tpu.memory_space<semaphore_mem>>
          %dma_start3A_287 = arith.constant 0 : i32
          %dma_start3A_288 = arith.constant 0 : i32
          %dma_start3A_289 = tpu.memref_slice %arg8[%rem3A_221, %dma_start3A_287, %dma_start3A_288] : memref<2x800x16xf32, #tpu.memory_space<vmem>> -> memref<1x800x16xf32, #tpu.memory_space<vmem>>
          %dma_start3A_290 = tpu.memref_squeeze %dma_start3A_289 : memref<1x800x16xf32, #tpu.memory_space<vmem>> -> memref<800x16xf32, #tpu.memory_space<vmem>>
          %dma_start3A_291 = tpu.memref_slice %arg3[%add3A_266, %mul3A_0] : memref<800000x32xf32, #tpu.memory_space<hbm>> -> memref<800x16xf32, #tpu.memory_space<hbm>>
          tpu.enqueue_dma source(%dma_start3A_291 : memref<800x16xf32, #tpu.memory_space<hbm>>) target(%dma_start3A_290 : memref<800x16xf32, #tpu.memory_space<vmem>>) target_semaphore(%dma_start3A_286 : memref<!tpu.dma_semaphore, #tpu.memory_space<semaphore_mem>>)
        } else {
        }
      }
      %scan3A_219 = arith.constant 125 : i32
    } else {
    }
    %barrier3A_37 = arith.constant 0 : index
    tpu.barrier barrier_id(%barrier3A_37)
    "tpu.region"() ({
      %run_scoped3A_144 = tpu.sem_alloc : memref<!tpu.dma_semaphore, #tpu.memory_space<semaphore_mem>>
      %dma_start3A = tpu.memref_slice %arg5[%mul3A_0] : memref<32xf32, #tpu.memory_space<hbm>> -> memref<16xf32, #tpu.memory_space<hbm>>
      %dma_start3A_145 = tpu.memref_slice %arg5[%mul3A_0] : memref<32xf32, #tpu.memory_space<hbm>> -> memref<16xf32, #tpu.memory_space<hbm>>
      tpu.enqueue_dma source(%dma_start3A_145 : memref<16xf32, #tpu.memory_space<hbm>>) target(%arg9 : memref<16xf32, #tpu.memory_space<vmem>>) target_semaphore(%run_scoped3A_144 : memref<!tpu.dma_semaphore, #tpu.memory_space<semaphore_mem>>)
      %dma_wait3A = tpu.memref_slice %arg5[%mul3A_0] : memref<32xf32, #tpu.memory_space<hbm>> -> memref<16xf32, #tpu.memory_space<hbm>>
      %dma_wait3A_146 = tpu.memref_slice %arg5[%mul3A_0] : memref<32xf32, #tpu.memory_space<hbm>> -> memref<16xf32, #tpu.memory_space<hbm>>
      tpu.wait_dma2 semaphore(%run_scoped3A_144 : memref<!tpu.dma_semaphore, #tpu.memory_space<semaphore_mem>>) src(%dma_wait3A_146 : memref<16xf32, #tpu.memory_space<hbm>>) dst(%arg9 : memref<16xf32, #tpu.memory_space<vmem>>)
      tpu.yield
    }) : () -> ()
    %get3A = arith.constant 0 : index
    %get3A_38 = tpu.vector_load %arg9[%get3A] {strides = array<i32>} : memref<16xf32, #tpu.memory_space<vmem>>, vector<16xf32>,
    %get3A_39 = vector.shape_cast %get3A_38 : vector<16xf32> to vector<16xf32>
    %add3A_40 = arith.constant 0 : i32
    %add3A_41 = arith.addi %mul3A_2, %add3A_40 : i32
    %run_scoped3A_42 = arith.constant 0 : i32
    "tpu.region"() ({
      %run_scoped3A_144 = tpu.sem_alloc : memref<!tpu.dma_semaphore, #tpu.memory_space<semaphore_mem>>
      %dma_start3A = arith.constant 0 : i32
      %dma_start3A_145 = arith.constant 0 : i32
      %dma_start3A_146 = tpu.memref_slice %arg8[%run_scoped3A_42, %dma_start3A, %dma_start3A_145] : memref<2x800x16xf32, #tpu.memory_space<vmem>> -> memref<1x800x16xf32, #tpu.memory_space<vmem>>
      %dma_start3A_147 = tpu.memref_squeeze %dma_start3A_146 : memref<1x800x16xf32, #tpu.memory_space<vmem>> -> memref<800x16xf32, #tpu.memory_space<vmem>>
      %dma_start3A_148 = arith.constant 0 : i32
      %dma_start3A_149 = arith.constant 0 : i32
      %dma_start3A_150 = tpu.memref_slice %dma_start3A_147[%dma_start3A_148, %dma_start3A_149] : memref<800x16xf32, #tpu.memory_space<vmem>> -> memref<800x16xf32, #tpu.memory_space<vmem>>
      %dma_start3A_151 = arith.constant 0 : i32
      %dma_start3A_152 = tpu.memref_slice %arg10[%add3A_41, %dma_start3A_151] : memref<100000x16xf32, #tpu.memory_space<vmem_shared>> -> memref<800x16xf32, #tpu.memory_space<vmem_shared>>
      %dma_start3A_153 = arith.constant 0 : i32
      %dma_start3A_154 = arith.constant 0 : i32
      %dma_start3A_155 = tpu.memref_slice %arg8[%run_scoped3A_42, %dma_start3A_153, %dma_start3A_154] : memref<2x800x16xf32, #tpu.memory_space<vmem>> -> memref<1x800x16xf32, #tpu.memory_space<vmem>>
      %dma_start3A_156 = tpu.memref_squeeze %dma_start3A_155 : memref<1x800x16xf32, #tpu.memory_space<vmem>> -> memref<800x16xf32, #tpu.memory_space<vmem>>
      %dma_start3A_157 = arith.constant 0 : i32
      %dma_start3A_158 = arith.constant 0 : i32
      %dma_start3A_159 = tpu.memref_slice %dma_start3A_156[%dma_start3A_157, %dma_start3A_158] : memref<800x16xf32, #tpu.memory_space<vmem>> -> memref<800x16xf32, #tpu.memory_space<vmem>>
      %dma_start3A_160 = arith.constant 0 : i32
      %dma_start3A_161 = tpu.memref_slice %arg10[%add3A_41, %dma_start3A_160] : memref<100000x16xf32, #tpu.memory_space<vmem_shared>> -> memref<800x16xf32, #tpu.memory_space<vmem_shared>>
      tpu.enqueue_dma source(%dma_start3A_161 : memref<800x16xf32, #tpu.memory_space<vmem_shared>>) target(%dma_start3A_159 : memref<800x16xf32, #tpu.memory_space<vmem>>) target_semaphore(%run_scoped3A_144 : memref<!tpu.dma_semaphore, #tpu.memory_space<semaphore_mem>>)
      %dma_wait3A = arith.constant 0 : i32
      %dma_wait3A_162 = arith.constant 0 : i32
      %dma_wait3A_163 = tpu.memref_slice %arg8[%run_scoped3A_42, %dma_wait3A, %dma_wait3A_162] : memref<2x800x16xf32, #tpu.memory_space<vmem>> -> memref<1x800x16xf32, #tpu.memory_space<vmem>>
      %dma_wait3A_164 = tpu.memref_squeeze %dma_wait3A_163 : memref<1x800x16xf32, #tpu.memory_space<vmem>> -> memref<800x16xf32, #tpu.memory_space<vmem>>
      %dma_wait3A_165 = arith.constant 0 : i32
      %dma_wait3A_166 = arith.constant 0 : i32
      %dma_wait3A_167 = tpu.memref_slice %dma_wait3A_164[%dma_wait3A_165, %dma_wait3A_166] : memref<800x16xf32, #tpu.memory_space<vmem>> -> memref<800x16xf32, #tpu.memory_space<vmem>>
      %dma_wait3A_168 = arith.constant 0 : i32
      %dma_wait3A_169 = tpu.memref_slice %arg10[%add3A_41, %dma_wait3A_168] : memref<100000x16xf32, #tpu.memory_space<vmem_shared>> -> memref<800x16xf32, #tpu.memory_space<vmem_shared>>
      %dma_wait3A_170 = arith.constant 0 : i32
      %dma_wait3A_171 = arith.constant 0 : i32
      %dma_wait3A_172 = tpu.memref_slice %arg8[%run_scoped3A_42, %dma_wait3A_170, %dma_wait3A_171] : memref<2x800x16xf32, #tpu.memory_space<vmem>> -> memref<1x800x16xf32, #tpu.memory_space<vmem>>
      %dma_wait3A_173 = tpu.memref_squeeze %dma_wait3A_172 : memref<1x800x16xf32, #tpu.memory_space<vmem>> -> memref<800x16xf32, #tpu.memory_space<vmem>>
      %dma_wait3A_174 = arith.constant 0 : i32
      %dma_wait3A_175 = arith.constant 0 : i32
      %dma_wait3A_176 = tpu.memref_slice %dma_wait3A_173[%dma_wait3A_174, %dma_wait3A_175] : memref<800x16xf32, #tpu.memory_space<vmem>> -> memref<800x16xf32, #tpu.memory_space<vmem>>
      %dma_wait3A_177 = arith.constant 0 : i32
      %dma_wait3A_178 = tpu.memref_slice %arg10[%add3A_41, %dma_wait3A_177] : memref<100000x16xf32, #tpu.memory_space<vmem_shared>> -> memref<800x16xf32, #tpu.memory_space<vmem_shared>>
      tpu.wait_dma2 semaphore(%run_scoped3A_144 : memref<!tpu.dma_semaphore, #tpu.memory_space<semaphore_mem>>) src(%dma_wait3A_178 : memref<800x16xf32, #tpu.memory_space<vmem_shared>>) dst(%dma_wait3A_176 : memref<800x16xf32, #tpu.memory_space<vmem>>)
      tpu.yield
    }) : () -> ()
    %scan3A_43 = arith.constant 0 : i32
    %scan3A_44 = arith.constant 0 : i32
    %scan3A_45 = arith.constant 0 : i32
    %scan3A_46 = arith.constant 800 : i32
    %scan3A_47 = arith.addi %scan3A_45, %scan3A_46 : i32
    %scan3A_48 = arith.constant 1 : i32
    scf.for %scan3A_144 = %scan3A_45 to %scan3A_47 step %scan3A_48  : i32 {
      %get3A_145 = arith.constant 0 : i32
      %get3A_146 = arith.constant 0 : i32
      %get3A_147 = tpu.memref_slice %arg8[%scan3A_44, %get3A_145, %get3A_146] : memref<2x800x16xf32, #tpu.memory_space<vmem>> -> memref<1x800x16xf32, #tpu.memory_space<vmem>>
      %get3A_148 = tpu.memref_squeeze %get3A_147 : memref<1x800x16xf32, #tpu.memory_space<vmem>> -> memref<800x16xf32, #tpu.memory_space<vmem>>
      %get3A_149 = arith.index_cast %scan3A_144 : i32 to index
      %get3A_150 = arith.constant 0 : index
      %get3A_151 = tpu.vector_load %get3A_148[%get3A_149, %get3A_150] {strides = array<i32>} : memref<800x16xf32, #tpu.memory_space<vmem>>, vector<1x16xf32>,
      %get3A_152 = vector.shape_cast %get3A_151 : vector<1x16xf32> to vector<16xf32>
      %add3A_153 = arith.addf %get3A_152, %get3A_39 : vector<16xf32>
      %swap3A = arith.constant 0 : i32
      %swap3A_154 = arith.constant 0 : i32
      %swap3A_155 = tpu.memref_slice %arg8[%scan3A_44, %swap3A, %swap3A_154] : memref<2x800x16xf32, #tpu.memory_space<vmem>> -> memref<1x800x16xf32, #tpu.memory_space<vmem>>
      %swap3A_156 = tpu.memref_squeeze %swap3A_155 : memref<1x800x16xf32, #tpu.memory_space<vmem>> -> memref<800x16xf32, #tpu.memory_space<vmem>>
      %swap3A_157 = arith.index_cast %scan3A_144 : i32 to index
      %swap3A_158 = arith.constant 0 : index
      %swap3A_159 = tpu.vector_load %swap3A_156[%swap3A_157, %swap3A_158] {strides = array<i32>} : memref<800x16xf32, #tpu.memory_space<vmem>>, vector<1x16xf32>,
      %swap3A_160 = vector.shape_cast %swap3A_159 : vector<1x16xf32> to vector<16xf32>
      %swap3A_161 = vector.shape_cast %add3A_153 : vector<16xf32> to vector<1x16xf32>
      tpu.vector_store %swap3A_156[%swap3A_157, %swap3A_158], %swap3A_161 {strides = array<i32>} : memref<800x16xf32, #tpu.memory_space<vmem>>, vector<1x16xf32>,
    }
    %scan3A_49 = arith.constant 800 : i32
    %add3A_50 = arith.constant 0 : i32
    %add3A_51 = arith.addi %mul3A_2, %add3A_50 : i32
    %run_scoped3A_52 = arith.constant 0 : i32
    "tpu.region"() ({
      %run_scoped3A_144 = tpu.sem_alloc : memref<!tpu.dma_semaphore, #tpu.memory_space<semaphore_mem>>
      %dma_start3A = arith.constant 0 : i32
      %dma_start3A_145 = arith.constant 0 : i32
      %dma_start3A_146 = tpu.memref_slice %arg8[%run_scoped3A_52, %dma_start3A, %dma_start3A_145] : memref<2x800x16xf32, #tpu.memory_space<vmem>> -> memref<1x800x16xf32, #tpu.memory_space<vmem>>
      %dma_start3A_147 = tpu.memref_squeeze %dma_start3A_146 : memref<1x800x16xf32, #tpu.memory_space<vmem>> -> memref<800x16xf32, #tpu.memory_space<vmem>>
      %dma_start3A_148 = arith.constant 0 : i32
      %dma_start3A_149 = arith.constant 0 : i32
      %dma_start3A_150 = tpu.memref_slice %dma_start3A_147[%dma_start3A_148, %dma_start3A_149] : memref<800x16xf32, #tpu.memory_space<vmem>> -> memref<800x16xf32, #tpu.memory_space<vmem>>
      %dma_start3A_151 = tpu.memref_slice %arg6[%add3A_51, %mul3A_0] : memref<100000x32xf32, #tpu.memory_space<hbm>> -> memref<800x16xf32, #tpu.memory_space<hbm>>
      %dma_start3A_152 = tpu.memref_slice %arg6[%add3A_51, %mul3A_0] : memref<100000x32xf32, #tpu.memory_space<hbm>> -> memref<800x16xf32, #tpu.memory_space<hbm>>
      %dma_start3A_153 = arith.constant 0 : i32
      %dma_start3A_154 = arith.constant 0 : i32
      %dma_start3A_155 = tpu.memref_slice %arg8[%run_scoped3A_52, %dma_start3A_153, %dma_start3A_154] : memref<2x800x16xf32, #tpu.memory_space<vmem>> -> memref<1x800x16xf32, #tpu.memory_space<vmem>>
      %dma_start3A_156 = tpu.memref_squeeze %dma_start3A_155 : memref<1x800x16xf32, #tpu.memory_space<vmem>> -> memref<800x16xf32, #tpu.memory_space<vmem>>
      %dma_start3A_157 = arith.constant 0 : i32
      %dma_start3A_158 = arith.constant 0 : i32
      %dma_start3A_159 = tpu.memref_slice %dma_start3A_156[%dma_start3A_157, %dma_start3A_158] : memref<800x16xf32, #tpu.memory_space<vmem>> -> memref<800x16xf32, #tpu.memory_space<vmem>>
      tpu.enqueue_dma source(%dma_start3A_159 : memref<800x16xf32, #tpu.memory_space<vmem>>) target(%dma_start3A_152 : memref<800x16xf32, #tpu.memory_space<hbm>>) target_semaphore(%run_scoped3A_144 : memref<!tpu.dma_semaphore, #tpu.memory_space<semaphore_mem>>)
      %dma_wait3A = arith.constant 0 : i32
      %dma_wait3A_160 = arith.constant 0 : i32
      %dma_wait3A_161 = tpu.memref_slice %arg8[%run_scoped3A_52, %dma_wait3A, %dma_wait3A_160] : memref<2x800x16xf32, #tpu.memory_space<vmem>> -> memref<1x800x16xf32, #tpu.memory_space<vmem>>
      %dma_wait3A_162 = tpu.memref_squeeze %dma_wait3A_161 : memref<1x800x16xf32, #tpu.memory_space<vmem>> -> memref<800x16xf32, #tpu.memory_space<vmem>>
      %dma_wait3A_163 = arith.constant 0 : i32
      %dma_wait3A_164 = arith.constant 0 : i32
      %dma_wait3A_165 = tpu.memref_slice %dma_wait3A_162[%dma_wait3A_163, %dma_wait3A_164] : memref<800x16xf32, #tpu.memory_space<vmem>> -> memref<800x16xf32, #tpu.memory_space<vmem>>
      %dma_wait3A_166 = tpu.memref_slice %arg6[%add3A_51, %mul3A_0] : memref<100000x32xf32, #tpu.memory_space<hbm>> -> memref<800x16xf32, #tpu.memory_space<hbm>>
      %dma_wait3A_167 = tpu.memref_slice %arg6[%add3A_51, %mul3A_0] : memref<100000x32xf32, #tpu.memory_space<hbm>> -> memref<800x16xf32, #tpu.memory_space<hbm>>
      %dma_wait3A_168 = arith.constant 0 : i32
      %dma_wait3A_169 = arith.constant 0 : i32
      %dma_wait3A_170 = tpu.memref_slice %arg8[%run_scoped3A_52, %dma_wait3A_168, %dma_wait3A_169] : memref<2x800x16xf32, #tpu.memory_space<vmem>> -> memref<1x800x16xf32, #tpu.memory_space<vmem>>
      %dma_wait3A_171 = tpu.memref_squeeze %dma_wait3A_170 : memref<1x800x16xf32, #tpu.memory_space<vmem>> -> memref<800x16xf32, #tpu.memory_space<vmem>>
      %dma_wait3A_172 = arith.constant 0 : i32
      %dma_wait3A_173 = arith.constant 0 : i32
      %dma_wait3A_174 = tpu.memref_slice %dma_wait3A_171[%dma_wait3A_172, %dma_wait3A_173] : memref<800x16xf32, #tpu.memory_space<vmem>> -> memref<800x16xf32, #tpu.memory_space<vmem>>
      tpu.wait_dma2 semaphore(%run_scoped3A_144 : memref<!tpu.dma_semaphore, #tpu.memory_space<semaphore_mem>>) src(%dma_wait3A_174 : memref<800x16xf32, #tpu.memory_space<vmem>>) dst(%dma_wait3A_167 : memref<800x16xf32, #tpu.memory_space<hbm>>)
      tpu.yield
    }) : () -> ()
    %add3A_53 = arith.constant 800 : i32
    %add3A_54 = arith.addi %mul3A_2, %add3A_53 : i32
    %run_scoped3A_55 = arith.constant 0 : i32
    "tpu.region"() ({
      %run_scoped3A_144 = tpu.sem_alloc : memref<!tpu.dma_semaphore, #tpu.memory_space<semaphore_mem>>
      %dma_start3A = arith.constant 0 : i32
      %dma_start3A_145 = arith.constant 0 : i32
      %dma_start3A_146 = tpu.memref_slice %arg8[%run_scoped3A_55, %dma_start3A, %dma_start3A_145] : memref<2x800x16xf32, #tpu.memory_space<vmem>> -> memref<1x800x16xf32, #tpu.memory_space<vmem>>
      %dma_start3A_147 = tpu.memref_squeeze %dma_start3A_146 : memref<1x800x16xf32, #tpu.memory_space<vmem>> -> memref<800x16xf32, #tpu.memory_space<vmem>>
      %dma_start3A_148 = arith.constant 0 : i32
      %dma_start3A_149 = arith.constant 0 : i32
      %dma_start3A_150 = tpu.memref_slice %dma_start3A_147[%dma_start3A_148, %dma_start3A_149] : memref<800x16xf32, #tpu.memory_space<vmem>> -> memref<800x16xf32, #tpu.memory_space<vmem>>
      %dma_start3A_151 = arith.constant 0 : i32
      %dma_start3A_152 = tpu.memref_slice %arg10[%add3A_54, %dma_start3A_151] : memref<100000x16xf32, #tpu.memory_space<vmem_shared>> -> memref<800x16xf32, #tpu.memory_space<vmem_shared>>
      %dma_start3A_153 = arith.constant 0 : i32
      %dma_start3A_154 = arith.constant 0 : i32
      %dma_start3A_155 = tpu.memref_slice %arg8[%run_scoped3A_55, %dma_start3A_153, %dma_start3A_154] : memref<2x800x16xf32, #tpu.memory_space<vmem>> -> memref<1x800x16xf32, #tpu.memory_space<vmem>>
      %dma_start3A_156 = tpu.memref_squeeze %dma_start3A_155 : memref<1x800x16xf32, #tpu.memory_space<vmem>> -> memref<800x16xf32, #tpu.memory_space<vmem>>
      %dma_start3A_157 = arith.constant 0 : i32
      %dma_start3A_158 = arith.constant 0 : i32
      %dma_start3A_159 = tpu.memref_slice %dma_start3A_156[%dma_start3A_157, %dma_start3A_158] : memref<800x16xf32, #tpu.memory_space<vmem>> -> memref<800x16xf32, #tpu.memory_space<vmem>>
      %dma_start3A_160 = arith.constant 0 : i32
      %dma_start3A_161 = tpu.memref_slice %arg10[%add3A_54, %dma_start3A_160] : memref<100000x16xf32, #tpu.memory_space<vmem_shared>> -> memref<800x16xf32, #tpu.memory_space<vmem_shared>>
      tpu.enqueue_dma source(%dma_start3A_161 : memref<800x16xf32, #tpu.memory_space<vmem_shared>>) target(%dma_start3A_159 : memref<800x16xf32, #tpu.memory_space<vmem>>) target_semaphore(%run_scoped3A_144 : memref<!tpu.dma_semaphore, #tpu.memory_space<semaphore_mem>>)
      %dma_wait3A = arith.constant 0 : i32
      %dma_wait3A_162 = arith.constant 0 : i32
      %dma_wait3A_163 = tpu.memref_slice %arg8[%run_scoped3A_55, %dma_wait3A, %dma_wait3A_162] : memref<2x800x16xf32, #tpu.memory_space<vmem>> -> memref<1x800x16xf32, #tpu.memory_space<vmem>>
      %dma_wait3A_164 = tpu.memref_squeeze %dma_wait3A_163 : memref<1x800x16xf32, #tpu.memory_space<vmem>> -> memref<800x16xf32, #tpu.memory_space<vmem>>
      %dma_wait3A_165 = arith.constant 0 : i32
      %dma_wait3A_166 = arith.constant 0 : i32
      %dma_wait3A_167 = tpu.memref_slice %dma_wait3A_164[%dma_wait3A_165, %dma_wait3A_166] : memref<800x16xf32, #tpu.memory_space<vmem>> -> memref<800x16xf32, #tpu.memory_space<vmem>>
      %dma_wait3A_168 = arith.constant 0 : i32
      %dma_wait3A_169 = tpu.memref_slice %arg10[%add3A_54, %dma_wait3A_168] : memref<100000x16xf32, #tpu.memory_space<vmem_shared>> -> memref<800x16xf32, #tpu.memory_space<vmem_shared>>
      %dma_wait3A_170 = arith.constant 0 : i32
      %dma_wait3A_171 = arith.constant 0 : i32
      %dma_wait3A_172 = tpu.memref_slice %arg8[%run_scoped3A_55, %dma_wait3A_170, %dma_wait3A_171] : memref<2x800x16xf32, #tpu.memory_space<vmem>> -> memref<1x800x16xf32, #tpu.memory_space<vmem>>
      %dma_wait3A_173 = tpu.memref_squeeze %dma_wait3A_172 : memref<1x800x16xf32, #tpu.memory_space<vmem>> -> memref<800x16xf32, #tpu.memory_space<vmem>>
      %dma_wait3A_174 = arith.constant 0 : i32
      %dma_wait3A_175 = arith.constant 0 : i32
      %dma_wait3A_176 = tpu.memref_slice %dma_wait3A_173[%dma_wait3A_174, %dma_wait3A_175] : memref<800x16xf32, #tpu.memory_space<vmem>> -> memref<800x16xf32, #tpu.memory_space<vmem>>
      %dma_wait3A_177 = arith.constant 0 : i32
      %dma_wait3A_178 = tpu.memref_slice %arg10[%add3A_54, %dma_wait3A_177] : memref<100000x16xf32, #tpu.memory_space<vmem_shared>> -> memref<800x16xf32, #tpu.memory_space<vmem_shared>>
      tpu.wait_dma2 semaphore(%run_scoped3A_144 : memref<!tpu.dma_semaphore, #tpu.memory_space<semaphore_mem>>) src(%dma_wait3A_178 : memref<800x16xf32, #tpu.memory_space<vmem_shared>>) dst(%dma_wait3A_176 : memref<800x16xf32, #tpu.memory_space<vmem>>)
      tpu.yield
    }) : () -> ()
    %scan3A_56 = arith.constant 0 : i32
    %scan3A_57 = arith.constant 0 : i32
    %scan3A_58 = arith.constant 0 : i32
    %scan3A_59 = arith.constant 800 : i32
    %scan3A_60 = arith.addi %scan3A_58, %scan3A_59 : i32
    %scan3A_61 = arith.constant 1 : i32
    scf.for %scan3A_144 = %scan3A_58 to %scan3A_60 step %scan3A_61  : i32 {
      %get3A_145 = arith.constant 0 : i32
      %get3A_146 = arith.constant 0 : i32
      %get3A_147 = tpu.memref_slice %arg8[%scan3A_57, %get3A_145, %get3A_146] : memref<2x800x16xf32, #tpu.memory_space<vmem>> -> memref<1x800x16xf32, #tpu.memory_space<vmem>>
      %get3A_148 = tpu.memref_squeeze %get3A_147 : memref<1x800x16xf32, #tpu.memory_space<vmem>> -> memref<800x16xf32, #tpu.memory_space<vmem>>
      %get3A_149 = arith.index_cast %scan3A_144 : i32 to index
      %get3A_150 = arith.constant 0 : index
      %get3A_151 = tpu.vector_load %get3A_148[%get3A_149, %get3A_150] {strides = array<i32>} : memref<800x16xf32, #tpu.memory_space<vmem>>, vector<1x16xf32>,
      %get3A_152 = vector.shape_cast %get3A_151 : vector<1x16xf32> to vector<16xf32>
      %add3A_153 = arith.addf %get3A_152, %get3A_39 : vector<16xf32>
      %swap3A = arith.constant 0 : i32
      %swap3A_154 = arith.constant 0 : i32
      %swap3A_155 = tpu.memref_slice %arg8[%scan3A_57, %swap3A, %swap3A_154] : memref<2x800x16xf32, #tpu.memory_space<vmem>> -> memref<1x800x16xf32, #tpu.memory_space<vmem>>
      %swap3A_156 = tpu.memref_squeeze %swap3A_155 : memref<1x800x16xf32, #tpu.memory_space<vmem>> -> memref<800x16xf32, #tpu.memory_space<vmem>>
      %swap3A_157 = arith.index_cast %scan3A_144 : i32 to index
      %swap3A_158 = arith.constant 0 : index
      %swap3A_159 = tpu.vector_load %swap3A_156[%swap3A_157, %swap3A_158] {strides = array<i32>} : memref<800x16xf32, #tpu.memory_space<vmem>>, vector<1x16xf32>,
      %swap3A_160 = vector.shape_cast %swap3A_159 : vector<1x16xf32> to vector<16xf32>
      %swap3A_161 = vector.shape_cast %add3A_153 : vector<16xf32> to vector<1x16xf32>
      tpu.vector_store %swap3A_156[%swap3A_157, %swap3A_158], %swap3A_161 {strides = array<i32>} : memref<800x16xf32, #tpu.memory_space<vmem>>, vector<1x16xf32>,
    }
    %scan3A_62 = arith.constant 800 : i32
    %add3A_63 = arith.constant 800 : i32
    %add3A_64 = arith.addi %mul3A_2, %add3A_63 : i32
    %run_scoped3A_65 = arith.constant 0 : i32
    "tpu.region"() ({
      %run_scoped3A_144 = tpu.sem_alloc : memref<!tpu.dma_semaphore, #tpu.memory_space<semaphore_mem>>
      %dma_start3A = arith.constant 0 : i32
      %dma_start3A_145 = arith.constant 0 : i32
      %dma_start3A_146 = tpu.memref_slice %arg8[%run_scoped3A_65, %dma_start3A, %dma_start3A_145] : memref<2x800x16xf32, #tpu.memory_space<vmem>> -> memref<1x800x16xf32, #tpu.memory_space<vmem>>
      %dma_start3A_147 = tpu.memref_squeeze %dma_start3A_146 : memref<1x800x16xf32, #tpu.memory_space<vmem>> -> memref<800x16xf32, #tpu.memory_space<vmem>>
      %dma_start3A_148 = arith.constant 0 : i32
      %dma_start3A_149 = arith.constant 0 : i32
      %dma_start3A_150 = tpu.memref_slice %dma_start3A_147[%dma_start3A_148, %dma_start3A_149] : memref<800x16xf32, #tpu.memory_space<vmem>> -> memref<800x16xf32, #tpu.memory_space<vmem>>
      %dma_start3A_151 = tpu.memref_slice %arg6[%add3A_64, %mul3A_0] : memref<100000x32xf32, #tpu.memory_space<hbm>> -> memref<800x16xf32, #tpu.memory_space<hbm>>
      %dma_start3A_152 = tpu.memref_slice %arg6[%add3A_64, %mul3A_0] : memref<100000x32xf32, #tpu.memory_space<hbm>> -> memref<800x16xf32, #tpu.memory_space<hbm>>
      %dma_start3A_153 = arith.constant 0 : i32
      %dma_start3A_154 = arith.constant 0 : i32
      %dma_start3A_155 = tpu.memref_slice %arg8[%run_scoped3A_65, %dma_start3A_153, %dma_start3A_154] : memref<2x800x16xf32, #tpu.memory_space<vmem>> -> memref<1x800x16xf32, #tpu.memory_space<vmem>>
      %dma_start3A_156 = tpu.memref_squeeze %dma_start3A_155 : memref<1x800x16xf32, #tpu.memory_space<vmem>> -> memref<800x16xf32, #tpu.memory_space<vmem>>
      %dma_start3A_157 = arith.constant 0 : i32
      %dma_start3A_158 = arith.constant 0 : i32
      %dma_start3A_159 = tpu.memref_slice %dma_start3A_156[%dma_start3A_157, %dma_start3A_158] : memref<800x16xf32, #tpu.memory_space<vmem>> -> memref<800x16xf32, #tpu.memory_space<vmem>>
      tpu.enqueue_dma source(%dma_start3A_159 : memref<800x16xf32, #tpu.memory_space<vmem>>) target(%dma_start3A_152 : memref<800x16xf32, #tpu.memory_space<hbm>>) target_semaphore(%run_scoped3A_144 : memref<!tpu.dma_semaphore, #tpu.memory_space<semaphore_mem>>)
      %dma_wait3A = arith.constant 0 : i32
      %dma_wait3A_160 = arith.constant 0 : i32
      %dma_wait3A_161 = tpu.memref_slice %arg8[%run_scoped3A_65, %dma_wait3A, %dma_wait3A_160] : memref<2x800x16xf32, #tpu.memory_space<vmem>> -> memref<1x800x16xf32, #tpu.memory_space<vmem>>
      %dma_wait3A_162 = tpu.memref_squeeze %dma_wait3A_161 : memref<1x800x16xf32, #tpu.memory_space<vmem>> -> memref<800x16xf32, #tpu.memory_space<vmem>>
      %dma_wait3A_163 = arith.constant 0 : i32
      %dma_wait3A_164 = arith.constant 0 : i32
      %dma_wait3A_165 = tpu.memref_slice %dma_wait3A_162[%dma_wait3A_163, %dma_wait3A_164] : memref<800x16xf32, #tpu.memory_space<vmem>> -> memref<800x16xf32, #tpu.memory_space<vmem>>
      %dma_wait3A_166 = tpu.memref_slice %arg6[%add3A_64, %mul3A_0] : memref<100000x32xf32, #tpu.memory_space<hbm>> -> memref<800x16xf32, #tpu.memory_space<hbm>>
      %dma_wait3A_167 = tpu.memref_slice %arg6[%add3A_64, %mul3A_0] : memref<100000x32xf32, #tpu.memory_space<hbm>> -> memref<800x16xf32, #tpu.memory_space<hbm>>
      %dma_wait3A_168 = arith.constant 0 : i32
      %dma_wait3A_169 = arith.constant 0 : i32
      %dma_wait3A_170 = tpu.memref_slice %arg8[%run_scoped3A_65, %dma_wait3A_168, %dma_wait3A_169] : memref<2x800x16xf32, #tpu.memory_space<vmem>> -> memref<1x800x16xf32, #tpu.memory_space<vmem>>
      %dma_wait3A_171 = tpu.memref_squeeze %dma_wait3A_170 : memref<1x800x16xf32, #tpu.memory_space<vmem>> -> memref<800x16xf32, #tpu.memory_space<vmem>>
      %dma_wait3A_172 = arith.constant 0 : i32
      %dma_wait3A_173 = arith.constant 0 : i32
      %dma_wait3A_174 = tpu.memref_slice %dma_wait3A_171[%dma_wait3A_172, %dma_wait3A_173] : memref<800x16xf32, #tpu.memory_space<vmem>> -> memref<800x16xf32, #tpu.memory_space<vmem>>
      tpu.wait_dma2 semaphore(%run_scoped3A_144 : memref<!tpu.dma_semaphore, #tpu.memory_space<semaphore_mem>>) src(%dma_wait3A_174 : memref<800x16xf32, #tpu.memory_space<vmem>>) dst(%dma_wait3A_167 : memref<800x16xf32, #tpu.memory_space<hbm>>)
      tpu.yield
    }) : () -> ()
    %add3A_66 = arith.constant 1600 : i32
    %add3A_67 = arith.addi %mul3A_2, %add3A_66 : i32
    %run_scoped3A_68 = arith.constant 0 : i32
    "tpu.region"() ({
      %run_scoped3A_144 = tpu.sem_alloc : memref<!tpu.dma_semaphore, #tpu.memory_space<semaphore_mem>>
      %dma_start3A = arith.constant 0 : i32
      %dma_start3A_145 = arith.constant 0 : i32
      %dma_start3A_146 = tpu.memref_slice %arg8[%run_scoped3A_68, %dma_start3A, %dma_start3A_145] : memref<2x800x16xf32, #tpu.memory_space<vmem>> -> memref<1x800x16xf32, #tpu.memory_space<vmem>>
      %dma_start3A_147 = tpu.memref_squeeze %dma_start3A_146 : memref<1x800x16xf32, #tpu.memory_space<vmem>> -> memref<800x16xf32, #tpu.memory_space<vmem>>
      %dma_start3A_148 = arith.constant 0 : i32
      %dma_start3A_149 = arith.constant 0 : i32
      %dma_start3A_150 = tpu.memref_slice %dma_start3A_147[%dma_start3A_148, %dma_start3A_149] : memref<800x16xf32, #tpu.memory_space<vmem>> -> memref<800x16xf32, #tpu.memory_space<vmem>>
      %dma_start3A_151 = arith.constant 0 : i32
      %dma_start3A_152 = tpu.memref_slice %arg10[%add3A_67, %dma_start3A_151] : memref<100000x16xf32, #tpu.memory_space<vmem_shared>> -> memref<800x16xf32, #tpu.memory_space<vmem_shared>>
      %dma_start3A_153 = arith.constant 0 : i32
      %dma_start3A_154 = arith.constant 0 : i32
      %dma_start3A_155 = tpu.memref_slice %arg8[%run_scoped3A_68, %dma_start3A_153, %dma_start3A_154] : memref<2x800x16xf32, #tpu.memory_space<vmem>> -> memref<1x800x16xf32, #tpu.memory_space<vmem>>
      %dma_start3A_156 = tpu.memref_squeeze %dma_start3A_155 : memref<1x800x16xf32, #tpu.memory_space<vmem>> -> memref<800x16xf32, #tpu.memory_space<vmem>>
      %dma_start3A_157 = arith.constant 0 : i32
      %dma_start3A_158 = arith.constant 0 : i32
      %dma_start3A_159 = tpu.memref_slice %dma_start3A_156[%dma_start3A_157, %dma_start3A_158] : memref<800x16xf32, #tpu.memory_space<vmem>> -> memref<800x16xf32, #tpu.memory_space<vmem>>
      %dma_start3A_160 = arith.constant 0 : i32
      %dma_start3A_161 = tpu.memref_slice %arg10[%add3A_67, %dma_start3A_160] : memref<100000x16xf32, #tpu.memory_space<vmem_shared>> -> memref<800x16xf32, #tpu.memory_space<vmem_shared>>
      tpu.enqueue_dma source(%dma_start3A_161 : memref<800x16xf32, #tpu.memory_space<vmem_shared>>) target(%dma_start3A_159 : memref<800x16xf32, #tpu.memory_space<vmem>>) target_semaphore(%run_scoped3A_144 : memref<!tpu.dma_semaphore, #tpu.memory_space<semaphore_mem>>)
      %dma_wait3A = arith.constant 0 : i32
      %dma_wait3A_162 = arith.constant 0 : i32
      %dma_wait3A_163 = tpu.memref_slice %arg8[%run_scoped3A_68, %dma_wait3A, %dma_wait3A_162] : memref<2x800x16xf32, #tpu.memory_space<vmem>> -> memref<1x800x16xf32, #tpu.memory_space<vmem>>
      %dma_wait3A_164 = tpu.memref_squeeze %dma_wait3A_163 : memref<1x800x16xf32, #tpu.memory_space<vmem>> -> memref<800x16xf32, #tpu.memory_space<vmem>>
      %dma_wait3A_165 = arith.constant 0 : i32
      %dma_wait3A_166 = arith.constant 0 : i32
      %dma_wait3A_167 = tpu.memref_slice %dma_wait3A_164[%dma_wait3A_165, %dma_wait3A_166] : memref<800x16xf32, #tpu.memory_space<vmem>> -> memref<800x16xf32, #tpu.memory_space<vmem>>
      %dma_wait3A_168 = arith.constant 0 : i32
      %dma_wait3A_169 = tpu.memref_slice %arg10[%add3A_67, %dma_wait3A_168] : memref<100000x16xf32, #tpu.memory_space<vmem_shared>> -> memref<800x16xf32, #tpu.memory_space<vmem_shared>>
      %dma_wait3A_170 = arith.constant 0 : i32
      %dma_wait3A_171 = arith.constant 0 : i32
      %dma_wait3A_172 = tpu.memref_slice %arg8[%run_scoped3A_68, %dma_wait3A_170, %dma_wait3A_171] : memref<2x800x16xf32, #tpu.memory_space<vmem>> -> memref<1x800x16xf32, #tpu.memory_space<vmem>>
      %dma_wait3A_173 = tpu.memref_squeeze %dma_wait3A_172 : memref<1x800x16xf32, #tpu.memory_space<vmem>> -> memref<800x16xf32, #tpu.memory_space<vmem>>
      %dma_wait3A_174 = arith.constant 0 : i32
      %dma_wait3A_175 = arith.constant 0 : i32
      %dma_wait3A_176 = tpu.memref_slice %dma_wait3A_173[%dma_wait3A_174, %dma_wait3A_175] : memref<800x16xf32, #tpu.memory_space<vmem>> -> memref<800x16xf32, #tpu.memory_space<vmem>>
      %dma_wait3A_177 = arith.constant 0 : i32
      %dma_wait3A_178 = tpu.memref_slice %arg10[%add3A_67, %dma_wait3A_177] : memref<100000x16xf32, #tpu.memory_space<vmem_shared>> -> memref<800x16xf32, #tpu.memory_space<vmem_shared>>
      tpu.wait_dma2 semaphore(%run_scoped3A_144 : memref<!tpu.dma_semaphore, #tpu.memory_space<semaphore_mem>>) src(%dma_wait3A_178 : memref<800x16xf32, #tpu.memory_space<vmem_shared>>) dst(%dma_wait3A_176 : memref<800x16xf32, #tpu.memory_space<vmem>>)
      tpu.yield
    }) : () -> ()
    %scan3A_69 = arith.constant 0 : i32
    %scan3A_70 = arith.constant 0 : i32
    %scan3A_71 = arith.constant 0 : i32
    %scan3A_72 = arith.constant 800 : i32
    %scan3A_73 = arith.addi %scan3A_71, %scan3A_72 : i32
    %scan3A_74 = arith.constant 1 : i32
    scf.for %scan3A_144 = %scan3A_71 to %scan3A_73 step %scan3A_74  : i32 {
      %get3A_145 = arith.constant 0 : i32
      %get3A_146 = arith.constant 0 : i32
      %get3A_147 = tpu.memref_slice %arg8[%scan3A_70, %get3A_145, %get3A_146] : memref<2x800x16xf32, #tpu.memory_space<vmem>> -> memref<1x800x16xf32, #tpu.memory_space<vmem>>
      %get3A_148 = tpu.memref_squeeze %get3A_147 : memref<1x800x16xf32, #tpu.memory_space<vmem>> -> memref<800x16xf32, #tpu.memory_space<vmem>>
      %get3A_149 = arith.index_cast %scan3A_144 : i32 to index
      %get3A_150 = arith.constant 0 : index
      %get3A_151 = tpu.vector_load %get3A_148[%get3A_149, %get3A_150] {strides = array<i32>} : memref<800x16xf32, #tpu.memory_space<vmem>>, vector<1x16xf32>,
      %get3A_152 = vector.shape_cast %get3A_151 : vector<1x16xf32> to vector<16xf32>
      %add3A_153 = arith.addf %get3A_152, %get3A_39 : vector<16xf32>
      %swap3A = arith.constant 0 : i32
      %swap3A_154 = arith.constant 0 : i32
      %swap3A_155 = tpu.memref_slice %arg8[%scan3A_70, %swap3A, %swap3A_154] : memref<2x800x16xf32, #tpu.memory_space<vmem>> -> memref<1x800x16xf32, #tpu.memory_space<vmem>>
      %swap3A_156 = tpu.memref_squeeze %swap3A_155 : memref<1x800x16xf32, #tpu.memory_space<vmem>> -> memref<800x16xf32, #tpu.memory_space<vmem>>
      %swap3A_157 = arith.index_cast %scan3A_144 : i32 to index
      %swap3A_158 = arith.constant 0 : index
      %swap3A_159 = tpu.vector_load %swap3A_156[%swap3A_157, %swap3A_158] {strides = array<i32>} : memref<800x16xf32, #tpu.memory_space<vmem>>, vector<1x16xf32>,
      %swap3A_160 = vector.shape_cast %swap3A_159 : vector<1x16xf32> to vector<16xf32>
      %swap3A_161 = vector.shape_cast %add3A_153 : vector<16xf32> to vector<1x16xf32>
      tpu.vector_store %swap3A_156[%swap3A_157, %swap3A_158], %swap3A_161 {strides = array<i32>} : memref<800x16xf32, #tpu.memory_space<vmem>>, vector<1x16xf32>,
    }
    %scan3A_75 = arith.constant 800 : i32
    %add3A_76 = arith.constant 1600 : i32
    %add3A_77 = arith.addi %mul3A_2, %add3A_76 : i32
    %run_scoped3A_78 = arith.constant 0 : i32
    "tpu.region"() ({
      %run_scoped3A_144 = tpu.sem_alloc : memref<!tpu.dma_semaphore, #tpu.memory_space<semaphore_mem>>
      %dma_start3A = arith.constant 0 : i32
      %dma_start3A_145 = arith.constant 0 : i32
      %dma_start3A_146 = tpu.memref_slice %arg8[%run_scoped3A_78, %dma_start3A, %dma_start3A_145] : memref<2x800x16xf32, #tpu.memory_space<vmem>> -> memref<1x800x16xf32, #tpu.memory_space<vmem>>
      %dma_start3A_147 = tpu.memref_squeeze %dma_start3A_146 : memref<1x800x16xf32, #tpu.memory_space<vmem>> -> memref<800x16xf32, #tpu.memory_space<vmem>>
      %dma_start3A_148 = arith.constant 0 : i32
      %dma_start3A_149 = arith.constant 0 : i32
      %dma_start3A_150 = tpu.memref_slice %dma_start3A_147[%dma_start3A_148, %dma_start3A_149] : memref<800x16xf32, #tpu.memory_space<vmem>> -> memref<800x16xf32, #tpu.memory_space<vmem>>
      %dma_start3A_151 = tpu.memref_slice %arg6[%add3A_77, %mul3A_0] : memref<100000x32xf32, #tpu.memory_space<hbm>> -> memref<800x16xf32, #tpu.memory_space<hbm>>
      %dma_start3A_152 = tpu.memref_slice %arg6[%add3A_77, %mul3A_0] : memref<100000x32xf32, #tpu.memory_space<hbm>> -> memref<800x16xf32, #tpu.memory_space<hbm>>
      %dma_start3A_153 = arith.constant 0 : i32
      %dma_start3A_154 = arith.constant 0 : i32
      %dma_start3A_155 = tpu.memref_slice %arg8[%run_scoped3A_78, %dma_start3A_153, %dma_start3A_154] : memref<2x800x16xf32, #tpu.memory_space<vmem>> -> memref<1x800x16xf32, #tpu.memory_space<vmem>>
      %dma_start3A_156 = tpu.memref_squeeze %dma_start3A_155 : memref<1x800x16xf32, #tpu.memory_space<vmem>> -> memref<800x16xf32, #tpu.memory_space<vmem>>
      %dma_start3A_157 = arith.constant 0 : i32
      %dma_start3A_158 = arith.constant 0 : i32
      %dma_start3A_159 = tpu.memref_slice %dma_start3A_156[%dma_start3A_157, %dma_start3A_158] : memref<800x16xf32, #tpu.memory_space<vmem>> -> memref<800x16xf32, #tpu.memory_space<vmem>>
      tpu.enqueue_dma source(%dma_start3A_159 : memref<800x16xf32, #tpu.memory_space<vmem>>) target(%dma_start3A_152 : memref<800x16xf32, #tpu.memory_space<hbm>>) target_semaphore(%run_scoped3A_144 : memref<!tpu.dma_semaphore, #tpu.memory_space<semaphore_mem>>)
      %dma_wait3A = arith.constant 0 : i32
      %dma_wait3A_160 = arith.constant 0 : i32
      %dma_wait3A_161 = tpu.memref_slice %arg8[%run_scoped3A_78, %dma_wait3A, %dma_wait3A_160] : memref<2x800x16xf32, #tpu.memory_space<vmem>> -> memref<1x800x16xf32, #tpu.memory_space<vmem>>
      %dma_wait3A_162 = tpu.memref_squeeze %dma_wait3A_161 : memref<1x800x16xf32, #tpu.memory_space<vmem>> -> memref<800x16xf32, #tpu.memory_space<vmem>>
      %dma_wait3A_163 = arith.constant 0 : i32
      %dma_wait3A_164 = arith.constant 0 : i32
      %dma_wait3A_165 = tpu.memref_slice %dma_wait3A_162[%dma_wait3A_163, %dma_wait3A_164] : memref<800x16xf32, #tpu.memory_space<vmem>> -> memref<800x16xf32, #tpu.memory_space<vmem>>
      %dma_wait3A_166 = tpu.memref_slice %arg6[%add3A_77, %mul3A_0] : memref<100000x32xf32, #tpu.memory_space<hbm>> -> memref<800x16xf32, #tpu.memory_space<hbm>>
      %dma_wait3A_167 = tpu.memref_slice %arg6[%add3A_77, %mul3A_0] : memref<100000x32xf32, #tpu.memory_space<hbm>> -> memref<800x16xf32, #tpu.memory_space<hbm>>
      %dma_wait3A_168 = arith.constant 0 : i32
      %dma_wait3A_169 = arith.constant 0 : i32
      %dma_wait3A_170 = tpu.memref_slice %arg8[%run_scoped3A_78, %dma_wait3A_168, %dma_wait3A_169] : memref<2x800x16xf32, #tpu.memory_space<vmem>> -> memref<1x800x16xf32, #tpu.memory_space<vmem>>
      %dma_wait3A_171 = tpu.memref_squeeze %dma_wait3A_170 : memref<1x800x16xf32, #tpu.memory_space<vmem>> -> memref<800x16xf32, #tpu.memory_space<vmem>>
      %dma_wait3A_172 = arith.constant 0 : i32
      %dma_wait3A_173 = arith.constant 0 : i32
      %dma_wait3A_174 = tpu.memref_slice %dma_wait3A_171[%dma_wait3A_172, %dma_wait3A_173] : memref<800x16xf32, #tpu.memory_space<vmem>> -> memref<800x16xf32, #tpu.memory_space<vmem>>
      tpu.wait_dma2 semaphore(%run_scoped3A_144 : memref<!tpu.dma_semaphore, #tpu.memory_space<semaphore_mem>>) src(%dma_wait3A_174 : memref<800x16xf32, #tpu.memory_space<vmem>>) dst(%dma_wait3A_167 : memref<800x16xf32, #tpu.memory_space<hbm>>)
      tpu.yield
    }) : () -> ()
    %add3A_79 = arith.constant 2400 : i32
    %add3A_80 = arith.addi %mul3A_2, %add3A_79 : i32
    %run_scoped3A_81 = arith.constant 0 : i32
    "tpu.region"() ({
      %run_scoped3A_144 = tpu.sem_alloc : memref<!tpu.dma_semaphore, #tpu.memory_space<semaphore_mem>>
      %dma_start3A = arith.constant 0 : i32
      %dma_start3A_145 = arith.constant 0 : i32
      %dma_start3A_146 = tpu.memref_slice %arg8[%run_scoped3A_81, %dma_start3A, %dma_start3A_145] : memref<2x800x16xf32, #tpu.memory_space<vmem>> -> memref<1x800x16xf32, #tpu.memory_space<vmem>>
      %dma_start3A_147 = tpu.memref_squeeze %dma_start3A_146 : memref<1x800x16xf32, #tpu.memory_space<vmem>> -> memref<800x16xf32, #tpu.memory_space<vmem>>
      %dma_start3A_148 = arith.constant 0 : i32
      %dma_start3A_149 = arith.constant 0 : i32
      %dma_start3A_150 = tpu.memref_slice %dma_start3A_147[%dma_start3A_148, %dma_start3A_149] : memref<800x16xf32, #tpu.memory_space<vmem>> -> memref<800x16xf32, #tpu.memory_space<vmem>>
      %dma_start3A_151 = arith.constant 0 : i32
      %dma_start3A_152 = tpu.memref_slice %arg10[%add3A_80, %dma_start3A_151] : memref<100000x16xf32, #tpu.memory_space<vmem_shared>> -> memref<800x16xf32, #tpu.memory_space<vmem_shared>>
      %dma_start3A_153 = arith.constant 0 : i32
      %dma_start3A_154 = arith.constant 0 : i32
      %dma_start3A_155 = tpu.memref_slice %arg8[%run_scoped3A_81, %dma_start3A_153, %dma_start3A_154] : memref<2x800x16xf32, #tpu.memory_space<vmem>> -> memref<1x800x16xf32, #tpu.memory_space<vmem>>
      %dma_start3A_156 = tpu.memref_squeeze %dma_start3A_155 : memref<1x800x16xf32, #tpu.memory_space<vmem>> -> memref<800x16xf32, #tpu.memory_space<vmem>>
      %dma_start3A_157 = arith.constant 0 : i32
      %dma_start3A_158 = arith.constant 0 : i32
      %dma_start3A_159 = tpu.memref_slice %dma_start3A_156[%dma_start3A_157, %dma_start3A_158] : memref<800x16xf32, #tpu.memory_space<vmem>> -> memref<800x16xf32, #tpu.memory_space<vmem>>
      %dma_start3A_160 = arith.constant 0 : i32
      %dma_start3A_161 = tpu.memref_slice %arg10[%add3A_80, %dma_start3A_160] : memref<100000x16xf32, #tpu.memory_space<vmem_shared>> -> memref<800x16xf32, #tpu.memory_space<vmem_shared>>
      tpu.enqueue_dma source(%dma_start3A_161 : memref<800x16xf32, #tpu.memory_space<vmem_shared>>) target(%dma_start3A_159 : memref<800x16xf32, #tpu.memory_space<vmem>>) target_semaphore(%run_scoped3A_144 : memref<!tpu.dma_semaphore, #tpu.memory_space<semaphore_mem>>)
      %dma_wait3A = arith.constant 0 : i32
      %dma_wait3A_162 = arith.constant 0 : i32
      %dma_wait3A_163 = tpu.memref_slice %arg8[%run_scoped3A_81, %dma_wait3A, %dma_wait3A_162] : memref<2x800x16xf32, #tpu.memory_space<vmem>> -> memref<1x800x16xf32, #tpu.memory_space<vmem>>
      %dma_wait3A_164 = tpu.memref_squeeze %dma_wait3A_163 : memref<1x800x16xf32, #tpu.memory_space<vmem>> -> memref<800x16xf32, #tpu.memory_space<vmem>>
      %dma_wait3A_165 = arith.constant 0 : i32
      %dma_wait3A_166 = arith.constant 0 : i32
      %dma_wait3A_167 = tpu.memref_slice %dma_wait3A_164[%dma_wait3A_165, %dma_wait3A_166] : memref<800x16xf32, #tpu.memory_space<vmem>> -> memref<800x16xf32, #tpu.memory_space<vmem>>
      %dma_wait3A_168 = arith.constant 0 : i32
      %dma_wait3A_169 = tpu.memref_slice %arg10[%add3A_80, %dma_wait3A_168] : memref<100000x16xf32, #tpu.memory_space<vmem_shared>> -> memref<800x16xf32, #tpu.memory_space<vmem_shared>>
      %dma_wait3A_170 = arith.constant 0 : i32
      %dma_wait3A_171 = arith.constant 0 : i32
      %dma_wait3A_172 = tpu.memref_slice %arg8[%run_scoped3A_81, %dma_wait3A_170, %dma_wait3A_171] : memref<2x800x16xf32, #tpu.memory_space<vmem>> -> memref<1x800x16xf32, #tpu.memory_space<vmem>>
      %dma_wait3A_173 = tpu.memref_squeeze %dma_wait3A_172 : memref<1x800x16xf32, #tpu.memory_space<vmem>> -> memref<800x16xf32, #tpu.memory_space<vmem>>
      %dma_wait3A_174 = arith.constant 0 : i32
      %dma_wait3A_175 = arith.constant 0 : i32
      %dma_wait3A_176 = tpu.memref_slice %dma_wait3A_173[%dma_wait3A_174, %dma_wait3A_175] : memref<800x16xf32, #tpu.memory_space<vmem>> -> memref<800x16xf32, #tpu.memory_space<vmem>>
      %dma_wait3A_177 = arith.constant 0 : i32
      %dma_wait3A_178 = tpu.memref_slice %arg10[%add3A_80, %dma_wait3A_177] : memref<100000x16xf32, #tpu.memory_space<vmem_shared>> -> memref<800x16xf32, #tpu.memory_space<vmem_shared>>
      tpu.wait_dma2 semaphore(%run_scoped3A_144 : memref<!tpu.dma_semaphore, #tpu.memory_space<semaphore_mem>>) src(%dma_wait3A_178 : memref<800x16xf32, #tpu.memory_space<vmem_shared>>) dst(%dma_wait3A_176 : memref<800x16xf32, #tpu.memory_space<vmem>>)
      tpu.yield
    }) : () -> ()
    %scan3A_82 = arith.constant 0 : i32
    %scan3A_83 = arith.constant 0 : i32
    %scan3A_84 = arith.constant 0 : i32
    %scan3A_85 = arith.constant 800 : i32
    %scan3A_86 = arith.addi %scan3A_84, %scan3A_85 : i32
    %scan3A_87 = arith.constant 1 : i32
    scf.for %scan3A_144 = %scan3A_84 to %scan3A_86 step %scan3A_87  : i32 {
      %get3A_145 = arith.constant 0 : i32
      %get3A_146 = arith.constant 0 : i32
      %get3A_147 = tpu.memref_slice %arg8[%scan3A_83, %get3A_145, %get3A_146] : memref<2x800x16xf32, #tpu.memory_space<vmem>> -> memref<1x800x16xf32, #tpu.memory_space<vmem>>
      %get3A_148 = tpu.memref_squeeze %get3A_147 : memref<1x800x16xf32, #tpu.memory_space<vmem>> -> memref<800x16xf32, #tpu.memory_space<vmem>>
      %get3A_149 = arith.index_cast %scan3A_144 : i32 to index
      %get3A_150 = arith.constant 0 : index
      %get3A_151 = tpu.vector_load %get3A_148[%get3A_149, %get3A_150] {strides = array<i32>} : memref<800x16xf32, #tpu.memory_space<vmem>>, vector<1x16xf32>,
      %get3A_152 = vector.shape_cast %get3A_151 : vector<1x16xf32> to vector<16xf32>
      %add3A_153 = arith.addf %get3A_152, %get3A_39 : vector<16xf32>
      %swap3A = arith.constant 0 : i32
      %swap3A_154 = arith.constant 0 : i32
      %swap3A_155 = tpu.memref_slice %arg8[%scan3A_83, %swap3A, %swap3A_154] : memref<2x800x16xf32, #tpu.memory_space<vmem>> -> memref<1x800x16xf32, #tpu.memory_space<vmem>>
      %swap3A_156 = tpu.memref_squeeze %swap3A_155 : memref<1x800x16xf32, #tpu.memory_space<vmem>> -> memref<800x16xf32, #tpu.memory_space<vmem>>
      %swap3A_157 = arith.index_cast %scan3A_144 : i32 to index
      %swap3A_158 = arith.constant 0 : index
      %swap3A_159 = tpu.vector_load %swap3A_156[%swap3A_157, %swap3A_158] {strides = array<i32>} : memref<800x16xf32, #tpu.memory_space<vmem>>, vector<1x16xf32>,
      %swap3A_160 = vector.shape_cast %swap3A_159 : vector<1x16xf32> to vector<16xf32>
      %swap3A_161 = vector.shape_cast %add3A_153 : vector<16xf32> to vector<1x16xf32>
      tpu.vector_store %swap3A_156[%swap3A_157, %swap3A_158], %swap3A_161 {strides = array<i32>} : memref<800x16xf32, #tpu.memory_space<vmem>>, vector<1x16xf32>,
    }
    %scan3A_88 = arith.constant 800 : i32
    %add3A_89 = arith.constant 2400 : i32
    %add3A_90 = arith.addi %mul3A_2, %add3A_89 : i32
    %run_scoped3A_91 = arith.constant 0 : i32
    "tpu.region"() ({
      %run_scoped3A_144 = tpu.sem_alloc : memref<!tpu.dma_semaphore, #tpu.memory_space<semaphore_mem>>
      %dma_start3A = arith.constant 0 : i32
      %dma_start3A_145 = arith.constant 0 : i32
      %dma_start3A_146 = tpu.memref_slice %arg8[%run_scoped3A_91, %dma_start3A, %dma_start3A_145] : memref<2x800x16xf32, #tpu.memory_space<vmem>> -> memref<1x800x16xf32, #tpu.memory_space<vmem>>
      %dma_start3A_147 = tpu.memref_squeeze %dma_start3A_146 : memref<1x800x16xf32, #tpu.memory_space<vmem>> -> memref<800x16xf32, #tpu.memory_space<vmem>>
      %dma_start3A_148 = arith.constant 0 : i32
      %dma_start3A_149 = arith.constant 0 : i32
      %dma_start3A_150 = tpu.memref_slice %dma_start3A_147[%dma_start3A_148, %dma_start3A_149] : memref<800x16xf32, #tpu.memory_space<vmem>> -> memref<800x16xf32, #tpu.memory_space<vmem>>
      %dma_start3A_151 = tpu.memref_slice %arg6[%add3A_90, %mul3A_0] : memref<100000x32xf32, #tpu.memory_space<hbm>> -> memref<800x16xf32, #tpu.memory_space<hbm>>
      %dma_start3A_152 = tpu.memref_slice %arg6[%add3A_90, %mul3A_0] : memref<100000x32xf32, #tpu.memory_space<hbm>> -> memref<800x16xf32, #tpu.memory_space<hbm>>
      %dma_start3A_153 = arith.constant 0 : i32
      %dma_start3A_154 = arith.constant 0 : i32
      %dma_start3A_155 = tpu.memref_slice %arg8[%run_scoped3A_91, %dma_start3A_153, %dma_start3A_154] : memref<2x800x16xf32, #tpu.memory_space<vmem>> -> memref<1x800x16xf32, #tpu.memory_space<vmem>>
      %dma_start3A_156 = tpu.memref_squeeze %dma_start3A_155 : memref<1x800x16xf32, #tpu.memory_space<vmem>> -> memref<800x16xf32, #tpu.memory_space<vmem>>
      %dma_start3A_157 = arith.constant 0 : i32
      %dma_start3A_158 = arith.constant 0 : i32
      %dma_start3A_159 = tpu.memref_slice %dma_start3A_156[%dma_start3A_157, %dma_start3A_158] : memref<800x16xf32, #tpu.memory_space<vmem>> -> memref<800x16xf32, #tpu.memory_space<vmem>>
      tpu.enqueue_dma source(%dma_start3A_159 : memref<800x16xf32, #tpu.memory_space<vmem>>) target(%dma_start3A_152 : memref<800x16xf32, #tpu.memory_space<hbm>>) target_semaphore(%run_scoped3A_144 : memref<!tpu.dma_semaphore, #tpu.memory_space<semaphore_mem>>)
      %dma_wait3A = arith.constant 0 : i32
      %dma_wait3A_160 = arith.constant 0 : i32
      %dma_wait3A_161 = tpu.memref_slice %arg8[%run_scoped3A_91, %dma_wait3A, %dma_wait3A_160] : memref<2x800x16xf32, #tpu.memory_space<vmem>> -> memref<1x800x16xf32, #tpu.memory_space<vmem>>
      %dma_wait3A_162 = tpu.memref_squeeze %dma_wait3A_161 : memref<1x800x16xf32, #tpu.memory_space<vmem>> -> memref<800x16xf32, #tpu.memory_space<vmem>>
      %dma_wait3A_163 = arith.constant 0 : i32
      %dma_wait3A_164 = arith.constant 0 : i32
      %dma_wait3A_165 = tpu.memref_slice %dma_wait3A_162[%dma_wait3A_163, %dma_wait3A_164] : memref<800x16xf32, #tpu.memory_space<vmem>> -> memref<800x16xf32, #tpu.memory_space<vmem>>
      %dma_wait3A_166 = tpu.memref_slice %arg6[%add3A_90, %mul3A_0] : memref<100000x32xf32, #tpu.memory_space<hbm>> -> memref<800x16xf32, #tpu.memory_space<hbm>>
      %dma_wait3A_167 = tpu.memref_slice %arg6[%add3A_90, %mul3A_0] : memref<100000x32xf32, #tpu.memory_space<hbm>> -> memref<800x16xf32, #tpu.memory_space<hbm>>
      %dma_wait3A_168 = arith.constant 0 : i32
      %dma_wait3A_169 = arith.constant 0 : i32
      %dma_wait3A_170 = tpu.memref_slice %arg8[%run_scoped3A_91, %dma_wait3A_168, %dma_wait3A_169] : memref<2x800x16xf32, #tpu.memory_space<vmem>> -> memref<1x800x16xf32, #tpu.memory_space<vmem>>
      %dma_wait3A_171 = tpu.memref_squeeze %dma_wait3A_170 : memref<1x800x16xf32, #tpu.memory_space<vmem>> -> memref<800x16xf32, #tpu.memory_space<vmem>>
      %dma_wait3A_172 = arith.constant 0 : i32
      %dma_wait3A_173 = arith.constant 0 : i32
      %dma_wait3A_174 = tpu.memref_slice %dma_wait3A_171[%dma_wait3A_172, %dma_wait3A_173] : memref<800x16xf32, #tpu.memory_space<vmem>> -> memref<800x16xf32, #tpu.memory_space<vmem>>
      tpu.wait_dma2 semaphore(%run_scoped3A_144 : memref<!tpu.dma_semaphore, #tpu.memory_space<semaphore_mem>>) src(%dma_wait3A_174 : memref<800x16xf32, #tpu.memory_space<vmem>>) dst(%dma_wait3A_167 : memref<800x16xf32, #tpu.memory_space<hbm>>)
      tpu.yield
    }) : () -> ()
    %add3A_92 = arith.constant 3200 : i32
    %add3A_93 = arith.addi %mul3A_2, %add3A_92 : i32
    %run_scoped3A_94 = arith.constant 0 : i32
    "tpu.region"() ({
      %run_scoped3A_144 = tpu.sem_alloc : memref<!tpu.dma_semaphore, #tpu.memory_space<semaphore_mem>>
      %dma_start3A = arith.constant 0 : i32
      %dma_start3A_145 = arith.constant 0 : i32
      %dma_start3A_146 = tpu.memref_slice %arg8[%run_scoped3A_94, %dma_start3A, %dma_start3A_145] : memref<2x800x16xf32, #tpu.memory_space<vmem>> -> memref<1x800x16xf32, #tpu.memory_space<vmem>>
      %dma_start3A_147 = tpu.memref_squeeze %dma_start3A_146 : memref<1x800x16xf32, #tpu.memory_space<vmem>> -> memref<800x16xf32, #tpu.memory_space<vmem>>
      %dma_start3A_148 = arith.constant 0 : i32
      %dma_start3A_149 = arith.constant 0 : i32
      %dma_start3A_150 = tpu.memref_slice %dma_start3A_147[%dma_start3A_148, %dma_start3A_149] : memref<800x16xf32, #tpu.memory_space<vmem>> -> memref<800x16xf32, #tpu.memory_space<vmem>>
      %dma_start3A_151 = arith.constant 0 : i32
      %dma_start3A_152 = tpu.memref_slice %arg10[%add3A_93, %dma_start3A_151] : memref<100000x16xf32, #tpu.memory_space<vmem_shared>> -> memref<800x16xf32, #tpu.memory_space<vmem_shared>>
      %dma_start3A_153 = arith.constant 0 : i32
      %dma_start3A_154 = arith.constant 0 : i32
      %dma_start3A_155 = tpu.memref_slice %arg8[%run_scoped3A_94, %dma_start3A_153, %dma_start3A_154] : memref<2x800x16xf32, #tpu.memory_space<vmem>> -> memref<1x800x16xf32, #tpu.memory_space<vmem>>
      %dma_start3A_156 = tpu.memref_squeeze %dma_start3A_155 : memref<1x800x16xf32, #tpu.memory_space<vmem>> -> memref<800x16xf32, #tpu.memory_space<vmem>>
      %dma_start3A_157 = arith.constant 0 : i32
      %dma_start3A_158 = arith.constant 0 : i32
      %dma_start3A_159 = tpu.memref_slice %dma_start3A_156[%dma_start3A_157, %dma_start3A_158] : memref<800x16xf32, #tpu.memory_space<vmem>> -> memref<800x16xf32, #tpu.memory_space<vmem>>
      %dma_start3A_160 = arith.constant 0 : i32
      %dma_start3A_161 = tpu.memref_slice %arg10[%add3A_93, %dma_start3A_160] : memref<100000x16xf32, #tpu.memory_space<vmem_shared>> -> memref<800x16xf32, #tpu.memory_space<vmem_shared>>
      tpu.enqueue_dma source(%dma_start3A_161 : memref<800x16xf32, #tpu.memory_space<vmem_shared>>) target(%dma_start3A_159 : memref<800x16xf32, #tpu.memory_space<vmem>>) target_semaphore(%run_scoped3A_144 : memref<!tpu.dma_semaphore, #tpu.memory_space<semaphore_mem>>)
      %dma_wait3A = arith.constant 0 : i32
      %dma_wait3A_162 = arith.constant 0 : i32
      %dma_wait3A_163 = tpu.memref_slice %arg8[%run_scoped3A_94, %dma_wait3A, %dma_wait3A_162] : memref<2x800x16xf32, #tpu.memory_space<vmem>> -> memref<1x800x16xf32, #tpu.memory_space<vmem>>
      %dma_wait3A_164 = tpu.memref_squeeze %dma_wait3A_163 : memref<1x800x16xf32, #tpu.memory_space<vmem>> -> memref<800x16xf32, #tpu.memory_space<vmem>>
      %dma_wait3A_165 = arith.constant 0 : i32
      %dma_wait3A_166 = arith.constant 0 : i32
      %dma_wait3A_167 = tpu.memref_slice %dma_wait3A_164[%dma_wait3A_165, %dma_wait3A_166] : memref<800x16xf32, #tpu.memory_space<vmem>> -> memref<800x16xf32, #tpu.memory_space<vmem>>
      %dma_wait3A_168 = arith.constant 0 : i32
      %dma_wait3A_169 = tpu.memref_slice %arg10[%add3A_93, %dma_wait3A_168] : memref<100000x16xf32, #tpu.memory_space<vmem_shared>> -> memref<800x16xf32, #tpu.memory_space<vmem_shared>>
      %dma_wait3A_170 = arith.constant 0 : i32
      %dma_wait3A_171 = arith.constant 0 : i32
      %dma_wait3A_172 = tpu.memref_slice %arg8[%run_scoped3A_94, %dma_wait3A_170, %dma_wait3A_171] : memref<2x800x16xf32, #tpu.memory_space<vmem>> -> memref<1x800x16xf32, #tpu.memory_space<vmem>>
      %dma_wait3A_173 = tpu.memref_squeeze %dma_wait3A_172 : memref<1x800x16xf32, #tpu.memory_space<vmem>> -> memref<800x16xf32, #tpu.memory_space<vmem>>
      %dma_wait3A_174 = arith.constant 0 : i32
      %dma_wait3A_175 = arith.constant 0 : i32
      %dma_wait3A_176 = tpu.memref_slice %dma_wait3A_173[%dma_wait3A_174, %dma_wait3A_175] : memref<800x16xf32, #tpu.memory_space<vmem>> -> memref<800x16xf32, #tpu.memory_space<vmem>>
      %dma_wait3A_177 = arith.constant 0 : i32
      %dma_wait3A_178 = tpu.memref_slice %arg10[%add3A_93, %dma_wait3A_177] : memref<100000x16xf32, #tpu.memory_space<vmem_shared>> -> memref<800x16xf32, #tpu.memory_space<vmem_shared>>
      tpu.wait_dma2 semaphore(%run_scoped3A_144 : memref<!tpu.dma_semaphore, #tpu.memory_space<semaphore_mem>>) src(%dma_wait3A_178 : memref<800x16xf32, #tpu.memory_space<vmem_shared>>) dst(%dma_wait3A_176 : memref<800x16xf32, #tpu.memory_space<vmem>>)
      tpu.yield
    }) : () -> ()
    %scan3A_95 = arith.constant 0 : i32
    %scan3A_96 = arith.constant 0 : i32
    %scan3A_97 = arith.constant 0 : i32
    %scan3A_98 = arith.constant 800 : i32
    %scan3A_99 = arith.addi %scan3A_97, %scan3A_98 : i32
    %scan3A_100 = arith.constant 1 : i32
    scf.for %scan3A_144 = %scan3A_97 to %scan3A_99 step %scan3A_100  : i32 {
      %get3A_145 = arith.constant 0 : i32
      %get3A_146 = arith.constant 0 : i32
      %get3A_147 = tpu.memref_slice %arg8[%scan3A_96, %get3A_145, %get3A_146] : memref<2x800x16xf32, #tpu.memory_space<vmem>> -> memref<1x800x16xf32, #tpu.memory_space<vmem>>
      %get3A_148 = tpu.memref_squeeze %get3A_147 : memref<1x800x16xf32, #tpu.memory_space<vmem>> -> memref<800x16xf32, #tpu.memory_space<vmem>>
      %get3A_149 = arith.index_cast %scan3A_144 : i32 to index
      %get3A_150 = arith.constant 0 : index
      %get3A_151 = tpu.vector_load %get3A_148[%get3A_149, %get3A_150] {strides = array<i32>} : memref<800x16xf32, #tpu.memory_space<vmem>>, vector<1x16xf32>,
      %get3A_152 = vector.shape_cast %get3A_151 : vector<1x16xf32> to vector<16xf32>
      %add3A_153 = arith.addf %get3A_152, %get3A_39 : vector<16xf32>
      %swap3A = arith.constant 0 : i32
      %swap3A_154 = arith.constant 0 : i32
      %swap3A_155 = tpu.memref_slice %arg8[%scan3A_96, %swap3A, %swap3A_154] : memref<2x800x16xf32, #tpu.memory_space<vmem>> -> memref<1x800x16xf32, #tpu.memory_space<vmem>>
      %swap3A_156 = tpu.memref_squeeze %swap3A_155 : memref<1x800x16xf32, #tpu.memory_space<vmem>> -> memref<800x16xf32, #tpu.memory_space<vmem>>
      %swap3A_157 = arith.index_cast %scan3A_144 : i32 to index
      %swap3A_158 = arith.constant 0 : index
      %swap3A_159 = tpu.vector_load %swap3A_156[%swap3A_157, %swap3A_158] {strides = array<i32>} : memref<800x16xf32, #tpu.memory_space<vmem>>, vector<1x16xf32>,
      %swap3A_160 = vector.shape_cast %swap3A_159 : vector<1x16xf32> to vector<16xf32>
      %swap3A_161 = vector.shape_cast %add3A_153 : vector<16xf32> to vector<1x16xf32>
      tpu.vector_store %swap3A_156[%swap3A_157, %swap3A_158], %swap3A_161 {strides = array<i32>} : memref<800x16xf32, #tpu.memory_space<vmem>>, vector<1x16xf32>,
    }
    %scan3A_101 = arith.constant 800 : i32
    %add3A_102 = arith.constant 3200 : i32
    %add3A_103 = arith.addi %mul3A_2, %add3A_102 : i32
    %run_scoped3A_104 = arith.constant 0 : i32
    "tpu.region"() ({
      %run_scoped3A_144 = tpu.sem_alloc : memref<!tpu.dma_semaphore, #tpu.memory_space<semaphore_mem>>
      %dma_start3A = arith.constant 0 : i32
      %dma_start3A_145 = arith.constant 0 : i32
      %dma_start3A_146 = tpu.memref_slice %arg8[%run_scoped3A_104, %dma_start3A, %dma_start3A_145] : memref<2x800x16xf32, #tpu.memory_space<vmem>> -> memref<1x800x16xf32, #tpu.memory_space<vmem>>
      %dma_start3A_147 = tpu.memref_squeeze %dma_start3A_146 : memref<1x800x16xf32, #tpu.memory_space<vmem>> -> memref<800x16xf32, #tpu.memory_space<vmem>>
      %dma_start3A_148 = arith.constant 0 : i32
      %dma_start3A_149 = arith.constant 0 : i32
      %dma_start3A_150 = tpu.memref_slice %dma_start3A_147[%dma_start3A_148, %dma_start3A_149] : memref<800x16xf32, #tpu.memory_space<vmem>> -> memref<800x16xf32, #tpu.memory_space<vmem>>
      %dma_start3A_151 = tpu.memref_slice %arg6[%add3A_103, %mul3A_0] : memref<100000x32xf32, #tpu.memory_space<hbm>> -> memref<800x16xf32, #tpu.memory_space<hbm>>
      %dma_start3A_152 = tpu.memref_slice %arg6[%add3A_103, %mul3A_0] : memref<100000x32xf32, #tpu.memory_space<hbm>> -> memref<800x16xf32, #tpu.memory_space<hbm>>
      %dma_start3A_153 = arith.constant 0 : i32
      %dma_start3A_154 = arith.constant 0 : i32
      %dma_start3A_155 = tpu.memref_slice %arg8[%run_scoped3A_104, %dma_start3A_153, %dma_start3A_154] : memref<2x800x16xf32, #tpu.memory_space<vmem>> -> memref<1x800x16xf32, #tpu.memory_space<vmem>>
      %dma_start3A_156 = tpu.memref_squeeze %dma_start3A_155 : memref<1x800x16xf32, #tpu.memory_space<vmem>> -> memref<800x16xf32, #tpu.memory_space<vmem>>
      %dma_start3A_157 = arith.constant 0 : i32
      %dma_start3A_158 = arith.constant 0 : i32
      %dma_start3A_159 = tpu.memref_slice %dma_start3A_156[%dma_start3A_157, %dma_start3A_158] : memref<800x16xf32, #tpu.memory_space<vmem>> -> memref<800x16xf32, #tpu.memory_space<vmem>>
      tpu.enqueue_dma source(%dma_start3A_159 : memref<800x16xf32, #tpu.memory_space<vmem>>) target(%dma_start3A_152 : memref<800x16xf32, #tpu.memory_space<hbm>>) target_semaphore(%run_scoped3A_144 : memref<!tpu.dma_semaphore, #tpu.memory_space<semaphore_mem>>)
      %dma_wait3A = arith.constant 0 : i32
      %dma_wait3A_160 = arith.constant 0 : i32
      %dma_wait3A_161 = tpu.memref_slice %arg8[%run_scoped3A_104, %dma_wait3A, %dma_wait3A_160] : memref<2x800x16xf32, #tpu.memory_space<vmem>> -> memref<1x800x16xf32, #tpu.memory_space<vmem>>
      %dma_wait3A_162 = tpu.memref_squeeze %dma_wait3A_161 : memref<1x800x16xf32, #tpu.memory_space<vmem>> -> memref<800x16xf32, #tpu.memory_space<vmem>>
      %dma_wait3A_163 = arith.constant 0 : i32
      %dma_wait3A_164 = arith.constant 0 : i32
      %dma_wait3A_165 = tpu.memref_slice %dma_wait3A_162[%dma_wait3A_163, %dma_wait3A_164] : memref<800x16xf32, #tpu.memory_space<vmem>> -> memref<800x16xf32, #tpu.memory_space<vmem>>
      %dma_wait3A_166 = tpu.memref_slice %arg6[%add3A_103, %mul3A_0] : memref<100000x32xf32, #tpu.memory_space<hbm>> -> memref<800x16xf32, #tpu.memory_space<hbm>>
      %dma_wait3A_167 = tpu.memref_slice %arg6[%add3A_103, %mul3A_0] : memref<100000x32xf32, #tpu.memory_space<hbm>> -> memref<800x16xf32, #tpu.memory_space<hbm>>
      %dma_wait3A_168 = arith.constant 0 : i32
      %dma_wait3A_169 = arith.constant 0 : i32
      %dma_wait3A_170 = tpu.memref_slice %arg8[%run_scoped3A_104, %dma_wait3A_168, %dma_wait3A_169] : memref<2x800x16xf32, #tpu.memory_space<vmem>> -> memref<1x800x16xf32, #tpu.memory_space<vmem>>
      %dma_wait3A_171 = tpu.memref_squeeze %dma_wait3A_170 : memref<1x800x16xf32, #tpu.memory_space<vmem>> -> memref<800x16xf32, #tpu.memory_space<vmem>>
      %dma_wait3A_172 = arith.constant 0 : i32
      %dma_wait3A_173 = arith.constant 0 : i32
      %dma_wait3A_174 = tpu.memref_slice %dma_wait3A_171[%dma_wait3A_172, %dma_wait3A_173] : memref<800x16xf32, #tpu.memory_space<vmem>> -> memref<800x16xf32, #tpu.memory_space<vmem>>
      tpu.wait_dma2 semaphore(%run_scoped3A_144 : memref<!tpu.dma_semaphore, #tpu.memory_space<semaphore_mem>>) src(%dma_wait3A_174 : memref<800x16xf32, #tpu.memory_space<vmem>>) dst(%dma_wait3A_167 : memref<800x16xf32, #tpu.memory_space<hbm>>)
      tpu.yield
    }) : () -> ()
    %add3A_105 = arith.constant 4000 : i32
    %add3A_106 = arith.addi %mul3A_2, %add3A_105 : i32
    %run_scoped3A_107 = arith.constant 0 : i32
    "tpu.region"() ({
      %run_scoped3A_144 = tpu.sem_alloc : memref<!tpu.dma_semaphore, #tpu.memory_space<semaphore_mem>>
      %dma_start3A = arith.constant 0 : i32
      %dma_start3A_145 = arith.constant 0 : i32
      %dma_start3A_146 = tpu.memref_slice %arg8[%run_scoped3A_107, %dma_start3A, %dma_start3A_145] : memref<2x800x16xf32, #tpu.memory_space<vmem>> -> memref<1x800x16xf32, #tpu.memory_space<vmem>>
      %dma_start3A_147 = tpu.memref_squeeze %dma_start3A_146 : memref<1x800x16xf32, #tpu.memory_space<vmem>> -> memref<800x16xf32, #tpu.memory_space<vmem>>
      %dma_start3A_148 = arith.constant 0 : i32
      %dma_start3A_149 = arith.constant 0 : i32
      %dma_start3A_150 = tpu.memref_slice %dma_start3A_147[%dma_start3A_148, %dma_start3A_149] : memref<800x16xf32, #tpu.memory_space<vmem>> -> memref<800x16xf32, #tpu.memory_space<vmem>>
      %dma_start3A_151 = arith.constant 0 : i32
      %dma_start3A_152 = tpu.memref_slice %arg10[%add3A_106, %dma_start3A_151] : memref<100000x16xf32, #tpu.memory_space<vmem_shared>> -> memref<800x16xf32, #tpu.memory_space<vmem_shared>>
      %dma_start3A_153 = arith.constant 0 : i32
      %dma_start3A_154 = arith.constant 0 : i32
      %dma_start3A_155 = tpu.memref_slice %arg8[%run_scoped3A_107, %dma_start3A_153, %dma_start3A_154] : memref<2x800x16xf32, #tpu.memory_space<vmem>> -> memref<1x800x16xf32, #tpu.memory_space<vmem>>
      %dma_start3A_156 = tpu.memref_squeeze %dma_start3A_155 : memref<1x800x16xf32, #tpu.memory_space<vmem>> -> memref<800x16xf32, #tpu.memory_space<vmem>>
      %dma_start3A_157 = arith.constant 0 : i32
      %dma_start3A_158 = arith.constant 0 : i32
      %dma_start3A_159 = tpu.memref_slice %dma_start3A_156[%dma_start3A_157, %dma_start3A_158] : memref<800x16xf32, #tpu.memory_space<vmem>> -> memref<800x16xf32, #tpu.memory_space<vmem>>
      %dma_start3A_160 = arith.constant 0 : i32
      %dma_start3A_161 = tpu.memref_slice %arg10[%add3A_106, %dma_start3A_160] : memref<100000x16xf32, #tpu.memory_space<vmem_shared>> -> memref<800x16xf32, #tpu.memory_space<vmem_shared>>
      tpu.enqueue_dma source(%dma_start3A_161 : memref<800x16xf32, #tpu.memory_space<vmem_shared>>) target(%dma_start3A_159 : memref<800x16xf32, #tpu.memory_space<vmem>>) target_semaphore(%run_scoped3A_144 : memref<!tpu.dma_semaphore, #tpu.memory_space<semaphore_mem>>)
      %dma_wait3A = arith.constant 0 : i32
      %dma_wait3A_162 = arith.constant 0 : i32
      %dma_wait3A_163 = tpu.memref_slice %arg8[%run_scoped3A_107, %dma_wait3A, %dma_wait3A_162] : memref<2x800x16xf32, #tpu.memory_space<vmem>> -> memref<1x800x16xf32, #tpu.memory_space<vmem>>
      %dma_wait3A_164 = tpu.memref_squeeze %dma_wait3A_163 : memref<1x800x16xf32, #tpu.memory_space<vmem>> -> memref<800x16xf32, #tpu.memory_space<vmem>>
      %dma_wait3A_165 = arith.constant 0 : i32
      %dma_wait3A_166 = arith.constant 0 : i32
      %dma_wait3A_167 = tpu.memref_slice %dma_wait3A_164[%dma_wait3A_165, %dma_wait3A_166] : memref<800x16xf32, #tpu.memory_space<vmem>> -> memref<800x16xf32, #tpu.memory_space<vmem>>
      %dma_wait3A_168 = arith.constant 0 : i32
      %dma_wait3A_169 = tpu.memref_slice %arg10[%add3A_106, %dma_wait3A_168] : memref<100000x16xf32, #tpu.memory_space<vmem_shared>> -> memref<800x16xf32, #tpu.memory_space<vmem_shared>>
      %dma_wait3A_170 = arith.constant 0 : i32
      %dma_wait3A_171 = arith.constant 0 : i32
      %dma_wait3A_172 = tpu.memref_slice %arg8[%run_scoped3A_107, %dma_wait3A_170, %dma_wait3A_171] : memref<2x800x16xf32, #tpu.memory_space<vmem>> -> memref<1x800x16xf32, #tpu.memory_space<vmem>>
      %dma_wait3A_173 = tpu.memref_squeeze %dma_wait3A_172 : memref<1x800x16xf32, #tpu.memory_space<vmem>> -> memref<800x16xf32, #tpu.memory_space<vmem>>
      %dma_wait3A_174 = arith.constant 0 : i32
      %dma_wait3A_175 = arith.constant 0 : i32
      %dma_wait3A_176 = tpu.memref_slice %dma_wait3A_173[%dma_wait3A_174, %dma_wait3A_175] : memref<800x16xf32, #tpu.memory_space<vmem>> -> memref<800x16xf32, #tpu.memory_space<vmem>>
      %dma_wait3A_177 = arith.constant 0 : i32
      %dma_wait3A_178 = tpu.memref_slice %arg10[%add3A_106, %dma_wait3A_177] : memref<100000x16xf32, #tpu.memory_space<vmem_shared>> -> memref<800x16xf32, #tpu.memory_space<vmem_shared>>
      tpu.wait_dma2 semaphore(%run_scoped3A_144 : memref<!tpu.dma_semaphore, #tpu.memory_space<semaphore_mem>>) src(%dma_wait3A_178 : memref<800x16xf32, #tpu.memory_space<vmem_shared>>) dst(%dma_wait3A_176 : memref<800x16xf32, #tpu.memory_space<vmem>>)
      tpu.yield
    }) : () -> ()
    %scan3A_108 = arith.constant 0 : i32
    %scan3A_109 = arith.constant 0 : i32
    %scan3A_110 = arith.constant 0 : i32
    %scan3A_111 = arith.constant 800 : i32
    %scan3A_112 = arith.addi %scan3A_110, %scan3A_111 : i32
    %scan3A_113 = arith.constant 1 : i32
    scf.for %scan3A_144 = %scan3A_110 to %scan3A_112 step %scan3A_113  : i32 {
      %get3A_145 = arith.constant 0 : i32
      %get3A_146 = arith.constant 0 : i32
      %get3A_147 = tpu.memref_slice %arg8[%scan3A_109, %get3A_145, %get3A_146] : memref<2x800x16xf32, #tpu.memory_space<vmem>> -> memref<1x800x16xf32, #tpu.memory_space<vmem>>
      %get3A_148 = tpu.memref_squeeze %get3A_147 : memref<1x800x16xf32, #tpu.memory_space<vmem>> -> memref<800x16xf32, #tpu.memory_space<vmem>>
      %get3A_149 = arith.index_cast %scan3A_144 : i32 to index
      %get3A_150 = arith.constant 0 : index
      %get3A_151 = tpu.vector_load %get3A_148[%get3A_149, %get3A_150] {strides = array<i32>} : memref<800x16xf32, #tpu.memory_space<vmem>>, vector<1x16xf32>,
      %get3A_152 = vector.shape_cast %get3A_151 : vector<1x16xf32> to vector<16xf32>
      %add3A_153 = arith.addf %get3A_152, %get3A_39 : vector<16xf32>
      %swap3A = arith.constant 0 : i32
      %swap3A_154 = arith.constant 0 : i32
      %swap3A_155 = tpu.memref_slice %arg8[%scan3A_109, %swap3A, %swap3A_154] : memref<2x800x16xf32, #tpu.memory_space<vmem>> -> memref<1x800x16xf32, #tpu.memory_space<vmem>>
      %swap3A_156 = tpu.memref_squeeze %swap3A_155 : memref<1x800x16xf32, #tpu.memory_space<vmem>> -> memref<800x16xf32, #tpu.memory_space<vmem>>
      %swap3A_157 = arith.index_cast %scan3A_144 : i32 to index
      %swap3A_158 = arith.constant 0 : index
      %swap3A_159 = tpu.vector_load %swap3A_156[%swap3A_157, %swap3A_158] {strides = array<i32>} : memref<800x16xf32, #tpu.memory_space<vmem>>, vector<1x16xf32>,
      %swap3A_160 = vector.shape_cast %swap3A_159 : vector<1x16xf32> to vector<16xf32>
      %swap3A_161 = vector.shape_cast %add3A_153 : vector<16xf32> to vector<1x16xf32>
      tpu.vector_store %swap3A_156[%swap3A_157, %swap3A_158], %swap3A_161 {strides = array<i32>} : memref<800x16xf32, #tpu.memory_space<vmem>>, vector<1x16xf32>,
    }
    %scan3A_114 = arith.constant 800 : i32
    %add3A_115 = arith.constant 4000 : i32
    %add3A_116 = arith.addi %mul3A_2, %add3A_115 : i32
    %run_scoped3A_117 = arith.constant 0 : i32
    "tpu.region"() ({
      %run_scoped3A_144 = tpu.sem_alloc : memref<!tpu.dma_semaphore, #tpu.memory_space<semaphore_mem>>
      %dma_start3A = arith.constant 0 : i32
      %dma_start3A_145 = arith.constant 0 : i32
      %dma_start3A_146 = tpu.memref_slice %arg8[%run_scoped3A_117, %dma_start3A, %dma_start3A_145] : memref<2x800x16xf32, #tpu.memory_space<vmem>> -> memref<1x800x16xf32, #tpu.memory_space<vmem>>
      %dma_start3A_147 = tpu.memref_squeeze %dma_start3A_146 : memref<1x800x16xf32, #tpu.memory_space<vmem>> -> memref<800x16xf32, #tpu.memory_space<vmem>>
      %dma_start3A_148 = arith.constant 0 : i32
      %dma_start3A_149 = arith.constant 0 : i32
      %dma_start3A_150 = tpu.memref_slice %dma_start3A_147[%dma_start3A_148, %dma_start3A_149] : memref<800x16xf32, #tpu.memory_space<vmem>> -> memref<800x16xf32, #tpu.memory_space<vmem>>
      %dma_start3A_151 = tpu.memref_slice %arg6[%add3A_116, %mul3A_0] : memref<100000x32xf32, #tpu.memory_space<hbm>> -> memref<800x16xf32, #tpu.memory_space<hbm>>
      %dma_start3A_152 = tpu.memref_slice %arg6[%add3A_116, %mul3A_0] : memref<100000x32xf32, #tpu.memory_space<hbm>> -> memref<800x16xf32, #tpu.memory_space<hbm>>
      %dma_start3A_153 = arith.constant 0 : i32
      %dma_start3A_154 = arith.constant 0 : i32
      %dma_start3A_155 = tpu.memref_slice %arg8[%run_scoped3A_117, %dma_start3A_153, %dma_start3A_154] : memref<2x800x16xf32, #tpu.memory_space<vmem>> -> memref<1x800x16xf32, #tpu.memory_space<vmem>>
      %dma_start3A_156 = tpu.memref_squeeze %dma_start3A_155 : memref<1x800x16xf32, #tpu.memory_space<vmem>> -> memref<800x16xf32, #tpu.memory_space<vmem>>
      %dma_start3A_157 = arith.constant 0 : i32
      %dma_start3A_158 = arith.constant 0 : i32
      %dma_start3A_159 = tpu.memref_slice %dma_start3A_156[%dma_start3A_157, %dma_start3A_158] : memref<800x16xf32, #tpu.memory_space<vmem>> -> memref<800x16xf32, #tpu.memory_space<vmem>>
      tpu.enqueue_dma source(%dma_start3A_159 : memref<800x16xf32, #tpu.memory_space<vmem>>) target(%dma_start3A_152 : memref<800x16xf32, #tpu.memory_space<hbm>>) target_semaphore(%run_scoped3A_144 : memref<!tpu.dma_semaphore, #tpu.memory_space<semaphore_mem>>)
      %dma_wait3A = arith.constant 0 : i32
      %dma_wait3A_160 = arith.constant 0 : i32
      %dma_wait3A_161 = tpu.memref_slice %arg8[%run_scoped3A_117, %dma_wait3A, %dma_wait3A_160] : memref<2x800x16xf32, #tpu.memory_space<vmem>> -> memref<1x800x16xf32, #tpu.memory_space<vmem>>
      %dma_wait3A_162 = tpu.memref_squeeze %dma_wait3A_161 : memref<1x800x16xf32, #tpu.memory_space<vmem>> -> memref<800x16xf32, #tpu.memory_space<vmem>>
      %dma_wait3A_163 = arith.constant 0 : i32
      %dma_wait3A_164 = arith.constant 0 : i32
      %dma_wait3A_165 = tpu.memref_slice %dma_wait3A_162[%dma_wait3A_163, %dma_wait3A_164] : memref<800x16xf32, #tpu.memory_space<vmem>> -> memref<800x16xf32, #tpu.memory_space<vmem>>
      %dma_wait3A_166 = tpu.memref_slice %arg6[%add3A_116, %mul3A_0] : memref<100000x32xf32, #tpu.memory_space<hbm>> -> memref<800x16xf32, #tpu.memory_space<hbm>>
      %dma_wait3A_167 = tpu.memref_slice %arg6[%add3A_116, %mul3A_0] : memref<100000x32xf32, #tpu.memory_space<hbm>> -> memref<800x16xf32, #tpu.memory_space<hbm>>
      %dma_wait3A_168 = arith.constant 0 : i32
      %dma_wait3A_169 = arith.constant 0 : i32
      %dma_wait3A_170 = tpu.memref_slice %arg8[%run_scoped3A_117, %dma_wait3A_168, %dma_wait3A_169] : memref<2x800x16xf32, #tpu.memory_space<vmem>> -> memref<1x800x16xf32, #tpu.memory_space<vmem>>
      %dma_wait3A_171 = tpu.memref_squeeze %dma_wait3A_170 : memref<1x800x16xf32, #tpu.memory_space<vmem>> -> memref<800x16xf32, #tpu.memory_space<vmem>>
      %dma_wait3A_172 = arith.constant 0 : i32
      %dma_wait3A_173 = arith.constant 0 : i32
      %dma_wait3A_174 = tpu.memref_slice %dma_wait3A_171[%dma_wait3A_172, %dma_wait3A_173] : memref<800x16xf32, #tpu.memory_space<vmem>> -> memref<800x16xf32, #tpu.memory_space<vmem>>
      tpu.wait_dma2 semaphore(%run_scoped3A_144 : memref<!tpu.dma_semaphore, #tpu.memory_space<semaphore_mem>>) src(%dma_wait3A_174 : memref<800x16xf32, #tpu.memory_space<vmem>>) dst(%dma_wait3A_167 : memref<800x16xf32, #tpu.memory_space<hbm>>)
      tpu.yield
    }) : () -> ()
    %add3A_118 = arith.constant 4800 : i32
    %add3A_119 = arith.addi %mul3A_2, %add3A_118 : i32
    %run_scoped3A_120 = arith.constant 0 : i32
    "tpu.region"() ({
      %run_scoped3A_144 = tpu.sem_alloc : memref<!tpu.dma_semaphore, #tpu.memory_space<semaphore_mem>>
      %dma_start3A = arith.constant 0 : i32
      %dma_start3A_145 = arith.constant 0 : i32
      %dma_start3A_146 = tpu.memref_slice %arg8[%run_scoped3A_120, %dma_start3A, %dma_start3A_145] : memref<2x800x16xf32, #tpu.memory_space<vmem>> -> memref<1x800x16xf32, #tpu.memory_space<vmem>>
      %dma_start3A_147 = tpu.memref_squeeze %dma_start3A_146 : memref<1x800x16xf32, #tpu.memory_space<vmem>> -> memref<800x16xf32, #tpu.memory_space<vmem>>
      %dma_start3A_148 = arith.constant 0 : i32
      %dma_start3A_149 = arith.constant 0 : i32
      %dma_start3A_150 = tpu.memref_slice %dma_start3A_147[%dma_start3A_148, %dma_start3A_149] : memref<800x16xf32, #tpu.memory_space<vmem>> -> memref<800x16xf32, #tpu.memory_space<vmem>>
      %dma_start3A_151 = arith.constant 0 : i32
      %dma_start3A_152 = tpu.memref_slice %arg10[%add3A_119, %dma_start3A_151] : memref<100000x16xf32, #tpu.memory_space<vmem_shared>> -> memref<800x16xf32, #tpu.memory_space<vmem_shared>>
      %dma_start3A_153 = arith.constant 0 : i32
      %dma_start3A_154 = arith.constant 0 : i32
      %dma_start3A_155 = tpu.memref_slice %arg8[%run_scoped3A_120, %dma_start3A_153, %dma_start3A_154] : memref<2x800x16xf32, #tpu.memory_space<vmem>> -> memref<1x800x16xf32, #tpu.memory_space<vmem>>
      %dma_start3A_156 = tpu.memref_squeeze %dma_start3A_155 : memref<1x800x16xf32, #tpu.memory_space<vmem>> -> memref<800x16xf32, #tpu.memory_space<vmem>>
      %dma_start3A_157 = arith.constant 0 : i32
      %dma_start3A_158 = arith.constant 0 : i32
      %dma_start3A_159 = tpu.memref_slice %dma_start3A_156[%dma_start3A_157, %dma_start3A_158] : memref<800x16xf32, #tpu.memory_space<vmem>> -> memref<800x16xf32, #tpu.memory_space<vmem>>
      %dma_start3A_160 = arith.constant 0 : i32
      %dma_start3A_161 = tpu.memref_slice %arg10[%add3A_119, %dma_start3A_160] : memref<100000x16xf32, #tpu.memory_space<vmem_shared>> -> memref<800x16xf32, #tpu.memory_space<vmem_shared>>
      tpu.enqueue_dma source(%dma_start3A_161 : memref<800x16xf32, #tpu.memory_space<vmem_shared>>) target(%dma_start3A_159 : memref<800x16xf32, #tpu.memory_space<vmem>>) target_semaphore(%run_scoped3A_144 : memref<!tpu.dma_semaphore, #tpu.memory_space<semaphore_mem>>)
      %dma_wait3A = arith.constant 0 : i32
      %dma_wait3A_162 = arith.constant 0 : i32
      %dma_wait3A_163 = tpu.memref_slice %arg8[%run_scoped3A_120, %dma_wait3A, %dma_wait3A_162] : memref<2x800x16xf32, #tpu.memory_space<vmem>> -> memref<1x800x16xf32, #tpu.memory_space<vmem>>
      %dma_wait3A_164 = tpu.memref_squeeze %dma_wait3A_163 : memref<1x800x16xf32, #tpu.memory_space<vmem>> -> memref<800x16xf32, #tpu.memory_space<vmem>>
      %dma_wait3A_165 = arith.constant 0 : i32
      %dma_wait3A_166 = arith.constant 0 : i32
      %dma_wait3A_167 = tpu.memref_slice %dma_wait3A_164[%dma_wait3A_165, %dma_wait3A_166] : memref<800x16xf32, #tpu.memory_space<vmem>> -> memref<800x16xf32, #tpu.memory_space<vmem>>
      %dma_wait3A_168 = arith.constant 0 : i32
      %dma_wait3A_169 = tpu.memref_slice %arg10[%add3A_119, %dma_wait3A_168] : memref<100000x16xf32, #tpu.memory_space<vmem_shared>> -> memref<800x16xf32, #tpu.memory_space<vmem_shared>>
      %dma_wait3A_170 = arith.constant 0 : i32
      %dma_wait3A_171 = arith.constant 0 : i32
      %dma_wait3A_172 = tpu.memref_slice %arg8[%run_scoped3A_120, %dma_wait3A_170, %dma_wait3A_171] : memref<2x800x16xf32, #tpu.memory_space<vmem>> -> memref<1x800x16xf32, #tpu.memory_space<vmem>>
      %dma_wait3A_173 = tpu.memref_squeeze %dma_wait3A_172 : memref<1x800x16xf32, #tpu.memory_space<vmem>> -> memref<800x16xf32, #tpu.memory_space<vmem>>
      %dma_wait3A_174 = arith.constant 0 : i32
      %dma_wait3A_175 = arith.constant 0 : i32
      %dma_wait3A_176 = tpu.memref_slice %dma_wait3A_173[%dma_wait3A_174, %dma_wait3A_175] : memref<800x16xf32, #tpu.memory_space<vmem>> -> memref<800x16xf32, #tpu.memory_space<vmem>>
      %dma_wait3A_177 = arith.constant 0 : i32
      %dma_wait3A_178 = tpu.memref_slice %arg10[%add3A_119, %dma_wait3A_177] : memref<100000x16xf32, #tpu.memory_space<vmem_shared>> -> memref<800x16xf32, #tpu.memory_space<vmem_shared>>
      tpu.wait_dma2 semaphore(%run_scoped3A_144 : memref<!tpu.dma_semaphore, #tpu.memory_space<semaphore_mem>>) src(%dma_wait3A_178 : memref<800x16xf32, #tpu.memory_space<vmem_shared>>) dst(%dma_wait3A_176 : memref<800x16xf32, #tpu.memory_space<vmem>>)
      tpu.yield
    }) : () -> ()
    %scan3A_121 = arith.constant 0 : i32
    %scan3A_122 = arith.constant 0 : i32
    %scan3A_123 = arith.constant 0 : i32
    %scan3A_124 = arith.constant 800 : i32
    %scan3A_125 = arith.addi %scan3A_123, %scan3A_124 : i32
    %scan3A_126 = arith.constant 1 : i32
    scf.for %scan3A_144 = %scan3A_123 to %scan3A_125 step %scan3A_126  : i32 {
      %get3A_145 = arith.constant 0 : i32
      %get3A_146 = arith.constant 0 : i32
      %get3A_147 = tpu.memref_slice %arg8[%scan3A_122, %get3A_145, %get3A_146] : memref<2x800x16xf32, #tpu.memory_space<vmem>> -> memref<1x800x16xf32, #tpu.memory_space<vmem>>
      %get3A_148 = tpu.memref_squeeze %get3A_147 : memref<1x800x16xf32, #tpu.memory_space<vmem>> -> memref<800x16xf32, #tpu.memory_space<vmem>>
      %get3A_149 = arith.index_cast %scan3A_144 : i32 to index
      %get3A_150 = arith.constant 0 : index
      %get3A_151 = tpu.vector_load %get3A_148[%get3A_149, %get3A_150] {strides = array<i32>} : memref<800x16xf32, #tpu.memory_space<vmem>>, vector<1x16xf32>,
      %get3A_152 = vector.shape_cast %get3A_151 : vector<1x16xf32> to vector<16xf32>
      %add3A_153 = arith.addf %get3A_152, %get3A_39 : vector<16xf32>
      %swap3A = arith.constant 0 : i32
      %swap3A_154 = arith.constant 0 : i32
      %swap3A_155 = tpu.memref_slice %arg8[%scan3A_122, %swap3A, %swap3A_154] : memref<2x800x16xf32, #tpu.memory_space<vmem>> -> memref<1x800x16xf32, #tpu.memory_space<vmem>>
      %swap3A_156 = tpu.memref_squeeze %swap3A_155 : memref<1x800x16xf32, #tpu.memory_space<vmem>> -> memref<800x16xf32, #tpu.memory_space<vmem>>
      %swap3A_157 = arith.index_cast %scan3A_144 : i32 to index
      %swap3A_158 = arith.constant 0 : index
      %swap3A_159 = tpu.vector_load %swap3A_156[%swap3A_157, %swap3A_158] {strides = array<i32>} : memref<800x16xf32, #tpu.memory_space<vmem>>, vector<1x16xf32>,
      %swap3A_160 = vector.shape_cast %swap3A_159 : vector<1x16xf32> to vector<16xf32>
      %swap3A_161 = vector.shape_cast %add3A_153 : vector<16xf32> to vector<1x16xf32>
      tpu.vector_store %swap3A_156[%swap3A_157, %swap3A_158], %swap3A_161 {strides = array<i32>} : memref<800x16xf32, #tpu.memory_space<vmem>>, vector<1x16xf32>,
    }
    %scan3A_127 = arith.constant 800 : i32
    %add3A_128 = arith.constant 4800 : i32
    %add3A_129 = arith.addi %mul3A_2, %add3A_128 : i32
    %run_scoped3A_130 = arith.constant 0 : i32
    "tpu.region"() ({
      %run_scoped3A_144 = tpu.sem_alloc : memref<!tpu.dma_semaphore, #tpu.memory_space<semaphore_mem>>
      %dma_start3A = arith.constant 0 : i32
      %dma_start3A_145 = arith.constant 0 : i32
      %dma_start3A_146 = tpu.memref_slice %arg8[%run_scoped3A_130, %dma_start3A, %dma_start3A_145] : memref<2x800x16xf32, #tpu.memory_space<vmem>> -> memref<1x800x16xf32, #tpu.memory_space<vmem>>
      %dma_start3A_147 = tpu.memref_squeeze %dma_start3A_146 : memref<1x800x16xf32, #tpu.memory_space<vmem>> -> memref<800x16xf32, #tpu.memory_space<vmem>>
      %dma_start3A_148 = arith.constant 0 : i32
      %dma_start3A_149 = arith.constant 0 : i32
      %dma_start3A_150 = tpu.memref_slice %dma_start3A_147[%dma_start3A_148, %dma_start3A_149] : memref<800x16xf32, #tpu.memory_space<vmem>> -> memref<800x16xf32, #tpu.memory_space<vmem>>
      %dma_start3A_151 = tpu.memref_slice %arg6[%add3A_129, %mul3A_0] : memref<100000x32xf32, #tpu.memory_space<hbm>> -> memref<800x16xf32, #tpu.memory_space<hbm>>
      %dma_start3A_152 = tpu.memref_slice %arg6[%add3A_129, %mul3A_0] : memref<100000x32xf32, #tpu.memory_space<hbm>> -> memref<800x16xf32, #tpu.memory_space<hbm>>
      %dma_start3A_153 = arith.constant 0 : i32
      %dma_start3A_154 = arith.constant 0 : i32
      %dma_start3A_155 = tpu.memref_slice %arg8[%run_scoped3A_130, %dma_start3A_153, %dma_start3A_154] : memref<2x800x16xf32, #tpu.memory_space<vmem>> -> memref<1x800x16xf32, #tpu.memory_space<vmem>>
      %dma_start3A_156 = tpu.memref_squeeze %dma_start3A_155 : memref<1x800x16xf32, #tpu.memory_space<vmem>> -> memref<800x16xf32, #tpu.memory_space<vmem>>
      %dma_start3A_157 = arith.constant 0 : i32
      %dma_start3A_158 = arith.constant 0 : i32
      %dma_start3A_159 = tpu.memref_slice %dma_start3A_156[%dma_start3A_157, %dma_start3A_158] : memref<800x16xf32, #tpu.memory_space<vmem>> -> memref<800x16xf32, #tpu.memory_space<vmem>>
      tpu.enqueue_dma source(%dma_start3A_159 : memref<800x16xf32, #tpu.memory_space<vmem>>) target(%dma_start3A_152 : memref<800x16xf32, #tpu.memory_space<hbm>>) target_semaphore(%run_scoped3A_144 : memref<!tpu.dma_semaphore, #tpu.memory_space<semaphore_mem>>)
      %dma_wait3A = arith.constant 0 : i32
      %dma_wait3A_160 = arith.constant 0 : i32
      %dma_wait3A_161 = tpu.memref_slice %arg8[%run_scoped3A_130, %dma_wait3A, %dma_wait3A_160] : memref<2x800x16xf32, #tpu.memory_space<vmem>> -> memref<1x800x16xf32, #tpu.memory_space<vmem>>
      %dma_wait3A_162 = tpu.memref_squeeze %dma_wait3A_161 : memref<1x800x16xf32, #tpu.memory_space<vmem>> -> memref<800x16xf32, #tpu.memory_space<vmem>>
      %dma_wait3A_163 = arith.constant 0 : i32
      %dma_wait3A_164 = arith.constant 0 : i32
      %dma_wait3A_165 = tpu.memref_slice %dma_wait3A_162[%dma_wait3A_163, %dma_wait3A_164] : memref<800x16xf32, #tpu.memory_space<vmem>> -> memref<800x16xf32, #tpu.memory_space<vmem>>
      %dma_wait3A_166 = tpu.memref_slice %arg6[%add3A_129, %mul3A_0] : memref<100000x32xf32, #tpu.memory_space<hbm>> -> memref<800x16xf32, #tpu.memory_space<hbm>>
      %dma_wait3A_167 = tpu.memref_slice %arg6[%add3A_129, %mul3A_0] : memref<100000x32xf32, #tpu.memory_space<hbm>> -> memref<800x16xf32, #tpu.memory_space<hbm>>
      %dma_wait3A_168 = arith.constant 0 : i32
      %dma_wait3A_169 = arith.constant 0 : i32
      %dma_wait3A_170 = tpu.memref_slice %arg8[%run_scoped3A_130, %dma_wait3A_168, %dma_wait3A_169] : memref<2x800x16xf32, #tpu.memory_space<vmem>> -> memref<1x800x16xf32, #tpu.memory_space<vmem>>
      %dma_wait3A_171 = tpu.memref_squeeze %dma_wait3A_170 : memref<1x800x16xf32, #tpu.memory_space<vmem>> -> memref<800x16xf32, #tpu.memory_space<vmem>>
      %dma_wait3A_172 = arith.constant 0 : i32
      %dma_wait3A_173 = arith.constant 0 : i32
      %dma_wait3A_174 = tpu.memref_slice %dma_wait3A_171[%dma_wait3A_172, %dma_wait3A_173] : memref<800x16xf32, #tpu.memory_space<vmem>> -> memref<800x16xf32, #tpu.memory_space<vmem>>
      tpu.wait_dma2 semaphore(%run_scoped3A_144 : memref<!tpu.dma_semaphore, #tpu.memory_space<semaphore_mem>>) src(%dma_wait3A_174 : memref<800x16xf32, #tpu.memory_space<vmem>>) dst(%dma_wait3A_167 : memref<800x16xf32, #tpu.memory_space<hbm>>)
      tpu.yield
    }) : () -> ()
    %add3A_131 = arith.constant 5600 : i32
    %add3A_132 = arith.addi %mul3A_2, %add3A_131 : i32
    %run_scoped3A_133 = arith.constant 0 : i32
    "tpu.region"() ({
      %run_scoped3A_144 = tpu.sem_alloc : memref<!tpu.dma_semaphore, #tpu.memory_space<semaphore_mem>>
      %dma_start3A = arith.constant 0 : i32
      %dma_start3A_145 = arith.constant 0 : i32
      %dma_start3A_146 = tpu.memref_slice %arg8[%run_scoped3A_133, %dma_start3A, %dma_start3A_145] : memref<2x800x16xf32, #tpu.memory_space<vmem>> -> memref<1x800x16xf32, #tpu.memory_space<vmem>>
      %dma_start3A_147 = tpu.memref_squeeze %dma_start3A_146 : memref<1x800x16xf32, #tpu.memory_space<vmem>> -> memref<800x16xf32, #tpu.memory_space<vmem>>
      %dma_start3A_148 = arith.constant 0 : i32
      %dma_start3A_149 = arith.constant 0 : i32
      %dma_start3A_150 = tpu.memref_slice %dma_start3A_147[%dma_start3A_148, %dma_start3A_149] : memref<800x16xf32, #tpu.memory_space<vmem>> -> memref<650x16xf32, #tpu.memory_space<vmem>>
      %dma_start3A_151 = arith.constant 0 : i32
      %dma_start3A_152 = tpu.memref_slice %arg10[%add3A_132, %dma_start3A_151] : memref<100000x16xf32, #tpu.memory_space<vmem_shared>> -> memref<650x16xf32, #tpu.memory_space<vmem_shared>>
      %dma_start3A_153 = arith.constant 0 : i32
      %dma_start3A_154 = arith.constant 0 : i32
      %dma_start3A_155 = tpu.memref_slice %arg8[%run_scoped3A_133, %dma_start3A_153, %dma_start3A_154] : memref<2x800x16xf32, #tpu.memory_space<vmem>> -> memref<1x800x16xf32, #tpu.memory_space<vmem>>
      %dma_start3A_156 = tpu.memref_squeeze %dma_start3A_155 : memref<1x800x16xf32, #tpu.memory_space<vmem>> -> memref<800x16xf32, #tpu.memory_space<vmem>>
      %dma_start3A_157 = arith.constant 0 : i32
      %dma_start3A_158 = arith.constant 0 : i32
      %dma_start3A_159 = tpu.memref_slice %dma_start3A_156[%dma_start3A_157, %dma_start3A_158] : memref<800x16xf32, #tpu.memory_space<vmem>> -> memref<650x16xf32, #tpu.memory_space<vmem>>
      %dma_start3A_160 = arith.constant 0 : i32
      %dma_start3A_161 = tpu.memref_slice %arg10[%add3A_132, %dma_start3A_160] : memref<100000x16xf32, #tpu.memory_space<vmem_shared>> -> memref<650x16xf32, #tpu.memory_space<vmem_shared>>
      tpu.enqueue_dma source(%dma_start3A_161 : memref<650x16xf32, #tpu.memory_space<vmem_shared>>) target(%dma_start3A_159 : memref<650x16xf32, #tpu.memory_space<vmem>>) target_semaphore(%run_scoped3A_144 : memref<!tpu.dma_semaphore, #tpu.memory_space<semaphore_mem>>)
      %dma_wait3A = arith.constant 0 : i32
      %dma_wait3A_162 = arith.constant 0 : i32
      %dma_wait3A_163 = tpu.memref_slice %arg8[%run_scoped3A_133, %dma_wait3A, %dma_wait3A_162] : memref<2x800x16xf32, #tpu.memory_space<vmem>> -> memref<1x800x16xf32, #tpu.memory_space<vmem>>
      %dma_wait3A_164 = tpu.memref_squeeze %dma_wait3A_163 : memref<1x800x16xf32, #tpu.memory_space<vmem>> -> memref<800x16xf32, #tpu.memory_space<vmem>>
      %dma_wait3A_165 = arith.constant 0 : i32
      %dma_wait3A_166 = arith.constant 0 : i32
      %dma_wait3A_167 = tpu.memref_slice %dma_wait3A_164[%dma_wait3A_165, %dma_wait3A_166] : memref<800x16xf32, #tpu.memory_space<vmem>> -> memref<650x16xf32, #tpu.memory_space<vmem>>
      %dma_wait3A_168 = arith.constant 0 : i32
      %dma_wait3A_169 = tpu.memref_slice %arg10[%add3A_132, %dma_wait3A_168] : memref<100000x16xf32, #tpu.memory_space<vmem_shared>> -> memref<650x16xf32, #tpu.memory_space<vmem_shared>>
      %dma_wait3A_170 = arith.constant 0 : i32
      %dma_wait3A_171 = arith.constant 0 : i32
      %dma_wait3A_172 = tpu.memref_slice %arg8[%run_scoped3A_133, %dma_wait3A_170, %dma_wait3A_171] : memref<2x800x16xf32, #tpu.memory_space<vmem>> -> memref<1x800x16xf32, #tpu.memory_space<vmem>>
      %dma_wait3A_173 = tpu.memref_squeeze %dma_wait3A_172 : memref<1x800x16xf32, #tpu.memory_space<vmem>> -> memref<800x16xf32, #tpu.memory_space<vmem>>
      %dma_wait3A_174 = arith.constant 0 : i32
      %dma_wait3A_175 = arith.constant 0 : i32
      %dma_wait3A_176 = tpu.memref_slice %dma_wait3A_173[%dma_wait3A_174, %dma_wait3A_175] : memref<800x16xf32, #tpu.memory_space<vmem>> -> memref<650x16xf32, #tpu.memory_space<vmem>>
      %dma_wait3A_177 = arith.constant 0 : i32
      %dma_wait3A_178 = tpu.memref_slice %arg10[%add3A_132, %dma_wait3A_177] : memref<100000x16xf32, #tpu.memory_space<vmem_shared>> -> memref<650x16xf32, #tpu.memory_space<vmem_shared>>
      tpu.wait_dma2 semaphore(%run_scoped3A_144 : memref<!tpu.dma_semaphore, #tpu.memory_space<semaphore_mem>>) src(%dma_wait3A_178 : memref<650x16xf32, #tpu.memory_space<vmem_shared>>) dst(%dma_wait3A_176 : memref<650x16xf32, #tpu.memory_space<vmem>>)
      tpu.yield
    }) : () -> ()
    %scan3A_134 = arith.constant 0 : i32
    %scan3A_135 = arith.constant 0 : i32
    %scan3A_136 = arith.constant 0 : i32
    %scan3A_137 = arith.constant 650 : i32
    %scan3A_138 = arith.addi %scan3A_136, %scan3A_137 : i32
    %scan3A_139 = arith.constant 1 : i32
    scf.for %scan3A_144 = %scan3A_136 to %scan3A_138 step %scan3A_139  : i32 {
      %get3A_145 = arith.constant 0 : i32
      %get3A_146 = arith.constant 0 : i32
      %get3A_147 = tpu.memref_slice %arg8[%scan3A_135, %get3A_145, %get3A_146] : memref<2x800x16xf32, #tpu.memory_space<vmem>> -> memref<1x800x16xf32, #tpu.memory_space<vmem>>
      %get3A_148 = tpu.memref_squeeze %get3A_147 : memref<1x800x16xf32, #tpu.memory_space<vmem>> -> memref<800x16xf32, #tpu.memory_space<vmem>>
      %get3A_149 = arith.index_cast %scan3A_144 : i32 to index
      %get3A_150 = arith.constant 0 : index
      %get3A_151 = tpu.vector_load %get3A_148[%get3A_149, %get3A_150] {strides = array<i32>} : memref<800x16xf32, #tpu.memory_space<vmem>>, vector<1x16xf32>,
      %get3A_152 = vector.shape_cast %get3A_151 : vector<1x16xf32> to vector<16xf32>
      %add3A_153 = arith.addf %get3A_152, %get3A_39 : vector<16xf32>
      %swap3A = arith.constant 0 : i32
      %swap3A_154 = arith.constant 0 : i32
      %swap3A_155 = tpu.memref_slice %arg8[%scan3A_135, %swap3A, %swap3A_154] : memref<2x800x16xf32, #tpu.memory_space<vmem>> -> memref<1x800x16xf32, #tpu.memory_space<vmem>>
      %swap3A_156 = tpu.memref_squeeze %swap3A_155 : memref<1x800x16xf32, #tpu.memory_space<vmem>> -> memref<800x16xf32, #tpu.memory_space<vmem>>
      %swap3A_157 = arith.index_cast %scan3A_144 : i32 to index
      %swap3A_158 = arith.constant 0 : index
      %swap3A_159 = tpu.vector_load %swap3A_156[%swap3A_157, %swap3A_158] {strides = array<i32>} : memref<800x16xf32, #tpu.memory_space<vmem>>, vector<1x16xf32>,
      %swap3A_160 = vector.shape_cast %swap3A_159 : vector<1x16xf32> to vector<16xf32>
      %swap3A_161 = vector.shape_cast %add3A_153 : vector<16xf32> to vector<1x16xf32>
      tpu.vector_store %swap3A_156[%swap3A_157, %swap3A_158], %swap3A_161 {strides = array<i32>} : memref<800x16xf32, #tpu.memory_space<vmem>>, vector<1x16xf32>,
    }
    %scan3A_140 = arith.constant 650 : i32
    %add3A_141 = arith.constant 5600 : i32
    %add3A_142 = arith.addi %mul3A_2, %add3A_141 : i32
    %run_scoped3A_143 = arith.constant 0 : i32
    "tpu.region"() ({
      %run_scoped3A_144 = tpu.sem_alloc : memref<!tpu.dma_semaphore, #tpu.memory_space<semaphore_mem>>
      %dma_start3A = arith.constant 0 : i32
      %dma_start3A_145 = arith.constant 0 : i32
      %dma_start3A_146 = tpu.memref_slice %arg8[%run_scoped3A_143, %dma_start3A, %dma_start3A_145] : memref<2x800x16xf32, #tpu.memory_space<vmem>> -> memref<1x800x16xf32, #tpu.memory_space<vmem>>
      %dma_start3A_147 = tpu.memref_squeeze %dma_start3A_146 : memref<1x800x16xf32, #tpu.memory_space<vmem>> -> memref<800x16xf32, #tpu.memory_space<vmem>>
      %dma_start3A_148 = arith.constant 0 : i32
      %dma_start3A_149 = arith.constant 0 : i32
      %dma_start3A_150 = tpu.memref_slice %dma_start3A_147[%dma_start3A_148, %dma_start3A_149] : memref<800x16xf32, #tpu.memory_space<vmem>> -> memref<650x16xf32, #tpu.memory_space<vmem>>
      %dma_start3A_151 = tpu.memref_slice %arg6[%add3A_142, %mul3A_0] : memref<100000x32xf32, #tpu.memory_space<hbm>> -> memref<650x16xf32, #tpu.memory_space<hbm>>
      %dma_start3A_152 = tpu.memref_slice %arg6[%add3A_142, %mul3A_0] : memref<100000x32xf32, #tpu.memory_space<hbm>> -> memref<650x16xf32, #tpu.memory_space<hbm>>
      %dma_start3A_153 = arith.constant 0 : i32
      %dma_start3A_154 = arith.constant 0 : i32
      %dma_start3A_155 = tpu.memref_slice %arg8[%run_scoped3A_143, %dma_start3A_153, %dma_start3A_154] : memref<2x800x16xf32, #tpu.memory_space<vmem>> -> memref<1x800x16xf32, #tpu.memory_space<vmem>>
      %dma_start3A_156 = tpu.memref_squeeze %dma_start3A_155 : memref<1x800x16xf32, #tpu.memory_space<vmem>> -> memref<800x16xf32, #tpu.memory_space<vmem>>
      %dma_start3A_157 = arith.constant 0 : i32
      %dma_start3A_158 = arith.constant 0 : i32
      %dma_start3A_159 = tpu.memref_slice %dma_start3A_156[%dma_start3A_157, %dma_start3A_158] : memref<800x16xf32, #tpu.memory_space<vmem>> -> memref<650x16xf32, #tpu.memory_space<vmem>>
      tpu.enqueue_dma source(%dma_start3A_159 : memref<650x16xf32, #tpu.memory_space<vmem>>) target(%dma_start3A_152 : memref<650x16xf32, #tpu.memory_space<hbm>>) target_semaphore(%run_scoped3A_144 : memref<!tpu.dma_semaphore, #tpu.memory_space<semaphore_mem>>)
      %dma_wait3A = arith.constant 0 : i32
      %dma_wait3A_160 = arith.constant 0 : i32
      %dma_wait3A_161 = tpu.memref_slice %arg8[%run_scoped3A_143, %dma_wait3A, %dma_wait3A_160] : memref<2x800x16xf32, #tpu.memory_space<vmem>> -> memref<1x800x16xf32, #tpu.memory_space<vmem>>
      %dma_wait3A_162 = tpu.memref_squeeze %dma_wait3A_161 : memref<1x800x16xf32, #tpu.memory_space<vmem>> -> memref<800x16xf32, #tpu.memory_space<vmem>>
      %dma_wait3A_163 = arith.constant 0 : i32
      %dma_wait3A_164 = arith.constant 0 : i32
      %dma_wait3A_165 = tpu.memref_slice %dma_wait3A_162[%dma_wait3A_163, %dma_wait3A_164] : memref<800x16xf32, #tpu.memory_space<vmem>> -> memref<650x16xf32, #tpu.memory_space<vmem>>
      %dma_wait3A_166 = tpu.memref_slice %arg6[%add3A_142, %mul3A_0] : memref<100000x32xf32, #tpu.memory_space<hbm>> -> memref<650x16xf32, #tpu.memory_space<hbm>>
      %dma_wait3A_167 = tpu.memref_slice %arg6[%add3A_142, %mul3A_0] : memref<100000x32xf32, #tpu.memory_space<hbm>> -> memref<650x16xf32, #tpu.memory_space<hbm>>
      %dma_wait3A_168 = arith.constant 0 : i32
      %dma_wait3A_169 = arith.constant 0 : i32
      %dma_wait3A_170 = tpu.memref_slice %arg8[%run_scoped3A_143, %dma_wait3A_168, %dma_wait3A_169] : memref<2x800x16xf32, #tpu.memory_space<vmem>> -> memref<1x800x16xf32, #tpu.memory_space<vmem>>
      %dma_wait3A_171 = tpu.memref_squeeze %dma_wait3A_170 : memref<1x800x16xf32, #tpu.memory_space<vmem>> -> memref<800x16xf32, #tpu.memory_space<vmem>>
      %dma_wait3A_172 = arith.constant 0 : i32
      %dma_wait3A_173 = arith.constant 0 : i32
      %dma_wait3A_174 = tpu.memref_slice %dma_wait3A_171[%dma_wait3A_172, %dma_wait3A_173] : memref<800x16xf32, #tpu.memory_space<vmem>> -> memref<650x16xf32, #tpu.memory_space<vmem>>
      tpu.wait_dma2 semaphore(%run_scoped3A_144 : memref<!tpu.dma_semaphore, #tpu.memory_space<semaphore_mem>>) src(%dma_wait3A_174 : memref<650x16xf32, #tpu.memory_space<vmem>>) dst(%dma_wait3A_167 : memref<650x16xf32, #tpu.memory_space<hbm>>)
      tpu.yield
    }) : () -> ()
    return
  }
}

#map = affine_map<(d0, d1) -> (0, 0)>
module attributes {stable_mosaic.version = 14 : i64} {
  func.func @k(%arg0: i32, %arg1: i32, %arg2: memref<100000x32xf32, #tpu.memory_space<hbm>>, %arg3: memref<2x1600000xi32, #tpu.memory_space<hbm>>, %arg4: memref<800000x32xf32, #tpu.memory_space<hbm>>, %arg5: memref<25000xi32, #tpu.memory_space<vmem>>, %arg6: memref<2x1000x32xf32, #tpu.memory_space<vmem>>, %arg7: memref<!tpu.dma_semaphore, #tpu.memory_space<semaphore_mem>>, %arg8: memref<2x!tpu.dma_semaphore, #tpu.memory_space<semaphore_mem>>) attributes {dimension_semantics = [#tpu.dimension_semantics<core_parallel>, #tpu.dimension_semantics<subcore_parallel>], iteration_bounds = array<i64: 2, 16>, scalar_prefetch = 0 : i64, scratch_operands = 4 : i64, tpu.core_type = #tpu.core_type<sc_vector_subcore>, window_params = [{transform_indices = #map}, {transform_indices = #map}, {transform_indices = #map}]} {
    %mul3A = arith.constant 2 : i32
    %mul3A_0 = arith.muli %arg1, %mul3A : i32
    %add3A = arith.addi %mul3A_0, %arg0 : i32
    %mul3A_1 = arith.constant 25000 : i32
    %mul3A_2 = arith.muli %add3A, %mul3A_1 : i32
    %add3A_3 = arith.constant 0 : i32
    %add3A_4 = arith.addi %add3A_3, %mul3A_2 : i32
    %run_scoped3A = arith.constant 0 : i32
    "tpu.region"() ({
      %run_scoped3A_45 = tpu.sem_alloc : memref<!tpu.dma_semaphore, #tpu.memory_space<semaphore_mem>>
      %dma_start3A = tpu.memref_slice %arg3[%run_scoped3A, %add3A_4] : memref<2x1600000xi32, #tpu.memory_space<hbm>> -> memref<1x25000xi32, #tpu.memory_space<hbm>>
      %dma_start3A_46 = tpu.memref_squeeze %dma_start3A : memref<1x25000xi32, #tpu.memory_space<hbm>> -> memref<25000xi32, #tpu.memory_space<hbm>>
      %dma_start3A_47 = tpu.memref_slice %arg3[%run_scoped3A, %add3A_4] : memref<2x1600000xi32, #tpu.memory_space<hbm>> -> memref<1x25000xi32, #tpu.memory_space<hbm>>
      %dma_start3A_48 = tpu.memref_squeeze %dma_start3A_47 : memref<1x25000xi32, #tpu.memory_space<hbm>> -> memref<25000xi32, #tpu.memory_space<hbm>>
      tpu.enqueue_dma source(%dma_start3A_48 : memref<25000xi32, #tpu.memory_space<hbm>>) target(%arg5 : memref<25000xi32, #tpu.memory_space<vmem>>) target_semaphore(%run_scoped3A_45 : memref<!tpu.dma_semaphore, #tpu.memory_space<semaphore_mem>>)
      %dma_wait3A_49 = tpu.memref_slice %arg3[%run_scoped3A, %add3A_4] : memref<2x1600000xi32, #tpu.memory_space<hbm>> -> memref<1x25000xi32, #tpu.memory_space<hbm>>
      %dma_wait3A_50 = tpu.memref_squeeze %dma_wait3A_49 : memref<1x25000xi32, #tpu.memory_space<hbm>> -> memref<25000xi32, #tpu.memory_space<hbm>>
      %dma_wait3A_51 = tpu.memref_slice %arg3[%run_scoped3A, %add3A_4] : memref<2x1600000xi32, #tpu.memory_space<hbm>> -> memref<1x25000xi32, #tpu.memory_space<hbm>>
      %dma_wait3A_52 = tpu.memref_squeeze %dma_wait3A_51 : memref<1x25000xi32, #tpu.memory_space<hbm>> -> memref<25000xi32, #tpu.memory_space<hbm>>
      tpu.wait_dma2 semaphore(%run_scoped3A_45 : memref<!tpu.dma_semaphore, #tpu.memory_space<semaphore_mem>>) src(%dma_wait3A_52 : memref<25000xi32, #tpu.memory_space<hbm>>) dst(%arg5 : memref<25000xi32, #tpu.memory_space<vmem>>)
      tpu.yield
    }) : () -> ()
    %scan3A = arith.constant 0 : i32
    %scan3A_5 = arith.constant 0 : i32
    %scan3A_6 = arith.constant 25 : i32
    %scan3A_7 = arith.addi %scan3A_5, %scan3A_6 : i32
    %scan3A_8 = arith.constant 1 : i32
    scf.for %scan3A_45 = %scan3A_5 to %scan3A_7 step %scan3A_8  : i32 {
      %rem3A = arith.constant 2 : i32
      %rem3A_46 = arith.remsi %scan3A_45, %rem3A : i32
      %mul3A_47 = arith.constant 1000 : i32
      %mul3A_48 = arith.muli %scan3A_45, %mul3A_47 : i32
      %add3A_49 = arith.addi %mul3A_2, %mul3A_48 : i32
      %ge3A = arith.constant 2 : i32
      %ge3A_50 = arith.cmpi sge, %scan3A_45, %ge3A : i32
      %convert_element_type3A = arith.extui %ge3A_50 : i1 to i32
      %cond3A = arith.constant 0 : i32
      %cond3A_51 = arith.cmpi ne, %convert_element_type3A, %cond3A : i32
      scf.if %cond3A_51 {
        %sub3A = arith.constant 2 : i32
        %sub3A_83 = arith.subi %scan3A_45, %sub3A : i32
        %mul3A_84 = arith.constant 1000 : i32
        %mul3A_85 = arith.muli %sub3A_83, %mul3A_84 : i32
        %add3A_86 = arith.addi %mul3A_2, %mul3A_85 : i32
        %dma_wait3A_87 = arith.constant 0 : i32
        %dma_wait3A_88 = arith.constant 0 : i32
        %dma_wait3A_89 = tpu.memref_slice %arg6[%rem3A_46, %dma_wait3A_87, %dma_wait3A_88] : memref<2x1000x32xf32, #tpu.memory_space<vmem>> -> memref<1x1000x32xf32, #tpu.memory_space<vmem>>
        %dma_wait3A_90 = tpu.memref_squeeze %dma_wait3A_89 : memref<1x1000x32xf32, #tpu.memory_space<vmem>> -> memref<1000x32xf32, #tpu.memory_space<vmem>>
        %dma_wait3A_91 = arith.constant 0 : i32
        %dma_wait3A_92 = tpu.memref_slice %arg4[%add3A_86, %dma_wait3A_91] : memref<800000x32xf32, #tpu.memory_space<hbm>> -> memref<1000x32xf32, #tpu.memory_space<hbm>>
        %dma_wait3A_93 = tpu.memref_slice %arg8[%rem3A_46] : memref<2x!tpu.dma_semaphore, #tpu.memory_space<semaphore_mem>> -> memref<1x!tpu.dma_semaphore, #tpu.memory_space<semaphore_mem>>
        %dma_wait3A_94 = tpu.memref_squeeze %dma_wait3A_93 : memref<1x!tpu.dma_semaphore, #tpu.memory_space<semaphore_mem>> -> memref<!tpu.dma_semaphore, #tpu.memory_space<semaphore_mem>>
        %dma_wait3A_95 = arith.constant 0 : i32
        %dma_wait3A_96 = tpu.memref_slice %arg4[%add3A_86, %dma_wait3A_95] : memref<800000x32xf32, #tpu.memory_space<hbm>> -> memref<1000x32xf32, #tpu.memory_space<hbm>>
        %dma_wait3A_97 = arith.constant 0 : i32
        %dma_wait3A_98 = arith.constant 0 : i32
        %dma_wait3A_99 = tpu.memref_slice %arg6[%rem3A_46, %dma_wait3A_97, %dma_wait3A_98] : memref<2x1000x32xf32, #tpu.memory_space<vmem>> -> memref<1x1000x32xf32, #tpu.memory_space<vmem>>
        %dma_wait3A_100 = tpu.memref_squeeze %dma_wait3A_99 : memref<1x1000x32xf32, #tpu.memory_space<vmem>> -> memref<1000x32xf32, #tpu.memory_space<vmem>>
        tpu.wait_dma2 semaphore(%dma_wait3A_94 : memref<!tpu.dma_semaphore, #tpu.memory_space<semaphore_mem>>) src(%dma_wait3A_100 : memref<1000x32xf32, #tpu.memory_space<vmem>>) dst(%dma_wait3A_96 : memref<1000x32xf32, #tpu.memory_space<hbm>>)
      } else {
      }
      %mul3A_52 = arith.constant 1000 : i32
      %mul3A_53 = arith.muli %scan3A_45, %mul3A_52 : i32
      %dma_start3A = arith.constant 0 : i32
      %dma_start3A_54 = arith.constant 0 : i32
      %dma_start3A_55 = tpu.memref_slice %arg6[%rem3A_46, %dma_start3A, %dma_start3A_54] : memref<2x1000x32xf32, #tpu.memory_space<vmem>> -> memref<1x1000x32xf32, #tpu.memory_space<vmem>>
      %dma_start3A_56 = tpu.memref_squeeze %dma_start3A_55 : memref<1x1000x32xf32, #tpu.memory_space<vmem>> -> memref<1000x32xf32, #tpu.memory_space<vmem>>
      %dma_start3A_57 = tpu.memref_slice %arg5[%mul3A_53] : memref<25000xi32, #tpu.memory_space<vmem>> -> memref<1000xi32, #tpu.memory_space<vmem>>
      %dma_start3A_58 = arith.constant 0 : i32
      %dma_start3A_59 = arith.constant 0 : i32
      %dma_start3A_60 = tpu.memref_slice %arg2[%dma_start3A_58, %dma_start3A_59] : memref<100000x32xf32, #tpu.memory_space<hbm>> -> memref<100000x32xf32, #tpu.memory_space<hbm>>
      tpu.enqueue_indirect_dma source(%dma_start3A_60 : memref<100000x32xf32, #tpu.memory_space<hbm>>) target(%dma_start3A_56 : memref<1000x32xf32, #tpu.memory_space<vmem>>) offsets(%dma_start3A_57 : memref<1000xi32, #tpu.memory_space<vmem>>) semaphore(%arg7 : memref<!tpu.dma_semaphore, #tpu.memory_space<semaphore_mem>>)
      %dma_wait3A_61 = arith.constant 0 : i32
      %dma_wait3A_62 = arith.constant 0 : i32
      %dma_wait3A_63 = tpu.memref_slice %arg6[%rem3A_46, %dma_wait3A_61, %dma_wait3A_62] : memref<2x1000x32xf32, #tpu.memory_space<vmem>> -> memref<1x1000x32xf32, #tpu.memory_space<vmem>>
      %dma_wait3A_64 = tpu.memref_squeeze %dma_wait3A_63 : memref<1x1000x32xf32, #tpu.memory_space<vmem>> -> memref<1000x32xf32, #tpu.memory_space<vmem>>
      %dma_wait3A_65 = tpu.memref_slice %arg5[%mul3A_53] : memref<25000xi32, #tpu.memory_space<vmem>> -> memref<1000xi32, #tpu.memory_space<vmem>>
      %dma_wait3A_66 = arith.constant 0 : i32
      %dma_wait3A_67 = arith.constant 0 : i32
      %dma_wait3A_68 = tpu.memref_slice %arg2[%dma_wait3A_66, %dma_wait3A_67] : memref<100000x32xf32, #tpu.memory_space<hbm>> -> memref<100000x32xf32, #tpu.memory_space<hbm>>
      tpu.wait_indirect_dma semaphore(%arg7 : memref<!tpu.dma_semaphore, #tpu.memory_space<semaphore_mem>>) src(%dma_wait3A_68 : memref<100000x32xf32, #tpu.memory_space<hbm>>) dst(%dma_wait3A_64 : memref<1000x32xf32, #tpu.memory_space<vmem>>)
      %dma_start3A_69 = arith.constant 0 : i32
      %dma_start3A_70 = arith.constant 0 : i32
      %dma_start3A_71 = tpu.memref_slice %arg6[%rem3A_46, %dma_start3A_69, %dma_start3A_70] : memref<2x1000x32xf32, #tpu.memory_space<vmem>> -> memref<1x1000x32xf32, #tpu.memory_space<vmem>>
      %dma_start3A_72 = tpu.memref_squeeze %dma_start3A_71 : memref<1x1000x32xf32, #tpu.memory_space<vmem>> -> memref<1000x32xf32, #tpu.memory_space<vmem>>
      %dma_start3A_73 = arith.constant 0 : i32
      %dma_start3A_74 = tpu.memref_slice %arg4[%add3A_49, %dma_start3A_73] : memref<800000x32xf32, #tpu.memory_space<hbm>> -> memref<1000x32xf32, #tpu.memory_space<hbm>>
      %dma_start3A_75 = tpu.memref_slice %arg8[%rem3A_46] : memref<2x!tpu.dma_semaphore, #tpu.memory_space<semaphore_mem>> -> memref<1x!tpu.dma_semaphore, #tpu.memory_space<semaphore_mem>>
      %dma_start3A_76 = tpu.memref_squeeze %dma_start3A_75 : memref<1x!tpu.dma_semaphore, #tpu.memory_space<semaphore_mem>> -> memref<!tpu.dma_semaphore, #tpu.memory_space<semaphore_mem>>
      %dma_start3A_77 = arith.constant 0 : i32
      %dma_start3A_78 = tpu.memref_slice %arg4[%add3A_49, %dma_start3A_77] : memref<800000x32xf32, #tpu.memory_space<hbm>> -> memref<1000x32xf32, #tpu.memory_space<hbm>>
      %dma_start3A_79 = arith.constant 0 : i32
      %dma_start3A_80 = arith.constant 0 : i32
      %dma_start3A_81 = tpu.memref_slice %arg6[%rem3A_46, %dma_start3A_79, %dma_start3A_80] : memref<2x1000x32xf32, #tpu.memory_space<vmem>> -> memref<1x1000x32xf32, #tpu.memory_space<vmem>>
      %dma_start3A_82 = tpu.memref_squeeze %dma_start3A_81 : memref<1x1000x32xf32, #tpu.memory_space<vmem>> -> memref<1000x32xf32, #tpu.memory_space<vmem>>
      tpu.enqueue_dma source(%dma_start3A_82 : memref<1000x32xf32, #tpu.memory_space<vmem>>) target(%dma_start3A_78 : memref<1000x32xf32, #tpu.memory_space<hbm>>) target_semaphore(%dma_start3A_76 : memref<!tpu.dma_semaphore, #tpu.memory_space<semaphore_mem>>)
    }
    %scan3A_9 = arith.constant 25 : i32
    %add3A_10 = arith.constant 23000 : i32
    %add3A_11 = arith.addi %mul3A_2, %add3A_10 : i32
    %dma_wait3A = arith.constant 0 : i32
    %dma_wait3A_12 = arith.constant 0 : i32
    %dma_wait3A_13 = arith.constant 0 : i32
    %dma_wait3A_14 = arith.constant 0 : i32
    %dma_wait3A_15 = tpu.memref_slice %arg6[%dma_wait3A, %dma_wait3A_13, %dma_wait3A_14] : memref<2x1000x32xf32, #tpu.memory_space<vmem>> -> memref<1x1000x32xf32, #tpu.memory_space<vmem>>
    %dma_wait3A_16 = tpu.memref_squeeze %dma_wait3A_15 : memref<1x1000x32xf32, #tpu.memory_space<vmem>> -> memref<1000x32xf32, #tpu.memory_space<vmem>>
    %dma_wait3A_17 = arith.constant 0 : i32
    %dma_wait3A_18 = tpu.memref_slice %arg4[%add3A_11, %dma_wait3A_17] : memref<800000x32xf32, #tpu.memory_space<hbm>> -> memref<1000x32xf32, #tpu.memory_space<hbm>>
    %dma_wait3A_19 = tpu.memref_slice %arg8[%dma_wait3A_12] : memref<2x!tpu.dma_semaphore, #tpu.memory_space<semaphore_mem>> -> memref<1x!tpu.dma_semaphore, #tpu.memory_space<semaphore_mem>>
    %dma_wait3A_20 = tpu.memref_squeeze %dma_wait3A_19 : memref<1x!tpu.dma_semaphore, #tpu.memory_space<semaphore_mem>> -> memref<!tpu.dma_semaphore, #tpu.memory_space<semaphore_mem>>
    %dma_wait3A_21 = arith.constant 0 : i32
    %dma_wait3A_22 = tpu.memref_slice %arg4[%add3A_11, %dma_wait3A_21] : memref<800000x32xf32, #tpu.memory_space<hbm>> -> memref<1000x32xf32, #tpu.memory_space<hbm>>
    %dma_wait3A_23 = arith.constant 0 : i32
    %dma_wait3A_24 = arith.constant 0 : i32
    %dma_wait3A_25 = tpu.memref_slice %arg6[%dma_wait3A, %dma_wait3A_23, %dma_wait3A_24] : memref<2x1000x32xf32, #tpu.memory_space<vmem>> -> memref<1x1000x32xf32, #tpu.memory_space<vmem>>
    %dma_wait3A_26 = tpu.memref_squeeze %dma_wait3A_25 : memref<1x1000x32xf32, #tpu.memory_space<vmem>> -> memref<1000x32xf32, #tpu.memory_space<vmem>>
    tpu.wait_dma2 semaphore(%dma_wait3A_20 : memref<!tpu.dma_semaphore, #tpu.memory_space<semaphore_mem>>) src(%dma_wait3A_26 : memref<1000x32xf32, #tpu.memory_space<vmem>>) dst(%dma_wait3A_22 : memref<1000x32xf32, #tpu.memory_space<hbm>>)
    %add3A_27 = arith.constant 24000 : i32
    %add3A_28 = arith.addi %mul3A_2, %add3A_27 : i32
    %dma_wait3A_29 = arith.constant 1 : i32
    %dma_wait3A_30 = arith.constant 1 : i32
    %dma_wait3A_31 = arith.constant 0 : i32
    %dma_wait3A_32 = arith.constant 0 : i32
    %dma_wait3A_33 = tpu.memref_slice %arg6[%dma_wait3A_29, %dma_wait3A_31, %dma_wait3A_32] : memref<2x1000x32xf32, #tpu.memory_space<vmem>> -> memref<1x1000x32xf32, #tpu.memory_space<vmem>>
    %dma_wait3A_34 = tpu.memref_squeeze %dma_wait3A_33 : memref<1x1000x32xf32, #tpu.memory_space<vmem>> -> memref<1000x32xf32, #tpu.memory_space<vmem>>
    %dma_wait3A_35 = arith.constant 0 : i32
    %dma_wait3A_36 = tpu.memref_slice %arg4[%add3A_28, %dma_wait3A_35] : memref<800000x32xf32, #tpu.memory_space<hbm>> -> memref<1000x32xf32, #tpu.memory_space<hbm>>
    %dma_wait3A_37 = tpu.memref_slice %arg8[%dma_wait3A_30] : memref<2x!tpu.dma_semaphore, #tpu.memory_space<semaphore_mem>> -> memref<1x!tpu.dma_semaphore, #tpu.memory_space<semaphore_mem>>
    %dma_wait3A_38 = tpu.memref_squeeze %dma_wait3A_37 : memref<1x!tpu.dma_semaphore, #tpu.memory_space<semaphore_mem>> -> memref<!tpu.dma_semaphore, #tpu.memory_space<semaphore_mem>>
    %dma_wait3A_39 = arith.constant 0 : i32
    %dma_wait3A_40 = tpu.memref_slice %arg4[%add3A_28, %dma_wait3A_39] : memref<800000x32xf32, #tpu.memory_space<hbm>> -> memref<1000x32xf32, #tpu.memory_space<hbm>>
    %dma_wait3A_41 = arith.constant 0 : i32
    %dma_wait3A_42 = arith.constant 0 : i32
    %dma_wait3A_43 = tpu.memref_slice %arg6[%dma_wait3A_29, %dma_wait3A_41, %dma_wait3A_42] : memref<2x1000x32xf32, #tpu.memory_space<vmem>> -> memref<1x1000x32xf32, #tpu.memory_space<vmem>>
    %dma_wait3A_44 = tpu.memref_squeeze %dma_wait3A_43 : memref<1x1000x32xf32, #tpu.memory_space<vmem>> -> memref<1000x32xf32, #tpu.memory_space<vmem>>
    tpu.wait_dma2 semaphore(%dma_wait3A_38 : memref<!tpu.dma_semaphore, #tpu.memory_space<semaphore_mem>>) src(%dma_wait3A_44 : memref<1000x32xf32, #tpu.memory_space<vmem>>) dst(%dma_wait3A_40 : memref<1000x32xf32, #tpu.memory_space<hbm>>)
    return
  }
}

#map = affine_map<(d0, d1) -> (0, 0)>
module attributes {stable_mosaic.version = 14 : i64} {
  func.func @k(%arg0: i32, %arg1: i32, %arg2: memref<100000x32xf32, #tpu.memory_space<hbm>>, %arg3: memref<2x1600000xi32, #tpu.memory_space<hbm>>, %arg4: memref<800000x32xf32, #tpu.memory_space<hbm>>, %arg5: memref<25000xi32, #tpu.memory_space<vmem>>, %arg6: memref<2x1000x32xf32, #tpu.memory_space<vmem>>, %arg7: memref<!tpu.dma_semaphore, #tpu.memory_space<semaphore_mem>>, %arg8: memref<2x!tpu.dma_semaphore, #tpu.memory_space<semaphore_mem>>) attributes {dimension_semantics = [#tpu.dimension_semantics<core_parallel>, #tpu.dimension_semantics<subcore_parallel>], iteration_bounds = array<i64: 2, 16>, scalar_prefetch = 0 : i64, scratch_operands = 4 : i64, tpu.core_type = #tpu.core_type<sc_vector_subcore>, window_params = [{transform_indices = #map}, {transform_indices = #map}, {transform_indices = #map}]} {
    %mul3A = arith.constant 2 : i32
    %mul3A_0 = arith.muli %arg1, %mul3A : i32
    %add3A = arith.addi %mul3A_0, %arg0 : i32
    %mul3A_1 = arith.constant 25000 : i32
    %mul3A_2 = arith.muli %add3A, %mul3A_1 : i32
    %add3A_3 = arith.constant 800000 : i32
    %add3A_4 = arith.addi %add3A_3, %mul3A_2 : i32
    %run_scoped3A = arith.constant 0 : i32
    "tpu.region"() ({
      %run_scoped3A_45 = tpu.sem_alloc : memref<!tpu.dma_semaphore, #tpu.memory_space<semaphore_mem>>
      %dma_start3A = tpu.memref_slice %arg3[%run_scoped3A, %add3A_4] : memref<2x1600000xi32, #tpu.memory_space<hbm>> -> memref<1x25000xi32, #tpu.memory_space<hbm>>
      %dma_start3A_46 = tpu.memref_squeeze %dma_start3A : memref<1x25000xi32, #tpu.memory_space<hbm>> -> memref<25000xi32, #tpu.memory_space<hbm>>
      %dma_start3A_47 = tpu.memref_slice %arg3[%run_scoped3A, %add3A_4] : memref<2x1600000xi32, #tpu.memory_space<hbm>> -> memref<1x25000xi32, #tpu.memory_space<hbm>>
      %dma_start3A_48 = tpu.memref_squeeze %dma_start3A_47 : memref<1x25000xi32, #tpu.memory_space<hbm>> -> memref<25000xi32, #tpu.memory_space<hbm>>
      tpu.enqueue_dma source(%dma_start3A_48 : memref<25000xi32, #tpu.memory_space<hbm>>) target(%arg5 : memref<25000xi32, #tpu.memory_space<vmem>>) target_semaphore(%run_scoped3A_45 : memref<!tpu.dma_semaphore, #tpu.memory_space<semaphore_mem>>)
      %dma_wait3A_49 = tpu.memref_slice %arg3[%run_scoped3A, %add3A_4] : memref<2x1600000xi32, #tpu.memory_space<hbm>> -> memref<1x25000xi32, #tpu.memory_space<hbm>>
      %dma_wait3A_50 = tpu.memref_squeeze %dma_wait3A_49 : memref<1x25000xi32, #tpu.memory_space<hbm>> -> memref<25000xi32, #tpu.memory_space<hbm>>
      %dma_wait3A_51 = tpu.memref_slice %arg3[%run_scoped3A, %add3A_4] : memref<2x1600000xi32, #tpu.memory_space<hbm>> -> memref<1x25000xi32, #tpu.memory_space<hbm>>
      %dma_wait3A_52 = tpu.memref_squeeze %dma_wait3A_51 : memref<1x25000xi32, #tpu.memory_space<hbm>> -> memref<25000xi32, #tpu.memory_space<hbm>>
      tpu.wait_dma2 semaphore(%run_scoped3A_45 : memref<!tpu.dma_semaphore, #tpu.memory_space<semaphore_mem>>) src(%dma_wait3A_52 : memref<25000xi32, #tpu.memory_space<hbm>>) dst(%arg5 : memref<25000xi32, #tpu.memory_space<vmem>>)
      tpu.yield
    }) : () -> ()
    %scan3A = arith.constant 0 : i32
    %scan3A_5 = arith.constant 0 : i32
    %scan3A_6 = arith.constant 25 : i32
    %scan3A_7 = arith.addi %scan3A_5, %scan3A_6 : i32
    %scan3A_8 = arith.constant 1 : i32
    scf.for %scan3A_45 = %scan3A_5 to %scan3A_7 step %scan3A_8  : i32 {
      %rem3A = arith.constant 2 : i32
      %rem3A_46 = arith.remsi %scan3A_45, %rem3A : i32
      %mul3A_47 = arith.constant 1000 : i32
      %mul3A_48 = arith.muli %scan3A_45, %mul3A_47 : i32
      %add3A_49 = arith.addi %mul3A_2, %mul3A_48 : i32
      %ge3A = arith.constant 2 : i32
      %ge3A_50 = arith.cmpi sge, %scan3A_45, %ge3A : i32
      %convert_element_type3A = arith.extui %ge3A_50 : i1 to i32
      %cond3A = arith.constant 0 : i32
      %cond3A_51 = arith.cmpi ne, %convert_element_type3A, %cond3A : i32
      scf.if %cond3A_51 {
        %sub3A = arith.constant 2 : i32
        %sub3A_83 = arith.subi %scan3A_45, %sub3A : i32
        %mul3A_84 = arith.constant 1000 : i32
        %mul3A_85 = arith.muli %sub3A_83, %mul3A_84 : i32
        %add3A_86 = arith.addi %mul3A_2, %mul3A_85 : i32
        %dma_wait3A_87 = arith.constant 0 : i32
        %dma_wait3A_88 = arith.constant 0 : i32
        %dma_wait3A_89 = tpu.memref_slice %arg6[%rem3A_46, %dma_wait3A_87, %dma_wait3A_88] : memref<2x1000x32xf32, #tpu.memory_space<vmem>> -> memref<1x1000x32xf32, #tpu.memory_space<vmem>>
        %dma_wait3A_90 = tpu.memref_squeeze %dma_wait3A_89 : memref<1x1000x32xf32, #tpu.memory_space<vmem>> -> memref<1000x32xf32, #tpu.memory_space<vmem>>
        %dma_wait3A_91 = arith.constant 0 : i32
        %dma_wait3A_92 = tpu.memref_slice %arg4[%add3A_86, %dma_wait3A_91] : memref<800000x32xf32, #tpu.memory_space<hbm>> -> memref<1000x32xf32, #tpu.memory_space<hbm>>
        %dma_wait3A_93 = tpu.memref_slice %arg8[%rem3A_46] : memref<2x!tpu.dma_semaphore, #tpu.memory_space<semaphore_mem>> -> memref<1x!tpu.dma_semaphore, #tpu.memory_space<semaphore_mem>>
        %dma_wait3A_94 = tpu.memref_squeeze %dma_wait3A_93 : memref<1x!tpu.dma_semaphore, #tpu.memory_space<semaphore_mem>> -> memref<!tpu.dma_semaphore, #tpu.memory_space<semaphore_mem>>
        %dma_wait3A_95 = arith.constant 0 : i32
        %dma_wait3A_96 = tpu.memref_slice %arg4[%add3A_86, %dma_wait3A_95] : memref<800000x32xf32, #tpu.memory_space<hbm>> -> memref<1000x32xf32, #tpu.memory_space<hbm>>
        %dma_wait3A_97 = arith.constant 0 : i32
        %dma_wait3A_98 = arith.constant 0 : i32
        %dma_wait3A_99 = tpu.memref_slice %arg6[%rem3A_46, %dma_wait3A_97, %dma_wait3A_98] : memref<2x1000x32xf32, #tpu.memory_space<vmem>> -> memref<1x1000x32xf32, #tpu.memory_space<vmem>>
        %dma_wait3A_100 = tpu.memref_squeeze %dma_wait3A_99 : memref<1x1000x32xf32, #tpu.memory_space<vmem>> -> memref<1000x32xf32, #tpu.memory_space<vmem>>
        tpu.wait_dma2 semaphore(%dma_wait3A_94 : memref<!tpu.dma_semaphore, #tpu.memory_space<semaphore_mem>>) src(%dma_wait3A_100 : memref<1000x32xf32, #tpu.memory_space<vmem>>) dst(%dma_wait3A_96 : memref<1000x32xf32, #tpu.memory_space<hbm>>)
      } else {
      }
      %mul3A_52 = arith.constant 1000 : i32
      %mul3A_53 = arith.muli %scan3A_45, %mul3A_52 : i32
      %dma_start3A = arith.constant 0 : i32
      %dma_start3A_54 = arith.constant 0 : i32
      %dma_start3A_55 = tpu.memref_slice %arg6[%rem3A_46, %dma_start3A, %dma_start3A_54] : memref<2x1000x32xf32, #tpu.memory_space<vmem>> -> memref<1x1000x32xf32, #tpu.memory_space<vmem>>
      %dma_start3A_56 = tpu.memref_squeeze %dma_start3A_55 : memref<1x1000x32xf32, #tpu.memory_space<vmem>> -> memref<1000x32xf32, #tpu.memory_space<vmem>>
      %dma_start3A_57 = tpu.memref_slice %arg5[%mul3A_53] : memref<25000xi32, #tpu.memory_space<vmem>> -> memref<1000xi32, #tpu.memory_space<vmem>>
      %dma_start3A_58 = arith.constant 0 : i32
      %dma_start3A_59 = arith.constant 0 : i32
      %dma_start3A_60 = tpu.memref_slice %arg2[%dma_start3A_58, %dma_start3A_59] : memref<100000x32xf32, #tpu.memory_space<hbm>> -> memref<100000x32xf32, #tpu.memory_space<hbm>>
      tpu.enqueue_indirect_dma source(%dma_start3A_60 : memref<100000x32xf32, #tpu.memory_space<hbm>>) target(%dma_start3A_56 : memref<1000x32xf32, #tpu.memory_space<vmem>>) offsets(%dma_start3A_57 : memref<1000xi32, #tpu.memory_space<vmem>>) semaphore(%arg7 : memref<!tpu.dma_semaphore, #tpu.memory_space<semaphore_mem>>)
      %dma_wait3A_61 = arith.constant 0 : i32
      %dma_wait3A_62 = arith.constant 0 : i32
      %dma_wait3A_63 = tpu.memref_slice %arg6[%rem3A_46, %dma_wait3A_61, %dma_wait3A_62] : memref<2x1000x32xf32, #tpu.memory_space<vmem>> -> memref<1x1000x32xf32, #tpu.memory_space<vmem>>
      %dma_wait3A_64 = tpu.memref_squeeze %dma_wait3A_63 : memref<1x1000x32xf32, #tpu.memory_space<vmem>> -> memref<1000x32xf32, #tpu.memory_space<vmem>>
      %dma_wait3A_65 = tpu.memref_slice %arg5[%mul3A_53] : memref<25000xi32, #tpu.memory_space<vmem>> -> memref<1000xi32, #tpu.memory_space<vmem>>
      %dma_wait3A_66 = arith.constant 0 : i32
      %dma_wait3A_67 = arith.constant 0 : i32
      %dma_wait3A_68 = tpu.memref_slice %arg2[%dma_wait3A_66, %dma_wait3A_67] : memref<100000x32xf32, #tpu.memory_space<hbm>> -> memref<100000x32xf32, #tpu.memory_space<hbm>>
      tpu.wait_indirect_dma semaphore(%arg7 : memref<!tpu.dma_semaphore, #tpu.memory_space<semaphore_mem>>) src(%dma_wait3A_68 : memref<100000x32xf32, #tpu.memory_space<hbm>>) dst(%dma_wait3A_64 : memref<1000x32xf32, #tpu.memory_space<vmem>>)
      %dma_start3A_69 = arith.constant 0 : i32
      %dma_start3A_70 = arith.constant 0 : i32
      %dma_start3A_71 = tpu.memref_slice %arg6[%rem3A_46, %dma_start3A_69, %dma_start3A_70] : memref<2x1000x32xf32, #tpu.memory_space<vmem>> -> memref<1x1000x32xf32, #tpu.memory_space<vmem>>
      %dma_start3A_72 = tpu.memref_squeeze %dma_start3A_71 : memref<1x1000x32xf32, #tpu.memory_space<vmem>> -> memref<1000x32xf32, #tpu.memory_space<vmem>>
      %dma_start3A_73 = arith.constant 0 : i32
      %dma_start3A_74 = tpu.memref_slice %arg4[%add3A_49, %dma_start3A_73] : memref<800000x32xf32, #tpu.memory_space<hbm>> -> memref<1000x32xf32, #tpu.memory_space<hbm>>
      %dma_start3A_75 = tpu.memref_slice %arg8[%rem3A_46] : memref<2x!tpu.dma_semaphore, #tpu.memory_space<semaphore_mem>> -> memref<1x!tpu.dma_semaphore, #tpu.memory_space<semaphore_mem>>
      %dma_start3A_76 = tpu.memref_squeeze %dma_start3A_75 : memref<1x!tpu.dma_semaphore, #tpu.memory_space<semaphore_mem>> -> memref<!tpu.dma_semaphore, #tpu.memory_space<semaphore_mem>>
      %dma_start3A_77 = arith.constant 0 : i32
      %dma_start3A_78 = tpu.memref_slice %arg4[%add3A_49, %dma_start3A_77] : memref<800000x32xf32, #tpu.memory_space<hbm>> -> memref<1000x32xf32, #tpu.memory_space<hbm>>
      %dma_start3A_79 = arith.constant 0 : i32
      %dma_start3A_80 = arith.constant 0 : i32
      %dma_start3A_81 = tpu.memref_slice %arg6[%rem3A_46, %dma_start3A_79, %dma_start3A_80] : memref<2x1000x32xf32, #tpu.memory_space<vmem>> -> memref<1x1000x32xf32, #tpu.memory_space<vmem>>
      %dma_start3A_82 = tpu.memref_squeeze %dma_start3A_81 : memref<1x1000x32xf32, #tpu.memory_space<vmem>> -> memref<1000x32xf32, #tpu.memory_space<vmem>>
      tpu.enqueue_dma source(%dma_start3A_82 : memref<1000x32xf32, #tpu.memory_space<vmem>>) target(%dma_start3A_78 : memref<1000x32xf32, #tpu.memory_space<hbm>>) target_semaphore(%dma_start3A_76 : memref<!tpu.dma_semaphore, #tpu.memory_space<semaphore_mem>>)
    }
    %scan3A_9 = arith.constant 25 : i32
    %add3A_10 = arith.constant 23000 : i32
    %add3A_11 = arith.addi %mul3A_2, %add3A_10 : i32
    %dma_wait3A = arith.constant 0 : i32
    %dma_wait3A_12 = arith.constant 0 : i32
    %dma_wait3A_13 = arith.constant 0 : i32
    %dma_wait3A_14 = arith.constant 0 : i32
    %dma_wait3A_15 = tpu.memref_slice %arg6[%dma_wait3A, %dma_wait3A_13, %dma_wait3A_14] : memref<2x1000x32xf32, #tpu.memory_space<vmem>> -> memref<1x1000x32xf32, #tpu.memory_space<vmem>>
    %dma_wait3A_16 = tpu.memref_squeeze %dma_wait3A_15 : memref<1x1000x32xf32, #tpu.memory_space<vmem>> -> memref<1000x32xf32, #tpu.memory_space<vmem>>
    %dma_wait3A_17 = arith.constant 0 : i32
    %dma_wait3A_18 = tpu.memref_slice %arg4[%add3A_11, %dma_wait3A_17] : memref<800000x32xf32, #tpu.memory_space<hbm>> -> memref<1000x32xf32, #tpu.memory_space<hbm>>
    %dma_wait3A_19 = tpu.memref_slice %arg8[%dma_wait3A_12] : memref<2x!tpu.dma_semaphore, #tpu.memory_space<semaphore_mem>> -> memref<1x!tpu.dma_semaphore, #tpu.memory_space<semaphore_mem>>
    %dma_wait3A_20 = tpu.memref_squeeze %dma_wait3A_19 : memref<1x!tpu.dma_semaphore, #tpu.memory_space<semaphore_mem>> -> memref<!tpu.dma_semaphore, #tpu.memory_space<semaphore_mem>>
    %dma_wait3A_21 = arith.constant 0 : i32
    %dma_wait3A_22 = tpu.memref_slice %arg4[%add3A_11, %dma_wait3A_21] : memref<800000x32xf32, #tpu.memory_space<hbm>> -> memref<1000x32xf32, #tpu.memory_space<hbm>>
    %dma_wait3A_23 = arith.constant 0 : i32
    %dma_wait3A_24 = arith.constant 0 : i32
    %dma_wait3A_25 = tpu.memref_slice %arg6[%dma_wait3A, %dma_wait3A_23, %dma_wait3A_24] : memref<2x1000x32xf32, #tpu.memory_space<vmem>> -> memref<1x1000x32xf32, #tpu.memory_space<vmem>>
    %dma_wait3A_26 = tpu.memref_squeeze %dma_wait3A_25 : memref<1x1000x32xf32, #tpu.memory_space<vmem>> -> memref<1000x32xf32, #tpu.memory_space<vmem>>
    tpu.wait_dma2 semaphore(%dma_wait3A_20 : memref<!tpu.dma_semaphore, #tpu.memory_space<semaphore_mem>>) src(%dma_wait3A_26 : memref<1000x32xf32, #tpu.memory_space<vmem>>) dst(%dma_wait3A_22 : memref<1000x32xf32, #tpu.memory_space<hbm>>)
    %add3A_27 = arith.constant 24000 : i32
    %add3A_28 = arith.addi %mul3A_2, %add3A_27 : i32
    %dma_wait3A_29 = arith.constant 1 : i32
    %dma_wait3A_30 = arith.constant 1 : i32
    %dma_wait3A_31 = arith.constant 0 : i32
    %dma_wait3A_32 = arith.constant 0 : i32
    %dma_wait3A_33 = tpu.memref_slice %arg6[%dma_wait3A_29, %dma_wait3A_31, %dma_wait3A_32] : memref<2x1000x32xf32, #tpu.memory_space<vmem>> -> memref<1x1000x32xf32, #tpu.memory_space<vmem>>
    %dma_wait3A_34 = tpu.memref_squeeze %dma_wait3A_33 : memref<1x1000x32xf32, #tpu.memory_space<vmem>> -> memref<1000x32xf32, #tpu.memory_space<vmem>>
    %dma_wait3A_35 = arith.constant 0 : i32
    %dma_wait3A_36 = tpu.memref_slice %arg4[%add3A_28, %dma_wait3A_35] : memref<800000x32xf32, #tpu.memory_space<hbm>> -> memref<1000x32xf32, #tpu.memory_space<hbm>>
    %dma_wait3A_37 = tpu.memref_slice %arg8[%dma_wait3A_30] : memref<2x!tpu.dma_semaphore, #tpu.memory_space<semaphore_mem>> -> memref<1x!tpu.dma_semaphore, #tpu.memory_space<semaphore_mem>>
    %dma_wait3A_38 = tpu.memref_squeeze %dma_wait3A_37 : memref<1x!tpu.dma_semaphore, #tpu.memory_space<semaphore_mem>> -> memref<!tpu.dma_semaphore, #tpu.memory_space<semaphore_mem>>
    %dma_wait3A_39 = arith.constant 0 : i32
    %dma_wait3A_40 = tpu.memref_slice %arg4[%add3A_28, %dma_wait3A_39] : memref<800000x32xf32, #tpu.memory_space<hbm>> -> memref<1000x32xf32, #tpu.memory_space<hbm>>
    %dma_wait3A_41 = arith.constant 0 : i32
    %dma_wait3A_42 = arith.constant 0 : i32
    %dma_wait3A_43 = tpu.memref_slice %arg6[%dma_wait3A_29, %dma_wait3A_41, %dma_wait3A_42] : memref<2x1000x32xf32, #tpu.memory_space<vmem>> -> memref<1x1000x32xf32, #tpu.memory_space<vmem>>
    %dma_wait3A_44 = tpu.memref_squeeze %dma_wait3A_43 : memref<1x1000x32xf32, #tpu.memory_space<vmem>> -> memref<1000x32xf32, #tpu.memory_space<vmem>>
    tpu.wait_dma2 semaphore(%dma_wait3A_38 : memref<!tpu.dma_semaphore, #tpu.memory_space<semaphore_mem>>) src(%dma_wait3A_44 : memref<1000x32xf32, #tpu.memory_space<vmem>>) dst(%dma_wait3A_40 : memref<1000x32xf32, #tpu.memory_space<hbm>>)
    return
  }
}

module attributes {stable_mosaic.version = 14 : i64} {
  func.func @body(%arg0: i32, %arg1: memref<1x1x6400xi32, #tpu.memory_space<vmem>>, %arg2: memref<1600x128xf32, #tpu.memory_space<vmem>>, %arg3: memref<27x128x128xf32, #tpu.memory_space<vmem>>, %arg4: memref<1600x128xf32, #tpu.memory_space<vmem>>) attributes {dimension_semantics = [#tpu.dimension_semantics<arbitrary>], iteration_bounds = array<i64: 125>, scalar_prefetch = 0 : i64, scratch_operands = 0 : i64, tpu.core_type = #tpu.core_type<tc>, window_params = [{transform_indices = @transform_0, window_bounds = array<i64: 1, 1, 6400>}, {transform_indices = @transform_1, window_bounds = array<i64: 1600, 128>}, {pipeline_mode = #tpu.pipeline_mode<synchronous>, transform_indices = @transform_2, window_bounds = array<i64: 27, 128, 128>}, {transform_indices = @transform_3, window_bounds = array<i64: 1600, 128>}]} {
    %get3A = arith.constant 0 : index
    %get3A_0 = arith.constant 0 : index
    %get3A_1 = arith.constant 0 : index
    %get3A_2 = vector.load %arg1[%get3A, %get3A_0, %get3A_1] : memref<1x1x6400xi32, #tpu.memory_space<vmem>>, vector<1x1x6400xi32>
    %get3A_3 = vector.shape_cast %get3A_2 : vector<1x1x6400xi32> to vector<6400xi32>
    %reduce_min3A = vector.shape_cast %get3A_3 : vector<6400xi32> to vector<1x6400xi32>
    %reduce_min3A_4 = arith.constant dense<2147483647> : vector<1xi32>
    %reduce_min3A_5 = vector.multi_reduction <minsi>, %reduce_min3A, %reduce_min3A_4 [1] : vector<1x6400xi32> to vector<1xi32>
    %reduce_min3A_6 = vector.shape_cast %reduce_min3A_5 : vector<1xi32> to vector<1x1xi32>
    %reduce_min3A_7 = vector.extract %reduce_min3A_6[0, 0] : i32 from vector<1x1xi32>
    %reduce_max3A = vector.shape_cast %get3A_3 : vector<6400xi32> to vector<1x6400xi32>
    %reduce_max3A_8 = arith.constant dense<-2147483648> : vector<1xi32>
    %reduce_max3A_9 = vector.multi_reduction <maxsi>, %reduce_max3A, %reduce_max3A_8 [1] : vector<1x6400xi32> to vector<1xi32>
    %reduce_max3A_10 = vector.shape_cast %reduce_max3A_9 : vector<1xi32> to vector<1x1xi32>
    %reduce_max3A_11 = vector.extract %reduce_max3A_10[0, 0] : i32 from vector<1x1xi32>
    %eq3A = arith.cmpi eq, %reduce_min3A_7, %reduce_max3A_11 : i32
    %convert_element_type3A = arith.extui %eq3A : i1 to i32
    %cond3A = arith.constant 0 : i32
    %cond3A_12 = arith.cmpi ne, %convert_element_type3A, %cond3A : i32
    scf.if %cond3A_12 {
      %get3A_16 = arith.index_cast %reduce_min3A_7 : i32 to index
      %get3A_17 = arith.constant 0 : index
      %get3A_18 = arith.constant 0 : index
      %get3A_19 = vector.load %arg3[%get3A_16, %get3A_17, %get3A_18] : memref<27x128x128xf32, #tpu.memory_space<vmem>>, vector<1x128x128xf32>
      %squeeze3A = vector.shape_cast %get3A_19 : vector<1x128x128xf32> to vector<128x128xf32>
      %get3A_20 = arith.constant 0 : index
      %get3A_21 = arith.constant 0 : index
      %get3A_22 = vector.load %arg2[%get3A_20, %get3A_21] : memref<1600x128xf32, #tpu.memory_space<vmem>>, vector<1600x128xf32>
      %dot_general3A = arith.constant dense<0.000000e+00> : vector<1600x128xf32>
      %dot_general3A_23 = tpu.matmul %get3A_22, %squeeze3A, %dot_general3A {dimension_numbers = #tpu.dot_dimension_numbers<[1], [0], [0], [1], [0, 0, 1, 1], [], []>, transpose_lhs_hint = false} : vector<1600x128xf32>, vector<128x128xf32>, vector<1600x128xf32> -> vector<1600x128xf32>
      %swap3A = arith.constant 0 : index
      %swap3A_24 = arith.constant 0 : index
      %swap3A_25 = vector.load %arg4[%swap3A, %swap3A_24] : memref<1600x128xf32, #tpu.memory_space<vmem>>, vector<1600x128xf32>
      tpu.vector_store %arg4[%swap3A, %swap3A_24], %dot_general3A_23 {strides = array<i32>} : memref<1600x128xf32, #tpu.memory_space<vmem>>, vector<1600x128xf32>,
    } else {
    }
    %ne3A = arith.cmpi ne, %reduce_min3A_7, %reduce_max3A_11 : i32
    %convert_element_type3A_13 = arith.extui %ne3A : i1 to i32
    %cond3A_14 = arith.constant 0 : i32
    %cond3A_15 = arith.cmpi ne, %convert_element_type3A_13, %cond3A_14 : i32
    scf.if %cond3A_15 {
      %get3A_16 = arith.constant 0 : index
      %get3A_17 = arith.constant 0 : index
      %get3A_18 = vector.load %arg2[%get3A_16, %get3A_17] : memref<1600x128xf32, #tpu.memory_space<vmem>>, vector<1600x128xf32>
      %iota3A = tpu.iota {dimensions = array<i32: 0>} : vector<1600x128xi32>
      %mul3A = arith.constant 4 : i32
      %mul3A_19 = vector.broadcast %mul3A : i32 to vector<1600x128xi32>
      %mul3A_20 = arith.muli %mul3A_19, %iota3A : vector<1600x128xi32>
      %iota3A_21 = tpu.iota {dimensions = array<i32: 1>} : vector<1600x128xi32>
      %jit3A = arith.constant 32 : i32
      %div3A = vector.broadcast %jit3A : i32 to vector<1600x128xi32>
      %div3A_22 = arith.divsi %iota3A_21, %div3A : vector<1600x128xi32>
      %sign3A = arith.constant 0 : i32
      %sign3A_23 = vector.broadcast %sign3A : i32 to vector<1600x128xi32>
      %sign3A_24 = arith.cmpi sgt, %iota3A_21, %sign3A_23 : vector<1600x128xi32>
      %sign3A_25 = arith.extui %sign3A_24 : vector<1600x128xi1> to vector<1600x128xi32>
      %sign3A_26 = arith.constant 0 : i32
      %sign3A_27 = vector.broadcast %sign3A_26 : i32 to vector<1600x128xi32>
      %sign3A_28 = arith.cmpi slt, %iota3A_21, %sign3A_27 : vector<1600x128xi32>
      %sign3A_29 = arith.extui %sign3A_28 : vector<1600x128xi1> to vector<1600x128xi32>
      %sign3A_30 = arith.subi %sign3A_25, %sign3A_29 : vector<1600x128xi32>
      %sign3A_31 = arith.constant 0 : i32
      %sign3A_32 = arith.cmpi sgt, %jit3A, %sign3A_31 : i32
      %sign3A_33 = arith.extui %sign3A_32 : i1 to i32
      %sign3A_34 = arith.constant 0 : i32
      %sign3A_35 = arith.cmpi slt, %jit3A, %sign3A_34 : i32
      %sign3A_36 = arith.extui %sign3A_35 : i1 to i32
      %sign3A_37 = arith.subi %sign3A_33, %sign3A_36 : i32
      %ne3A_38 = vector.broadcast %sign3A_37 : i32 to vector<1600x128xi32>
      %ne3A_39 = arith.cmpi ne, %sign3A_30, %ne3A_38 : vector<1600x128xi32>
      %rem3A = vector.broadcast %jit3A : i32 to vector<1600x128xi32>
      %rem3A_40 = arith.remsi %iota3A_21, %rem3A : vector<1600x128xi32>
      %ne3A_41 = arith.constant 0 : i32
      %ne3A_42 = vector.broadcast %ne3A_41 : i32 to vector<1600x128xi32>
      %ne3A_43 = arith.cmpi ne, %rem3A_40, %ne3A_42 : vector<1600x128xi32>
      %and3A = arith.andi %ne3A_39, %ne3A_43 : vector<1600x128xi1>
      %sub3A = arith.constant 1 : i32
      %sub3A_44 = vector.broadcast %sub3A : i32 to vector<1600x128xi32>
      %sub3A_45 = arith.subi %div3A_22, %sub3A_44 : vector<1600x128xi32>
      %select_n3A = arith.select %and3A, %sub3A_45, %div3A_22 : vector<1600x128xi1>, vector<1600x128xi32>
      %add3A = arith.addi %mul3A_20, %select_n3A : vector<1600x128xi32>
      %broadcast_in_dim3A = arith.constant 0.000000e+00 : f32
      %broadcast_in_dim3A_46 = vector.broadcast %broadcast_in_dim3A : f32 to vector<1600x128xf32>
      %swap3A = arith.constant 0 : index
      %swap3A_47 = arith.constant 0 : index
      %swap3A_48 = vector.load %arg4[%swap3A, %swap3A_47] : memref<1600x128xf32, #tpu.memory_space<vmem>>, vector<1600x128xf32>
      tpu.vector_store %arg4[%swap3A, %swap3A_47], %broadcast_in_dim3A_46 {strides = array<i32>} : memref<1600x128xf32, #tpu.memory_space<vmem>>, vector<1600x128xf32>,
      %le3A = arith.constant 0 : i32
      %le3A_49 = arith.cmpi sle, %reduce_min3A_7, %le3A : i32
      %ge3A = arith.constant 0 : i32
      %ge3A_50 = arith.cmpi sge, %reduce_max3A_11, %ge3A : i32
      %and3A_51 = arith.andi %le3A_49, %ge3A_50 : i1
      %convert_element_type3A_52 = arith.extui %and3A_51 : i1 to i32
      %cond3A_53 = arith.constant 0 : i32
      %cond3A_54 = arith.cmpi ne, %convert_element_type3A_52, %cond3A_53 : i32
      scf.if %cond3A_54 {
        %lt3A = arith.constant 0 : i32
        %lt3A_263 = vector.broadcast %lt3A : i32 to vector<6400xi32>
        %lt3A_264 = arith.cmpi slt, %get3A_3, %lt3A_263 : vector<6400xi32>
        %convert_element_type3A_265 = arith.extui %lt3A_264 : vector<6400xi1> to vector<6400xi32>
        %reduce_sum3A = vector.shape_cast %convert_element_type3A_265 : vector<6400xi32> to vector<1x6400xi32>
        %reduce_sum3A_266 = arith.constant dense<0> : vector<1xi32>
        %reduce_sum3A_267 = vector.multi_reduction <add>, %reduce_sum3A, %reduce_sum3A_266 [1] : vector<1x6400xi32> to vector<1xi32>
        %reduce_sum3A_268 = vector.shape_cast %reduce_sum3A_267 : vector<1xi32> to vector<1x1xi32>
        %reduce_sum3A_269 = vector.extract %reduce_sum3A_268[0, 0] : i32 from vector<1x1xi32>
        %le3A_270 = arith.constant 0 : i32
        %le3A_271 = vector.broadcast %le3A_270 : i32 to vector<6400xi32>
        %le3A_272 = arith.cmpi sle, %get3A_3, %le3A_271 : vector<6400xi32>
        %convert_element_type3A_273 = arith.extui %le3A_272 : vector<6400xi1> to vector<6400xi32>
        %reduce_sum3A_274 = vector.shape_cast %convert_element_type3A_273 : vector<6400xi32> to vector<1x6400xi32>
        %reduce_sum3A_275 = arith.constant dense<0> : vector<1xi32>
        %reduce_sum3A_276 = vector.multi_reduction <add>, %reduce_sum3A_274, %reduce_sum3A_275 [1] : vector<1x6400xi32> to vector<1xi32>
        %reduce_sum3A_277 = vector.shape_cast %reduce_sum3A_276 : vector<1xi32> to vector<1x1xi32>
        %reduce_sum3A_278 = vector.extract %reduce_sum3A_277[0, 0] : i32 from vector<1x1xi32>
        %ge3A_279 = vector.broadcast %reduce_sum3A_269 : i32 to vector<1600x128xi32>
        %ge3A_280 = arith.cmpi sge, %add3A, %ge3A_279 : vector<1600x128xi32>
        %lt3A_281 = vector.broadcast %reduce_sum3A_278 : i32 to vector<1600x128xi32>
        %lt3A_282 = arith.cmpi slt, %add3A, %lt3A_281 : vector<1600x128xi32>
        %and3A_283 = arith.andi %ge3A_280, %lt3A_282 : vector<1600x128xi1>
        %jit3A_284 = arith.constant 0.000000e+00 : f32
        %broadcast_in_dim3A_285 = vector.broadcast %jit3A_284 : f32 to vector<1600x128xf32>
        %select_n3A_286 = arith.select %and3A_283, %get3A_18, %broadcast_in_dim3A_285 : vector<1600x128xi1>, vector<1600x128xf32>
        %get3A_287 = arith.constant 0 : index
        %get3A_288 = arith.constant 0 : index
        %get3A_289 = vector.load %arg4[%get3A_287, %get3A_288] : memref<1600x128xf32, #tpu.memory_space<vmem>>, vector<1600x128xf32>
        %get3A_290 = arith.constant 0 : index
        %get3A_291 = arith.constant 0 : index
        %get3A_292 = arith.constant 0 : index
        %get3A_293 = vector.load %arg3[%get3A_290, %get3A_291, %get3A_292] : memref<27x128x128xf32, #tpu.memory_space<vmem>>, vector<1x128x128xf32>
        %get3A_294 = vector.shape_cast %get3A_293 : vector<1x128x128xf32> to vector<128x128xf32>
        %dot_general3A = arith.constant dense<0.000000e+00> : vector<1600x128xf32>
        %dot_general3A_295 = tpu.matmul %select_n3A_286, %get3A_294, %dot_general3A {dimension_numbers = #tpu.dot_dimension_numbers<[1], [0], [0], [1], [0, 0, 1, 1], [], []>, transpose_lhs_hint = false} : vector<1600x128xf32>, vector<128x128xf32>, vector<1600x128xf32> -> vector<1600x128xf32>
        %add3A_296 = arith.addf %get3A_289, %dot_general3A_295 : vector<1600x128xf32>
        %swap3A_297 = arith.constant 0 : index
        %swap3A_298 = arith.constant 0 : index
        %swap3A_299 = vector.load %arg4[%swap3A_297, %swap3A_298] : memref<1600x128xf32, #tpu.memory_space<vmem>>, vector<1600x128xf32>
        tpu.vector_store %arg4[%swap3A_297, %swap3A_298], %add3A_296 {strides = array<i32>} : memref<1600x128xf32, #tpu.memory_space<vmem>>, vector<1600x128xf32>,
      } else {
      }
      %le3A_55 = arith.constant 1 : i32
      %le3A_56 = arith.cmpi sle, %reduce_min3A_7, %le3A_55 : i32
      %ge3A_57 = arith.constant 1 : i32
      %ge3A_58 = arith.cmpi sge, %reduce_max3A_11, %ge3A_57 : i32
      %and3A_59 = arith.andi %le3A_56, %ge3A_58 : i1
      %convert_element_type3A_60 = arith.extui %and3A_59 : i1 to i32
      %cond3A_61 = arith.constant 0 : i32
      %cond3A_62 = arith.cmpi ne, %convert_element_type3A_60, %cond3A_61 : i32
      scf.if %cond3A_62 {
        %lt3A = arith.constant 1 : i32
        %lt3A_263 = vector.broadcast %lt3A : i32 to vector<6400xi32>
        %lt3A_264 = arith.cmpi slt, %get3A_3, %lt3A_263 : vector<6400xi32>
        %convert_element_type3A_265 = arith.extui %lt3A_264 : vector<6400xi1> to vector<6400xi32>
        %reduce_sum3A = vector.shape_cast %convert_element_type3A_265 : vector<6400xi32> to vector<1x6400xi32>
        %reduce_sum3A_266 = arith.constant dense<0> : vector<1xi32>
        %reduce_sum3A_267 = vector.multi_reduction <add>, %reduce_sum3A, %reduce_sum3A_266 [1] : vector<1x6400xi32> to vector<1xi32>
        %reduce_sum3A_268 = vector.shape_cast %reduce_sum3A_267 : vector<1xi32> to vector<1x1xi32>
        %reduce_sum3A_269 = vector.extract %reduce_sum3A_268[0, 0] : i32 from vector<1x1xi32>
        %le3A_270 = arith.constant 1 : i32
        %le3A_271 = vector.broadcast %le3A_270 : i32 to vector<6400xi32>
        %le3A_272 = arith.cmpi sle, %get3A_3, %le3A_271 : vector<6400xi32>
        %convert_element_type3A_273 = arith.extui %le3A_272 : vector<6400xi1> to vector<6400xi32>
        %reduce_sum3A_274 = vector.shape_cast %convert_element_type3A_273 : vector<6400xi32> to vector<1x6400xi32>
        %reduce_sum3A_275 = arith.constant dense<0> : vector<1xi32>
        %reduce_sum3A_276 = vector.multi_reduction <add>, %reduce_sum3A_274, %reduce_sum3A_275 [1] : vector<1x6400xi32> to vector<1xi32>
        %reduce_sum3A_277 = vector.shape_cast %reduce_sum3A_276 : vector<1xi32> to vector<1x1xi32>
        %reduce_sum3A_278 = vector.extract %reduce_sum3A_277[0, 0] : i32 from vector<1x1xi32>
        %ge3A_279 = vector.broadcast %reduce_sum3A_269 : i32 to vector<1600x128xi32>
        %ge3A_280 = arith.cmpi sge, %add3A, %ge3A_279 : vector<1600x128xi32>
        %lt3A_281 = vector.broadcast %reduce_sum3A_278 : i32 to vector<1600x128xi32>
        %lt3A_282 = arith.cmpi slt, %add3A, %lt3A_281 : vector<1600x128xi32>
        %and3A_283 = arith.andi %ge3A_280, %lt3A_282 : vector<1600x128xi1>
        %jit3A_284 = arith.constant 0.000000e+00 : f32
        %broadcast_in_dim3A_285 = vector.broadcast %jit3A_284 : f32 to vector<1600x128xf32>
        %select_n3A_286 = arith.select %and3A_283, %get3A_18, %broadcast_in_dim3A_285 : vector<1600x128xi1>, vector<1600x128xf32>
        %get3A_287 = arith.constant 0 : index
        %get3A_288 = arith.constant 0 : index
        %get3A_289 = vector.load %arg4[%get3A_287, %get3A_288] : memref<1600x128xf32, #tpu.memory_space<vmem>>, vector<1600x128xf32>
        %get3A_290 = arith.constant 1 : index
        %get3A_291 = arith.constant 0 : index
        %get3A_292 = arith.constant 0 : index
        %get3A_293 = vector.load %arg3[%get3A_290, %get3A_291, %get3A_292] : memref<27x128x128xf32, #tpu.memory_space<vmem>>, vector<1x128x128xf32>
        %get3A_294 = vector.shape_cast %get3A_293 : vector<1x128x128xf32> to vector<128x128xf32>
        %dot_general3A = arith.constant dense<0.000000e+00> : vector<1600x128xf32>
        %dot_general3A_295 = tpu.matmul %select_n3A_286, %get3A_294, %dot_general3A {dimension_numbers = #tpu.dot_dimension_numbers<[1], [0], [0], [1], [0, 0, 1, 1], [], []>, transpose_lhs_hint = false} : vector<1600x128xf32>, vector<128x128xf32>, vector<1600x128xf32> -> vector<1600x128xf32>
        %add3A_296 = arith.addf %get3A_289, %dot_general3A_295 : vector<1600x128xf32>
        %swap3A_297 = arith.constant 0 : index
        %swap3A_298 = arith.constant 0 : index
        %swap3A_299 = vector.load %arg4[%swap3A_297, %swap3A_298] : memref<1600x128xf32, #tpu.memory_space<vmem>>, vector<1600x128xf32>
        tpu.vector_store %arg4[%swap3A_297, %swap3A_298], %add3A_296 {strides = array<i32>} : memref<1600x128xf32, #tpu.memory_space<vmem>>, vector<1600x128xf32>,
      } else {
      }
      %le3A_63 = arith.constant 2 : i32
      %le3A_64 = arith.cmpi sle, %reduce_min3A_7, %le3A_63 : i32
      %ge3A_65 = arith.constant 2 : i32
      %ge3A_66 = arith.cmpi sge, %reduce_max3A_11, %ge3A_65 : i32
      %and3A_67 = arith.andi %le3A_64, %ge3A_66 : i1
      %convert_element_type3A_68 = arith.extui %and3A_67 : i1 to i32
      %cond3A_69 = arith.constant 0 : i32
      %cond3A_70 = arith.cmpi ne, %convert_element_type3A_68, %cond3A_69 : i32
      scf.if %cond3A_70 {
        %lt3A = arith.constant 2 : i32
        %lt3A_263 = vector.broadcast %lt3A : i32 to vector<6400xi32>
        %lt3A_264 = arith.cmpi slt, %get3A_3, %lt3A_263 : vector<6400xi32>
        %convert_element_type3A_265 = arith.extui %lt3A_264 : vector<6400xi1> to vector<6400xi32>
        %reduce_sum3A = vector.shape_cast %convert_element_type3A_265 : vector<6400xi32> to vector<1x6400xi32>
        %reduce_sum3A_266 = arith.constant dense<0> : vector<1xi32>
        %reduce_sum3A_267 = vector.multi_reduction <add>, %reduce_sum3A, %reduce_sum3A_266 [1] : vector<1x6400xi32> to vector<1xi32>
        %reduce_sum3A_268 = vector.shape_cast %reduce_sum3A_267 : vector<1xi32> to vector<1x1xi32>
        %reduce_sum3A_269 = vector.extract %reduce_sum3A_268[0, 0] : i32 from vector<1x1xi32>
        %le3A_270 = arith.constant 2 : i32
        %le3A_271 = vector.broadcast %le3A_270 : i32 to vector<6400xi32>
        %le3A_272 = arith.cmpi sle, %get3A_3, %le3A_271 : vector<6400xi32>
        %convert_element_type3A_273 = arith.extui %le3A_272 : vector<6400xi1> to vector<6400xi32>
        %reduce_sum3A_274 = vector.shape_cast %convert_element_type3A_273 : vector<6400xi32> to vector<1x6400xi32>
        %reduce_sum3A_275 = arith.constant dense<0> : vector<1xi32>
        %reduce_sum3A_276 = vector.multi_reduction <add>, %reduce_sum3A_274, %reduce_sum3A_275 [1] : vector<1x6400xi32> to vector<1xi32>
        %reduce_sum3A_277 = vector.shape_cast %reduce_sum3A_276 : vector<1xi32> to vector<1x1xi32>
        %reduce_sum3A_278 = vector.extract %reduce_sum3A_277[0, 0] : i32 from vector<1x1xi32>
        %ge3A_279 = vector.broadcast %reduce_sum3A_269 : i32 to vector<1600x128xi32>
        %ge3A_280 = arith.cmpi sge, %add3A, %ge3A_279 : vector<1600x128xi32>
        %lt3A_281 = vector.broadcast %reduce_sum3A_278 : i32 to vector<1600x128xi32>
        %lt3A_282 = arith.cmpi slt, %add3A, %lt3A_281 : vector<1600x128xi32>
        %and3A_283 = arith.andi %ge3A_280, %lt3A_282 : vector<1600x128xi1>
        %jit3A_284 = arith.constant 0.000000e+00 : f32
        %broadcast_in_dim3A_285 = vector.broadcast %jit3A_284 : f32 to vector<1600x128xf32>
        %select_n3A_286 = arith.select %and3A_283, %get3A_18, %broadcast_in_dim3A_285 : vector<1600x128xi1>, vector<1600x128xf32>
        %get3A_287 = arith.constant 0 : index
        %get3A_288 = arith.constant 0 : index
        %get3A_289 = vector.load %arg4[%get3A_287, %get3A_288] : memref<1600x128xf32, #tpu.memory_space<vmem>>, vector<1600x128xf32>
        %get3A_290 = arith.constant 2 : index
        %get3A_291 = arith.constant 0 : index
        %get3A_292 = arith.constant 0 : index
        %get3A_293 = vector.load %arg3[%get3A_290, %get3A_291, %get3A_292] : memref<27x128x128xf32, #tpu.memory_space<vmem>>, vector<1x128x128xf32>
        %get3A_294 = vector.shape_cast %get3A_293 : vector<1x128x128xf32> to vector<128x128xf32>
        %dot_general3A = arith.constant dense<0.000000e+00> : vector<1600x128xf32>
        %dot_general3A_295 = tpu.matmul %select_n3A_286, %get3A_294, %dot_general3A {dimension_numbers = #tpu.dot_dimension_numbers<[1], [0], [0], [1], [0, 0, 1, 1], [], []>, transpose_lhs_hint = false} : vector<1600x128xf32>, vector<128x128xf32>, vector<1600x128xf32> -> vector<1600x128xf32>
        %add3A_296 = arith.addf %get3A_289, %dot_general3A_295 : vector<1600x128xf32>
        %swap3A_297 = arith.constant 0 : index
        %swap3A_298 = arith.constant 0 : index
        %swap3A_299 = vector.load %arg4[%swap3A_297, %swap3A_298] : memref<1600x128xf32, #tpu.memory_space<vmem>>, vector<1600x128xf32>
        tpu.vector_store %arg4[%swap3A_297, %swap3A_298], %add3A_296 {strides = array<i32>} : memref<1600x128xf32, #tpu.memory_space<vmem>>, vector<1600x128xf32>,
      } else {
      }
      %le3A_71 = arith.constant 3 : i32
      %le3A_72 = arith.cmpi sle, %reduce_min3A_7, %le3A_71 : i32
      %ge3A_73 = arith.constant 3 : i32
      %ge3A_74 = arith.cmpi sge, %reduce_max3A_11, %ge3A_73 : i32
      %and3A_75 = arith.andi %le3A_72, %ge3A_74 : i1
      %convert_element_type3A_76 = arith.extui %and3A_75 : i1 to i32
      %cond3A_77 = arith.constant 0 : i32
      %cond3A_78 = arith.cmpi ne, %convert_element_type3A_76, %cond3A_77 : i32
      scf.if %cond3A_78 {
        %lt3A = arith.constant 3 : i32
        %lt3A_263 = vector.broadcast %lt3A : i32 to vector<6400xi32>
        %lt3A_264 = arith.cmpi slt, %get3A_3, %lt3A_263 : vector<6400xi32>
        %convert_element_type3A_265 = arith.extui %lt3A_264 : vector<6400xi1> to vector<6400xi32>
        %reduce_sum3A = vector.shape_cast %convert_element_type3A_265 : vector<6400xi32> to vector<1x6400xi32>
        %reduce_sum3A_266 = arith.constant dense<0> : vector<1xi32>
        %reduce_sum3A_267 = vector.multi_reduction <add>, %reduce_sum3A, %reduce_sum3A_266 [1] : vector<1x6400xi32> to vector<1xi32>
        %reduce_sum3A_268 = vector.shape_cast %reduce_sum3A_267 : vector<1xi32> to vector<1x1xi32>
        %reduce_sum3A_269 = vector.extract %reduce_sum3A_268[0, 0] : i32 from vector<1x1xi32>
        %le3A_270 = arith.constant 3 : i32
        %le3A_271 = vector.broadcast %le3A_270 : i32 to vector<6400xi32>
        %le3A_272 = arith.cmpi sle, %get3A_3, %le3A_271 : vector<6400xi32>
        %convert_element_type3A_273 = arith.extui %le3A_272 : vector<6400xi1> to vector<6400xi32>
        %reduce_sum3A_274 = vector.shape_cast %convert_element_type3A_273 : vector<6400xi32> to vector<1x6400xi32>
        %reduce_sum3A_275 = arith.constant dense<0> : vector<1xi32>
        %reduce_sum3A_276 = vector.multi_reduction <add>, %reduce_sum3A_274, %reduce_sum3A_275 [1] : vector<1x6400xi32> to vector<1xi32>
        %reduce_sum3A_277 = vector.shape_cast %reduce_sum3A_276 : vector<1xi32> to vector<1x1xi32>
        %reduce_sum3A_278 = vector.extract %reduce_sum3A_277[0, 0] : i32 from vector<1x1xi32>
        %ge3A_279 = vector.broadcast %reduce_sum3A_269 : i32 to vector<1600x128xi32>
        %ge3A_280 = arith.cmpi sge, %add3A, %ge3A_279 : vector<1600x128xi32>
        %lt3A_281 = vector.broadcast %reduce_sum3A_278 : i32 to vector<1600x128xi32>
        %lt3A_282 = arith.cmpi slt, %add3A, %lt3A_281 : vector<1600x128xi32>
        %and3A_283 = arith.andi %ge3A_280, %lt3A_282 : vector<1600x128xi1>
        %jit3A_284 = arith.constant 0.000000e+00 : f32
        %broadcast_in_dim3A_285 = vector.broadcast %jit3A_284 : f32 to vector<1600x128xf32>
        %select_n3A_286 = arith.select %and3A_283, %get3A_18, %broadcast_in_dim3A_285 : vector<1600x128xi1>, vector<1600x128xf32>
        %get3A_287 = arith.constant 0 : index
        %get3A_288 = arith.constant 0 : index
        %get3A_289 = vector.load %arg4[%get3A_287, %get3A_288] : memref<1600x128xf32, #tpu.memory_space<vmem>>, vector<1600x128xf32>
        %get3A_290 = arith.constant 3 : index
        %get3A_291 = arith.constant 0 : index
        %get3A_292 = arith.constant 0 : index
        %get3A_293 = vector.load %arg3[%get3A_290, %get3A_291, %get3A_292] : memref<27x128x128xf32, #tpu.memory_space<vmem>>, vector<1x128x128xf32>
        %get3A_294 = vector.shape_cast %get3A_293 : vector<1x128x128xf32> to vector<128x128xf32>
        %dot_general3A = arith.constant dense<0.000000e+00> : vector<1600x128xf32>
        %dot_general3A_295 = tpu.matmul %select_n3A_286, %get3A_294, %dot_general3A {dimension_numbers = #tpu.dot_dimension_numbers<[1], [0], [0], [1], [0, 0, 1, 1], [], []>, transpose_lhs_hint = false} : vector<1600x128xf32>, vector<128x128xf32>, vector<1600x128xf32> -> vector<1600x128xf32>
        %add3A_296 = arith.addf %get3A_289, %dot_general3A_295 : vector<1600x128xf32>
        %swap3A_297 = arith.constant 0 : index
        %swap3A_298 = arith.constant 0 : index
        %swap3A_299 = vector.load %arg4[%swap3A_297, %swap3A_298] : memref<1600x128xf32, #tpu.memory_space<vmem>>, vector<1600x128xf32>
        tpu.vector_store %arg4[%swap3A_297, %swap3A_298], %add3A_296 {strides = array<i32>} : memref<1600x128xf32, #tpu.memory_space<vmem>>, vector<1600x128xf32>,
      } else {
      }
      %le3A_79 = arith.constant 4 : i32
      %le3A_80 = arith.cmpi sle, %reduce_min3A_7, %le3A_79 : i32
      %ge3A_81 = arith.constant 4 : i32
      %ge3A_82 = arith.cmpi sge, %reduce_max3A_11, %ge3A_81 : i32
      %and3A_83 = arith.andi %le3A_80, %ge3A_82 : i1
      %convert_element_type3A_84 = arith.extui %and3A_83 : i1 to i32
      %cond3A_85 = arith.constant 0 : i32
      %cond3A_86 = arith.cmpi ne, %convert_element_type3A_84, %cond3A_85 : i32
      scf.if %cond3A_86 {
        %lt3A = arith.constant 4 : i32
        %lt3A_263 = vector.broadcast %lt3A : i32 to vector<6400xi32>
        %lt3A_264 = arith.cmpi slt, %get3A_3, %lt3A_263 : vector<6400xi32>
        %convert_element_type3A_265 = arith.extui %lt3A_264 : vector<6400xi1> to vector<6400xi32>
        %reduce_sum3A = vector.shape_cast %convert_element_type3A_265 : vector<6400xi32> to vector<1x6400xi32>
        %reduce_sum3A_266 = arith.constant dense<0> : vector<1xi32>
        %reduce_sum3A_267 = vector.multi_reduction <add>, %reduce_sum3A, %reduce_sum3A_266 [1] : vector<1x6400xi32> to vector<1xi32>
        %reduce_sum3A_268 = vector.shape_cast %reduce_sum3A_267 : vector<1xi32> to vector<1x1xi32>
        %reduce_sum3A_269 = vector.extract %reduce_sum3A_268[0, 0] : i32 from vector<1x1xi32>
        %le3A_270 = arith.constant 4 : i32
        %le3A_271 = vector.broadcast %le3A_270 : i32 to vector<6400xi32>
        %le3A_272 = arith.cmpi sle, %get3A_3, %le3A_271 : vector<6400xi32>
        %convert_element_type3A_273 = arith.extui %le3A_272 : vector<6400xi1> to vector<6400xi32>
        %reduce_sum3A_274 = vector.shape_cast %convert_element_type3A_273 : vector<6400xi32> to vector<1x6400xi32>
        %reduce_sum3A_275 = arith.constant dense<0> : vector<1xi32>
        %reduce_sum3A_276 = vector.multi_reduction <add>, %reduce_sum3A_274, %reduce_sum3A_275 [1] : vector<1x6400xi32> to vector<1xi32>
        %reduce_sum3A_277 = vector.shape_cast %reduce_sum3A_276 : vector<1xi32> to vector<1x1xi32>
        %reduce_sum3A_278 = vector.extract %reduce_sum3A_277[0, 0] : i32 from vector<1x1xi32>
        %ge3A_279 = vector.broadcast %reduce_sum3A_269 : i32 to vector<1600x128xi32>
        %ge3A_280 = arith.cmpi sge, %add3A, %ge3A_279 : vector<1600x128xi32>
        %lt3A_281 = vector.broadcast %reduce_sum3A_278 : i32 to vector<1600x128xi32>
        %lt3A_282 = arith.cmpi slt, %add3A, %lt3A_281 : vector<1600x128xi32>
        %and3A_283 = arith.andi %ge3A_280, %lt3A_282 : vector<1600x128xi1>
        %jit3A_284 = arith.constant 0.000000e+00 : f32
        %broadcast_in_dim3A_285 = vector.broadcast %jit3A_284 : f32 to vector<1600x128xf32>
        %select_n3A_286 = arith.select %and3A_283, %get3A_18, %broadcast_in_dim3A_285 : vector<1600x128xi1>, vector<1600x128xf32>
        %get3A_287 = arith.constant 0 : index
        %get3A_288 = arith.constant 0 : index
        %get3A_289 = vector.load %arg4[%get3A_287, %get3A_288] : memref<1600x128xf32, #tpu.memory_space<vmem>>, vector<1600x128xf32>
        %get3A_290 = arith.constant 4 : index
        %get3A_291 = arith.constant 0 : index
        %get3A_292 = arith.constant 0 : index
        %get3A_293 = vector.load %arg3[%get3A_290, %get3A_291, %get3A_292] : memref<27x128x128xf32, #tpu.memory_space<vmem>>, vector<1x128x128xf32>
        %get3A_294 = vector.shape_cast %get3A_293 : vector<1x128x128xf32> to vector<128x128xf32>
        %dot_general3A = arith.constant dense<0.000000e+00> : vector<1600x128xf32>
        %dot_general3A_295 = tpu.matmul %select_n3A_286, %get3A_294, %dot_general3A {dimension_numbers = #tpu.dot_dimension_numbers<[1], [0], [0], [1], [0, 0, 1, 1], [], []>, transpose_lhs_hint = false} : vector<1600x128xf32>, vector<128x128xf32>, vector<1600x128xf32> -> vector<1600x128xf32>
        %add3A_296 = arith.addf %get3A_289, %dot_general3A_295 : vector<1600x128xf32>
        %swap3A_297 = arith.constant 0 : index
        %swap3A_298 = arith.constant 0 : index
        %swap3A_299 = vector.load %arg4[%swap3A_297, %swap3A_298] : memref<1600x128xf32, #tpu.memory_space<vmem>>, vector<1600x128xf32>
        tpu.vector_store %arg4[%swap3A_297, %swap3A_298], %add3A_296 {strides = array<i32>} : memref<1600x128xf32, #tpu.memory_space<vmem>>, vector<1600x128xf32>,
      } else {
      }
      %le3A_87 = arith.constant 5 : i32
      %le3A_88 = arith.cmpi sle, %reduce_min3A_7, %le3A_87 : i32
      %ge3A_89 = arith.constant 5 : i32
      %ge3A_90 = arith.cmpi sge, %reduce_max3A_11, %ge3A_89 : i32
      %and3A_91 = arith.andi %le3A_88, %ge3A_90 : i1
      %convert_element_type3A_92 = arith.extui %and3A_91 : i1 to i32
      %cond3A_93 = arith.constant 0 : i32
      %cond3A_94 = arith.cmpi ne, %convert_element_type3A_92, %cond3A_93 : i32
      scf.if %cond3A_94 {
        %lt3A = arith.constant 5 : i32
        %lt3A_263 = vector.broadcast %lt3A : i32 to vector<6400xi32>
        %lt3A_264 = arith.cmpi slt, %get3A_3, %lt3A_263 : vector<6400xi32>
        %convert_element_type3A_265 = arith.extui %lt3A_264 : vector<6400xi1> to vector<6400xi32>
        %reduce_sum3A = vector.shape_cast %convert_element_type3A_265 : vector<6400xi32> to vector<1x6400xi32>
        %reduce_sum3A_266 = arith.constant dense<0> : vector<1xi32>
        %reduce_sum3A_267 = vector.multi_reduction <add>, %reduce_sum3A, %reduce_sum3A_266 [1] : vector<1x6400xi32> to vector<1xi32>
        %reduce_sum3A_268 = vector.shape_cast %reduce_sum3A_267 : vector<1xi32> to vector<1x1xi32>
        %reduce_sum3A_269 = vector.extract %reduce_sum3A_268[0, 0] : i32 from vector<1x1xi32>
        %le3A_270 = arith.constant 5 : i32
        %le3A_271 = vector.broadcast %le3A_270 : i32 to vector<6400xi32>
        %le3A_272 = arith.cmpi sle, %get3A_3, %le3A_271 : vector<6400xi32>
        %convert_element_type3A_273 = arith.extui %le3A_272 : vector<6400xi1> to vector<6400xi32>
        %reduce_sum3A_274 = vector.shape_cast %convert_element_type3A_273 : vector<6400xi32> to vector<1x6400xi32>
        %reduce_sum3A_275 = arith.constant dense<0> : vector<1xi32>
        %reduce_sum3A_276 = vector.multi_reduction <add>, %reduce_sum3A_274, %reduce_sum3A_275 [1] : vector<1x6400xi32> to vector<1xi32>
        %reduce_sum3A_277 = vector.shape_cast %reduce_sum3A_276 : vector<1xi32> to vector<1x1xi32>
        %reduce_sum3A_278 = vector.extract %reduce_sum3A_277[0, 0] : i32 from vector<1x1xi32>
        %ge3A_279 = vector.broadcast %reduce_sum3A_269 : i32 to vector<1600x128xi32>
        %ge3A_280 = arith.cmpi sge, %add3A, %ge3A_279 : vector<1600x128xi32>
        %lt3A_281 = vector.broadcast %reduce_sum3A_278 : i32 to vector<1600x128xi32>
        %lt3A_282 = arith.cmpi slt, %add3A, %lt3A_281 : vector<1600x128xi32>
        %and3A_283 = arith.andi %ge3A_280, %lt3A_282 : vector<1600x128xi1>
        %jit3A_284 = arith.constant 0.000000e+00 : f32
        %broadcast_in_dim3A_285 = vector.broadcast %jit3A_284 : f32 to vector<1600x128xf32>
        %select_n3A_286 = arith.select %and3A_283, %get3A_18, %broadcast_in_dim3A_285 : vector<1600x128xi1>, vector<1600x128xf32>
        %get3A_287 = arith.constant 0 : index
        %get3A_288 = arith.constant 0 : index
        %get3A_289 = vector.load %arg4[%get3A_287, %get3A_288] : memref<1600x128xf32, #tpu.memory_space<vmem>>, vector<1600x128xf32>
        %get3A_290 = arith.constant 5 : index
        %get3A_291 = arith.constant 0 : index
        %get3A_292 = arith.constant 0 : index
        %get3A_293 = vector.load %arg3[%get3A_290, %get3A_291, %get3A_292] : memref<27x128x128xf32, #tpu.memory_space<vmem>>, vector<1x128x128xf32>
        %get3A_294 = vector.shape_cast %get3A_293 : vector<1x128x128xf32> to vector<128x128xf32>
        %dot_general3A = arith.constant dense<0.000000e+00> : vector<1600x128xf32>
        %dot_general3A_295 = tpu.matmul %select_n3A_286, %get3A_294, %dot_general3A {dimension_numbers = #tpu.dot_dimension_numbers<[1], [0], [0], [1], [0, 0, 1, 1], [], []>, transpose_lhs_hint = false} : vector<1600x128xf32>, vector<128x128xf32>, vector<1600x128xf32> -> vector<1600x128xf32>
        %add3A_296 = arith.addf %get3A_289, %dot_general3A_295 : vector<1600x128xf32>
        %swap3A_297 = arith.constant 0 : index
        %swap3A_298 = arith.constant 0 : index
        %swap3A_299 = vector.load %arg4[%swap3A_297, %swap3A_298] : memref<1600x128xf32, #tpu.memory_space<vmem>>, vector<1600x128xf32>
        tpu.vector_store %arg4[%swap3A_297, %swap3A_298], %add3A_296 {strides = array<i32>} : memref<1600x128xf32, #tpu.memory_space<vmem>>, vector<1600x128xf32>,
      } else {
      }
      %le3A_95 = arith.constant 6 : i32
      %le3A_96 = arith.cmpi sle, %reduce_min3A_7, %le3A_95 : i32
      %ge3A_97 = arith.constant 6 : i32
      %ge3A_98 = arith.cmpi sge, %reduce_max3A_11, %ge3A_97 : i32
      %and3A_99 = arith.andi %le3A_96, %ge3A_98 : i1
      %convert_element_type3A_100 = arith.extui %and3A_99 : i1 to i32
      %cond3A_101 = arith.constant 0 : i32
      %cond3A_102 = arith.cmpi ne, %convert_element_type3A_100, %cond3A_101 : i32
      scf.if %cond3A_102 {
        %lt3A = arith.constant 6 : i32
        %lt3A_263 = vector.broadcast %lt3A : i32 to vector<6400xi32>
        %lt3A_264 = arith.cmpi slt, %get3A_3, %lt3A_263 : vector<6400xi32>
        %convert_element_type3A_265 = arith.extui %lt3A_264 : vector<6400xi1> to vector<6400xi32>
        %reduce_sum3A = vector.shape_cast %convert_element_type3A_265 : vector<6400xi32> to vector<1x6400xi32>
        %reduce_sum3A_266 = arith.constant dense<0> : vector<1xi32>
        %reduce_sum3A_267 = vector.multi_reduction <add>, %reduce_sum3A, %reduce_sum3A_266 [1] : vector<1x6400xi32> to vector<1xi32>
        %reduce_sum3A_268 = vector.shape_cast %reduce_sum3A_267 : vector<1xi32> to vector<1x1xi32>
        %reduce_sum3A_269 = vector.extract %reduce_sum3A_268[0, 0] : i32 from vector<1x1xi32>
        %le3A_270 = arith.constant 6 : i32
        %le3A_271 = vector.broadcast %le3A_270 : i32 to vector<6400xi32>
        %le3A_272 = arith.cmpi sle, %get3A_3, %le3A_271 : vector<6400xi32>
        %convert_element_type3A_273 = arith.extui %le3A_272 : vector<6400xi1> to vector<6400xi32>
        %reduce_sum3A_274 = vector.shape_cast %convert_element_type3A_273 : vector<6400xi32> to vector<1x6400xi32>
        %reduce_sum3A_275 = arith.constant dense<0> : vector<1xi32>
        %reduce_sum3A_276 = vector.multi_reduction <add>, %reduce_sum3A_274, %reduce_sum3A_275 [1] : vector<1x6400xi32> to vector<1xi32>
        %reduce_sum3A_277 = vector.shape_cast %reduce_sum3A_276 : vector<1xi32> to vector<1x1xi32>
        %reduce_sum3A_278 = vector.extract %reduce_sum3A_277[0, 0] : i32 from vector<1x1xi32>
        %ge3A_279 = vector.broadcast %reduce_sum3A_269 : i32 to vector<1600x128xi32>
        %ge3A_280 = arith.cmpi sge, %add3A, %ge3A_279 : vector<1600x128xi32>
        %lt3A_281 = vector.broadcast %reduce_sum3A_278 : i32 to vector<1600x128xi32>
        %lt3A_282 = arith.cmpi slt, %add3A, %lt3A_281 : vector<1600x128xi32>
        %and3A_283 = arith.andi %ge3A_280, %lt3A_282 : vector<1600x128xi1>
        %jit3A_284 = arith.constant 0.000000e+00 : f32
        %broadcast_in_dim3A_285 = vector.broadcast %jit3A_284 : f32 to vector<1600x128xf32>
        %select_n3A_286 = arith.select %and3A_283, %get3A_18, %broadcast_in_dim3A_285 : vector<1600x128xi1>, vector<1600x128xf32>
        %get3A_287 = arith.constant 0 : index
        %get3A_288 = arith.constant 0 : index
        %get3A_289 = vector.load %arg4[%get3A_287, %get3A_288] : memref<1600x128xf32, #tpu.memory_space<vmem>>, vector<1600x128xf32>
        %get3A_290 = arith.constant 6 : index
        %get3A_291 = arith.constant 0 : index
        %get3A_292 = arith.constant 0 : index
        %get3A_293 = vector.load %arg3[%get3A_290, %get3A_291, %get3A_292] : memref<27x128x128xf32, #tpu.memory_space<vmem>>, vector<1x128x128xf32>
        %get3A_294 = vector.shape_cast %get3A_293 : vector<1x128x128xf32> to vector<128x128xf32>
        %dot_general3A = arith.constant dense<0.000000e+00> : vector<1600x128xf32>
        %dot_general3A_295 = tpu.matmul %select_n3A_286, %get3A_294, %dot_general3A {dimension_numbers = #tpu.dot_dimension_numbers<[1], [0], [0], [1], [0, 0, 1, 1], [], []>, transpose_lhs_hint = false} : vector<1600x128xf32>, vector<128x128xf32>, vector<1600x128xf32> -> vector<1600x128xf32>
        %add3A_296 = arith.addf %get3A_289, %dot_general3A_295 : vector<1600x128xf32>
        %swap3A_297 = arith.constant 0 : index
        %swap3A_298 = arith.constant 0 : index
        %swap3A_299 = vector.load %arg4[%swap3A_297, %swap3A_298] : memref<1600x128xf32, #tpu.memory_space<vmem>>, vector<1600x128xf32>
        tpu.vector_store %arg4[%swap3A_297, %swap3A_298], %add3A_296 {strides = array<i32>} : memref<1600x128xf32, #tpu.memory_space<vmem>>, vector<1600x128xf32>,
      } else {
      }
      %le3A_103 = arith.constant 7 : i32
      %le3A_104 = arith.cmpi sle, %reduce_min3A_7, %le3A_103 : i32
      %ge3A_105 = arith.constant 7 : i32
      %ge3A_106 = arith.cmpi sge, %reduce_max3A_11, %ge3A_105 : i32
      %and3A_107 = arith.andi %le3A_104, %ge3A_106 : i1
      %convert_element_type3A_108 = arith.extui %and3A_107 : i1 to i32
      %cond3A_109 = arith.constant 0 : i32
      %cond3A_110 = arith.cmpi ne, %convert_element_type3A_108, %cond3A_109 : i32
      scf.if %cond3A_110 {
        %lt3A = arith.constant 7 : i32
        %lt3A_263 = vector.broadcast %lt3A : i32 to vector<6400xi32>
        %lt3A_264 = arith.cmpi slt, %get3A_3, %lt3A_263 : vector<6400xi32>
        %convert_element_type3A_265 = arith.extui %lt3A_264 : vector<6400xi1> to vector<6400xi32>
        %reduce_sum3A = vector.shape_cast %convert_element_type3A_265 : vector<6400xi32> to vector<1x6400xi32>
        %reduce_sum3A_266 = arith.constant dense<0> : vector<1xi32>
        %reduce_sum3A_267 = vector.multi_reduction <add>, %reduce_sum3A, %reduce_sum3A_266 [1] : vector<1x6400xi32> to vector<1xi32>
        %reduce_sum3A_268 = vector.shape_cast %reduce_sum3A_267 : vector<1xi32> to vector<1x1xi32>
        %reduce_sum3A_269 = vector.extract %reduce_sum3A_268[0, 0] : i32 from vector<1x1xi32>
        %le3A_270 = arith.constant 7 : i32
        %le3A_271 = vector.broadcast %le3A_270 : i32 to vector<6400xi32>
        %le3A_272 = arith.cmpi sle, %get3A_3, %le3A_271 : vector<6400xi32>
        %convert_element_type3A_273 = arith.extui %le3A_272 : vector<6400xi1> to vector<6400xi32>
        %reduce_sum3A_274 = vector.shape_cast %convert_element_type3A_273 : vector<6400xi32> to vector<1x6400xi32>
        %reduce_sum3A_275 = arith.constant dense<0> : vector<1xi32>
        %reduce_sum3A_276 = vector.multi_reduction <add>, %reduce_sum3A_274, %reduce_sum3A_275 [1] : vector<1x6400xi32> to vector<1xi32>
        %reduce_sum3A_277 = vector.shape_cast %reduce_sum3A_276 : vector<1xi32> to vector<1x1xi32>
        %reduce_sum3A_278 = vector.extract %reduce_sum3A_277[0, 0] : i32 from vector<1x1xi32>
        %ge3A_279 = vector.broadcast %reduce_sum3A_269 : i32 to vector<1600x128xi32>
        %ge3A_280 = arith.cmpi sge, %add3A, %ge3A_279 : vector<1600x128xi32>
        %lt3A_281 = vector.broadcast %reduce_sum3A_278 : i32 to vector<1600x128xi32>
        %lt3A_282 = arith.cmpi slt, %add3A, %lt3A_281 : vector<1600x128xi32>
        %and3A_283 = arith.andi %ge3A_280, %lt3A_282 : vector<1600x128xi1>
        %jit3A_284 = arith.constant 0.000000e+00 : f32
        %broadcast_in_dim3A_285 = vector.broadcast %jit3A_284 : f32 to vector<1600x128xf32>
        %select_n3A_286 = arith.select %and3A_283, %get3A_18, %broadcast_in_dim3A_285 : vector<1600x128xi1>, vector<1600x128xf32>
        %get3A_287 = arith.constant 0 : index
        %get3A_288 = arith.constant 0 : index
        %get3A_289 = vector.load %arg4[%get3A_287, %get3A_288] : memref<1600x128xf32, #tpu.memory_space<vmem>>, vector<1600x128xf32>
        %get3A_290 = arith.constant 7 : index
        %get3A_291 = arith.constant 0 : index
        %get3A_292 = arith.constant 0 : index
        %get3A_293 = vector.load %arg3[%get3A_290, %get3A_291, %get3A_292] : memref<27x128x128xf32, #tpu.memory_space<vmem>>, vector<1x128x128xf32>
        %get3A_294 = vector.shape_cast %get3A_293 : vector<1x128x128xf32> to vector<128x128xf32>
        %dot_general3A = arith.constant dense<0.000000e+00> : vector<1600x128xf32>
        %dot_general3A_295 = tpu.matmul %select_n3A_286, %get3A_294, %dot_general3A {dimension_numbers = #tpu.dot_dimension_numbers<[1], [0], [0], [1], [0, 0, 1, 1], [], []>, transpose_lhs_hint = false} : vector<1600x128xf32>, vector<128x128xf32>, vector<1600x128xf32> -> vector<1600x128xf32>
        %add3A_296 = arith.addf %get3A_289, %dot_general3A_295 : vector<1600x128xf32>
        %swap3A_297 = arith.constant 0 : index
        %swap3A_298 = arith.constant 0 : index
        %swap3A_299 = vector.load %arg4[%swap3A_297, %swap3A_298] : memref<1600x128xf32, #tpu.memory_space<vmem>>, vector<1600x128xf32>
        tpu.vector_store %arg4[%swap3A_297, %swap3A_298], %add3A_296 {strides = array<i32>} : memref<1600x128xf32, #tpu.memory_space<vmem>>, vector<1600x128xf32>,
      } else {
      }
      %le3A_111 = arith.constant 8 : i32
      %le3A_112 = arith.cmpi sle, %reduce_min3A_7, %le3A_111 : i32
      %ge3A_113 = arith.constant 8 : i32
      %ge3A_114 = arith.cmpi sge, %reduce_max3A_11, %ge3A_113 : i32
      %and3A_115 = arith.andi %le3A_112, %ge3A_114 : i1
      %convert_element_type3A_116 = arith.extui %and3A_115 : i1 to i32
      %cond3A_117 = arith.constant 0 : i32
      %cond3A_118 = arith.cmpi ne, %convert_element_type3A_116, %cond3A_117 : i32
      scf.if %cond3A_118 {
        %lt3A = arith.constant 8 : i32
        %lt3A_263 = vector.broadcast %lt3A : i32 to vector<6400xi32>
        %lt3A_264 = arith.cmpi slt, %get3A_3, %lt3A_263 : vector<6400xi32>
        %convert_element_type3A_265 = arith.extui %lt3A_264 : vector<6400xi1> to vector<6400xi32>
        %reduce_sum3A = vector.shape_cast %convert_element_type3A_265 : vector<6400xi32> to vector<1x6400xi32>
        %reduce_sum3A_266 = arith.constant dense<0> : vector<1xi32>
        %reduce_sum3A_267 = vector.multi_reduction <add>, %reduce_sum3A, %reduce_sum3A_266 [1] : vector<1x6400xi32> to vector<1xi32>
        %reduce_sum3A_268 = vector.shape_cast %reduce_sum3A_267 : vector<1xi32> to vector<1x1xi32>
        %reduce_sum3A_269 = vector.extract %reduce_sum3A_268[0, 0] : i32 from vector<1x1xi32>
        %le3A_270 = arith.constant 8 : i32
        %le3A_271 = vector.broadcast %le3A_270 : i32 to vector<6400xi32>
        %le3A_272 = arith.cmpi sle, %get3A_3, %le3A_271 : vector<6400xi32>
        %convert_element_type3A_273 = arith.extui %le3A_272 : vector<6400xi1> to vector<6400xi32>
        %reduce_sum3A_274 = vector.shape_cast %convert_element_type3A_273 : vector<6400xi32> to vector<1x6400xi32>
        %reduce_sum3A_275 = arith.constant dense<0> : vector<1xi32>
        %reduce_sum3A_276 = vector.multi_reduction <add>, %reduce_sum3A_274, %reduce_sum3A_275 [1] : vector<1x6400xi32> to vector<1xi32>
        %reduce_sum3A_277 = vector.shape_cast %reduce_sum3A_276 : vector<1xi32> to vector<1x1xi32>
        %reduce_sum3A_278 = vector.extract %reduce_sum3A_277[0, 0] : i32 from vector<1x1xi32>
        %ge3A_279 = vector.broadcast %reduce_sum3A_269 : i32 to vector<1600x128xi32>
        %ge3A_280 = arith.cmpi sge, %add3A, %ge3A_279 : vector<1600x128xi32>
        %lt3A_281 = vector.broadcast %reduce_sum3A_278 : i32 to vector<1600x128xi32>
        %lt3A_282 = arith.cmpi slt, %add3A, %lt3A_281 : vector<1600x128xi32>
        %and3A_283 = arith.andi %ge3A_280, %lt3A_282 : vector<1600x128xi1>
        %jit3A_284 = arith.constant 0.000000e+00 : f32
        %broadcast_in_dim3A_285 = vector.broadcast %jit3A_284 : f32 to vector<1600x128xf32>
        %select_n3A_286 = arith.select %and3A_283, %get3A_18, %broadcast_in_dim3A_285 : vector<1600x128xi1>, vector<1600x128xf32>
        %get3A_287 = arith.constant 0 : index
        %get3A_288 = arith.constant 0 : index
        %get3A_289 = vector.load %arg4[%get3A_287, %get3A_288] : memref<1600x128xf32, #tpu.memory_space<vmem>>, vector<1600x128xf32>
        %get3A_290 = arith.constant 8 : index
        %get3A_291 = arith.constant 0 : index
        %get3A_292 = arith.constant 0 : index
        %get3A_293 = vector.load %arg3[%get3A_290, %get3A_291, %get3A_292] : memref<27x128x128xf32, #tpu.memory_space<vmem>>, vector<1x128x128xf32>
        %get3A_294 = vector.shape_cast %get3A_293 : vector<1x128x128xf32> to vector<128x128xf32>
        %dot_general3A = arith.constant dense<0.000000e+00> : vector<1600x128xf32>
        %dot_general3A_295 = tpu.matmul %select_n3A_286, %get3A_294, %dot_general3A {dimension_numbers = #tpu.dot_dimension_numbers<[1], [0], [0], [1], [0, 0, 1, 1], [], []>, transpose_lhs_hint = false} : vector<1600x128xf32>, vector<128x128xf32>, vector<1600x128xf32> -> vector<1600x128xf32>
        %add3A_296 = arith.addf %get3A_289, %dot_general3A_295 : vector<1600x128xf32>
        %swap3A_297 = arith.constant 0 : index
        %swap3A_298 = arith.constant 0 : index
        %swap3A_299 = vector.load %arg4[%swap3A_297, %swap3A_298] : memref<1600x128xf32, #tpu.memory_space<vmem>>, vector<1600x128xf32>
        tpu.vector_store %arg4[%swap3A_297, %swap3A_298], %add3A_296 {strides = array<i32>} : memref<1600x128xf32, #tpu.memory_space<vmem>>, vector<1600x128xf32>,
      } else {
      }
      %le3A_119 = arith.constant 9 : i32
      %le3A_120 = arith.cmpi sle, %reduce_min3A_7, %le3A_119 : i32
      %ge3A_121 = arith.constant 9 : i32
      %ge3A_122 = arith.cmpi sge, %reduce_max3A_11, %ge3A_121 : i32
      %and3A_123 = arith.andi %le3A_120, %ge3A_122 : i1
      %convert_element_type3A_124 = arith.extui %and3A_123 : i1 to i32
      %cond3A_125 = arith.constant 0 : i32
      %cond3A_126 = arith.cmpi ne, %convert_element_type3A_124, %cond3A_125 : i32
      scf.if %cond3A_126 {
        %lt3A = arith.constant 9 : i32
        %lt3A_263 = vector.broadcast %lt3A : i32 to vector<6400xi32>
        %lt3A_264 = arith.cmpi slt, %get3A_3, %lt3A_263 : vector<6400xi32>
        %convert_element_type3A_265 = arith.extui %lt3A_264 : vector<6400xi1> to vector<6400xi32>
        %reduce_sum3A = vector.shape_cast %convert_element_type3A_265 : vector<6400xi32> to vector<1x6400xi32>
        %reduce_sum3A_266 = arith.constant dense<0> : vector<1xi32>
        %reduce_sum3A_267 = vector.multi_reduction <add>, %reduce_sum3A, %reduce_sum3A_266 [1] : vector<1x6400xi32> to vector<1xi32>
        %reduce_sum3A_268 = vector.shape_cast %reduce_sum3A_267 : vector<1xi32> to vector<1x1xi32>
        %reduce_sum3A_269 = vector.extract %reduce_sum3A_268[0, 0] : i32 from vector<1x1xi32>
        %le3A_270 = arith.constant 9 : i32
        %le3A_271 = vector.broadcast %le3A_270 : i32 to vector<6400xi32>
        %le3A_272 = arith.cmpi sle, %get3A_3, %le3A_271 : vector<6400xi32>
        %convert_element_type3A_273 = arith.extui %le3A_272 : vector<6400xi1> to vector<6400xi32>
        %reduce_sum3A_274 = vector.shape_cast %convert_element_type3A_273 : vector<6400xi32> to vector<1x6400xi32>
        %reduce_sum3A_275 = arith.constant dense<0> : vector<1xi32>
        %reduce_sum3A_276 = vector.multi_reduction <add>, %reduce_sum3A_274, %reduce_sum3A_275 [1] : vector<1x6400xi32> to vector<1xi32>
        %reduce_sum3A_277 = vector.shape_cast %reduce_sum3A_276 : vector<1xi32> to vector<1x1xi32>
        %reduce_sum3A_278 = vector.extract %reduce_sum3A_277[0, 0] : i32 from vector<1x1xi32>
        %ge3A_279 = vector.broadcast %reduce_sum3A_269 : i32 to vector<1600x128xi32>
        %ge3A_280 = arith.cmpi sge, %add3A, %ge3A_279 : vector<1600x128xi32>
        %lt3A_281 = vector.broadcast %reduce_sum3A_278 : i32 to vector<1600x128xi32>
        %lt3A_282 = arith.cmpi slt, %add3A, %lt3A_281 : vector<1600x128xi32>
        %and3A_283 = arith.andi %ge3A_280, %lt3A_282 : vector<1600x128xi1>
        %jit3A_284 = arith.constant 0.000000e+00 : f32
        %broadcast_in_dim3A_285 = vector.broadcast %jit3A_284 : f32 to vector<1600x128xf32>
        %select_n3A_286 = arith.select %and3A_283, %get3A_18, %broadcast_in_dim3A_285 : vector<1600x128xi1>, vector<1600x128xf32>
        %get3A_287 = arith.constant 0 : index
        %get3A_288 = arith.constant 0 : index
        %get3A_289 = vector.load %arg4[%get3A_287, %get3A_288] : memref<1600x128xf32, #tpu.memory_space<vmem>>, vector<1600x128xf32>
        %get3A_290 = arith.constant 9 : index
        %get3A_291 = arith.constant 0 : index
        %get3A_292 = arith.constant 0 : index
        %get3A_293 = vector.load %arg3[%get3A_290, %get3A_291, %get3A_292] : memref<27x128x128xf32, #tpu.memory_space<vmem>>, vector<1x128x128xf32>
        %get3A_294 = vector.shape_cast %get3A_293 : vector<1x128x128xf32> to vector<128x128xf32>
        %dot_general3A = arith.constant dense<0.000000e+00> : vector<1600x128xf32>
        %dot_general3A_295 = tpu.matmul %select_n3A_286, %get3A_294, %dot_general3A {dimension_numbers = #tpu.dot_dimension_numbers<[1], [0], [0], [1], [0, 0, 1, 1], [], []>, transpose_lhs_hint = false} : vector<1600x128xf32>, vector<128x128xf32>, vector<1600x128xf32> -> vector<1600x128xf32>
        %add3A_296 = arith.addf %get3A_289, %dot_general3A_295 : vector<1600x128xf32>
        %swap3A_297 = arith.constant 0 : index
        %swap3A_298 = arith.constant 0 : index
        %swap3A_299 = vector.load %arg4[%swap3A_297, %swap3A_298] : memref<1600x128xf32, #tpu.memory_space<vmem>>, vector<1600x128xf32>
        tpu.vector_store %arg4[%swap3A_297, %swap3A_298], %add3A_296 {strides = array<i32>} : memref<1600x128xf32, #tpu.memory_space<vmem>>, vector<1600x128xf32>,
      } else {
      }
      %le3A_127 = arith.constant 10 : i32
      %le3A_128 = arith.cmpi sle, %reduce_min3A_7, %le3A_127 : i32
      %ge3A_129 = arith.constant 10 : i32
      %ge3A_130 = arith.cmpi sge, %reduce_max3A_11, %ge3A_129 : i32
      %and3A_131 = arith.andi %le3A_128, %ge3A_130 : i1
      %convert_element_type3A_132 = arith.extui %and3A_131 : i1 to i32
      %cond3A_133 = arith.constant 0 : i32
      %cond3A_134 = arith.cmpi ne, %convert_element_type3A_132, %cond3A_133 : i32
      scf.if %cond3A_134 {
        %lt3A = arith.constant 10 : i32
        %lt3A_263 = vector.broadcast %lt3A : i32 to vector<6400xi32>
        %lt3A_264 = arith.cmpi slt, %get3A_3, %lt3A_263 : vector<6400xi32>
        %convert_element_type3A_265 = arith.extui %lt3A_264 : vector<6400xi1> to vector<6400xi32>
        %reduce_sum3A = vector.shape_cast %convert_element_type3A_265 : vector<6400xi32> to vector<1x6400xi32>
        %reduce_sum3A_266 = arith.constant dense<0> : vector<1xi32>
        %reduce_sum3A_267 = vector.multi_reduction <add>, %reduce_sum3A, %reduce_sum3A_266 [1] : vector<1x6400xi32> to vector<1xi32>
        %reduce_sum3A_268 = vector.shape_cast %reduce_sum3A_267 : vector<1xi32> to vector<1x1xi32>
        %reduce_sum3A_269 = vector.extract %reduce_sum3A_268[0, 0] : i32 from vector<1x1xi32>
        %le3A_270 = arith.constant 10 : i32
        %le3A_271 = vector.broadcast %le3A_270 : i32 to vector<6400xi32>
        %le3A_272 = arith.cmpi sle, %get3A_3, %le3A_271 : vector<6400xi32>
        %convert_element_type3A_273 = arith.extui %le3A_272 : vector<6400xi1> to vector<6400xi32>
        %reduce_sum3A_274 = vector.shape_cast %convert_element_type3A_273 : vector<6400xi32> to vector<1x6400xi32>
        %reduce_sum3A_275 = arith.constant dense<0> : vector<1xi32>
        %reduce_sum3A_276 = vector.multi_reduction <add>, %reduce_sum3A_274, %reduce_sum3A_275 [1] : vector<1x6400xi32> to vector<1xi32>
        %reduce_sum3A_277 = vector.shape_cast %reduce_sum3A_276 : vector<1xi32> to vector<1x1xi32>
        %reduce_sum3A_278 = vector.extract %reduce_sum3A_277[0, 0] : i32 from vector<1x1xi32>
        %ge3A_279 = vector.broadcast %reduce_sum3A_269 : i32 to vector<1600x128xi32>
        %ge3A_280 = arith.cmpi sge, %add3A, %ge3A_279 : vector<1600x128xi32>
        %lt3A_281 = vector.broadcast %reduce_sum3A_278 : i32 to vector<1600x128xi32>
        %lt3A_282 = arith.cmpi slt, %add3A, %lt3A_281 : vector<1600x128xi32>
        %and3A_283 = arith.andi %ge3A_280, %lt3A_282 : vector<1600x128xi1>
        %jit3A_284 = arith.constant 0.000000e+00 : f32
        %broadcast_in_dim3A_285 = vector.broadcast %jit3A_284 : f32 to vector<1600x128xf32>
        %select_n3A_286 = arith.select %and3A_283, %get3A_18, %broadcast_in_dim3A_285 : vector<1600x128xi1>, vector<1600x128xf32>
        %get3A_287 = arith.constant 0 : index
        %get3A_288 = arith.constant 0 : index
        %get3A_289 = vector.load %arg4[%get3A_287, %get3A_288] : memref<1600x128xf32, #tpu.memory_space<vmem>>, vector<1600x128xf32>
        %get3A_290 = arith.constant 10 : index
        %get3A_291 = arith.constant 0 : index
        %get3A_292 = arith.constant 0 : index
        %get3A_293 = vector.load %arg3[%get3A_290, %get3A_291, %get3A_292] : memref<27x128x128xf32, #tpu.memory_space<vmem>>, vector<1x128x128xf32>
        %get3A_294 = vector.shape_cast %get3A_293 : vector<1x128x128xf32> to vector<128x128xf32>
        %dot_general3A = arith.constant dense<0.000000e+00> : vector<1600x128xf32>
        %dot_general3A_295 = tpu.matmul %select_n3A_286, %get3A_294, %dot_general3A {dimension_numbers = #tpu.dot_dimension_numbers<[1], [0], [0], [1], [0, 0, 1, 1], [], []>, transpose_lhs_hint = false} : vector<1600x128xf32>, vector<128x128xf32>, vector<1600x128xf32> -> vector<1600x128xf32>
        %add3A_296 = arith.addf %get3A_289, %dot_general3A_295 : vector<1600x128xf32>
        %swap3A_297 = arith.constant 0 : index
        %swap3A_298 = arith.constant 0 : index
        %swap3A_299 = vector.load %arg4[%swap3A_297, %swap3A_298] : memref<1600x128xf32, #tpu.memory_space<vmem>>, vector<1600x128xf32>
        tpu.vector_store %arg4[%swap3A_297, %swap3A_298], %add3A_296 {strides = array<i32>} : memref<1600x128xf32, #tpu.memory_space<vmem>>, vector<1600x128xf32>,
      } else {
      }
      %le3A_135 = arith.constant 11 : i32
      %le3A_136 = arith.cmpi sle, %reduce_min3A_7, %le3A_135 : i32
      %ge3A_137 = arith.constant 11 : i32
      %ge3A_138 = arith.cmpi sge, %reduce_max3A_11, %ge3A_137 : i32
      %and3A_139 = arith.andi %le3A_136, %ge3A_138 : i1
      %convert_element_type3A_140 = arith.extui %and3A_139 : i1 to i32
      %cond3A_141 = arith.constant 0 : i32
      %cond3A_142 = arith.cmpi ne, %convert_element_type3A_140, %cond3A_141 : i32
      scf.if %cond3A_142 {
        %lt3A = arith.constant 11 : i32
        %lt3A_263 = vector.broadcast %lt3A : i32 to vector<6400xi32>
        %lt3A_264 = arith.cmpi slt, %get3A_3, %lt3A_263 : vector<6400xi32>
        %convert_element_type3A_265 = arith.extui %lt3A_264 : vector<6400xi1> to vector<6400xi32>
        %reduce_sum3A = vector.shape_cast %convert_element_type3A_265 : vector<6400xi32> to vector<1x6400xi32>
        %reduce_sum3A_266 = arith.constant dense<0> : vector<1xi32>
        %reduce_sum3A_267 = vector.multi_reduction <add>, %reduce_sum3A, %reduce_sum3A_266 [1] : vector<1x6400xi32> to vector<1xi32>
        %reduce_sum3A_268 = vector.shape_cast %reduce_sum3A_267 : vector<1xi32> to vector<1x1xi32>
        %reduce_sum3A_269 = vector.extract %reduce_sum3A_268[0, 0] : i32 from vector<1x1xi32>
        %le3A_270 = arith.constant 11 : i32
        %le3A_271 = vector.broadcast %le3A_270 : i32 to vector<6400xi32>
        %le3A_272 = arith.cmpi sle, %get3A_3, %le3A_271 : vector<6400xi32>
        %convert_element_type3A_273 = arith.extui %le3A_272 : vector<6400xi1> to vector<6400xi32>
        %reduce_sum3A_274 = vector.shape_cast %convert_element_type3A_273 : vector<6400xi32> to vector<1x6400xi32>
        %reduce_sum3A_275 = arith.constant dense<0> : vector<1xi32>
        %reduce_sum3A_276 = vector.multi_reduction <add>, %reduce_sum3A_274, %reduce_sum3A_275 [1] : vector<1x6400xi32> to vector<1xi32>
        %reduce_sum3A_277 = vector.shape_cast %reduce_sum3A_276 : vector<1xi32> to vector<1x1xi32>
        %reduce_sum3A_278 = vector.extract %reduce_sum3A_277[0, 0] : i32 from vector<1x1xi32>
        %ge3A_279 = vector.broadcast %reduce_sum3A_269 : i32 to vector<1600x128xi32>
        %ge3A_280 = arith.cmpi sge, %add3A, %ge3A_279 : vector<1600x128xi32>
        %lt3A_281 = vector.broadcast %reduce_sum3A_278 : i32 to vector<1600x128xi32>
        %lt3A_282 = arith.cmpi slt, %add3A, %lt3A_281 : vector<1600x128xi32>
        %and3A_283 = arith.andi %ge3A_280, %lt3A_282 : vector<1600x128xi1>
        %jit3A_284 = arith.constant 0.000000e+00 : f32
        %broadcast_in_dim3A_285 = vector.broadcast %jit3A_284 : f32 to vector<1600x128xf32>
        %select_n3A_286 = arith.select %and3A_283, %get3A_18, %broadcast_in_dim3A_285 : vector<1600x128xi1>, vector<1600x128xf32>
        %get3A_287 = arith.constant 0 : index
        %get3A_288 = arith.constant 0 : index
        %get3A_289 = vector.load %arg4[%get3A_287, %get3A_288] : memref<1600x128xf32, #tpu.memory_space<vmem>>, vector<1600x128xf32>
        %get3A_290 = arith.constant 11 : index
        %get3A_291 = arith.constant 0 : index
        %get3A_292 = arith.constant 0 : index
        %get3A_293 = vector.load %arg3[%get3A_290, %get3A_291, %get3A_292] : memref<27x128x128xf32, #tpu.memory_space<vmem>>, vector<1x128x128xf32>
        %get3A_294 = vector.shape_cast %get3A_293 : vector<1x128x128xf32> to vector<128x128xf32>
        %dot_general3A = arith.constant dense<0.000000e+00> : vector<1600x128xf32>
        %dot_general3A_295 = tpu.matmul %select_n3A_286, %get3A_294, %dot_general3A {dimension_numbers = #tpu.dot_dimension_numbers<[1], [0], [0], [1], [0, 0, 1, 1], [], []>, transpose_lhs_hint = false} : vector<1600x128xf32>, vector<128x128xf32>, vector<1600x128xf32> -> vector<1600x128xf32>
        %add3A_296 = arith.addf %get3A_289, %dot_general3A_295 : vector<1600x128xf32>
        %swap3A_297 = arith.constant 0 : index
        %swap3A_298 = arith.constant 0 : index
        %swap3A_299 = vector.load %arg4[%swap3A_297, %swap3A_298] : memref<1600x128xf32, #tpu.memory_space<vmem>>, vector<1600x128xf32>
        tpu.vector_store %arg4[%swap3A_297, %swap3A_298], %add3A_296 {strides = array<i32>} : memref<1600x128xf32, #tpu.memory_space<vmem>>, vector<1600x128xf32>,
      } else {
      }
      %le3A_143 = arith.constant 12 : i32
      %le3A_144 = arith.cmpi sle, %reduce_min3A_7, %le3A_143 : i32
      %ge3A_145 = arith.constant 12 : i32
      %ge3A_146 = arith.cmpi sge, %reduce_max3A_11, %ge3A_145 : i32
      %and3A_147 = arith.andi %le3A_144, %ge3A_146 : i1
      %convert_element_type3A_148 = arith.extui %and3A_147 : i1 to i32
      %cond3A_149 = arith.constant 0 : i32
      %cond3A_150 = arith.cmpi ne, %convert_element_type3A_148, %cond3A_149 : i32
      scf.if %cond3A_150 {
        %lt3A = arith.constant 12 : i32
        %lt3A_263 = vector.broadcast %lt3A : i32 to vector<6400xi32>
        %lt3A_264 = arith.cmpi slt, %get3A_3, %lt3A_263 : vector<6400xi32>
        %convert_element_type3A_265 = arith.extui %lt3A_264 : vector<6400xi1> to vector<6400xi32>
        %reduce_sum3A = vector.shape_cast %convert_element_type3A_265 : vector<6400xi32> to vector<1x6400xi32>
        %reduce_sum3A_266 = arith.constant dense<0> : vector<1xi32>
        %reduce_sum3A_267 = vector.multi_reduction <add>, %reduce_sum3A, %reduce_sum3A_266 [1] : vector<1x6400xi32> to vector<1xi32>
        %reduce_sum3A_268 = vector.shape_cast %reduce_sum3A_267 : vector<1xi32> to vector<1x1xi32>
        %reduce_sum3A_269 = vector.extract %reduce_sum3A_268[0, 0] : i32 from vector<1x1xi32>
        %le3A_270 = arith.constant 12 : i32
        %le3A_271 = vector.broadcast %le3A_270 : i32 to vector<6400xi32>
        %le3A_272 = arith.cmpi sle, %get3A_3, %le3A_271 : vector<6400xi32>
        %convert_element_type3A_273 = arith.extui %le3A_272 : vector<6400xi1> to vector<6400xi32>
        %reduce_sum3A_274 = vector.shape_cast %convert_element_type3A_273 : vector<6400xi32> to vector<1x6400xi32>
        %reduce_sum3A_275 = arith.constant dense<0> : vector<1xi32>
        %reduce_sum3A_276 = vector.multi_reduction <add>, %reduce_sum3A_274, %reduce_sum3A_275 [1] : vector<1x6400xi32> to vector<1xi32>
        %reduce_sum3A_277 = vector.shape_cast %reduce_sum3A_276 : vector<1xi32> to vector<1x1xi32>
        %reduce_sum3A_278 = vector.extract %reduce_sum3A_277[0, 0] : i32 from vector<1x1xi32>
        %ge3A_279 = vector.broadcast %reduce_sum3A_269 : i32 to vector<1600x128xi32>
        %ge3A_280 = arith.cmpi sge, %add3A, %ge3A_279 : vector<1600x128xi32>
        %lt3A_281 = vector.broadcast %reduce_sum3A_278 : i32 to vector<1600x128xi32>
        %lt3A_282 = arith.cmpi slt, %add3A, %lt3A_281 : vector<1600x128xi32>
        %and3A_283 = arith.andi %ge3A_280, %lt3A_282 : vector<1600x128xi1>
        %jit3A_284 = arith.constant 0.000000e+00 : f32
        %broadcast_in_dim3A_285 = vector.broadcast %jit3A_284 : f32 to vector<1600x128xf32>
        %select_n3A_286 = arith.select %and3A_283, %get3A_18, %broadcast_in_dim3A_285 : vector<1600x128xi1>, vector<1600x128xf32>
        %get3A_287 = arith.constant 0 : index
        %get3A_288 = arith.constant 0 : index
        %get3A_289 = vector.load %arg4[%get3A_287, %get3A_288] : memref<1600x128xf32, #tpu.memory_space<vmem>>, vector<1600x128xf32>
        %get3A_290 = arith.constant 12 : index
        %get3A_291 = arith.constant 0 : index
        %get3A_292 = arith.constant 0 : index
        %get3A_293 = vector.load %arg3[%get3A_290, %get3A_291, %get3A_292] : memref<27x128x128xf32, #tpu.memory_space<vmem>>, vector<1x128x128xf32>
        %get3A_294 = vector.shape_cast %get3A_293 : vector<1x128x128xf32> to vector<128x128xf32>
        %dot_general3A = arith.constant dense<0.000000e+00> : vector<1600x128xf32>
        %dot_general3A_295 = tpu.matmul %select_n3A_286, %get3A_294, %dot_general3A {dimension_numbers = #tpu.dot_dimension_numbers<[1], [0], [0], [1], [0, 0, 1, 1], [], []>, transpose_lhs_hint = false} : vector<1600x128xf32>, vector<128x128xf32>, vector<1600x128xf32> -> vector<1600x128xf32>
        %add3A_296 = arith.addf %get3A_289, %dot_general3A_295 : vector<1600x128xf32>
        %swap3A_297 = arith.constant 0 : index
        %swap3A_298 = arith.constant 0 : index
        %swap3A_299 = vector.load %arg4[%swap3A_297, %swap3A_298] : memref<1600x128xf32, #tpu.memory_space<vmem>>, vector<1600x128xf32>
        tpu.vector_store %arg4[%swap3A_297, %swap3A_298], %add3A_296 {strides = array<i32>} : memref<1600x128xf32, #tpu.memory_space<vmem>>, vector<1600x128xf32>,
      } else {
      }
      %le3A_151 = arith.constant 13 : i32
      %le3A_152 = arith.cmpi sle, %reduce_min3A_7, %le3A_151 : i32
      %ge3A_153 = arith.constant 13 : i32
      %ge3A_154 = arith.cmpi sge, %reduce_max3A_11, %ge3A_153 : i32
      %and3A_155 = arith.andi %le3A_152, %ge3A_154 : i1
      %convert_element_type3A_156 = arith.extui %and3A_155 : i1 to i32
      %cond3A_157 = arith.constant 0 : i32
      %cond3A_158 = arith.cmpi ne, %convert_element_type3A_156, %cond3A_157 : i32
      scf.if %cond3A_158 {
        %lt3A = arith.constant 13 : i32
        %lt3A_263 = vector.broadcast %lt3A : i32 to vector<6400xi32>
        %lt3A_264 = arith.cmpi slt, %get3A_3, %lt3A_263 : vector<6400xi32>
        %convert_element_type3A_265 = arith.extui %lt3A_264 : vector<6400xi1> to vector<6400xi32>
        %reduce_sum3A = vector.shape_cast %convert_element_type3A_265 : vector<6400xi32> to vector<1x6400xi32>
        %reduce_sum3A_266 = arith.constant dense<0> : vector<1xi32>
        %reduce_sum3A_267 = vector.multi_reduction <add>, %reduce_sum3A, %reduce_sum3A_266 [1] : vector<1x6400xi32> to vector<1xi32>
        %reduce_sum3A_268 = vector.shape_cast %reduce_sum3A_267 : vector<1xi32> to vector<1x1xi32>
        %reduce_sum3A_269 = vector.extract %reduce_sum3A_268[0, 0] : i32 from vector<1x1xi32>
        %le3A_270 = arith.constant 13 : i32
        %le3A_271 = vector.broadcast %le3A_270 : i32 to vector<6400xi32>
        %le3A_272 = arith.cmpi sle, %get3A_3, %le3A_271 : vector<6400xi32>
        %convert_element_type3A_273 = arith.extui %le3A_272 : vector<6400xi1> to vector<6400xi32>
        %reduce_sum3A_274 = vector.shape_cast %convert_element_type3A_273 : vector<6400xi32> to vector<1x6400xi32>
        %reduce_sum3A_275 = arith.constant dense<0> : vector<1xi32>
        %reduce_sum3A_276 = vector.multi_reduction <add>, %reduce_sum3A_274, %reduce_sum3A_275 [1] : vector<1x6400xi32> to vector<1xi32>
        %reduce_sum3A_277 = vector.shape_cast %reduce_sum3A_276 : vector<1xi32> to vector<1x1xi32>
        %reduce_sum3A_278 = vector.extract %reduce_sum3A_277[0, 0] : i32 from vector<1x1xi32>
        %ge3A_279 = vector.broadcast %reduce_sum3A_269 : i32 to vector<1600x128xi32>
        %ge3A_280 = arith.cmpi sge, %add3A, %ge3A_279 : vector<1600x128xi32>
        %lt3A_281 = vector.broadcast %reduce_sum3A_278 : i32 to vector<1600x128xi32>
        %lt3A_282 = arith.cmpi slt, %add3A, %lt3A_281 : vector<1600x128xi32>
        %and3A_283 = arith.andi %ge3A_280, %lt3A_282 : vector<1600x128xi1>
        %jit3A_284 = arith.constant 0.000000e+00 : f32
        %broadcast_in_dim3A_285 = vector.broadcast %jit3A_284 : f32 to vector<1600x128xf32>
        %select_n3A_286 = arith.select %and3A_283, %get3A_18, %broadcast_in_dim3A_285 : vector<1600x128xi1>, vector<1600x128xf32>
        %get3A_287 = arith.constant 0 : index
        %get3A_288 = arith.constant 0 : index
        %get3A_289 = vector.load %arg4[%get3A_287, %get3A_288] : memref<1600x128xf32, #tpu.memory_space<vmem>>, vector<1600x128xf32>
        %get3A_290 = arith.constant 13 : index
        %get3A_291 = arith.constant 0 : index
        %get3A_292 = arith.constant 0 : index
        %get3A_293 = vector.load %arg3[%get3A_290, %get3A_291, %get3A_292] : memref<27x128x128xf32, #tpu.memory_space<vmem>>, vector<1x128x128xf32>
        %get3A_294 = vector.shape_cast %get3A_293 : vector<1x128x128xf32> to vector<128x128xf32>
        %dot_general3A = arith.constant dense<0.000000e+00> : vector<1600x128xf32>
        %dot_general3A_295 = tpu.matmul %select_n3A_286, %get3A_294, %dot_general3A {dimension_numbers = #tpu.dot_dimension_numbers<[1], [0], [0], [1], [0, 0, 1, 1], [], []>, transpose_lhs_hint = false} : vector<1600x128xf32>, vector<128x128xf32>, vector<1600x128xf32> -> vector<1600x128xf32>
        %add3A_296 = arith.addf %get3A_289, %dot_general3A_295 : vector<1600x128xf32>
        %swap3A_297 = arith.constant 0 : index
        %swap3A_298 = arith.constant 0 : index
        %swap3A_299 = vector.load %arg4[%swap3A_297, %swap3A_298] : memref<1600x128xf32, #tpu.memory_space<vmem>>, vector<1600x128xf32>
        tpu.vector_store %arg4[%swap3A_297, %swap3A_298], %add3A_296 {strides = array<i32>} : memref<1600x128xf32, #tpu.memory_space<vmem>>, vector<1600x128xf32>,
      } else {
      }
      %le3A_159 = arith.constant 14 : i32
      %le3A_160 = arith.cmpi sle, %reduce_min3A_7, %le3A_159 : i32
      %ge3A_161 = arith.constant 14 : i32
      %ge3A_162 = arith.cmpi sge, %reduce_max3A_11, %ge3A_161 : i32
      %and3A_163 = arith.andi %le3A_160, %ge3A_162 : i1
      %convert_element_type3A_164 = arith.extui %and3A_163 : i1 to i32
      %cond3A_165 = arith.constant 0 : i32
      %cond3A_166 = arith.cmpi ne, %convert_element_type3A_164, %cond3A_165 : i32
      scf.if %cond3A_166 {
        %lt3A = arith.constant 14 : i32
        %lt3A_263 = vector.broadcast %lt3A : i32 to vector<6400xi32>
        %lt3A_264 = arith.cmpi slt, %get3A_3, %lt3A_263 : vector<6400xi32>
        %convert_element_type3A_265 = arith.extui %lt3A_264 : vector<6400xi1> to vector<6400xi32>
        %reduce_sum3A = vector.shape_cast %convert_element_type3A_265 : vector<6400xi32> to vector<1x6400xi32>
        %reduce_sum3A_266 = arith.constant dense<0> : vector<1xi32>
        %reduce_sum3A_267 = vector.multi_reduction <add>, %reduce_sum3A, %reduce_sum3A_266 [1] : vector<1x6400xi32> to vector<1xi32>
        %reduce_sum3A_268 = vector.shape_cast %reduce_sum3A_267 : vector<1xi32> to vector<1x1xi32>
        %reduce_sum3A_269 = vector.extract %reduce_sum3A_268[0, 0] : i32 from vector<1x1xi32>
        %le3A_270 = arith.constant 14 : i32
        %le3A_271 = vector.broadcast %le3A_270 : i32 to vector<6400xi32>
        %le3A_272 = arith.cmpi sle, %get3A_3, %le3A_271 : vector<6400xi32>
        %convert_element_type3A_273 = arith.extui %le3A_272 : vector<6400xi1> to vector<6400xi32>
        %reduce_sum3A_274 = vector.shape_cast %convert_element_type3A_273 : vector<6400xi32> to vector<1x6400xi32>
        %reduce_sum3A_275 = arith.constant dense<0> : vector<1xi32>
        %reduce_sum3A_276 = vector.multi_reduction <add>, %reduce_sum3A_274, %reduce_sum3A_275 [1] : vector<1x6400xi32> to vector<1xi32>
        %reduce_sum3A_277 = vector.shape_cast %reduce_sum3A_276 : vector<1xi32> to vector<1x1xi32>
        %reduce_sum3A_278 = vector.extract %reduce_sum3A_277[0, 0] : i32 from vector<1x1xi32>
        %ge3A_279 = vector.broadcast %reduce_sum3A_269 : i32 to vector<1600x128xi32>
        %ge3A_280 = arith.cmpi sge, %add3A, %ge3A_279 : vector<1600x128xi32>
        %lt3A_281 = vector.broadcast %reduce_sum3A_278 : i32 to vector<1600x128xi32>
        %lt3A_282 = arith.cmpi slt, %add3A, %lt3A_281 : vector<1600x128xi32>
        %and3A_283 = arith.andi %ge3A_280, %lt3A_282 : vector<1600x128xi1>
        %jit3A_284 = arith.constant 0.000000e+00 : f32
        %broadcast_in_dim3A_285 = vector.broadcast %jit3A_284 : f32 to vector<1600x128xf32>
        %select_n3A_286 = arith.select %and3A_283, %get3A_18, %broadcast_in_dim3A_285 : vector<1600x128xi1>, vector<1600x128xf32>
        %get3A_287 = arith.constant 0 : index
        %get3A_288 = arith.constant 0 : index
        %get3A_289 = vector.load %arg4[%get3A_287, %get3A_288] : memref<1600x128xf32, #tpu.memory_space<vmem>>, vector<1600x128xf32>
        %get3A_290 = arith.constant 14 : index
        %get3A_291 = arith.constant 0 : index
        %get3A_292 = arith.constant 0 : index
        %get3A_293 = vector.load %arg3[%get3A_290, %get3A_291, %get3A_292] : memref<27x128x128xf32, #tpu.memory_space<vmem>>, vector<1x128x128xf32>
        %get3A_294 = vector.shape_cast %get3A_293 : vector<1x128x128xf32> to vector<128x128xf32>
        %dot_general3A = arith.constant dense<0.000000e+00> : vector<1600x128xf32>
        %dot_general3A_295 = tpu.matmul %select_n3A_286, %get3A_294, %dot_general3A {dimension_numbers = #tpu.dot_dimension_numbers<[1], [0], [0], [1], [0, 0, 1, 1], [], []>, transpose_lhs_hint = false} : vector<1600x128xf32>, vector<128x128xf32>, vector<1600x128xf32> -> vector<1600x128xf32>
        %add3A_296 = arith.addf %get3A_289, %dot_general3A_295 : vector<1600x128xf32>
        %swap3A_297 = arith.constant 0 : index
        %swap3A_298 = arith.constant 0 : index
        %swap3A_299 = vector.load %arg4[%swap3A_297, %swap3A_298] : memref<1600x128xf32, #tpu.memory_space<vmem>>, vector<1600x128xf32>
        tpu.vector_store %arg4[%swap3A_297, %swap3A_298], %add3A_296 {strides = array<i32>} : memref<1600x128xf32, #tpu.memory_space<vmem>>, vector<1600x128xf32>,
      } else {
      }
      %le3A_167 = arith.constant 15 : i32
      %le3A_168 = arith.cmpi sle, %reduce_min3A_7, %le3A_167 : i32
      %ge3A_169 = arith.constant 15 : i32
      %ge3A_170 = arith.cmpi sge, %reduce_max3A_11, %ge3A_169 : i32
      %and3A_171 = arith.andi %le3A_168, %ge3A_170 : i1
      %convert_element_type3A_172 = arith.extui %and3A_171 : i1 to i32
      %cond3A_173 = arith.constant 0 : i32
      %cond3A_174 = arith.cmpi ne, %convert_element_type3A_172, %cond3A_173 : i32
      scf.if %cond3A_174 {
        %lt3A = arith.constant 15 : i32
        %lt3A_263 = vector.broadcast %lt3A : i32 to vector<6400xi32>
        %lt3A_264 = arith.cmpi slt, %get3A_3, %lt3A_263 : vector<6400xi32>
        %convert_element_type3A_265 = arith.extui %lt3A_264 : vector<6400xi1> to vector<6400xi32>
        %reduce_sum3A = vector.shape_cast %convert_element_type3A_265 : vector<6400xi32> to vector<1x6400xi32>
        %reduce_sum3A_266 = arith.constant dense<0> : vector<1xi32>
        %reduce_sum3A_267 = vector.multi_reduction <add>, %reduce_sum3A, %reduce_sum3A_266 [1] : vector<1x6400xi32> to vector<1xi32>
        %reduce_sum3A_268 = vector.shape_cast %reduce_sum3A_267 : vector<1xi32> to vector<1x1xi32>
        %reduce_sum3A_269 = vector.extract %reduce_sum3A_268[0, 0] : i32 from vector<1x1xi32>
        %le3A_270 = arith.constant 15 : i32
        %le3A_271 = vector.broadcast %le3A_270 : i32 to vector<6400xi32>
        %le3A_272 = arith.cmpi sle, %get3A_3, %le3A_271 : vector<6400xi32>
        %convert_element_type3A_273 = arith.extui %le3A_272 : vector<6400xi1> to vector<6400xi32>
        %reduce_sum3A_274 = vector.shape_cast %convert_element_type3A_273 : vector<6400xi32> to vector<1x6400xi32>
        %reduce_sum3A_275 = arith.constant dense<0> : vector<1xi32>
        %reduce_sum3A_276 = vector.multi_reduction <add>, %reduce_sum3A_274, %reduce_sum3A_275 [1] : vector<1x6400xi32> to vector<1xi32>
        %reduce_sum3A_277 = vector.shape_cast %reduce_sum3A_276 : vector<1xi32> to vector<1x1xi32>
        %reduce_sum3A_278 = vector.extract %reduce_sum3A_277[0, 0] : i32 from vector<1x1xi32>
        %ge3A_279 = vector.broadcast %reduce_sum3A_269 : i32 to vector<1600x128xi32>
        %ge3A_280 = arith.cmpi sge, %add3A, %ge3A_279 : vector<1600x128xi32>
        %lt3A_281 = vector.broadcast %reduce_sum3A_278 : i32 to vector<1600x128xi32>
        %lt3A_282 = arith.cmpi slt, %add3A, %lt3A_281 : vector<1600x128xi32>
        %and3A_283 = arith.andi %ge3A_280, %lt3A_282 : vector<1600x128xi1>
        %jit3A_284 = arith.constant 0.000000e+00 : f32
        %broadcast_in_dim3A_285 = vector.broadcast %jit3A_284 : f32 to vector<1600x128xf32>
        %select_n3A_286 = arith.select %and3A_283, %get3A_18, %broadcast_in_dim3A_285 : vector<1600x128xi1>, vector<1600x128xf32>
        %get3A_287 = arith.constant 0 : index
        %get3A_288 = arith.constant 0 : index
        %get3A_289 = vector.load %arg4[%get3A_287, %get3A_288] : memref<1600x128xf32, #tpu.memory_space<vmem>>, vector<1600x128xf32>
        %get3A_290 = arith.constant 15 : index
        %get3A_291 = arith.constant 0 : index
        %get3A_292 = arith.constant 0 : index
        %get3A_293 = vector.load %arg3[%get3A_290, %get3A_291, %get3A_292] : memref<27x128x128xf32, #tpu.memory_space<vmem>>, vector<1x128x128xf32>
        %get3A_294 = vector.shape_cast %get3A_293 : vector<1x128x128xf32> to vector<128x128xf32>
        %dot_general3A = arith.constant dense<0.000000e+00> : vector<1600x128xf32>
        %dot_general3A_295 = tpu.matmul %select_n3A_286, %get3A_294, %dot_general3A {dimension_numbers = #tpu.dot_dimension_numbers<[1], [0], [0], [1], [0, 0, 1, 1], [], []>, transpose_lhs_hint = false} : vector<1600x128xf32>, vector<128x128xf32>, vector<1600x128xf32> -> vector<1600x128xf32>
        %add3A_296 = arith.addf %get3A_289, %dot_general3A_295 : vector<1600x128xf32>
        %swap3A_297 = arith.constant 0 : index
        %swap3A_298 = arith.constant 0 : index
        %swap3A_299 = vector.load %arg4[%swap3A_297, %swap3A_298] : memref<1600x128xf32, #tpu.memory_space<vmem>>, vector<1600x128xf32>
        tpu.vector_store %arg4[%swap3A_297, %swap3A_298], %add3A_296 {strides = array<i32>} : memref<1600x128xf32, #tpu.memory_space<vmem>>, vector<1600x128xf32>,
      } else {
      }
      %le3A_175 = arith.constant 16 : i32
      %le3A_176 = arith.cmpi sle, %reduce_min3A_7, %le3A_175 : i32
      %ge3A_177 = arith.constant 16 : i32
      %ge3A_178 = arith.cmpi sge, %reduce_max3A_11, %ge3A_177 : i32
      %and3A_179 = arith.andi %le3A_176, %ge3A_178 : i1
      %convert_element_type3A_180 = arith.extui %and3A_179 : i1 to i32
      %cond3A_181 = arith.constant 0 : i32
      %cond3A_182 = arith.cmpi ne, %convert_element_type3A_180, %cond3A_181 : i32
      scf.if %cond3A_182 {
        %lt3A = arith.constant 16 : i32
        %lt3A_263 = vector.broadcast %lt3A : i32 to vector<6400xi32>
        %lt3A_264 = arith.cmpi slt, %get3A_3, %lt3A_263 : vector<6400xi32>
        %convert_element_type3A_265 = arith.extui %lt3A_264 : vector<6400xi1> to vector<6400xi32>
        %reduce_sum3A = vector.shape_cast %convert_element_type3A_265 : vector<6400xi32> to vector<1x6400xi32>
        %reduce_sum3A_266 = arith.constant dense<0> : vector<1xi32>
        %reduce_sum3A_267 = vector.multi_reduction <add>, %reduce_sum3A, %reduce_sum3A_266 [1] : vector<1x6400xi32> to vector<1xi32>
        %reduce_sum3A_268 = vector.shape_cast %reduce_sum3A_267 : vector<1xi32> to vector<1x1xi32>
        %reduce_sum3A_269 = vector.extract %reduce_sum3A_268[0, 0] : i32 from vector<1x1xi32>
        %le3A_270 = arith.constant 16 : i32
        %le3A_271 = vector.broadcast %le3A_270 : i32 to vector<6400xi32>
        %le3A_272 = arith.cmpi sle, %get3A_3, %le3A_271 : vector<6400xi32>
        %convert_element_type3A_273 = arith.extui %le3A_272 : vector<6400xi1> to vector<6400xi32>
        %reduce_sum3A_274 = vector.shape_cast %convert_element_type3A_273 : vector<6400xi32> to vector<1x6400xi32>
        %reduce_sum3A_275 = arith.constant dense<0> : vector<1xi32>
        %reduce_sum3A_276 = vector.multi_reduction <add>, %reduce_sum3A_274, %reduce_sum3A_275 [1] : vector<1x6400xi32> to vector<1xi32>
        %reduce_sum3A_277 = vector.shape_cast %reduce_sum3A_276 : vector<1xi32> to vector<1x1xi32>
        %reduce_sum3A_278 = vector.extract %reduce_sum3A_277[0, 0] : i32 from vector<1x1xi32>
        %ge3A_279 = vector.broadcast %reduce_sum3A_269 : i32 to vector<1600x128xi32>
        %ge3A_280 = arith.cmpi sge, %add3A, %ge3A_279 : vector<1600x128xi32>
        %lt3A_281 = vector.broadcast %reduce_sum3A_278 : i32 to vector<1600x128xi32>
        %lt3A_282 = arith.cmpi slt, %add3A, %lt3A_281 : vector<1600x128xi32>
        %and3A_283 = arith.andi %ge3A_280, %lt3A_282 : vector<1600x128xi1>
        %jit3A_284 = arith.constant 0.000000e+00 : f32
        %broadcast_in_dim3A_285 = vector.broadcast %jit3A_284 : f32 to vector<1600x128xf32>
        %select_n3A_286 = arith.select %and3A_283, %get3A_18, %broadcast_in_dim3A_285 : vector<1600x128xi1>, vector<1600x128xf32>
        %get3A_287 = arith.constant 0 : index
        %get3A_288 = arith.constant 0 : index
        %get3A_289 = vector.load %arg4[%get3A_287, %get3A_288] : memref<1600x128xf32, #tpu.memory_space<vmem>>, vector<1600x128xf32>
        %get3A_290 = arith.constant 16 : index
        %get3A_291 = arith.constant 0 : index
        %get3A_292 = arith.constant 0 : index
        %get3A_293 = vector.load %arg3[%get3A_290, %get3A_291, %get3A_292] : memref<27x128x128xf32, #tpu.memory_space<vmem>>, vector<1x128x128xf32>
        %get3A_294 = vector.shape_cast %get3A_293 : vector<1x128x128xf32> to vector<128x128xf32>
        %dot_general3A = arith.constant dense<0.000000e+00> : vector<1600x128xf32>
        %dot_general3A_295 = tpu.matmul %select_n3A_286, %get3A_294, %dot_general3A {dimension_numbers = #tpu.dot_dimension_numbers<[1], [0], [0], [1], [0, 0, 1, 1], [], []>, transpose_lhs_hint = false} : vector<1600x128xf32>, vector<128x128xf32>, vector<1600x128xf32> -> vector<1600x128xf32>
        %add3A_296 = arith.addf %get3A_289, %dot_general3A_295 : vector<1600x128xf32>
        %swap3A_297 = arith.constant 0 : index
        %swap3A_298 = arith.constant 0 : index
        %swap3A_299 = vector.load %arg4[%swap3A_297, %swap3A_298] : memref<1600x128xf32, #tpu.memory_space<vmem>>, vector<1600x128xf32>
        tpu.vector_store %arg4[%swap3A_297, %swap3A_298], %add3A_296 {strides = array<i32>} : memref<1600x128xf32, #tpu.memory_space<vmem>>, vector<1600x128xf32>,
      } else {
      }
      %le3A_183 = arith.constant 17 : i32
      %le3A_184 = arith.cmpi sle, %reduce_min3A_7, %le3A_183 : i32
      %ge3A_185 = arith.constant 17 : i32
      %ge3A_186 = arith.cmpi sge, %reduce_max3A_11, %ge3A_185 : i32
      %and3A_187 = arith.andi %le3A_184, %ge3A_186 : i1
      %convert_element_type3A_188 = arith.extui %and3A_187 : i1 to i32
      %cond3A_189 = arith.constant 0 : i32
      %cond3A_190 = arith.cmpi ne, %convert_element_type3A_188, %cond3A_189 : i32
      scf.if %cond3A_190 {
        %lt3A = arith.constant 17 : i32
        %lt3A_263 = vector.broadcast %lt3A : i32 to vector<6400xi32>
        %lt3A_264 = arith.cmpi slt, %get3A_3, %lt3A_263 : vector<6400xi32>
        %convert_element_type3A_265 = arith.extui %lt3A_264 : vector<6400xi1> to vector<6400xi32>
        %reduce_sum3A = vector.shape_cast %convert_element_type3A_265 : vector<6400xi32> to vector<1x6400xi32>
        %reduce_sum3A_266 = arith.constant dense<0> : vector<1xi32>
        %reduce_sum3A_267 = vector.multi_reduction <add>, %reduce_sum3A, %reduce_sum3A_266 [1] : vector<1x6400xi32> to vector<1xi32>
        %reduce_sum3A_268 = vector.shape_cast %reduce_sum3A_267 : vector<1xi32> to vector<1x1xi32>
        %reduce_sum3A_269 = vector.extract %reduce_sum3A_268[0, 0] : i32 from vector<1x1xi32>
        %le3A_270 = arith.constant 17 : i32
        %le3A_271 = vector.broadcast %le3A_270 : i32 to vector<6400xi32>
        %le3A_272 = arith.cmpi sle, %get3A_3, %le3A_271 : vector<6400xi32>
        %convert_element_type3A_273 = arith.extui %le3A_272 : vector<6400xi1> to vector<6400xi32>
        %reduce_sum3A_274 = vector.shape_cast %convert_element_type3A_273 : vector<6400xi32> to vector<1x6400xi32>
        %reduce_sum3A_275 = arith.constant dense<0> : vector<1xi32>
        %reduce_sum3A_276 = vector.multi_reduction <add>, %reduce_sum3A_274, %reduce_sum3A_275 [1] : vector<1x6400xi32> to vector<1xi32>
        %reduce_sum3A_277 = vector.shape_cast %reduce_sum3A_276 : vector<1xi32> to vector<1x1xi32>
        %reduce_sum3A_278 = vector.extract %reduce_sum3A_277[0, 0] : i32 from vector<1x1xi32>
        %ge3A_279 = vector.broadcast %reduce_sum3A_269 : i32 to vector<1600x128xi32>
        %ge3A_280 = arith.cmpi sge, %add3A, %ge3A_279 : vector<1600x128xi32>
        %lt3A_281 = vector.broadcast %reduce_sum3A_278 : i32 to vector<1600x128xi32>
        %lt3A_282 = arith.cmpi slt, %add3A, %lt3A_281 : vector<1600x128xi32>
        %and3A_283 = arith.andi %ge3A_280, %lt3A_282 : vector<1600x128xi1>
        %jit3A_284 = arith.constant 0.000000e+00 : f32
        %broadcast_in_dim3A_285 = vector.broadcast %jit3A_284 : f32 to vector<1600x128xf32>
        %select_n3A_286 = arith.select %and3A_283, %get3A_18, %broadcast_in_dim3A_285 : vector<1600x128xi1>, vector<1600x128xf32>
        %get3A_287 = arith.constant 0 : index
        %get3A_288 = arith.constant 0 : index
        %get3A_289 = vector.load %arg4[%get3A_287, %get3A_288] : memref<1600x128xf32, #tpu.memory_space<vmem>>, vector<1600x128xf32>
        %get3A_290 = arith.constant 17 : index
        %get3A_291 = arith.constant 0 : index
        %get3A_292 = arith.constant 0 : index
        %get3A_293 = vector.load %arg3[%get3A_290, %get3A_291, %get3A_292] : memref<27x128x128xf32, #tpu.memory_space<vmem>>, vector<1x128x128xf32>
        %get3A_294 = vector.shape_cast %get3A_293 : vector<1x128x128xf32> to vector<128x128xf32>
        %dot_general3A = arith.constant dense<0.000000e+00> : vector<1600x128xf32>
        %dot_general3A_295 = tpu.matmul %select_n3A_286, %get3A_294, %dot_general3A {dimension_numbers = #tpu.dot_dimension_numbers<[1], [0], [0], [1], [0, 0, 1, 1], [], []>, transpose_lhs_hint = false} : vector<1600x128xf32>, vector<128x128xf32>, vector<1600x128xf32> -> vector<1600x128xf32>
        %add3A_296 = arith.addf %get3A_289, %dot_general3A_295 : vector<1600x128xf32>
        %swap3A_297 = arith.constant 0 : index
        %swap3A_298 = arith.constant 0 : index
        %swap3A_299 = vector.load %arg4[%swap3A_297, %swap3A_298] : memref<1600x128xf32, #tpu.memory_space<vmem>>, vector<1600x128xf32>
        tpu.vector_store %arg4[%swap3A_297, %swap3A_298], %add3A_296 {strides = array<i32>} : memref<1600x128xf32, #tpu.memory_space<vmem>>, vector<1600x128xf32>,
      } else {
      }
      %le3A_191 = arith.constant 18 : i32
      %le3A_192 = arith.cmpi sle, %reduce_min3A_7, %le3A_191 : i32
      %ge3A_193 = arith.constant 18 : i32
      %ge3A_194 = arith.cmpi sge, %reduce_max3A_11, %ge3A_193 : i32
      %and3A_195 = arith.andi %le3A_192, %ge3A_194 : i1
      %convert_element_type3A_196 = arith.extui %and3A_195 : i1 to i32
      %cond3A_197 = arith.constant 0 : i32
      %cond3A_198 = arith.cmpi ne, %convert_element_type3A_196, %cond3A_197 : i32
      scf.if %cond3A_198 {
        %lt3A = arith.constant 18 : i32
        %lt3A_263 = vector.broadcast %lt3A : i32 to vector<6400xi32>
        %lt3A_264 = arith.cmpi slt, %get3A_3, %lt3A_263 : vector<6400xi32>
        %convert_element_type3A_265 = arith.extui %lt3A_264 : vector<6400xi1> to vector<6400xi32>
        %reduce_sum3A = vector.shape_cast %convert_element_type3A_265 : vector<6400xi32> to vector<1x6400xi32>
        %reduce_sum3A_266 = arith.constant dense<0> : vector<1xi32>
        %reduce_sum3A_267 = vector.multi_reduction <add>, %reduce_sum3A, %reduce_sum3A_266 [1] : vector<1x6400xi32> to vector<1xi32>
        %reduce_sum3A_268 = vector.shape_cast %reduce_sum3A_267 : vector<1xi32> to vector<1x1xi32>
        %reduce_sum3A_269 = vector.extract %reduce_sum3A_268[0, 0] : i32 from vector<1x1xi32>
        %le3A_270 = arith.constant 18 : i32
        %le3A_271 = vector.broadcast %le3A_270 : i32 to vector<6400xi32>
        %le3A_272 = arith.cmpi sle, %get3A_3, %le3A_271 : vector<6400xi32>
        %convert_element_type3A_273 = arith.extui %le3A_272 : vector<6400xi1> to vector<6400xi32>
        %reduce_sum3A_274 = vector.shape_cast %convert_element_type3A_273 : vector<6400xi32> to vector<1x6400xi32>
        %reduce_sum3A_275 = arith.constant dense<0> : vector<1xi32>
        %reduce_sum3A_276 = vector.multi_reduction <add>, %reduce_sum3A_274, %reduce_sum3A_275 [1] : vector<1x6400xi32> to vector<1xi32>
        %reduce_sum3A_277 = vector.shape_cast %reduce_sum3A_276 : vector<1xi32> to vector<1x1xi32>
        %reduce_sum3A_278 = vector.extract %reduce_sum3A_277[0, 0] : i32 from vector<1x1xi32>
        %ge3A_279 = vector.broadcast %reduce_sum3A_269 : i32 to vector<1600x128xi32>
        %ge3A_280 = arith.cmpi sge, %add3A, %ge3A_279 : vector<1600x128xi32>
        %lt3A_281 = vector.broadcast %reduce_sum3A_278 : i32 to vector<1600x128xi32>
        %lt3A_282 = arith.cmpi slt, %add3A, %lt3A_281 : vector<1600x128xi32>
        %and3A_283 = arith.andi %ge3A_280, %lt3A_282 : vector<1600x128xi1>
        %jit3A_284 = arith.constant 0.000000e+00 : f32
        %broadcast_in_dim3A_285 = vector.broadcast %jit3A_284 : f32 to vector<1600x128xf32>
        %select_n3A_286 = arith.select %and3A_283, %get3A_18, %broadcast_in_dim3A_285 : vector<1600x128xi1>, vector<1600x128xf32>
        %get3A_287 = arith.constant 0 : index
        %get3A_288 = arith.constant 0 : index
        %get3A_289 = vector.load %arg4[%get3A_287, %get3A_288] : memref<1600x128xf32, #tpu.memory_space<vmem>>, vector<1600x128xf32>
        %get3A_290 = arith.constant 18 : index
        %get3A_291 = arith.constant 0 : index
        %get3A_292 = arith.constant 0 : index
        %get3A_293 = vector.load %arg3[%get3A_290, %get3A_291, %get3A_292] : memref<27x128x128xf32, #tpu.memory_space<vmem>>, vector<1x128x128xf32>
        %get3A_294 = vector.shape_cast %get3A_293 : vector<1x128x128xf32> to vector<128x128xf32>
        %dot_general3A = arith.constant dense<0.000000e+00> : vector<1600x128xf32>
        %dot_general3A_295 = tpu.matmul %select_n3A_286, %get3A_294, %dot_general3A {dimension_numbers = #tpu.dot_dimension_numbers<[1], [0], [0], [1], [0, 0, 1, 1], [], []>, transpose_lhs_hint = false} : vector<1600x128xf32>, vector<128x128xf32>, vector<1600x128xf32> -> vector<1600x128xf32>
        %add3A_296 = arith.addf %get3A_289, %dot_general3A_295 : vector<1600x128xf32>
        %swap3A_297 = arith.constant 0 : index
        %swap3A_298 = arith.constant 0 : index
        %swap3A_299 = vector.load %arg4[%swap3A_297, %swap3A_298] : memref<1600x128xf32, #tpu.memory_space<vmem>>, vector<1600x128xf32>
        tpu.vector_store %arg4[%swap3A_297, %swap3A_298], %add3A_296 {strides = array<i32>} : memref<1600x128xf32, #tpu.memory_space<vmem>>, vector<1600x128xf32>,
      } else {
      }
      %le3A_199 = arith.constant 19 : i32
      %le3A_200 = arith.cmpi sle, %reduce_min3A_7, %le3A_199 : i32
      %ge3A_201 = arith.constant 19 : i32
      %ge3A_202 = arith.cmpi sge, %reduce_max3A_11, %ge3A_201 : i32
      %and3A_203 = arith.andi %le3A_200, %ge3A_202 : i1
      %convert_element_type3A_204 = arith.extui %and3A_203 : i1 to i32
      %cond3A_205 = arith.constant 0 : i32
      %cond3A_206 = arith.cmpi ne, %convert_element_type3A_204, %cond3A_205 : i32
      scf.if %cond3A_206 {
        %lt3A = arith.constant 19 : i32
        %lt3A_263 = vector.broadcast %lt3A : i32 to vector<6400xi32>
        %lt3A_264 = arith.cmpi slt, %get3A_3, %lt3A_263 : vector<6400xi32>
        %convert_element_type3A_265 = arith.extui %lt3A_264 : vector<6400xi1> to vector<6400xi32>
        %reduce_sum3A = vector.shape_cast %convert_element_type3A_265 : vector<6400xi32> to vector<1x6400xi32>
        %reduce_sum3A_266 = arith.constant dense<0> : vector<1xi32>
        %reduce_sum3A_267 = vector.multi_reduction <add>, %reduce_sum3A, %reduce_sum3A_266 [1] : vector<1x6400xi32> to vector<1xi32>
        %reduce_sum3A_268 = vector.shape_cast %reduce_sum3A_267 : vector<1xi32> to vector<1x1xi32>
        %reduce_sum3A_269 = vector.extract %reduce_sum3A_268[0, 0] : i32 from vector<1x1xi32>
        %le3A_270 = arith.constant 19 : i32
        %le3A_271 = vector.broadcast %le3A_270 : i32 to vector<6400xi32>
        %le3A_272 = arith.cmpi sle, %get3A_3, %le3A_271 : vector<6400xi32>
        %convert_element_type3A_273 = arith.extui %le3A_272 : vector<6400xi1> to vector<6400xi32>
        %reduce_sum3A_274 = vector.shape_cast %convert_element_type3A_273 : vector<6400xi32> to vector<1x6400xi32>
        %reduce_sum3A_275 = arith.constant dense<0> : vector<1xi32>
        %reduce_sum3A_276 = vector.multi_reduction <add>, %reduce_sum3A_274, %reduce_sum3A_275 [1] : vector<1x6400xi32> to vector<1xi32>
        %reduce_sum3A_277 = vector.shape_cast %reduce_sum3A_276 : vector<1xi32> to vector<1x1xi32>
        %reduce_sum3A_278 = vector.extract %reduce_sum3A_277[0, 0] : i32 from vector<1x1xi32>
        %ge3A_279 = vector.broadcast %reduce_sum3A_269 : i32 to vector<1600x128xi32>
        %ge3A_280 = arith.cmpi sge, %add3A, %ge3A_279 : vector<1600x128xi32>
        %lt3A_281 = vector.broadcast %reduce_sum3A_278 : i32 to vector<1600x128xi32>
        %lt3A_282 = arith.cmpi slt, %add3A, %lt3A_281 : vector<1600x128xi32>
        %and3A_283 = arith.andi %ge3A_280, %lt3A_282 : vector<1600x128xi1>
        %jit3A_284 = arith.constant 0.000000e+00 : f32
        %broadcast_in_dim3A_285 = vector.broadcast %jit3A_284 : f32 to vector<1600x128xf32>
        %select_n3A_286 = arith.select %and3A_283, %get3A_18, %broadcast_in_dim3A_285 : vector<1600x128xi1>, vector<1600x128xf32>
        %get3A_287 = arith.constant 0 : index
        %get3A_288 = arith.constant 0 : index
        %get3A_289 = vector.load %arg4[%get3A_287, %get3A_288] : memref<1600x128xf32, #tpu.memory_space<vmem>>, vector<1600x128xf32>
        %get3A_290 = arith.constant 19 : index
        %get3A_291 = arith.constant 0 : index
        %get3A_292 = arith.constant 0 : index
        %get3A_293 = vector.load %arg3[%get3A_290, %get3A_291, %get3A_292] : memref<27x128x128xf32, #tpu.memory_space<vmem>>, vector<1x128x128xf32>
        %get3A_294 = vector.shape_cast %get3A_293 : vector<1x128x128xf32> to vector<128x128xf32>
        %dot_general3A = arith.constant dense<0.000000e+00> : vector<1600x128xf32>
        %dot_general3A_295 = tpu.matmul %select_n3A_286, %get3A_294, %dot_general3A {dimension_numbers = #tpu.dot_dimension_numbers<[1], [0], [0], [1], [0, 0, 1, 1], [], []>, transpose_lhs_hint = false} : vector<1600x128xf32>, vector<128x128xf32>, vector<1600x128xf32> -> vector<1600x128xf32>
        %add3A_296 = arith.addf %get3A_289, %dot_general3A_295 : vector<1600x128xf32>
        %swap3A_297 = arith.constant 0 : index
        %swap3A_298 = arith.constant 0 : index
        %swap3A_299 = vector.load %arg4[%swap3A_297, %swap3A_298] : memref<1600x128xf32, #tpu.memory_space<vmem>>, vector<1600x128xf32>
        tpu.vector_store %arg4[%swap3A_297, %swap3A_298], %add3A_296 {strides = array<i32>} : memref<1600x128xf32, #tpu.memory_space<vmem>>, vector<1600x128xf32>,
      } else {
      }
      %le3A_207 = arith.constant 20 : i32
      %le3A_208 = arith.cmpi sle, %reduce_min3A_7, %le3A_207 : i32
      %ge3A_209 = arith.constant 20 : i32
      %ge3A_210 = arith.cmpi sge, %reduce_max3A_11, %ge3A_209 : i32
      %and3A_211 = arith.andi %le3A_208, %ge3A_210 : i1
      %convert_element_type3A_212 = arith.extui %and3A_211 : i1 to i32
      %cond3A_213 = arith.constant 0 : i32
      %cond3A_214 = arith.cmpi ne, %convert_element_type3A_212, %cond3A_213 : i32
      scf.if %cond3A_214 {
        %lt3A = arith.constant 20 : i32
        %lt3A_263 = vector.broadcast %lt3A : i32 to vector<6400xi32>
        %lt3A_264 = arith.cmpi slt, %get3A_3, %lt3A_263 : vector<6400xi32>
        %convert_element_type3A_265 = arith.extui %lt3A_264 : vector<6400xi1> to vector<6400xi32>
        %reduce_sum3A = vector.shape_cast %convert_element_type3A_265 : vector<6400xi32> to vector<1x6400xi32>
        %reduce_sum3A_266 = arith.constant dense<0> : vector<1xi32>
        %reduce_sum3A_267 = vector.multi_reduction <add>, %reduce_sum3A, %reduce_sum3A_266 [1] : vector<1x6400xi32> to vector<1xi32>
        %reduce_sum3A_268 = vector.shape_cast %reduce_sum3A_267 : vector<1xi32> to vector<1x1xi32>
        %reduce_sum3A_269 = vector.extract %reduce_sum3A_268[0, 0] : i32 from vector<1x1xi32>
        %le3A_270 = arith.constant 20 : i32
        %le3A_271 = vector.broadcast %le3A_270 : i32 to vector<6400xi32>
        %le3A_272 = arith.cmpi sle, %get3A_3, %le3A_271 : vector<6400xi32>
        %convert_element_type3A_273 = arith.extui %le3A_272 : vector<6400xi1> to vector<6400xi32>
        %reduce_sum3A_274 = vector.shape_cast %convert_element_type3A_273 : vector<6400xi32> to vector<1x6400xi32>
        %reduce_sum3A_275 = arith.constant dense<0> : vector<1xi32>
        %reduce_sum3A_276 = vector.multi_reduction <add>, %reduce_sum3A_274, %reduce_sum3A_275 [1] : vector<1x6400xi32> to vector<1xi32>
        %reduce_sum3A_277 = vector.shape_cast %reduce_sum3A_276 : vector<1xi32> to vector<1x1xi32>
        %reduce_sum3A_278 = vector.extract %reduce_sum3A_277[0, 0] : i32 from vector<1x1xi32>
        %ge3A_279 = vector.broadcast %reduce_sum3A_269 : i32 to vector<1600x128xi32>
        %ge3A_280 = arith.cmpi sge, %add3A, %ge3A_279 : vector<1600x128xi32>
        %lt3A_281 = vector.broadcast %reduce_sum3A_278 : i32 to vector<1600x128xi32>
        %lt3A_282 = arith.cmpi slt, %add3A, %lt3A_281 : vector<1600x128xi32>
        %and3A_283 = arith.andi %ge3A_280, %lt3A_282 : vector<1600x128xi1>
        %jit3A_284 = arith.constant 0.000000e+00 : f32
        %broadcast_in_dim3A_285 = vector.broadcast %jit3A_284 : f32 to vector<1600x128xf32>
        %select_n3A_286 = arith.select %and3A_283, %get3A_18, %broadcast_in_dim3A_285 : vector<1600x128xi1>, vector<1600x128xf32>
        %get3A_287 = arith.constant 0 : index
        %get3A_288 = arith.constant 0 : index
        %get3A_289 = vector.load %arg4[%get3A_287, %get3A_288] : memref<1600x128xf32, #tpu.memory_space<vmem>>, vector<1600x128xf32>
        %get3A_290 = arith.constant 20 : index
        %get3A_291 = arith.constant 0 : index
        %get3A_292 = arith.constant 0 : index
        %get3A_293 = vector.load %arg3[%get3A_290, %get3A_291, %get3A_292] : memref<27x128x128xf32, #tpu.memory_space<vmem>>, vector<1x128x128xf32>
        %get3A_294 = vector.shape_cast %get3A_293 : vector<1x128x128xf32> to vector<128x128xf32>
        %dot_general3A = arith.constant dense<0.000000e+00> : vector<1600x128xf32>
        %dot_general3A_295 = tpu.matmul %select_n3A_286, %get3A_294, %dot_general3A {dimension_numbers = #tpu.dot_dimension_numbers<[1], [0], [0], [1], [0, 0, 1, 1], [], []>, transpose_lhs_hint = false} : vector<1600x128xf32>, vector<128x128xf32>, vector<1600x128xf32> -> vector<1600x128xf32>
        %add3A_296 = arith.addf %get3A_289, %dot_general3A_295 : vector<1600x128xf32>
        %swap3A_297 = arith.constant 0 : index
        %swap3A_298 = arith.constant 0 : index
        %swap3A_299 = vector.load %arg4[%swap3A_297, %swap3A_298] : memref<1600x128xf32, #tpu.memory_space<vmem>>, vector<1600x128xf32>
        tpu.vector_store %arg4[%swap3A_297, %swap3A_298], %add3A_296 {strides = array<i32>} : memref<1600x128xf32, #tpu.memory_space<vmem>>, vector<1600x128xf32>,
      } else {
      }
      %le3A_215 = arith.constant 21 : i32
      %le3A_216 = arith.cmpi sle, %reduce_min3A_7, %le3A_215 : i32
      %ge3A_217 = arith.constant 21 : i32
      %ge3A_218 = arith.cmpi sge, %reduce_max3A_11, %ge3A_217 : i32
      %and3A_219 = arith.andi %le3A_216, %ge3A_218 : i1
      %convert_element_type3A_220 = arith.extui %and3A_219 : i1 to i32
      %cond3A_221 = arith.constant 0 : i32
      %cond3A_222 = arith.cmpi ne, %convert_element_type3A_220, %cond3A_221 : i32
      scf.if %cond3A_222 {
        %lt3A = arith.constant 21 : i32
        %lt3A_263 = vector.broadcast %lt3A : i32 to vector<6400xi32>
        %lt3A_264 = arith.cmpi slt, %get3A_3, %lt3A_263 : vector<6400xi32>
        %convert_element_type3A_265 = arith.extui %lt3A_264 : vector<6400xi1> to vector<6400xi32>
        %reduce_sum3A = vector.shape_cast %convert_element_type3A_265 : vector<6400xi32> to vector<1x6400xi32>
        %reduce_sum3A_266 = arith.constant dense<0> : vector<1xi32>
        %reduce_sum3A_267 = vector.multi_reduction <add>, %reduce_sum3A, %reduce_sum3A_266 [1] : vector<1x6400xi32> to vector<1xi32>
        %reduce_sum3A_268 = vector.shape_cast %reduce_sum3A_267 : vector<1xi32> to vector<1x1xi32>
        %reduce_sum3A_269 = vector.extract %reduce_sum3A_268[0, 0] : i32 from vector<1x1xi32>
        %le3A_270 = arith.constant 21 : i32
        %le3A_271 = vector.broadcast %le3A_270 : i32 to vector<6400xi32>
        %le3A_272 = arith.cmpi sle, %get3A_3, %le3A_271 : vector<6400xi32>
        %convert_element_type3A_273 = arith.extui %le3A_272 : vector<6400xi1> to vector<6400xi32>
        %reduce_sum3A_274 = vector.shape_cast %convert_element_type3A_273 : vector<6400xi32> to vector<1x6400xi32>
        %reduce_sum3A_275 = arith.constant dense<0> : vector<1xi32>
        %reduce_sum3A_276 = vector.multi_reduction <add>, %reduce_sum3A_274, %reduce_sum3A_275 [1] : vector<1x6400xi32> to vector<1xi32>
        %reduce_sum3A_277 = vector.shape_cast %reduce_sum3A_276 : vector<1xi32> to vector<1x1xi32>
        %reduce_sum3A_278 = vector.extract %reduce_sum3A_277[0, 0] : i32 from vector<1x1xi32>
        %ge3A_279 = vector.broadcast %reduce_sum3A_269 : i32 to vector<1600x128xi32>
        %ge3A_280 = arith.cmpi sge, %add3A, %ge3A_279 : vector<1600x128xi32>
        %lt3A_281 = vector.broadcast %reduce_sum3A_278 : i32 to vector<1600x128xi32>
        %lt3A_282 = arith.cmpi slt, %add3A, %lt3A_281 : vector<1600x128xi32>
        %and3A_283 = arith.andi %ge3A_280, %lt3A_282 : vector<1600x128xi1>
        %jit3A_284 = arith.constant 0.000000e+00 : f32
        %broadcast_in_dim3A_285 = vector.broadcast %jit3A_284 : f32 to vector<1600x128xf32>
        %select_n3A_286 = arith.select %and3A_283, %get3A_18, %broadcast_in_dim3A_285 : vector<1600x128xi1>, vector<1600x128xf32>
        %get3A_287 = arith.constant 0 : index
        %get3A_288 = arith.constant 0 : index
        %get3A_289 = vector.load %arg4[%get3A_287, %get3A_288] : memref<1600x128xf32, #tpu.memory_space<vmem>>, vector<1600x128xf32>
        %get3A_290 = arith.constant 21 : index
        %get3A_291 = arith.constant 0 : index
        %get3A_292 = arith.constant 0 : index
        %get3A_293 = vector.load %arg3[%get3A_290, %get3A_291, %get3A_292] : memref<27x128x128xf32, #tpu.memory_space<vmem>>, vector<1x128x128xf32>
        %get3A_294 = vector.shape_cast %get3A_293 : vector<1x128x128xf32> to vector<128x128xf32>
        %dot_general3A = arith.constant dense<0.000000e+00> : vector<1600x128xf32>
        %dot_general3A_295 = tpu.matmul %select_n3A_286, %get3A_294, %dot_general3A {dimension_numbers = #tpu.dot_dimension_numbers<[1], [0], [0], [1], [0, 0, 1, 1], [], []>, transpose_lhs_hint = false} : vector<1600x128xf32>, vector<128x128xf32>, vector<1600x128xf32> -> vector<1600x128xf32>
        %add3A_296 = arith.addf %get3A_289, %dot_general3A_295 : vector<1600x128xf32>
        %swap3A_297 = arith.constant 0 : index
        %swap3A_298 = arith.constant 0 : index
        %swap3A_299 = vector.load %arg4[%swap3A_297, %swap3A_298] : memref<1600x128xf32, #tpu.memory_space<vmem>>, vector<1600x128xf32>
        tpu.vector_store %arg4[%swap3A_297, %swap3A_298], %add3A_296 {strides = array<i32>} : memref<1600x128xf32, #tpu.memory_space<vmem>>, vector<1600x128xf32>,
      } else {
      }
      %le3A_223 = arith.constant 22 : i32
      %le3A_224 = arith.cmpi sle, %reduce_min3A_7, %le3A_223 : i32
      %ge3A_225 = arith.constant 22 : i32
      %ge3A_226 = arith.cmpi sge, %reduce_max3A_11, %ge3A_225 : i32
      %and3A_227 = arith.andi %le3A_224, %ge3A_226 : i1
      %convert_element_type3A_228 = arith.extui %and3A_227 : i1 to i32
      %cond3A_229 = arith.constant 0 : i32
      %cond3A_230 = arith.cmpi ne, %convert_element_type3A_228, %cond3A_229 : i32
      scf.if %cond3A_230 {
        %lt3A = arith.constant 22 : i32
        %lt3A_263 = vector.broadcast %lt3A : i32 to vector<6400xi32>
        %lt3A_264 = arith.cmpi slt, %get3A_3, %lt3A_263 : vector<6400xi32>
        %convert_element_type3A_265 = arith.extui %lt3A_264 : vector<6400xi1> to vector<6400xi32>
        %reduce_sum3A = vector.shape_cast %convert_element_type3A_265 : vector<6400xi32> to vector<1x6400xi32>
        %reduce_sum3A_266 = arith.constant dense<0> : vector<1xi32>
        %reduce_sum3A_267 = vector.multi_reduction <add>, %reduce_sum3A, %reduce_sum3A_266 [1] : vector<1x6400xi32> to vector<1xi32>
        %reduce_sum3A_268 = vector.shape_cast %reduce_sum3A_267 : vector<1xi32> to vector<1x1xi32>
        %reduce_sum3A_269 = vector.extract %reduce_sum3A_268[0, 0] : i32 from vector<1x1xi32>
        %le3A_270 = arith.constant 22 : i32
        %le3A_271 = vector.broadcast %le3A_270 : i32 to vector<6400xi32>
        %le3A_272 = arith.cmpi sle, %get3A_3, %le3A_271 : vector<6400xi32>
        %convert_element_type3A_273 = arith.extui %le3A_272 : vector<6400xi1> to vector<6400xi32>
        %reduce_sum3A_274 = vector.shape_cast %convert_element_type3A_273 : vector<6400xi32> to vector<1x6400xi32>
        %reduce_sum3A_275 = arith.constant dense<0> : vector<1xi32>
        %reduce_sum3A_276 = vector.multi_reduction <add>, %reduce_sum3A_274, %reduce_sum3A_275 [1] : vector<1x6400xi32> to vector<1xi32>
        %reduce_sum3A_277 = vector.shape_cast %reduce_sum3A_276 : vector<1xi32> to vector<1x1xi32>
        %reduce_sum3A_278 = vector.extract %reduce_sum3A_277[0, 0] : i32 from vector<1x1xi32>
        %ge3A_279 = vector.broadcast %reduce_sum3A_269 : i32 to vector<1600x128xi32>
        %ge3A_280 = arith.cmpi sge, %add3A, %ge3A_279 : vector<1600x128xi32>
        %lt3A_281 = vector.broadcast %reduce_sum3A_278 : i32 to vector<1600x128xi32>
        %lt3A_282 = arith.cmpi slt, %add3A, %lt3A_281 : vector<1600x128xi32>
        %and3A_283 = arith.andi %ge3A_280, %lt3A_282 : vector<1600x128xi1>
        %jit3A_284 = arith.constant 0.000000e+00 : f32
        %broadcast_in_dim3A_285 = vector.broadcast %jit3A_284 : f32 to vector<1600x128xf32>
        %select_n3A_286 = arith.select %and3A_283, %get3A_18, %broadcast_in_dim3A_285 : vector<1600x128xi1>, vector<1600x128xf32>
        %get3A_287 = arith.constant 0 : index
        %get3A_288 = arith.constant 0 : index
        %get3A_289 = vector.load %arg4[%get3A_287, %get3A_288] : memref<1600x128xf32, #tpu.memory_space<vmem>>, vector<1600x128xf32>
        %get3A_290 = arith.constant 22 : index
        %get3A_291 = arith.constant 0 : index
        %get3A_292 = arith.constant 0 : index
        %get3A_293 = vector.load %arg3[%get3A_290, %get3A_291, %get3A_292] : memref<27x128x128xf32, #tpu.memory_space<vmem>>, vector<1x128x128xf32>
        %get3A_294 = vector.shape_cast %get3A_293 : vector<1x128x128xf32> to vector<128x128xf32>
        %dot_general3A = arith.constant dense<0.000000e+00> : vector<1600x128xf32>
        %dot_general3A_295 = tpu.matmul %select_n3A_286, %get3A_294, %dot_general3A {dimension_numbers = #tpu.dot_dimension_numbers<[1], [0], [0], [1], [0, 0, 1, 1], [], []>, transpose_lhs_hint = false} : vector<1600x128xf32>, vector<128x128xf32>, vector<1600x128xf32> -> vector<1600x128xf32>
        %add3A_296 = arith.addf %get3A_289, %dot_general3A_295 : vector<1600x128xf32>
        %swap3A_297 = arith.constant 0 : index
        %swap3A_298 = arith.constant 0 : index
        %swap3A_299 = vector.load %arg4[%swap3A_297, %swap3A_298] : memref<1600x128xf32, #tpu.memory_space<vmem>>, vector<1600x128xf32>
        tpu.vector_store %arg4[%swap3A_297, %swap3A_298], %add3A_296 {strides = array<i32>} : memref<1600x128xf32, #tpu.memory_space<vmem>>, vector<1600x128xf32>,
      } else {
      }
      %le3A_231 = arith.constant 23 : i32
      %le3A_232 = arith.cmpi sle, %reduce_min3A_7, %le3A_231 : i32
      %ge3A_233 = arith.constant 23 : i32
      %ge3A_234 = arith.cmpi sge, %reduce_max3A_11, %ge3A_233 : i32
      %and3A_235 = arith.andi %le3A_232, %ge3A_234 : i1
      %convert_element_type3A_236 = arith.extui %and3A_235 : i1 to i32
      %cond3A_237 = arith.constant 0 : i32
      %cond3A_238 = arith.cmpi ne, %convert_element_type3A_236, %cond3A_237 : i32
      scf.if %cond3A_238 {
        %lt3A = arith.constant 23 : i32
        %lt3A_263 = vector.broadcast %lt3A : i32 to vector<6400xi32>
        %lt3A_264 = arith.cmpi slt, %get3A_3, %lt3A_263 : vector<6400xi32>
        %convert_element_type3A_265 = arith.extui %lt3A_264 : vector<6400xi1> to vector<6400xi32>
        %reduce_sum3A = vector.shape_cast %convert_element_type3A_265 : vector<6400xi32> to vector<1x6400xi32>
        %reduce_sum3A_266 = arith.constant dense<0> : vector<1xi32>
        %reduce_sum3A_267 = vector.multi_reduction <add>, %reduce_sum3A, %reduce_sum3A_266 [1] : vector<1x6400xi32> to vector<1xi32>
        %reduce_sum3A_268 = vector.shape_cast %reduce_sum3A_267 : vector<1xi32> to vector<1x1xi32>
        %reduce_sum3A_269 = vector.extract %reduce_sum3A_268[0, 0] : i32 from vector<1x1xi32>
        %le3A_270 = arith.constant 23 : i32
        %le3A_271 = vector.broadcast %le3A_270 : i32 to vector<6400xi32>
        %le3A_272 = arith.cmpi sle, %get3A_3, %le3A_271 : vector<6400xi32>
        %convert_element_type3A_273 = arith.extui %le3A_272 : vector<6400xi1> to vector<6400xi32>
        %reduce_sum3A_274 = vector.shape_cast %convert_element_type3A_273 : vector<6400xi32> to vector<1x6400xi32>
        %reduce_sum3A_275 = arith.constant dense<0> : vector<1xi32>
        %reduce_sum3A_276 = vector.multi_reduction <add>, %reduce_sum3A_274, %reduce_sum3A_275 [1] : vector<1x6400xi32> to vector<1xi32>
        %reduce_sum3A_277 = vector.shape_cast %reduce_sum3A_276 : vector<1xi32> to vector<1x1xi32>
        %reduce_sum3A_278 = vector.extract %reduce_sum3A_277[0, 0] : i32 from vector<1x1xi32>
        %ge3A_279 = vector.broadcast %reduce_sum3A_269 : i32 to vector<1600x128xi32>
        %ge3A_280 = arith.cmpi sge, %add3A, %ge3A_279 : vector<1600x128xi32>
        %lt3A_281 = vector.broadcast %reduce_sum3A_278 : i32 to vector<1600x128xi32>
        %lt3A_282 = arith.cmpi slt, %add3A, %lt3A_281 : vector<1600x128xi32>
        %and3A_283 = arith.andi %ge3A_280, %lt3A_282 : vector<1600x128xi1>
        %jit3A_284 = arith.constant 0.000000e+00 : f32
        %broadcast_in_dim3A_285 = vector.broadcast %jit3A_284 : f32 to vector<1600x128xf32>
        %select_n3A_286 = arith.select %and3A_283, %get3A_18, %broadcast_in_dim3A_285 : vector<1600x128xi1>, vector<1600x128xf32>
        %get3A_287 = arith.constant 0 : index
        %get3A_288 = arith.constant 0 : index
        %get3A_289 = vector.load %arg4[%get3A_287, %get3A_288] : memref<1600x128xf32, #tpu.memory_space<vmem>>, vector<1600x128xf32>
        %get3A_290 = arith.constant 23 : index
        %get3A_291 = arith.constant 0 : index
        %get3A_292 = arith.constant 0 : index
        %get3A_293 = vector.load %arg3[%get3A_290, %get3A_291, %get3A_292] : memref<27x128x128xf32, #tpu.memory_space<vmem>>, vector<1x128x128xf32>
        %get3A_294 = vector.shape_cast %get3A_293 : vector<1x128x128xf32> to vector<128x128xf32>
        %dot_general3A = arith.constant dense<0.000000e+00> : vector<1600x128xf32>
        %dot_general3A_295 = tpu.matmul %select_n3A_286, %get3A_294, %dot_general3A {dimension_numbers = #tpu.dot_dimension_numbers<[1], [0], [0], [1], [0, 0, 1, 1], [], []>, transpose_lhs_hint = false} : vector<1600x128xf32>, vector<128x128xf32>, vector<1600x128xf32> -> vector<1600x128xf32>
        %add3A_296 = arith.addf %get3A_289, %dot_general3A_295 : vector<1600x128xf32>
        %swap3A_297 = arith.constant 0 : index
        %swap3A_298 = arith.constant 0 : index
        %swap3A_299 = vector.load %arg4[%swap3A_297, %swap3A_298] : memref<1600x128xf32, #tpu.memory_space<vmem>>, vector<1600x128xf32>
        tpu.vector_store %arg4[%swap3A_297, %swap3A_298], %add3A_296 {strides = array<i32>} : memref<1600x128xf32, #tpu.memory_space<vmem>>, vector<1600x128xf32>,
      } else {
      }
      %le3A_239 = arith.constant 24 : i32
      %le3A_240 = arith.cmpi sle, %reduce_min3A_7, %le3A_239 : i32
      %ge3A_241 = arith.constant 24 : i32
      %ge3A_242 = arith.cmpi sge, %reduce_max3A_11, %ge3A_241 : i32
      %and3A_243 = arith.andi %le3A_240, %ge3A_242 : i1
      %convert_element_type3A_244 = arith.extui %and3A_243 : i1 to i32
      %cond3A_245 = arith.constant 0 : i32
      %cond3A_246 = arith.cmpi ne, %convert_element_type3A_244, %cond3A_245 : i32
      scf.if %cond3A_246 {
        %lt3A = arith.constant 24 : i32
        %lt3A_263 = vector.broadcast %lt3A : i32 to vector<6400xi32>
        %lt3A_264 = arith.cmpi slt, %get3A_3, %lt3A_263 : vector<6400xi32>
        %convert_element_type3A_265 = arith.extui %lt3A_264 : vector<6400xi1> to vector<6400xi32>
        %reduce_sum3A = vector.shape_cast %convert_element_type3A_265 : vector<6400xi32> to vector<1x6400xi32>
        %reduce_sum3A_266 = arith.constant dense<0> : vector<1xi32>
        %reduce_sum3A_267 = vector.multi_reduction <add>, %reduce_sum3A, %reduce_sum3A_266 [1] : vector<1x6400xi32> to vector<1xi32>
        %reduce_sum3A_268 = vector.shape_cast %reduce_sum3A_267 : vector<1xi32> to vector<1x1xi32>
        %reduce_sum3A_269 = vector.extract %reduce_sum3A_268[0, 0] : i32 from vector<1x1xi32>
        %le3A_270 = arith.constant 24 : i32
        %le3A_271 = vector.broadcast %le3A_270 : i32 to vector<6400xi32>
        %le3A_272 = arith.cmpi sle, %get3A_3, %le3A_271 : vector<6400xi32>
        %convert_element_type3A_273 = arith.extui %le3A_272 : vector<6400xi1> to vector<6400xi32>
        %reduce_sum3A_274 = vector.shape_cast %convert_element_type3A_273 : vector<6400xi32> to vector<1x6400xi32>
        %reduce_sum3A_275 = arith.constant dense<0> : vector<1xi32>
        %reduce_sum3A_276 = vector.multi_reduction <add>, %reduce_sum3A_274, %reduce_sum3A_275 [1] : vector<1x6400xi32> to vector<1xi32>
        %reduce_sum3A_277 = vector.shape_cast %reduce_sum3A_276 : vector<1xi32> to vector<1x1xi32>
        %reduce_sum3A_278 = vector.extract %reduce_sum3A_277[0, 0] : i32 from vector<1x1xi32>
        %ge3A_279 = vector.broadcast %reduce_sum3A_269 : i32 to vector<1600x128xi32>
        %ge3A_280 = arith.cmpi sge, %add3A, %ge3A_279 : vector<1600x128xi32>
        %lt3A_281 = vector.broadcast %reduce_sum3A_278 : i32 to vector<1600x128xi32>
        %lt3A_282 = arith.cmpi slt, %add3A, %lt3A_281 : vector<1600x128xi32>
        %and3A_283 = arith.andi %ge3A_280, %lt3A_282 : vector<1600x128xi1>
        %jit3A_284 = arith.constant 0.000000e+00 : f32
        %broadcast_in_dim3A_285 = vector.broadcast %jit3A_284 : f32 to vector<1600x128xf32>
        %select_n3A_286 = arith.select %and3A_283, %get3A_18, %broadcast_in_dim3A_285 : vector<1600x128xi1>, vector<1600x128xf32>
        %get3A_287 = arith.constant 0 : index
        %get3A_288 = arith.constant 0 : index
        %get3A_289 = vector.load %arg4[%get3A_287, %get3A_288] : memref<1600x128xf32, #tpu.memory_space<vmem>>, vector<1600x128xf32>
        %get3A_290 = arith.constant 24 : index
        %get3A_291 = arith.constant 0 : index
        %get3A_292 = arith.constant 0 : index
        %get3A_293 = vector.load %arg3[%get3A_290, %get3A_291, %get3A_292] : memref<27x128x128xf32, #tpu.memory_space<vmem>>, vector<1x128x128xf32>
        %get3A_294 = vector.shape_cast %get3A_293 : vector<1x128x128xf32> to vector<128x128xf32>
        %dot_general3A = arith.constant dense<0.000000e+00> : vector<1600x128xf32>
        %dot_general3A_295 = tpu.matmul %select_n3A_286, %get3A_294, %dot_general3A {dimension_numbers = #tpu.dot_dimension_numbers<[1], [0], [0], [1], [0, 0, 1, 1], [], []>, transpose_lhs_hint = false} : vector<1600x128xf32>, vector<128x128xf32>, vector<1600x128xf32> -> vector<1600x128xf32>
        %add3A_296 = arith.addf %get3A_289, %dot_general3A_295 : vector<1600x128xf32>
        %swap3A_297 = arith.constant 0 : index
        %swap3A_298 = arith.constant 0 : index
        %swap3A_299 = vector.load %arg4[%swap3A_297, %swap3A_298] : memref<1600x128xf32, #tpu.memory_space<vmem>>, vector<1600x128xf32>
        tpu.vector_store %arg4[%swap3A_297, %swap3A_298], %add3A_296 {strides = array<i32>} : memref<1600x128xf32, #tpu.memory_space<vmem>>, vector<1600x128xf32>,
      } else {
      }
      %le3A_247 = arith.constant 25 : i32
      %le3A_248 = arith.cmpi sle, %reduce_min3A_7, %le3A_247 : i32
      %ge3A_249 = arith.constant 25 : i32
      %ge3A_250 = arith.cmpi sge, %reduce_max3A_11, %ge3A_249 : i32
      %and3A_251 = arith.andi %le3A_248, %ge3A_250 : i1
      %convert_element_type3A_252 = arith.extui %and3A_251 : i1 to i32
      %cond3A_253 = arith.constant 0 : i32
      %cond3A_254 = arith.cmpi ne, %convert_element_type3A_252, %cond3A_253 : i32
      scf.if %cond3A_254 {
        %lt3A = arith.constant 25 : i32
        %lt3A_263 = vector.broadcast %lt3A : i32 to vector<6400xi32>
        %lt3A_264 = arith.cmpi slt, %get3A_3, %lt3A_263 : vector<6400xi32>
        %convert_element_type3A_265 = arith.extui %lt3A_264 : vector<6400xi1> to vector<6400xi32>
        %reduce_sum3A = vector.shape_cast %convert_element_type3A_265 : vector<6400xi32> to vector<1x6400xi32>
        %reduce_sum3A_266 = arith.constant dense<0> : vector<1xi32>
        %reduce_sum3A_267 = vector.multi_reduction <add>, %reduce_sum3A, %reduce_sum3A_266 [1] : vector<1x6400xi32> to vector<1xi32>
        %reduce_sum3A_268 = vector.shape_cast %reduce_sum3A_267 : vector<1xi32> to vector<1x1xi32>
        %reduce_sum3A_269 = vector.extract %reduce_sum3A_268[0, 0] : i32 from vector<1x1xi32>
        %le3A_270 = arith.constant 25 : i32
        %le3A_271 = vector.broadcast %le3A_270 : i32 to vector<6400xi32>
        %le3A_272 = arith.cmpi sle, %get3A_3, %le3A_271 : vector<6400xi32>
        %convert_element_type3A_273 = arith.extui %le3A_272 : vector<6400xi1> to vector<6400xi32>
        %reduce_sum3A_274 = vector.shape_cast %convert_element_type3A_273 : vector<6400xi32> to vector<1x6400xi32>
        %reduce_sum3A_275 = arith.constant dense<0> : vector<1xi32>
        %reduce_sum3A_276 = vector.multi_reduction <add>, %reduce_sum3A_274, %reduce_sum3A_275 [1] : vector<1x6400xi32> to vector<1xi32>
        %reduce_sum3A_277 = vector.shape_cast %reduce_sum3A_276 : vector<1xi32> to vector<1x1xi32>
        %reduce_sum3A_278 = vector.extract %reduce_sum3A_277[0, 0] : i32 from vector<1x1xi32>
        %ge3A_279 = vector.broadcast %reduce_sum3A_269 : i32 to vector<1600x128xi32>
        %ge3A_280 = arith.cmpi sge, %add3A, %ge3A_279 : vector<1600x128xi32>
        %lt3A_281 = vector.broadcast %reduce_sum3A_278 : i32 to vector<1600x128xi32>
        %lt3A_282 = arith.cmpi slt, %add3A, %lt3A_281 : vector<1600x128xi32>
        %and3A_283 = arith.andi %ge3A_280, %lt3A_282 : vector<1600x128xi1>
        %jit3A_284 = arith.constant 0.000000e+00 : f32
        %broadcast_in_dim3A_285 = vector.broadcast %jit3A_284 : f32 to vector<1600x128xf32>
        %select_n3A_286 = arith.select %and3A_283, %get3A_18, %broadcast_in_dim3A_285 : vector<1600x128xi1>, vector<1600x128xf32>
        %get3A_287 = arith.constant 0 : index
        %get3A_288 = arith.constant 0 : index
        %get3A_289 = vector.load %arg4[%get3A_287, %get3A_288] : memref<1600x128xf32, #tpu.memory_space<vmem>>, vector<1600x128xf32>
        %get3A_290 = arith.constant 25 : index
        %get3A_291 = arith.constant 0 : index
        %get3A_292 = arith.constant 0 : index
        %get3A_293 = vector.load %arg3[%get3A_290, %get3A_291, %get3A_292] : memref<27x128x128xf32, #tpu.memory_space<vmem>>, vector<1x128x128xf32>
        %get3A_294 = vector.shape_cast %get3A_293 : vector<1x128x128xf32> to vector<128x128xf32>
        %dot_general3A = arith.constant dense<0.000000e+00> : vector<1600x128xf32>
        %dot_general3A_295 = tpu.matmul %select_n3A_286, %get3A_294, %dot_general3A {dimension_numbers = #tpu.dot_dimension_numbers<[1], [0], [0], [1], [0, 0, 1, 1], [], []>, transpose_lhs_hint = false} : vector<1600x128xf32>, vector<128x128xf32>, vector<1600x128xf32> -> vector<1600x128xf32>
        %add3A_296 = arith.addf %get3A_289, %dot_general3A_295 : vector<1600x128xf32>
        %swap3A_297 = arith.constant 0 : index
        %swap3A_298 = arith.constant 0 : index
        %swap3A_299 = vector.load %arg4[%swap3A_297, %swap3A_298] : memref<1600x128xf32, #tpu.memory_space<vmem>>, vector<1600x128xf32>
        tpu.vector_store %arg4[%swap3A_297, %swap3A_298], %add3A_296 {strides = array<i32>} : memref<1600x128xf32, #tpu.memory_space<vmem>>, vector<1600x128xf32>,
      } else {
      }
      %le3A_255 = arith.constant 26 : i32
      %le3A_256 = arith.cmpi sle, %reduce_min3A_7, %le3A_255 : i32
      %ge3A_257 = arith.constant 26 : i32
      %ge3A_258 = arith.cmpi sge, %reduce_max3A_11, %ge3A_257 : i32
      %and3A_259 = arith.andi %le3A_256, %ge3A_258 : i1
      %convert_element_type3A_260 = arith.extui %and3A_259 : i1 to i32
      %cond3A_261 = arith.constant 0 : i32
      %cond3A_262 = arith.cmpi ne, %convert_element_type3A_260, %cond3A_261 : i32
      scf.if %cond3A_262 {
        %lt3A = arith.constant 26 : i32
        %lt3A_263 = vector.broadcast %lt3A : i32 to vector<6400xi32>
        %lt3A_264 = arith.cmpi slt, %get3A_3, %lt3A_263 : vector<6400xi32>
        %convert_element_type3A_265 = arith.extui %lt3A_264 : vector<6400xi1> to vector<6400xi32>
        %reduce_sum3A = vector.shape_cast %convert_element_type3A_265 : vector<6400xi32> to vector<1x6400xi32>
        %reduce_sum3A_266 = arith.constant dense<0> : vector<1xi32>
        %reduce_sum3A_267 = vector.multi_reduction <add>, %reduce_sum3A, %reduce_sum3A_266 [1] : vector<1x6400xi32> to vector<1xi32>
        %reduce_sum3A_268 = vector.shape_cast %reduce_sum3A_267 : vector<1xi32> to vector<1x1xi32>
        %reduce_sum3A_269 = vector.extract %reduce_sum3A_268[0, 0] : i32 from vector<1x1xi32>
        %le3A_270 = arith.constant 26 : i32
        %le3A_271 = vector.broadcast %le3A_270 : i32 to vector<6400xi32>
        %le3A_272 = arith.cmpi sle, %get3A_3, %le3A_271 : vector<6400xi32>
        %convert_element_type3A_273 = arith.extui %le3A_272 : vector<6400xi1> to vector<6400xi32>
        %reduce_sum3A_274 = vector.shape_cast %convert_element_type3A_273 : vector<6400xi32> to vector<1x6400xi32>
        %reduce_sum3A_275 = arith.constant dense<0> : vector<1xi32>
        %reduce_sum3A_276 = vector.multi_reduction <add>, %reduce_sum3A_274, %reduce_sum3A_275 [1] : vector<1x6400xi32> to vector<1xi32>
        %reduce_sum3A_277 = vector.shape_cast %reduce_sum3A_276 : vector<1xi32> to vector<1x1xi32>
        %reduce_sum3A_278 = vector.extract %reduce_sum3A_277[0, 0] : i32 from vector<1x1xi32>
        %ge3A_279 = vector.broadcast %reduce_sum3A_269 : i32 to vector<1600x128xi32>
        %ge3A_280 = arith.cmpi sge, %add3A, %ge3A_279 : vector<1600x128xi32>
        %lt3A_281 = vector.broadcast %reduce_sum3A_278 : i32 to vector<1600x128xi32>
        %lt3A_282 = arith.cmpi slt, %add3A, %lt3A_281 : vector<1600x128xi32>
        %and3A_283 = arith.andi %ge3A_280, %lt3A_282 : vector<1600x128xi1>
        %jit3A_284 = arith.constant 0.000000e+00 : f32
        %broadcast_in_dim3A_285 = vector.broadcast %jit3A_284 : f32 to vector<1600x128xf32>
        %select_n3A_286 = arith.select %and3A_283, %get3A_18, %broadcast_in_dim3A_285 : vector<1600x128xi1>, vector<1600x128xf32>
        %get3A_287 = arith.constant 0 : index
        %get3A_288 = arith.constant 0 : index
        %get3A_289 = vector.load %arg4[%get3A_287, %get3A_288] : memref<1600x128xf32, #tpu.memory_space<vmem>>, vector<1600x128xf32>
        %get3A_290 = arith.constant 26 : index
        %get3A_291 = arith.constant 0 : index
        %get3A_292 = arith.constant 0 : index
        %get3A_293 = vector.load %arg3[%get3A_290, %get3A_291, %get3A_292] : memref<27x128x128xf32, #tpu.memory_space<vmem>>, vector<1x128x128xf32>
        %get3A_294 = vector.shape_cast %get3A_293 : vector<1x128x128xf32> to vector<128x128xf32>
        %dot_general3A = arith.constant dense<0.000000e+00> : vector<1600x128xf32>
        %dot_general3A_295 = tpu.matmul %select_n3A_286, %get3A_294, %dot_general3A {dimension_numbers = #tpu.dot_dimension_numbers<[1], [0], [0], [1], [0, 0, 1, 1], [], []>, transpose_lhs_hint = false} : vector<1600x128xf32>, vector<128x128xf32>, vector<1600x128xf32> -> vector<1600x128xf32>
        %add3A_296 = arith.addf %get3A_289, %dot_general3A_295 : vector<1600x128xf32>
        %swap3A_297 = arith.constant 0 : index
        %swap3A_298 = arith.constant 0 : index
        %swap3A_299 = vector.load %arg4[%swap3A_297, %swap3A_298] : memref<1600x128xf32, #tpu.memory_space<vmem>>, vector<1600x128xf32>
        tpu.vector_store %arg4[%swap3A_297, %swap3A_298], %add3A_296 {strides = array<i32>} : memref<1600x128xf32, #tpu.memory_space<vmem>>, vector<1600x128xf32>,
      } else {
      }
    } else {
    }
    return
  }
  func.func @transform_0(%arg0: i32) -> (i32, i32, i32) {
    %c0_i32 = arith.constant 0 : i32
    %c0_i32_0 = arith.constant 0 : i32
    %c0_i32_1 = arith.constant 0 : i32
    return %arg0, %c0_i32, %c0_i32_0 : i32, i32, i32
  }
  func.func @transform_1(%arg0: i32) -> (i32, i32) {
    %c0_i32 = arith.constant 0 : i32
    %c0_i32_0 = arith.constant 0 : i32
    return %arg0, %c0_i32 : i32, i32
  }
  func.func @transform_2(%arg0: i32) -> (i32, i32, i32) {
    %c0_i32 = arith.constant 0 : i32
    %c0_i32_0 = arith.constant 0 : i32
    %c0_i32_1 = arith.constant 0 : i32
    %c0_i32_2 = arith.constant 0 : i32
    return %c0_i32, %c0_i32_0, %c0_i32_1 : i32, i32, i32
  }
  func.func @transform_3(%arg0: i32) -> (i32, i32) {
    %c0_i32 = arith.constant 0 : i32
    %c0_i32_0 = arith.constant 0 : i32
    return %arg0, %c0_i32 : i32, i32
  }
}

</mosaic_0001>

<sc_bundles>
// kernel: kernel.10.cloned.1.call-start
scs
__scs_entry_jumppad:
0x0: {  	(pc) =	sbr.rel $0x88, $3  }
0x1: {  	(tag) =	ssettag $0x0;
	lr =	simm.s32 $0x1  }
0x2: {  	[smem:$0x3F9C] =	sst lr;
	_ =	strace $0xD0000000  }
0x3: {  	_ = 	snop  }
0x4: {  	_ = 	snop  }
0x5: {  	_ = 	snop  }
0x6: {  	_ = 	snop  }
0x7: {  	_ = 	snop  }
__scs_overlays_trampoline_lowered:
0x8: {  	[smem:$0x3FAB] =	sst s0  }
0x9: {  	[smem:$0x3FAC] =	sst s1  }
0xa: {  	[smem:$0x3FAD] =	sst s2  }
0xb: {  	[smem:$0x3FAE] =	sst s3  }
0xc: {  	[smem:$0x3FAF] =	sst s4  }
0xd: {  	[smem:$0x3FB0] =	sst s5  }
0xe: {  	[smem:$0x3FB1] =	sst s6  }
0xf: {  	[smem:$0x3FB2] =	sst s7  }
0x10: {  	[smem:$0x3FB3] =	sst s8  }
0x11: {  	[smem:$0x3FB4] =	sst s9;
	s0 =	simm.s32 @!p0 $0x0  }
0x12: {  	s1 =	sld [smem:$0x3F9A];
	s0 =	simm.s32 @p0 $0x1  }
0x13: {  	[smem:$0x3FB5] =	sst s0;
	s0 =	simm.s32 @!p1 $0x0  }
0x14: {  	s2 =	sld [smem:$0x3F99];
	s0 =	simm.s32 @p1 $0x1  }
0x15: {  	[smem:$0x3FB6] =	sst s0;
	s0 =	simm.s32 @!p2 $0x0  }
0x16: {  	s3 =	sld [smem:$0x3FDB];
	s0 =	simm.s32 @p2 $0x1  }
0x17: {  	s4 =	simm.s32 $0x1BF5;
	[smem:$0x3FB8] =	sst s0  }
0x18: {  	s0 =	sld [smem:$0x3F9B];
	_ =	swait.ge [sflag:s4], $0x0  }
0x19: {  	s7 =	sld [smem:$0x3F9C]  }
0x1a: {  	s8 =	sadd.s32 $0xFFFFE003, lr  }
0x1b: {  	s9 =	sadd.s32 $0xFFFFFEF7, lr;
	s5 =	simm.s32 $0xFFFFFFFF;
	p2 =	slt.u32 s8, $0xFFFFF086  }
0x1c: {  	p1 =	slt.u32 s9, $0xF7A;
	s5 =	simm.s32 @!p2 $0x0  }
0x1d: {  	s5 =	simm.s32 @p1 $0x1;
	p0 =	seq.s32 s7, s2  }
0x1e: {  	s7 =	smul.u32 @!p0 $0xF7A, s2;
	p2 =	seq.s32 @!p0 s5, $0x0  }
0x1f: {  	s9 =	smul.u32 $0xF7A, s1;
	s8 =	simm.s32 @!p0 $0x1BF5;
	p2 =	por !p2, p0  }
0x20: {  	[sflag:s8] =	ssyncset.s32 @!p0 $0xFFFFF086;
	s6 =	sadd.s32 @!p0 s3, s7;
	s7 =	simm.s32 @!p0 $0x108  }
0x21: {  	s3 =	sadd.s32 s3, s9;
	s6 =	sadd.s32 @!p0 $0x88, s6;
	s7 =	simm.s32 @p2 $0x1082  }
0x22: {  	[simem:s7], [sflag:s8] =	dma.local @!p0 [hbm:s6], $0xF7A  }
0x23: {  	s9 =	sor.u32 $0xD0000000, s2;
	s6 =	simm.s32 $0x108;
	_ =	swait.ge @!p0 [sflag:s8], $0x0  }
0x24: {  	s3 =	sadd.s32 $0x88, s3;
	s6 =	simm.s32 @!p1 $0x1082;
	[sflag:s4] =	ssyncset.s32 $0xFFFFF086  }
0x25: {  	[simem:s6], [sflag:s4] =	dma.local [hbm:s3], $0xF7A  }
0x26: {  	[smem:$0x3F9C] =	sst s1;
	(tag) =	ssettag s2;
	_ =	strace s9  }
0x27: {  	s1 =	sld [smem:$0x3FAC]  }
0x28: {  	s2 =	sld [smem:$0x3FAD]  }
0x29: {  	s4 =	sld [smem:$0x3FAF]  }
0x2a: {  	p0 =	seq.s32 s5, $0x0;
	s5 =	sld [smem:$0x3FB0]  }
0x2b: {  	s6 =	sld [smem:$0x3FB1]  }
0x2c: {  	s7 =	sld [smem:$0x3FB2]  }
0x2d: {  	s3 =	simm.s32 $0x108;
	s8 =	sld [smem:$0x3FB3]  }
0x2e: {  	s3 =	simm.s32 @!p0 $0x1082;
	s9 =	sld [smem:$0x3FB4]  }
0x2f: {  	lr =	sadd.s32 s0, s3;
	s0 =	sld [smem:$0x3FAB]  }
0x30: {  	s3 =	sld [smem:$0x3FAE]  }
0x31: {  	[smem:$0x3FB7] =	sst s10  }
0x32: {  	s10 =	sld [smem:$0x3FB5];
	_ =	sdelay $0x3  }
0x33: {  	p0 =	seq.s32 s10, $0x1;
	s10 =	sld [smem:$0x3FB7];
	_ =	sdelay $0x3  }
0x34: {  	[smem:$0x3FB7] =	sst s10  }
0x35: {  	s10 =	sld [smem:$0x3FB6];
	_ =	sdelay $0x3  }
0x36: {  	p1 =	seq.s32 s10, $0x1;
	s10 =	sld [smem:$0x3FB7];
	_ =	sdelay $0x3  }
0x37: {  	[smem:$0x3FB7] =	sst s10  }
0x38: {  	s10 =	sld [smem:$0x3FB8]  }
0x39: {  	_ = 	snop;
	(pc) =	sbr.ind lr, $3  }
0x3a: {  	_ = 	snop  }
0x3b: {  	_ = 	snop  }
0x3c: {  	p2 =	seq.s32 s10, $0x1;
	s10 =	sld [smem:$0x3FB7]  }
0x3d: {  	_ =	shalt  }
0x3e: {  	_ =	shalt  }
0x3f: {  	_ =	shalt  }
0x40: {  	_ =	shalt  }
0x41: {  	_ =	shalt  }
0x42: {  	_ =	shalt  }
0x43: {  	_ =	shalt  }
0x44: {  	_ =	shalt  }
0x45: {  	_ =	shalt  }
0x46: {  	_ =	shalt  }
0x47: {  	_ =	shalt  }
0x48: {  	_ =	shalt  }
0x49: {  	_ =	shalt  }
0x4a: {  	_ =	shalt  }
0x4b: {  	_ =	shalt  }
0x4c: {  	_ =	shalt  }
0x4d: {  	_ =	shalt  }
0x4e: {  	_ =	shalt  }
0x4f: {  	_ =	shalt  }
0x50: {  	_ =	shalt  }
0x51: {  	_ =	shalt  }
0x52: {  	_ =	shalt  }
0x53: {  	_ =	shalt  }
0x54: {  	_ =	shalt  }
0x55: {  	_ =	shalt  }
0x56: {  	_ =	shalt  }
0x57: {  	_ =	shalt  }
0x58: {  	_ =	shalt  }
0x59: {  	_ =	shalt  }
0x5a: {  	_ =	shalt  }
0x5b: {  	_ =	shalt  }
0x5c: {  	_ =	shalt  }
0x5d: {  	_ =	shalt  }
0x5e: {  	_ =	shalt  }
0x5f: {  	_ =	shalt  }
0x60: {  	_ =	shalt  }
0x61: {  	_ =	shalt  }
0x62: {  	_ =	shalt  }
0x63: {  	_ =	shalt  }
0x64: {  	_ =	shalt  }
0x65: {  	_ =	shalt  }
0x66: {  	_ =	shalt  }
0x67: {  	_ =	shalt  }
0x68: {  	_ =	shalt  }
0x69: {  	_ =	shalt  }
0x6a: {  	_ =	shalt  }
0x6b: {  	_ =	shalt  }
0x6c: {  	_ =	shalt  }
0x6d: {  	_ =	shalt  }
0x6e: {  	_ =	shalt  }
0x6f: {  	_ =	shalt  }
0x70: {  	_ =	shalt  }
0x71: {  	_ =	shalt  }
0x72: {  	_ =	shalt  }
0x73: {  	_ =	shalt  }
0x74: {  	_ =	shalt  }
0x75: {  	_ =	shalt  }
0x76: {  	_ =	shalt  }
0x77: {  	_ =	shalt  }
0x78: {  	_ =	shalt  }
0x79: {  	_ =	shalt  }
0x7a: {  	_ =	shalt  }
0x7b: {  	_ =	shalt  }
0x7c: {  	_ =	shalt  }
0x7d: {  	_ =	shalt  }
0x7e: {  	_ =	shalt  }
0x7f: {  	_ =	shalt  }
0x80: {  	_ =	shalt  }
0x81: {  	_ =	shalt  }
0x82: {  	_ =	shalt  }
0x83: {  	_ =	shalt  }
0x84: {  	_ =	shalt  }
0x85: {  	_ =	shalt  }
0x86: {  	_ =	shalt  }
0x87: {  	_ =	shalt  }
.Lfunc_end0:
.L_simem_size_0:
called_computation.1_lowered:
.L_overlay_start_0:
0x88: {  	s2 =	sld [smem:$0x3FD9]  }
0x89: {  	s3 =	sld [smem:$0x3FFE];
	_ =	sdelay $0x1  }
0x8a: {  	s1 =	srdreg.scid  }
0x8b: {  	s0 =	sand.u32 $0x1, s1  }
0x8c: {  	s17 =	sshll.u32 s0, $0xA;
	s2 =	sadd.s32 s3, s2  }
0x8d: {  	s2 =	sadd.s32 s2, s17  }
0x8e: {  	[smem:$0x3FC3] =	sst s2  }
0x8f: {  	_ = 	snop  }
0x90: {  	s2 =	sld [smem:$0x3FD0];
	(tm) =	ssettm $0x1  }
0x91: {  	s18 =	sld [smem:$0x3FFB];
	_ =	sdelay $0x3  }
0x92: {  	_ =	strace s18  }
0x93: {  	s3 =	sld [smem:$0x3FFC];
	_ =	sdelay $0x3  }
0x94: {  	_ =	strace s3  }
0x95: {  	s3 =	sld [smem:$0x3FFD];
	_ =	sdelay $0x3  }
0x96: {  	_ =	strace s3  }
0x97: {  	_ =	strace $0x8FFFFFFF  }
0x98: {  	s19 =	sld [smem:$0x3FDB];
	_ =	sdelay $0x1  }
0x99: {  	s4 =	simm.s32 $_scs_section_size  }
0x9a: {  	s5 =	simm.s32 $_size__tile_overlayer_lowered;
	s6 =	simm.s32 $_tile_overlayer_lowered  }
0x9b: {  	s22 =	simm.s32 $0x1BFF;
	s21 =	sshll.u32 s6, $0x1;
	s3 =	sadd.s32 s4, s19  }
0x9c: {  	s7 =	simm.s32 $0x0;
	s20 =	sshll.u32 s5, $0x1;
	s5 =	sadd.s32 s21, s3  }
0x9d: {  	[timem:s7], [sflag:s22] =	dma.local [hbm:s5], s20  }
0x9e: {  	_ =	swait.ge [sflag:s22], s20  }
0x9f: {  	s4 =	ssub.s32 $0x0, s20;
	[sflag:s22] =	ssyncset.done $0x0  }
0xa0: {  	[sflag:s22] =	ssyncadd.s32 s4;
	_ =	sdelay $0x1  }
0xa1: {  	s23 =	simm.s32 $0x1B8B  }
0xa2: {  	_ =	swait.ge [sflag:s23], $0x1  }
0xa3: {  	[sflag:s23] =	ssyncset.done $0x0  }
0xa4: {  	s25 =	simm.s32 $0x1B8E;
	s24 =	sld [smem:$0x3FFE];
	[sflag:s23] =	ssyncadd.s32 $0xFFFFFFFF  }
0xa5: {  	s26 =	simm.s32 $execute0_lowered;
	[smem:$0x3FD2] =	sst s25  }
0xa6: {  	s5 =	sshll.u32 s26, $0x1;
	_ =	strace $0x80000046;
	[dreg:$0x1] =	wrdreg $0xFFFFFFFF  }
0xa7: {  	s28 =	simm.s32 $_size_execute0_lowered;
	s3 =	sadd.s32 s3, s5;
	[dreg:$0x0] =	wrdreg $0x0  }
0xa8: {  	s5 =	sshll.u32 s28, $0x1;
	[dreg:$0x2] =	wrdreg s3  }
0xa9: {  	[dreg:$0x3] =	wrdreg s5  }
0xaa: {  	[dreg:$0x4] =	wrdreg $0xC0  }
0xab: {  	_ =	task [dreg:s7], $0x5FFFF  }
0xac: {  	[dreg:$0x1] =	wrdreg $0xFFFFFFFF  }
0xad: {  	[dreg:$0x0] =	wrdreg $0x60  }
0xae: {  	[dreg:$0x2] =	wrdreg s2  }
0xaf: {  	[dreg:$0x3] =	wrdreg s24  }
0xb0: {  	[dreg:$0x4] =	wrdreg $0xA  }
0xb1: {  	_ =	task.clear_ibuf [dreg:s7], $0x5FFFF;
	_ =	strace $0x90000046  }
0xb2: {  	s29 =	simm.s32 $0xA;
	_ =	strace $0x80000048  }
0xb3: {  	_ =	swait.ge [sflag:s29], $0x1  }
0xb4: {  	[sflag:s29] =	ssyncadd.s32 $0xFFFFFFFF  }
0xb5: {  	_ =	strace $0x90000048  }
0xb6: {  	_ =	sfence  }
0xb7: {  	s30 =	sld [smem:$0x0];
	_ =	sdelay $0x2  }
0xb8: {  	s31 =	sshll.u32 s1, $0xD;
	s1 =	sshrl.u32 s1, $0x2  }
0xb9: {  	s3 =	sand.u32 $0x4000, s31;
	s1 =	sadd.s32 s1, s30  }
0xba: {  	s0 =	sor.u32 s3, s0;
	s1 =	sshll.u32 s1, $0x11  }
0xbb: {  	s0 =	sor.u32 s1, s0  }
0xbc: {  	s0 =	sadd.s32 $0x8F2B, s0  }
0xbd: {  	[sflag:s0] =	ssyncadd.remote.s32 $0x1  }
0xbe: {  	_ =	sfence.sel $0xFFFF  }
0xbf: {  	[dreg:$0x0] =	wrdreg $0xFFFFFFFF;
	(pc) =	sbr.abs _section_cstart, $3  }
0xc0: {  	[dreg:$0x1] =	wrdreg $0xFFFFFFFF  }
0xc1: {  	_ =	task.clear_ibuf [dreg:s7], $0x2FFFF;
	_ =	strace $0x9FFFFFFF  }
0xc2: {  	(tm) =	ssettm $0x7FFFFFFF  }
0xc3: {  	_ =	shalt  }
tec
execute0_lowered:
.L_overlay_start_1:
0x0: {  	(tag) =	ssettag $0x1  }
0x1: {  	s2 =	rddreg [dreg:$0x0]  }
0x2: {  	s4 =	rddreg [dreg:$0x1]  }
0x3: {  	s0 =	rddreg [dreg:$0x2]  }
0x4: {  	s5 =	srdreg.scid;
	s1 =	stileid.u32;
	s3 =	simm.s32 $0x0  }
0x5: {  	s12 =	simm.s32 $0x1;
	s13 =	simm.s32 $0xDEA8;
	s14 =	simm.s32 $0x2  }
0x6: {  	s15 =	simm.s32 $0x3;
	s5 =	sand.u32 $0x1, s5;
	s6 =	sshll.u32 s1, $0x1  }
0x7: {  	s16 =	simm.s32 $0x0;
	s11 =	smul.u32 $0x30D40, s1;
	s6 =	sor.u32 s5, s6  }
0x8: {  	[smem:$0x7FF] =	sst s3;
	s9 =	ssub.s32 $0x2, s5;
	s7 =	smul.u32 $0x61A8, s6  }
0x9: {  	s8 =	sadd.s32 $0x63200, s4;
	s6 =	smul.u32 $0x186A0, s6;
	s10 =	sshrl.u32 s9, $0x1  }
0xa: {  	_ =	strace $0x80000047;
	s31 =	smul.u32 $0x186A0, s5;
	s9 =	ssub.s32 s9, s10  }
0xb: {  	s10 =	simm.s32 $0x3E8;
	s7 =	sshrl.u32 s7, $0x3;
	s5 =	sadd.s32 s8, s6  }
0xc: {  	s8 =	sadd.s32 s11, s8;
	s6 =	smax.u32 s9, $0x1;
	s9 =	simm.s32 $0x4  }
0xd: {  	s11 =	simm.s32 $0x61A8;
	s4 =	sadd.s32 s4, s7;
	s8 =	sadd.s32 s31, s8  }
0xe: {  	s7 =	sadd.s32 $0xFA0, s5;
	s4 =	sadd.s32 $0x19CA0, s4;
	s8 =	sadd.s32 $0x1F40, s8  }
.LBB2_1:
0xf: {  	[tilespmem:s3], [sflag:$0x4] =	stream.linear.gather [hbm4b:s4+s3], $0x61A8, $0x38;
	[tilespmem:$0x15BA8] =	vst v63  }
0x10: {  	_ =	swait.ge [sflag:s9], $0x61A8  }
0x11: {  	[sflag:s9] =	ssyncset.done $0x0  }
0x12: {  	[sflag:s9] =	ssyncadd.s32 $0xFFFF9E58  }
0x13: {  	[tilespmem:s11], [sflag:$0x1] =	stream.indirect.gather [hbm4b:s2+s10], $0x20, s3, s10, $0xb8;
	[tilespmem:$0x15BA8] =	vst v63  }
0x14: {  	_ =	swait.ge [sflag:s12], $0x7D00  }
0x15: {  	[sflag:s12] =	ssyncset.done $0x0  }
0x16: {  	[sflag:s12] =	ssyncadd.s32 $0xFFFF8300  }
0x17: {  	[hbm4b:s5+s3] =	stream.linear.scatter [tilespmem:s11], [sflag:$0x2], $0x7D00, $0x38;
	[tilespmem:$0x15BA8] =	vst v63  }
0x18: {  	_ = 	snop  }
0x19: {  	[tilespmem:s13], [sflag:$0x1] =	stream.indirect.gather [hbm4b:s2+s10], $0x20, s10, s10, $0xb8;
	[tilespmem:$0x15BA8] =	vst v63  }
0x1a: {  	_ =	swait.ge [sflag:s12], $0x7D00  }
0x1b: {  	s17 =	sand.u32 $0x1, s14;
	[sflag:s12] =	ssyncset.done $0x0  }
0x1c: {  	s19 =	sor.u32 $0x2, s17;
	s17 =	smul.u32 $0x1F400, s17;
	[sflag:s12] =	ssyncadd.s32 $0xFFFF8300  }
0x1d: {  	[hbm4b:s7+s3] =	stream.linear.scatter [tilespmem:s13], [sflag:$0x3], $0x7D00, $0x38;
	[tilespmem:$0x15BA8] =	vst v63  }
0x1e: {  	s18 =	simm.s32 $0x7D0;
	_ =	swait.ge [sflag:s19], $0x7D00  }
0x1f: {  	s22 =	simm.s32 $0x3;
	s17 =	sshrl.u32 s17, $0x2;
	[sflag:s19] =	ssyncset.done $0x0  }
0x20: {  	s21 =	simm.s32 $0x4;
	s20 =	sadd.s32 $0x61A8, s17;
	[sflag:s19] =	ssyncadd.s32 $0xFFFF8300  }
0x21: {  	[tilespmem:s20], [sflag:$0x1] =	stream.indirect.gather [hbm4b:s2+s10], $0x20, s18, s10, $0xb8;
	[tilespmem:$0x15BA8] =	vst v63  }
0x22: {  	s23 =	sand.u32 $0x1, s22;
	s22 =	smov.u32 s8;
	_ =	swait.ge [sflag:s12], $0x7D00  }
0x23: {  	s17 =	sadd.s32 $0xFA0, s8;
	s18 =	simm.s32 $0xBB8;
	[sflag:s12] =	ssyncset.done $0x0  }
.LBB2_2:
0x24: {  	s24 =	sor.u32 $0x2, s23;
	s23 =	smul.u32 $0x1F400, s23  }
0x25: {  	[sflag:s12] =	ssyncadd.s32 $0xFFFF8300;
	s25 =	smov.u32 s21;
	s26 =	sadd.s32 $0x1, s21  }
0x26: {  	[hbm4b:s22+s3] =	stream.linear.scatter [tilespmem:s20], [sflag:s19], $0x7D00, $0x38;
	[tilespmem:$0x15BA8] =	vst v63  }
0x27: {  	p0 =	sne.s32 s21, $0x18;
	_ =	swait.ge [sflag:s24], $0x7D00;
	s19 =	sshrl.u32 s23, $0x2  }
.Ltmp0:
0x28: {  	[sflag:s24] =	ssyncset.done $0x0;
	s20 =	sadd.s32 $0x61A8, s19;
	(pc) =	sbr.rel @p0 .LBB2_2-.Ltmp0, $4  }
0x29: {  	s22 =	smov.u32 s17;
	s19 =	smov.u32 s24;
	[sflag:s24] =	ssyncadd.s32 $0xFFFF8300  }
0x2a: {  	[tilespmem:s20], [sflag:$0x1] =	stream.indirect.gather [hbm4b:s2+s10], $0x20, s18, s10, $0xb8;
	[tilespmem:$0x15BA8] =	vst v63  }
0x2b: {  	s17 =	sadd.s32 $0xFA0, s17;
	s21 =	smov.u32 s26;
	_ =	swait.ge [sflag:s12], $0x7D00  }
0x2c: {  	s23 =	sand.u32 $0x1, s25;
	s18 =	sadd.s32 $0x3E8, s18;
	[sflag:s12] =	ssyncset.done $0x0  }
0x2d: {  	s21 =	sor.u32 $0x2, s23;
	s30 =	smul.u32 $0x1F400, s23;
	[sflag:s12] =	ssyncadd.s32 $0xFFFF8300  }
0x2e: {  	[hbm4b:s22+s3] =	stream.linear.scatter [tilespmem:s20], [sflag:s19], $0x7D00, $0x38;
	[tilespmem:$0x15BA8] =	vst v63  }
0x2f: {  	_ =	swait.ge [sflag:s21], $0x7D00  }
0x30: {  	s31 =	sshrl.u32 s30, $0x2;
	[sflag:s21] =	ssyncset.done $0x0  }
0x31: {  	s19 =	sadd.s32 $0x61A8, s31;
	[sflag:s21] =	ssyncadd.s32 $0xFFFF8300  }
0x32: {  	[tilespmem:s19], [sflag:$0x1] =	stream.indirect.gather [hbm4b:s2+s10], $0x20, s18, s10, $0xb8;
	[tilespmem:$0x15BA8] =	vst v63  }
0x33: {  	_ =	swait.ge [sflag:s12], $0x7D00  }
0x34: {  	[sflag:s12] =	ssyncset.done $0x0  }
0x35: {  	s16 =	sadd.s32 $0x1, s16;
	[sflag:s12] =	ssyncadd.s32 $0xFFFF8300  }
0x36: {  	[hbm4b:s17+s3] =	stream.linear.scatter [tilespmem:s19], [sflag:s21], $0x7D00, $0x38;
	[tilespmem:$0x15BA8] =	vst v63  }
0x37: {  	p0 =	sne.s32 s16, s6;
	_ =	swait.ge [sflag:s14], $0x7D00  }
.Ltmp1:
0x38: {  	[sflag:s14] =	ssyncset.done $0x0;
	(pc) =	sbr.rel @p0 .LBB2_1-.Ltmp1, $4  }
0x39: {  	[sflag:s14] =	ssyncadd.s32 $0xFFFF8300  }
0x3a: {  	_ =	swait.ge [sflag:s15], $0x7D00  }
0x3b: {  	[sflag:s15] =	ssyncset.done $0x0  }
0x3c: {  	[sflag:s15] =	ssyncadd.s32 $0xFFFF8300  }
0x3d: {  	_ =	sfence.sel $0x180000  }
0x3e: {  	[bflag:$0x0] =	sbarrier.arrive $0xFFFF  }
0x3f: {  	p0 =	sne.s32 s1, $0x0;
	_ =	strace $0x90000047  }
0x40: {  	s0 =	sadd.s32 @!p0 $0x100000, s0;
	[bflag:$0x2] =	sbarrier.arrive $0xFFFF  }
0x41: {  	[sflag:s0] =	ssyncadd.tile.s32 @!p0 $0x1;
	_ =	shalt  }
.Lfunc_end2:
_tile_overlayer_lowered:
.L_overlay_start_2:
0x42: {  	(tag) =	ssettag $0x2  }
0x43: {  	s0 =	rddreg [dreg:$0x0];
	s2 =	stileid.u32  }
0x44: {  	s1 =	rddreg [dreg:$0x1];
	p0 =	sne.s32 s2, $0x0  }
0x45: {  	s3 =	rddreg [dreg:$0x2];
	[bflag:$0x3] =	sbarrier.arrive $0xFFFF;
	s2 =	simm.s32 @!p0 $0x1C04  }
0x46: {  	[timem:s3], [sflag:s2] =	dma.local @!p0 [hbm:s0], s1  }
0x47: {  	s0 =	simm.s32 @!p0 $0x4  }
0x48: {  	_ =	swait.ge @!p0 [sflag:s0], s1  }
0x49: {  	s1 =	ssub.s32 @!p0 $0x0, s1;
	[sflag:s0] =	ssyncset.done @!p0 $0x0  }
0x4a: {  	[sflag:s0] =	ssyncadd.s32 @!p0 s1  }
0x4b: {  	[bflag:$0x3] =	sbarrier.arrive $0xFFFF  }
0x4c: {  	_ =	shalt  }

// kernel: kernel.13.cloned.1.call-start
scs
__scs_entry_jumppad:
0x0: {  	(pc) =	sbr.rel $0x88, $3  }
0x1: {  	(tag) =	ssettag $0x0;
	lr =	simm.s32 $0x1  }
0x2: {  	[smem:$0x3F9C] =	sst lr;
	_ =	strace $0xD0000000  }
0x3: {  	_ = 	snop  }
0x4: {  	_ = 	snop  }
0x5: {  	_ = 	snop  }
0x6: {  	_ = 	snop  }
0x7: {  	_ = 	snop  }
__scs_overlays_trampoline_lowered:
0x8: {  	[smem:$0x3FAB] =	sst s0  }
0x9: {  	[smem:$0x3FAC] =	sst s1  }
0xa: {  	[smem:$0x3FAD] =	sst s2  }
0xb: {  	[smem:$0x3FAE] =	sst s3  }
0xc: {  	[smem:$0x3FAF] =	sst s4  }
0xd: {  	[smem:$0x3FB0] =	sst s5  }
0xe: {  	[smem:$0x3FB1] =	sst s6  }
0xf: {  	[smem:$0x3FB2] =	sst s7  }
0x10: {  	[smem:$0x3FB3] =	sst s8  }
0x11: {  	[smem:$0x3FB4] =	sst s9;
	s0 =	simm.s32 @!p0 $0x0  }
0x12: {  	s1 =	sld [smem:$0x3F9A];
	s0 =	simm.s32 @p0 $0x1  }
0x13: {  	[smem:$0x3FB5] =	sst s0;
	s0 =	simm.s32 @!p1 $0x0  }
0x14: {  	s2 =	sld [smem:$0x3F99];
	s0 =	simm.s32 @p1 $0x1  }
0x15: {  	[smem:$0x3FB6] =	sst s0;
	s0 =	simm.s32 @!p2 $0x0  }
0x16: {  	s3 =	sld [smem:$0x3FDB];
	s0 =	simm.s32 @p2 $0x1  }
0x17: {  	s4 =	simm.s32 $0x1BF5;
	[smem:$0x3FB8] =	sst s0  }
0x18: {  	s0 =	sld [smem:$0x3F9B];
	_ =	swait.ge [sflag:s4], $0x0  }
0x19: {  	s7 =	sld [smem:$0x3F9C]  }
0x1a: {  	s8 =	sadd.s32 $0xFFFFE003, lr  }
0x1b: {  	s9 =	sadd.s32 $0xFFFFFEF7, lr;
	s5 =	simm.s32 $0xFFFFFFFF;
	p2 =	slt.u32 s8, $0xFFFFF086  }
0x1c: {  	p1 =	slt.u32 s9, $0xF7A;
	s5 =	simm.s32 @!p2 $0x0  }
0x1d: {  	s5 =	simm.s32 @p1 $0x1;
	p0 =	seq.s32 s7, s2  }
0x1e: {  	s7 =	smul.u32 @!p0 $0xF7A, s2;
	p2 =	seq.s32 @!p0 s5, $0x0  }
0x1f: {  	s9 =	smul.u32 $0xF7A, s1;
	s8 =	simm.s32 @!p0 $0x1BF5;
	p2 =	por !p2, p0  }
0x20: {  	[sflag:s8] =	ssyncset.s32 @!p0 $0xFFFFF086;
	s6 =	sadd.s32 @!p0 s3, s7;
	s7 =	simm.s32 @!p0 $0x108  }
0x21: {  	s3 =	sadd.s32 s3, s9;
	s6 =	sadd.s32 @!p0 $0x88, s6;
	s7 =	simm.s32 @p2 $0x1082  }
0x22: {  	[simem:s7], [sflag:s8] =	dma.local @!p0 [hbm:s6], $0xF7A  }
0x23: {  	s9 =	sor.u32 $0xD0000000, s2;
	s6 =	simm.s32 $0x108;
	_ =	swait.ge @!p0 [sflag:s8], $0x0  }
0x24: {  	s3 =	sadd.s32 $0x88, s3;
	s6 =	simm.s32 @!p1 $0x1082;
	[sflag:s4] =	ssyncset.s32 $0xFFFFF086  }
0x25: {  	[simem:s6], [sflag:s4] =	dma.local [hbm:s3], $0xF7A  }
0x26: {  	[smem:$0x3F9C] =	sst s1;
	(tag) =	ssettag s2;
	_ =	strace s9  }
0x27: {  	s1 =	sld [smem:$0x3FAC]  }
0x28: {  	s2 =	sld [smem:$0x3FAD]  }
0x29: {  	s4 =	sld [smem:$0x3FAF]  }
0x2a: {  	p0 =	seq.s32 s5, $0x0;
	s5 =	sld [smem:$0x3FB0]  }
0x2b: {  	s6 =	sld [smem:$0x3FB1]  }
0x2c: {  	s7 =	sld [smem:$0x3FB2]  }
0x2d: {  	s3 =	simm.s32 $0x108;
	s8 =	sld [smem:$0x3FB3]  }
0x2e: {  	s3 =	simm.s32 @!p0 $0x1082;
	s9 =	sld [smem:$0x3FB4]  }
0x2f: {  	lr =	sadd.s32 s0, s3;
	s0 =	sld [smem:$0x3FAB]  }
0x30: {  	s3 =	sld [smem:$0x3FAE]  }
0x31: {  	[smem:$0x3FB7] =	sst s10  }
0x32: {  	s10 =	sld [smem:$0x3FB5];
	_ =	sdelay $0x3  }
0x33: {  	p0 =	seq.s32 s10, $0x1;
	s10 =	sld [smem:$0x3FB7];
	_ =	sdelay $0x3  }
0x34: {  	[smem:$0x3FB7] =	sst s10  }
0x35: {  	s10 =	sld [smem:$0x3FB6];
	_ =	sdelay $0x3  }
0x36: {  	p1 =	seq.s32 s10, $0x1;
	s10 =	sld [smem:$0x3FB7];
	_ =	sdelay $0x3  }
0x37: {  	[smem:$0x3FB7] =	sst s10  }
0x38: {  	s10 =	sld [smem:$0x3FB8]  }
0x39: {  	_ = 	snop;
	(pc) =	sbr.ind lr, $3  }
0x3a: {  	_ = 	snop  }
0x3b: {  	_ = 	snop  }
0x3c: {  	p2 =	seq.s32 s10, $0x1;
	s10 =	sld [smem:$0x3FB7]  }
0x3d: {  	_ =	shalt  }
0x3e: {  	_ =	shalt  }
0x3f: {  	_ =	shalt  }
0x40: {  	_ =	shalt  }
0x41: {  	_ =	shalt  }
0x42: {  	_ =	shalt  }
0x43: {  	_ =	shalt  }
0x44: {  	_ =	shalt  }
0x45: {  	_ =	shalt  }
0x46: {  	_ =	shalt  }
0x47: {  	_ =	shalt  }
0x48: {  	_ =	shalt  }
0x49: {  	_ =	shalt  }
0x4a: {  	_ =	shalt  }
0x4b: {  	_ =	shalt  }
0x4c: {  	_ =	shalt  }
0x4d: {  	_ =	shalt  }
0x4e: {  	_ =	shalt  }
0x4f: {  	_ =	shalt  }
0x50: {  	_ =	shalt  }
0x51: {  	_ =	shalt  }
0x52: {  	_ =	shalt  }
0x53: {  	_ =	shalt  }
0x54: {  	_ =	shalt  }
0x55: {  	_ =	shalt  }
0x56: {  	_ =	shalt  }
0x57: {  	_ =	shalt  }
0x58: {  	_ =	shalt  }
0x59: {  	_ =	shalt  }
0x5a: {  	_ =	shalt  }
0x5b: {  	_ =	shalt  }
0x5c: {  	_ =	shalt  }
0x5d: {  	_ =	shalt  }
0x5e: {  	_ =	shalt  }
0x5f: {  	_ =	shalt  }
0x60: {  	_ =	shalt  }
0x61: {  	_ =	shalt  }
0x62: {  	_ =	shalt  }
0x63: {  	_ =	shalt  }
0x64: {  	_ =	shalt  }
0x65: {  	_ =	shalt  }
0x66: {  	_ =	shalt  }
0x67: {  	_ =	shalt  }
0x68: {  	_ =	shalt  }
0x69: {  	_ =	shalt  }
0x6a: {  	_ =	shalt  }
0x6b: {  	_ =	shalt  }
0x6c: {  	_ =	shalt  }
0x6d: {  	_ =	shalt  }
0x6e: {  	_ =	shalt  }
0x6f: {  	_ =	shalt  }
0x70: {  	_ =	shalt  }
0x71: {  	_ =	shalt  }
0x72: {  	_ =	shalt  }
0x73: {  	_ =	shalt  }
0x74: {  	_ =	shalt  }
0x75: {  	_ =	shalt  }
0x76: {  	_ =	shalt  }
0x77: {  	_ =	shalt  }
0x78: {  	_ =	shalt  }
0x79: {  	_ =	shalt  }
0x7a: {  	_ =	shalt  }
0x7b: {  	_ =	shalt  }
0x7c: {  	_ =	shalt  }
0x7d: {  	_ =	shalt  }
0x7e: {  	_ =	shalt  }
0x7f: {  	_ =	shalt  }
0x80: {  	_ =	shalt  }
0x81: {  	_ =	shalt  }
0x82: {  	_ =	shalt  }
0x83: {  	_ =	shalt  }
0x84: {  	_ =	shalt  }
0x85: {  	_ =	shalt  }
0x86: {  	_ =	shalt  }
0x87: {  	_ =	shalt  }
.Lfunc_end0:
.L_simem_size_0:
called_computation.2_lowered:
.L_overlay_start_0:
0x88: {  	s2 =	sld [smem:$0x3FD9]  }
0x89: {  	s3 =	sld [smem:$0x3FFE];
	_ =	sdelay $0x1  }
0x8a: {  	s1 =	srdreg.scid  }
0x8b: {  	s0 =	sand.u32 $0x1, s1  }
0x8c: {  	s17 =	sshll.u32 s0, $0xA;
	s2 =	sadd.s32 s3, s2  }
0x8d: {  	s2 =	sadd.s32 s2, s17  }
0x8e: {  	[smem:$0x3FC3] =	sst s2  }
0x8f: {  	_ = 	snop  }
0x90: {  	s2 =	sld [smem:$0x3FC5]  }
0x91: {  	s18 =	sld [smem:$0x3FD0];
	(tm) =	ssettm $0x1  }
0x92: {  	s4 =	sld [smem:$0x3FFB];
	_ =	sdelay $0x3  }
0x93: {  	_ =	strace s4  }
0x94: {  	s4 =	sld [smem:$0x3FFC];
	_ =	sdelay $0x3  }
0x95: {  	_ =	strace s4  }
0x96: {  	s4 =	sld [smem:$0x3FFD];
	_ =	sdelay $0x3  }
0x97: {  	_ =	strace s4  }
0x98: {  	_ =	strace $0x8FFFFFFF  }
0x99: {  	s19 =	sld [smem:$0x3FDB];
	_ =	sdelay $0x1  }
0x9a: {  	s5 =	simm.s32 $_scs_section_size  }
0x9b: {  	s6 =	simm.s32 $_size__tile_overlayer_lowered;
	s7 =	simm.s32 $_tile_overlayer_lowered  }
0x9c: {  	s22 =	simm.s32 $0x1BFF;
	s21 =	sshll.u32 s7, $0x1;
	s4 =	sadd.s32 s5, s19  }
0x9d: {  	s8 =	simm.s32 $0x0;
	s20 =	sshll.u32 s6, $0x1;
	s6 =	sadd.s32 s21, s4  }
0x9e: {  	[timem:s8], [sflag:s22] =	dma.local [hbm:s6], s20  }
0x9f: {  	_ =	swait.ge [sflag:s22], s20  }
0xa0: {  	s5 =	ssub.s32 $0x0, s20;
	[sflag:s22] =	ssyncset.done $0x0  }
0xa1: {  	[sflag:s22] =	ssyncadd.s32 s5;
	_ =	sdelay $0x1  }
0xa2: {  	s23 =	simm.s32 $0x1B8B  }
0xa3: {  	_ =	swait.ge [sflag:s23], $0x1  }
0xa4: {  	[sflag:s23] =	ssyncset.done $0x0  }
0xa5: {  	s25 =	simm.s32 $0x1B8E;
	s24 =	sld [smem:$0x3FFE];
	[sflag:s23] =	ssyncadd.s32 $0xFFFFFFFF  }
0xa6: {  	s26 =	simm.s32 $execute0_lowered;
	[smem:$0x3FD2] =	sst s25  }
0xa7: {  	s6 =	sshll.u32 s26, $0x1;
	_ =	strace $0x8000004C;
	[dreg:$0x1] =	wrdreg $0xFFFFFFFF  }
0xa8: {  	s28 =	simm.s32 $_size_execute0_lowered;
	s4 =	sadd.s32 s4, s6;
	[dreg:$0x0] =	wrdreg $0x0  }
0xa9: {  	s6 =	sshll.u32 s28, $0x1;
	[dreg:$0x2] =	wrdreg s4  }
0xaa: {  	[dreg:$0x3] =	wrdreg s6  }
0xab: {  	[dreg:$0x4] =	wrdreg $0xC0  }
0xac: {  	_ =	task [dreg:s8], $0x5FFFF  }
0xad: {  	[dreg:$0x1] =	wrdreg $0xFFFFFFFF  }
0xae: {  	[dreg:$0x0] =	wrdreg $0x60  }
0xaf: {  	[dreg:$0x2] =	wrdreg s24  }
0xb0: {  	[dreg:$0x3] =	wrdreg s2  }
0xb1: {  	[dreg:$0x4] =	wrdreg s18  }
0xb2: {  	[dreg:$0x5] =	wrdreg $0x6A500  }
0xb3: {  	[dreg:$0x6] =	wrdreg $0x9  }
0xb4: {  	_ =	task.clear_ibuf [dreg:s8], $0x7FFFF;
	_ =	strace $0x9000004C  }
0xb5: {  	s29 =	simm.s32 $0x9;
	_ =	strace $0x8000004E  }
0xb6: {  	_ =	swait.ge [sflag:s29], $0x1  }
0xb7: {  	[sflag:s29] =	ssyncadd.s32 $0xFFFFFFFF  }
0xb8: {  	_ =	strace $0x9000004E  }
0xb9: {  	_ =	sfence  }
0xba: {  	s30 =	sld [smem:$0x0];
	_ =	sdelay $0x2  }
0xbb: {  	s31 =	sshll.u32 s1, $0xD;
	s1 =	sshrl.u32 s1, $0x2  }
0xbc: {  	s3 =	sand.u32 $0x4000, s31;
	s1 =	sadd.s32 s1, s30  }
0xbd: {  	s0 =	sor.u32 s3, s0;
	s1 =	sshll.u32 s1, $0x11  }
0xbe: {  	s0 =	sor.u32 s1, s0  }
0xbf: {  	s0 =	sadd.s32 $0x8F2B, s0  }
0xc0: {  	[sflag:s0] =	ssyncadd.remote.s32 $0x1  }
0xc1: {  	_ =	sfence.sel $0xFFFF  }
0xc2: {  	[dreg:$0x0] =	wrdreg $0xFFFFFFFF;
	(pc) =	sbr.abs _section_cstart, $3  }
0xc3: {  	[dreg:$0x1] =	wrdreg $0xFFFFFFFF  }
0xc4: {  	_ =	task.clear_ibuf [dreg:s8], $0x2FFFF;
	_ =	strace $0x9FFFFFFF  }
0xc5: {  	(tm) =	ssettm $0x7FFFFFFF  }
tec
execute0_lowered:
.L_overlay_start_1:
0x0: {  	(tag) =	ssettag $0x1  }
0x1: {  	s0 =	srdreg.scid  }
0x2: {  	s2 =	rddreg [dreg:$0x0];
	s25 =	stileid.u32  }
0x3: {  	s9 =	rddreg [dreg:$0x1];
	s3 =	smul.u32 $0x186A, s25  }
0x4: {  	s10 =	rddreg [dreg:$0x2];
	s24 =	smul.u32 $0x186A0, s25  }
0x5: {  	s19 =	simm.s32 $0x0;
	s29 =	simm.s32 $0x0;
	s16 =	smul.u32 $0x30D400, s25  }
0x6: {  	s8 =	sand.u32 $0x1, s0;
	s13 =	sadd.s32 $0x1600, s2;
	s17 =	smul.u32 $0x30D40, s25  }
0x7: {  	[smem:$0x7FF] =	sst s19;
	p0 =	sgt.u32 s25, $0x7;
	s0 =	ssub.s32 $0x2, s8  }
0x8: {  	s15 =	sshll.u32 s8, $0x4;
	s8 =	sshll.u32 s8, $0x1;
	s1 =	sshrl.u32 s0, $0x1  }
0x9: {  	s12 =	sadd.s32 $0x320, s3;
	s7 =	sadd.s32 $0x640, s3;
	s11 =	sadd.s32 $0x960, s3  }
0xa: {  	s4 =	sadd.s32 $0xC80, s3;
	s5 =	sadd.s32 $0xFA0, s3;
	s6 =	sadd.s32 $0x12C0, s3  }
0xb: {  	s3 =	sadd.s32 $0x15E0, s3;
	s14 =	sshll.u32 s24, $0x5;
	s18 =	sshrl.u32 s24, $0x3  }
0xc: {  	s26 =	sor.u32 s15, s17;
	s8 =	sadd.s32 s9, s8;
	s0 =	ssub.s32 s0, s1  }
0xd: {  	s14 =	sor.u32 s15, s14;
	s1 =	sor.u32 s15, s16;
	s28 =	sshll.u32 s12, $0x5  }
0xe: {  	[dreg:$0x5] =	wrdreg s8;
	s30 =	sshrl.u32 s26, $0x3;
	s16 =	sshll.u32 s7, $0x5  }
0xf: {  	s20 =	sshll.u32 s11, $0x5;
	s21 =	sshll.u32 s4, $0x5;
	s26 =	sshll.u32 s5, $0x5  }
0x10: {  	s12 =	sshll.u32 s12, $0x4;
	s19 =	sshll.u32 s5, $0x4;
	s31 =	sor.u32 s15, s28  }
0x11: {  	s8 =	sadd.s32 s10, s30;
	s17 =	sor.u32 s15, s16;
	s23 =	sor.u32 s15, s21  }
0x12: {  	s28 =	sor.u32 s15, s26;
	s30 =	sshll.u32 s6, $0x5;
	s21 =	smul.u32 $0x30D4, s25  }
0x13: {  	s26 =	smul.u32 $0x61A80, s25;
	s16 =	sadd.s32 $0x67DA00, s2;
	s0 =	smax.u32 s0, $0x1  }
0x14: {  	s25 =	simm.s32 $0x320;
	[dreg:$0x6] =	wrdreg s8;
	s9 =	sshrl.u32 s31, $0x3  }
0x15: {  	s24 =	sshrl.u32 s23, $0x3;
	s31 =	sshll.u32 s3, $0x5;
	s23 =	sshrl.u32 s1, $0x3  }
0x16: {  	s3 =	sshll.u32 s3, $0x4;
	s8 =	sadd.s32 s10, s9;
	s9 =	sor.u32 s15, s20  }
0x17: {  	[dreg:$0x7] =	wrdreg s8;
	s8 =	sshrl.u32 s17, $0x3;
	s22 =	sshrl.u32 s9, $0x3  }
0x18: {  	s9 =	sor.u32 s15, s30;
	s17 =	sor.u32 s15, s31;
	s31 =	sshrl.u32 s26, $0x2  }
0x19: {  	s8 =	sadd.s32 s10, s8;
	s9 =	sshrl.u32 s9, $0x3;
	s20 =	sshrl.u32 s17, $0x3  }
0x1a: {  	s17 =	sshll.u32 s11, $0x4;
	[dreg:$0x8] =	wrdreg s8;
	s8 =	sadd.s32 s10, s22  }
0x1b: {  	s11 =	simm.s32 $0x10;
	[dreg:$0x9] =	wrdreg s8;
	s8 =	sadd.s32 s10, s24  }
0x1c: {  	s22 =	sadd.s32 $0x63200, s2;
	s24 =	sadd.s32 $0x6400, s1;
	[dreg:$0xa] =	wrdreg s8  }
0x1d: {  	s8 =	sshrl.u32 s28, $0x3;
	s15 =	sshrl.u32 s24, $0x3;
	s28 =	sadd.s32 $0xC800, s1  }
0x1e: {  	s8 =	sadd.s32 s10, s8;
	s15 =	sadd.s32 s22, s15;
	s30 =	sshrl.u32 s28, $0x3  }
0x1f: {  	[dreg:$0xb] =	wrdreg s8;
	s8 =	sadd.s32 s10, s9;
	s9 =	sadd.s32 s21, s13  }
0x20: {  	[dreg:$0xf] =	wrdreg s15;
	s15 =	sshll.u32 s7, $0x4;
	s21 =	sadd.s32 $0xFE796000, s14  }
0x21: {  	s14 =	simm.s32 $0x20;
	[dreg:$0xc] =	wrdreg s8;
	s8 =	sadd.s32 s10, s20  }
0x22: {  	s10 =	sadd.s32 s13, s18;
	s13 =	sadd.s32 s22, s23;
	[dreg:$0xd] =	wrdreg s8  }
0x23: {  	s18 =	sshll.u32 s4, $0x4;
	s20 =	sshll.u32 s6, $0x4;
	[dreg:$0xe] =	wrdreg s13  }
0x24: {  	s2 =	sshrl.u32 s21, $0x3;
	s13 =	rddreg [dreg:$0x3];
	s8 =	sadd.s32 s30, s22  }
0x25: {  	s22 =	sadd.s32 $0xFE79C400, s1;
	s2 =	sadd.s32 s16, s2;
	s24 =	sadd.s32 $0x30D40, s10  }
0x26: {  	s28 =	sadd.s32 $0x30DA4, s10;
	s30 =	sadd.s32 $0x30E08, s9;
	[dreg:$0x10] =	wrdreg s8  }
0x27: {  	s8 =	sadd.s32 s31, s13;
	_ =	strace $0x8000004D;
	[dreg:$0x11] =	wrdreg s2  }
0x28: {  	s12 =	sadd.s32 s12, s13;
	s15 =	sadd.s32 s15, s13;
	[dreg:$0x12] =	wrdreg s24  }
0x29: {  	s7 =	sadd.s32 s17, s13;
	s17 =	sadd.s32 s18, s13;
	[dreg:$0x13] =	wrdreg s28  }
0x2a: {  	s5 =	sadd.s32 s19, s13;
	s6 =	sadd.s32 s20, s13;
	[dreg:$0x15] =	wrdreg s0  }
0x2b: {  	s23 =	sshrl.u32 s22, $0x3;
	s31 =	sadd.s32 $0xFE7A2800, s1;
	[dreg:$0x16] =	wrdreg s30  }
0x2c: {  	s26 =	sadd.s32 s3, s13;
	s2 =	sadd.s32 s16, s23;
	[dreg:$0x17] =	wrdreg s31  }
0x2d: {  	v0 =	vimm.f32 $0.0e+00;
	s1 =	simm.s32 $0x5;
	s0 =	simm.s32 $0x640;
	[dreg:$0x14] =	wrdreg s2  }
.LBB2_1:
0x2e: {  	s2 =	simm.s32 $0x40;
	s3 =	simm.s32 $0x0  }
.LBB2_2:
0x2f: {  	p1 =	sne.s32 s2, $0xC7C0;
	[tilespmem:s3+$0x640] =	vst v0;
	s3 =	smov.u32 s2;
	s2 =	sadd.s32 $0x40, s2  }
.Ltmp0:
0x30: {  	(pc) =	sbr.rel @p1 .LBB2_2-.Ltmp0, $2  }
0x31: {  	_ =	sdelay $0x2  }
0x32: {  	s3 =	sshra.s32 s3, $0x2  }
0x33: {  	[tilespmem:s3+$0x640] =	vst v0  }
0x34: {  	[spmem:s8] =	stream.linear.scatter [tilespmem:s0], [sflag:$0x5], $0x3200, $0x38;
	[tilespmem:$0x1F0F0] =	vst v63  }
0x35: {  	_ =	swait.ge [sflag:s1], $0x3200  }
0x36: {  	[sflag:s1] =	ssyncset.done $0x0  }
0x37: {  	[sflag:s1] =	ssyncadd.s32 $0xFFFFCE00  }
0x38: {  	[spmem:s12] =	stream.linear.scatter [tilespmem:s0], [sflag:$0x5], $0x3200, $0x38;
	[tilespmem:$0x1F0F0] =	vst v63  }
0x39: {  	_ =	swait.ge [sflag:s1], $0x3200  }
0x3a: {  	[sflag:s1] =	ssyncset.done $0x0  }
0x3b: {  	[sflag:s1] =	ssyncadd.s32 $0xFFFFCE00  }
0x3c: {  	[spmem:s15] =	stream.linear.scatter [tilespmem:s0], [sflag:$0x5], $0x3200, $0x38;
	[tilespmem:$0x1F0F0] =	vst v63  }
0x3d: {  	_ =	swait.ge [sflag:s1], $0x3200  }
0x3e: {  	[sflag:s1] =	ssyncset.done $0x0  }
0x3f: {  	[sflag:s1] =	ssyncadd.s32 $0xFFFFCE00  }
0x40: {  	[spmem:s7] =	stream.linear.scatter [tilespmem:s0], [sflag:$0x5], $0x3200, $0x38;
	[tilespmem:$0x1F0F0] =	vst v63  }
0x41: {  	_ =	swait.ge [sflag:s1], $0x3200  }
0x42: {  	[sflag:s1] =	ssyncset.done $0x0  }
0x43: {  	[sflag:s1] =	ssyncadd.s32 $0xFFFFCE00  }
0x44: {  	[spmem:s17] =	stream.linear.scatter [tilespmem:s0], [sflag:$0x5], $0x3200, $0x38;
	[tilespmem:$0x1F0F0] =	vst v63  }
0x45: {  	_ =	swait.ge [sflag:s1], $0x3200  }
0x46: {  	[sflag:s1] =	ssyncset.done $0x0  }
0x47: {  	[sflag:s1] =	ssyncadd.s32 $0xFFFFCE00  }
0x48: {  	[spmem:s5] =	stream.linear.scatter [tilespmem:s0], [sflag:$0x5], $0x3200, $0x38;
	[tilespmem:$0x1F0F0] =	vst v63  }
0x49: {  	_ =	swait.ge [sflag:s1], $0x3200  }
0x4a: {  	[sflag:s1] =	ssyncset.done $0x0  }
0x4b: {  	[sflag:s1] =	ssyncadd.s32 $0xFFFFCE00  }
0x4c: {  	[spmem:s6] =	stream.linear.scatter [tilespmem:s0], [sflag:$0x5], $0x3200, $0x38;
	[tilespmem:$0x1F0F0] =	vst v63  }
0x4d: {  	_ =	swait.ge [sflag:s1], $0x3200  }
0x4e: {  	[sflag:s1] =	ssyncset.done $0x0  }
0x4f: {  	[sflag:s1] =	ssyncadd.s32 $0xFFFFCE00  }
0x50: {  	[spmem:s26] =	stream.linear.scatter [tilespmem:s0], [sflag:$0x5], $0x28A0, $0x38;
	[tilespmem:$0x1F0F0] =	vst v63  }
0x51: {  	s18 =	smov.u32 s8;
	s19 =	smov.u32 s12;
	_ =	swait.ge [sflag:s1], $0x28A0  }
.Ltmp1:
0x52: {  	s20 =	smov.u32 s15;
	[sflag:s1] =	ssyncset.done $0x0;
	(pc) =	sbr.rel @p0 .LBB2_7-.Ltmp1, $4  }
0x53: {  	s21 =	smov.u32 s7;
	s22 =	smov.u32 s17;
	[sflag:s1] =	ssyncadd.s32 $0xFFFFD760  }
0x54: {  	s23 =	smov.u32 s5;
	s24 =	smov.u32 s6;
	[bflag:$0x0] =	sbarrier.arrive $0xFFFF  }
0x55: {  	s31 =	smov.u32 s26;
	s2 =	simm.s32 $0x0;
	s30 =	rddreg [dreg:$0x12]  }
0x56: {  	[tilespmem:s2], [sflag:$0x1] =	stream.linear.gather [hbm4b:s30+s2], $0x320, $0x38;
	[tilespmem:$0x1F0F0] =	vst v63  }
0x57: {  	s2 =	rddreg [dreg:$0xe];
	s15 =	simm.s32 $0x0  }
0x58: {  	[tilespmem:s0], [sflag:$0x3] =	stream.strided.gather [hbm4b:s2+s11], $0x3200, s14, s11, $0x38;
	[tilespmem:$0x1F0F0] =	vst v63  }
0x59: {  	s3 =	rddreg [dreg:$0x13];
	s2 =	sand.u32 $0x1, s15  }
0x5a: {  	[tilespmem:s25], [sflag:$0x2] =	stream.linear.gather [hbm4b:s3+s15], $0x320, $0x38;
	[tilespmem:$0x1F0F0] =	vst v63  }
0x5b: {  	s17 =	rddreg [dreg:$0xf];
	s4 =	simm.s32 $0x3840;
	s3 =	sadd.s32 $0x1, s2  }
0x5c: {  	[tilespmem:s4], [sflag:$0x4] =	stream.strided.gather [hbm4b:s17+s11], $0x3200, s14, s11, $0x38;
	[tilespmem:$0x1F0F0] =	vst v63  }
0x5d: {  	s6 =	simm.s32 $0x2;
	_ =	swait.ge [sflag:s3], $0x320  }
0x5e: {  	p2 =	por $0x0, $0x0;
	s26 =	smul.u32 $0xC800, s2;
	[sflag:s3] =	ssyncset.done $0x0  }
0x5f: {  	s8 =	sadd.s32 $0x3, s2;
	s5 =	smul.u32 $0xC80, s2;
	[sflag:s3] =	ssyncadd.s32 $0xFFFFFCE0  }
0x60: {  	s9 =	simm.s32 @!p2 $0x0;
	s2 =	simm.s32 $0x1;
	_ =	swait.ge [sflag:s8], $0x3200  }
0x61: {  	s7 =	sshrl.u32 s5, $0x2;
	s4 =	sshrl.u32 s26, $0x2;
	[sflag:s8] =	ssyncset.done $0x0  }
0x62: {  	s5 =	sand.u32 $0x1, s2;
	s10 =	sadd.s32 $0x640, s4;
	[sflag:s8] =	ssyncadd.s32 $0xFFFFCE00  }
0x63: {  	[spmem:s13] =	stream.indirect.scatter.add.f32 [tilespmem:s10], [sflag:$0x5], $0x10, s7, s25, $0xb8;
	[tilespmem:$0x1F0F0] =	vst v63  }
0x64: {  	s28 =	simm.s32 @!p2 $0x20;
	s30 =	smul.u32 $0xC800, s5;
	_ =	swait.ge [sflag:s1], $0x3200  }
0x65: {  	s26 =	simm.s32 @!p2 $0x10;
	[sflag:s1] =	ssyncset.done $0x0;
	s15 =	rddreg [dreg:$0x10]  }
0x66: {  	s12 =	rddreg [dreg:$0x16];
	[sflag:s1] =	ssyncadd.s32 $0xFFFFCE00;
	s4 =	sadd.s32 $0xC80, s15  }
0x67: {  	[tilespmem:s7], [sflag:s3] =	stream.linear.gather @!p2 [hbm4b:s12+s9], $0x320, $0x38;
	[tilespmem:$0x1F0F0] =	vst v63  }
0x68: {  	s7 =	smul.u32 $0xC80, s5;
	s9 =	sshrl.u32 s30, $0x2;
	s3 =	sadd.s32 $0x64, s12  }
.LBB2_5:
0x69: {  	[tilespmem:s10], [sflag:s8] =	stream.strided.gather @!p2 [hbm4b:s15+s26], $0x3200, s28, s26, $0x38;
	[tilespmem:$0x1F0F0] =	vst v63  }
0x6a: {  	s26 =	smov.u32 s6;
	s10 =	smov.u32 s9;
	s28 =	smov.u32 s3  }
0x6b: {  	s6 =	sadd.s32 $0x1, s6;
	s12 =	sadd.s32 $0x1, s5;
	s30 =	sand.u32 $0x1, s26  }
0x6c: {  	p1 =	seq.s32 s6, $0x7D;
	s8 =	smul.u32 $0xC800, s30;
	_ =	swait.ge [sflag:s12], $0x320  }
0x6d: {  	s15 =	smov.u32 s4;
	s17 =	smul.u32 $0xC80, s30;
	[sflag:s12] =	ssyncset.done $0x0  }
0x6e: {  	s9 =	sshrl.u32 s8, $0x2;
	[sflag:s12] =	ssyncadd.s32 $0xFFFFFCE0;
	s8 =	sadd.s32 $0x3, s5  }
0x6f: {  	s5 =	smov.u32 s30;
	_ =	swait.ge [sflag:s8], $0x3200  }
0x70: {  	[sflag:s8] =	ssyncset.done $0x0  }
0x71: {  	s10 =	sadd.s32 $0x640, s10;
	s30 =	sshrl.u32 s7, $0x2;
	[sflag:s8] =	ssyncadd.s32 $0xFFFFCE00  }
0x72: {  	[spmem:s13] =	stream.indirect.scatter.add.f32 [tilespmem:s10], [sflag:$0x5], $0x10, s30, s25, $0xb8;
	[tilespmem:$0x1F0F0] =	vst v63  }
.Ltmp2:
0x73: {  	s7 =	smov.u32 s17;
	_ =	swait.ge [sflag:s1], $0x3200;
	(pc) =	sbr.rel @!p1 .LBB2_5-.Ltmp2, $4  }
0x74: {  	p2 =	sgt.u32 s2, $0x7A;
	s2 =	smov.u32 s26;
	[sflag:s1] =	ssyncset.done $0x0  }
0x75: {  	s3 =	sadd.s32 $0x64, s3;
	s17 =	simm.s32 @!p2 $0x0;
	[sflag:s1] =	ssyncadd.s32 $0xFFFFCE00  }
0x76: {  	[tilespmem:s30], [sflag:s12] =	stream.linear.gather @!p2 [hbm4b:s28+s17], $0x320, $0x38;
	[tilespmem:$0x1F0F0] =	vst v63  }
0x77: {  	s4 =	sadd.s32 $0xC80, s4;
	s26 =	simm.s32 @!p2 $0x10;
	s28 =	simm.s32 @!p2 $0x20  }
0x78: {  	[tilespmem:s10], [sflag:s8] =	stream.strided.gather @!p2 [hbm4b:s15+s26], $0x3200, s28, s26, $0x38;
	[tilespmem:$0x1F0F0] =	vst v63  }
0x79: {  	s6 =	sadd.s32 $0x1, s5  }
0x7a: {  	_ =	swait.ge [sflag:s6], $0x320  }
0x7b: {  	[sflag:s6] =	ssyncset.done $0x0  }
0x7c: {  	s5 =	sadd.s32 $0x3, s5;
	[sflag:s6] =	ssyncadd.s32 $0xFFFFFCE0  }
0x7d: {  	_ =	swait.ge [sflag:s5], $0x3200  }
0x7e: {  	[sflag:s5] =	ssyncset.done $0x0  }
0x7f: {  	s7 =	sshrl.u32 s7, $0x2;
	s8 =	sadd.s32 $0x640, s9;
	[sflag:s5] =	ssyncadd.s32 $0xFFFFCE00  }
0x80: {  	[spmem:s13] =	stream.indirect.scatter.add.f32 [tilespmem:s8], [sflag:$0x5], $0x10, s7, s25, $0xb8;
	[tilespmem:$0x1F0F0] =	vst v63  }
0x81: {  	_ =	swait.ge [sflag:s1], $0x3200  }
.Ltmp3:
0x82: {  	p1 =	sgt.u32 s2, $0x7A;
	[sflag:s1] =	ssyncset.done $0x0;
	(pc) =	sbr.rel .LBB2_10-.Ltmp3, $4  }
0x83: {  	s2 =	simm.s32 @!p1 $0x0;
	[sflag:s1] =	ssyncadd.s32 $0xFFFFCE00  }
0x84: {  	[tilespmem:s7], [sflag:s6] =	stream.linear.gather @!p1 [hbm4b:s3+s2], $0x320, $0x38;
	[tilespmem:$0x1F0F0] =	vst v63  }
0x85: {  	s12 =	smov.u32 s19;
	s2 =	simm.s32 @!p1 $0x10;
	s3 =	simm.s32 @!p1 $0x20  }
0x86: {  	[tilespmem:s8], [sflag:s5] =	stream.strided.gather @!p1 [hbm4b:s4+s2], $0x3200, s3, s2, $0x38;
	[tilespmem:$0x1F0F0] =	vst v63  }
.LBB2_7:
0x87: {  	s2 =	rddreg [dreg:$0x11]  }
0x88: {  	[tilespmem:s0], [sflag:$0x3] =	stream.strided.gather [hbm4b:s2+s11], $0x3200, s14, s11, $0x38;
	[tilespmem:$0x1F0F0] =	vst v63  }
0x89: {  	s15 =	simm.s32 $0x0;
	s3 =	rddreg [dreg:$0x13]  }
0x8a: {  	[tilespmem:s25], [sflag:$0x2] =	stream.linear.gather [hbm4b:s3+s15], $0x320, $0x38;
	[tilespmem:$0x1F0F0] =	vst v63  }
0x8b: {  	s17 =	rddreg [dreg:$0x14];
	s4 =	simm.s32 $0x3840;
	s26 =	sand.u32 $0x1, s15  }
0x8c: {  	[tilespmem:s4], [sflag:$0x4] =	stream.strided.gather [hbm4b:s17+s11], $0x3200, s14, s11, $0x38;
	[tilespmem:$0x1F0F0] =	vst v63  }
0x8d: {  	s4 =	sadd.s32 $0x1, s26  }
0x8e: {  	_ =	swait.ge [sflag:s4], $0x320  }
0x8f: {  	[sflag:s4] =	ssyncset.done $0x0  }
0x90: {  	s5 =	smul.u32 $0xC800, s26;
	s9 =	sadd.s32 $0x3, s26;
	[sflag:s4] =	ssyncadd.s32 $0xFFFFFCE0  }
0x91: {  	s6 =	smul.u32 $0xC80, s26;
	_ =	swait.ge [sflag:s9], $0x3200  }
0x92: {  	s2 =	simm.s32 $0x1;
	s5 =	sshrl.u32 s5, $0x2;
	[sflag:s9] =	ssyncset.done $0x0  }
0x93: {  	s12 =	sshrl.u32 s6, $0x2;
	s10 =	sadd.s32 $0x640, s5;
	[sflag:s9] =	ssyncadd.s32 $0xFFFFCE00  }
0x94: {  	[spmem:s13] =	stream.indirect.scatter.add.f32 [tilespmem:s10], [sflag:$0x5], $0x10, s12, s25, $0xb8;
	[tilespmem:$0x1F0F0] =	vst v63  }
0x95: {  	s7 =	simm.s32 $0x2;
	s3 =	sand.u32 $0x1, s2;
	_ =	swait.ge [sflag:s1], $0x3200  }
0x96: {  	p2 =	por $0x0, $0x0;
	s30 =	smul.u32 $0xC800, s3;
	[sflag:s1] =	ssyncset.done $0x0  }
0x97: {  	s5 =	simm.s32 @!p2 $0x0;
	s15 =	rddreg [dreg:$0x16];
	[sflag:s1] =	ssyncadd.s32 $0xFFFFCE00  }
0x98: {  	[tilespmem:s12], [sflag:s4] =	stream.linear.gather @!p2 [hbm4b:s15+s5], $0x320, $0x38;
	[tilespmem:$0x1F0F0] =	vst v63  }
0x99: {  	s28 =	simm.s32 @!p2 $0x20;
	s8 =	smul.u32 $0xC80, s3;
	s12 =	rddreg [dreg:$0x17]  }
0x9a: {  	s26 =	simm.s32 @!p2 $0x10;
	s4 =	sadd.s32 $0x6400, s12;
	s12 =	sshrl.u32 @!p2 s12, $0x3  }
0x9b: {  	s6 =	sshrl.u32 s30, $0x2;
	s5 =	sadd.s32 $0x64, s15;
	s15 =	sadd.s32 @!p2 s16, s12  }
.LBB2_8:
0x9c: {  	[tilespmem:s10], [sflag:s9] =	stream.strided.gather @!p2 [hbm4b:s15+s26], $0x3200, s28, s26, $0x38;
	[tilespmem:$0x1F0F0] =	vst v63  }
0x9d: {  	s12 =	smov.u32 s2;
	s2 =	smov.u32 s7;
	s10 =	smov.u32 s8  }
0x9e: {  	s7 =	sadd.s32 $0x1, s7;
	s17 =	sadd.s32 $0x1, s3;
	s15 =	sand.u32 $0x1, s2  }
0x9f: {  	p1 =	sne.s32 s7, $0x7D;
	s9 =	smul.u32 $0xC800, s15;
	_ =	swait.ge [sflag:s17], $0x320  }
0xa0: {  	s26 =	smov.u32 s6;
	s8 =	smul.u32 $0xC80, s15;
	[sflag:s17] =	ssyncset.done $0x0  }
0xa1: {  	s6 =	sshrl.u32 s9, $0x2;
	[sflag:s17] =	ssyncadd.s32 $0xFFFFFCE0;
	s9 =	sadd.s32 $0x3, s3  }
0xa2: {  	s3 =	smov.u32 s15;
	s15 =	smov.u32 s4;
	_ =	swait.ge [sflag:s9], $0x3200  }
0xa3: {  	s28 =	smov.u32 s5;
	[sflag:s9] =	ssyncset.done $0x0  }
0xa4: {  	s30 =	sshrl.u32 s10, $0x2;
	s10 =	sadd.s32 $0x640, s26;
	[sflag:s9] =	ssyncadd.s32 $0xFFFFCE00  }
0xa5: {  	[spmem:s13] =	stream.indirect.scatter.add.f32 [tilespmem:s10], [sflag:$0x5], $0x10, s30, s25, $0xb8;
	[tilespmem:$0x1F0F0] =	vst v63  }
.Ltmp4:
0xa6: {  	s4 =	sadd.s32 $0x6400, s4;
	_ =	swait.ge [sflag:s1], $0x3200;
	(pc) =	sbr.rel @p1 .LBB2_8-.Ltmp4, $4  }
0xa7: {  	s5 =	sadd.s32 $0x64, s5;
	p2 =	sgt.u32 s12, $0x7A;
	[sflag:s1] =	ssyncset.done $0x0  }
0xa8: {  	s12 =	simm.s32 @!p2 $0x0;
	s15 =	sshrl.u32 @!p2 s15, $0x3;
	[sflag:s1] =	ssyncadd.s32 $0xFFFFCE00  }
0xa9: {  	[tilespmem:s30], [sflag:s17] =	stream.linear.gather @!p2 [hbm4b:s28+s12], $0x320, $0x38;
	[tilespmem:$0x1F0F0] =	vst v63  }
0xaa: {  	s26 =	simm.s32 @!p2 $0x10;
	s15 =	sadd.s32 @!p2 s16, s15;
	s28 =	simm.s32 @!p2 $0x20  }
0xab: {  	[tilespmem:s10], [sflag:s9] =	stream.strided.gather @!p2 [hbm4b:s15+s26], $0x3200, s28, s26, $0x38;
	[tilespmem:$0x1F0F0] =	vst v63  }
0xac: {  	s7 =	sadd.s32 $0x1, s3  }
0xad: {  	_ =	swait.ge [sflag:s7], $0x320  }
0xae: {  	[sflag:s7] =	ssyncset.done $0x0  }
0xaf: {  	s3 =	sadd.s32 $0x3, s3;
	[sflag:s7] =	ssyncadd.s32 $0xFFFFFCE0  }
0xb0: {  	_ =	swait.ge [sflag:s3], $0x3200  }
0xb1: {  	[sflag:s3] =	ssyncset.done $0x0  }
0xb2: {  	s8 =	sshrl.u32 s8, $0x2;
	s6 =	sadd.s32 $0x640, s6;
	[sflag:s3] =	ssyncadd.s32 $0xFFFFCE00  }
0xb3: {  	[spmem:s13] =	stream.indirect.scatter.add.f32 [tilespmem:s6], [sflag:$0x5], $0x10, s8, s25, $0xb8;
	[tilespmem:$0x1F0F0] =	vst v63  }
0xb4: {  	_ =	swait.ge [sflag:s1], $0x3200  }
0xb5: {  	p1 =	sgt.u32 s2, $0x7A;
	s12 =	smov.u32 s19;
	[sflag:s1] =	ssyncset.done $0x0  }
0xb6: {  	s2 =	simm.s32 @!p1 $0x0;
	s4 =	sshrl.u32 @!p1 s4, $0x3;
	[sflag:s1] =	ssyncadd.s32 $0xFFFFCE00  }
0xb7: {  	[tilespmem:s8], [sflag:s7] =	stream.linear.gather @!p1 [hbm4b:s5+s2], $0x320, $0x38;
	[tilespmem:$0x1F0F0] =	vst v63  }
0xb8: {  	s2 =	sadd.s32 @!p1 s16, s4;
	s4 =	simm.s32 @!p1 $0x10;
	s5 =	simm.s32 @!p1 $0x20  }
0xb9: {  	[tilespmem:s6], [sflag:s3] =	stream.strided.gather @!p1 [hbm4b:s2+s4], $0x3200, s5, s4, $0x38;
	[tilespmem:$0x1F0F0] =	vst v63  }
.LBB2_10:
0xba: {  	[bflag:$0x0] =	sbarrier.arrive $0xFFFF  }
0xbb: {  	s2 =	simm.s32 $0x0;
	s4 =	simm.s32 $0x6A40;
	s3 =	rddreg [dreg:$0x5]  }
0xbc: {  	[tilespmem:s4], [sflag:$0x5] =	stream.linear.gather [hbm4b:s3+s2], $0x10, $0x38;
	[tilespmem:$0x1F0F0] =	vst v63  }
0xbd: {  	_ =	swait.ge [sflag:s1], $0x10  }
0xbe: {  	[sflag:s1] =	ssyncset.done $0x0  }
0xbf: {  	s8 =	smov.u32 s18;
	s15 =	smov.u32 s20;
	[sflag:s1] =	ssyncadd.s32 $0xFFFFFFF0  }
0xc0: {  	v1 =	vld [tilespmem:$0x6A40];
	[tilespmem:s0], [sflag:$0x5] =	stream.linear.gather [spmem:s18], $0x3200, $0x38  }
0xc1: {  	s7 =	smov.u32 s21;
	s5 =	smov.u32 s23;
	_ =	swait.ge [sflag:s1], $0x3200  }
0xc2: {  	s6 =	smov.u32 s24;
	s26 =	smov.u32 s31;
	[sflag:s1] =	ssyncset.done $0x0  }
0xc3: {  	s2 =	simm.s32 $0x0;
	s3 =	simm.s32 $0x40;
	[sflag:s1] =	ssyncadd.s32 $0xFFFFCE00  }
.LBB2_11:
0xc4: {  	p1 =	sne.s32 s3, $0xC7C0;
	v2 =	vld [tilespmem:s2+$0x640];
	_ =	sdelay $0x2  }
.Ltmp5:
0xc5: {  	(pc) =	sbr.rel @p1 .LBB2_11-.Ltmp5, $3  }
0xc6: {  	_ = 	snop  }
0xc7: {  	v2 =	vadd.f32 v2, v1;
	_ =	sdelay $0x1  }
0xc8: {  	[tilespmem:s2+$0x640] =	vst v2;
	s2 =	sshra.s32 s3, $0x2;
	s3 =	sadd.s32 $0x40, s3  }
0xc9: {  	v2 =	vld [tilespmem:s2+$0x640];
	_ =	sdelay $0x4  }
0xca: {  	v2 =	vadd.f32 v2, v1;
	_ =	sdelay $0x1  }
0xcb: {  	s31 =	rddreg [dreg:$0x6];
	[tilespmem:s2+$0x640] =	vst v2  }
0xcc: {  	[hbm4b:s31+s11] =	stream.strided.scatter [tilespmem:s0], [sflag:$0x5], $0x3200, s14, s11, $0x38;
	[tilespmem:$0x1F0F0] =	vst v63  }
0xcd: {  	_ =	swait.ge [sflag:s1], $0x3200  }
0xce: {  	[sflag:s1] =	ssyncset.done $0x0  }
0xcf: {  	[sflag:s1] =	ssyncadd.s32 $0xFFFFCE00  }
0xd0: {  	[tilespmem:s0], [sflag:$0x5] =	stream.linear.gather [spmem:s12], $0x3200, $0x38;
	[tilespmem:$0x1F0F0] =	vst v63  }
0xd1: {  	_ =	swait.ge [sflag:s1], $0x3200  }
0xd2: {  	s3 =	simm.s32 $0x40;
	[sflag:s1] =	ssyncset.done $0x0  }
0xd3: {  	s17 =	smov.u32 s22;
	s2 =	simm.s32 $0x0;
	[sflag:s1] =	ssyncadd.s32 $0xFFFFCE00  }
.LBB2_13:
0xd4: {  	p1 =	sne.s32 s3, $0xC7C0;
	v2 =	vld [tilespmem:s2+$0x640];
	_ =	sdelay $0x2  }
.Ltmp6:
0xd5: {  	(pc) =	sbr.rel @p1 .LBB2_13-.Ltmp6, $3  }
0xd6: {  	_ = 	snop  }
0xd7: {  	v2 =	vadd.f32 v2, v1;
	_ =	sdelay $0x1  }
0xd8: {  	[tilespmem:s2+$0x640] =	vst v2;
	s2 =	sshra.s32 s3, $0x2;
	s3 =	sadd.s32 $0x40, s3  }
0xd9: {  	v2 =	vld [tilespmem:s2+$0x640];
	_ =	sdelay $0x4  }
0xda: {  	v2 =	vadd.f32 v2, v1;
	_ =	sdelay $0x1  }
0xdb: {  	s31 =	rddreg [dreg:$0x7];
	[tilespmem:s2+$0x640] =	vst v2  }
0xdc: {  	[hbm4b:s31+s11] =	stream.strided.scatter [tilespmem:s0], [sflag:$0x5], $0x3200, s14, s11, $0x38;
	[tilespmem:$0x1F0F0] =	vst v63  }
0xdd: {  	_ =	swait.ge [sflag:s1], $0x3200  }
0xde: {  	[sflag:s1] =	ssyncset.done $0x0  }
0xdf: {  	[sflag:s1] =	ssyncadd.s32 $0xFFFFCE00  }
0xe0: {  	[tilespmem:s0], [sflag:$0x5] =	stream.linear.gather [spmem:s15], $0x3200, $0x38;
	[tilespmem:$0x1F0F0] =	vst v63  }
0xe1: {  	_ =	swait.ge [sflag:s1], $0x3200  }
0xe2: {  	[sflag:s1] =	ssyncset.done $0x0  }
0xe3: {  	s3 =	simm.s32 $0x40;
	s2 =	simm.s32 $0x0;
	[sflag:s1] =	ssyncadd.s32 $0xFFFFCE00  }
.LBB2_15:
0xe4: {  	p1 =	sne.s32 s3, $0xC7C0;
	v2 =	vld [tilespmem:s2+$0x640];
	_ =	sdelay $0x2  }
.Ltmp7:
0xe5: {  	(pc) =	sbr.rel @p1 .LBB2_15-.Ltmp7, $3  }
0xe6: {  	_ = 	snop  }
0xe7: {  	v2 =	vadd.f32 v2, v1;
	_ =	sdelay $0x1  }
0xe8: {  	[tilespmem:s2+$0x640] =	vst v2;
	s2 =	sshra.s32 s3, $0x2;
	s3 =	sadd.s32 $0x40, s3  }
0xe9: {  	v2 =	vld [tilespmem:s2+$0x640];
	_ =	sdelay $0x4  }
0xea: {  	v2 =	vadd.f32 v2, v1;
	_ =	sdelay $0x1  }
0xeb: {  	s31 =	rddreg [dreg:$0x8];
	[tilespmem:s2+$0x640] =	vst v2  }
0xec: {  	[hbm4b:s31+s11] =	stream.strided.scatter [tilespmem:s0], [sflag:$0x5], $0x3200, s14, s11, $0x38;
	[tilespmem:$0x1F0F0] =	vst v63  }
0xed: {  	_ =	swait.ge [sflag:s1], $0x3200  }
0xee: {  	[sflag:s1] =	ssyncset.done $0x0  }
0xef: {  	[sflag:s1] =	ssyncadd.s32 $0xFFFFCE00  }
0xf0: {  	[tilespmem:s0], [sflag:$0x5] =	stream.linear.gather [spmem:s7], $0x3200, $0x38;
	[tilespmem:$0x1F0F0] =	vst v63  }
0xf1: {  	_ =	swait.ge [sflag:s1], $0x3200  }
0xf2: {  	[sflag:s1] =	ssyncset.done $0x0  }
0xf3: {  	s3 =	simm.s32 $0x40;
	s2 =	simm.s32 $0x0;
	[sflag:s1] =	ssyncadd.s32 $0xFFFFCE00  }
.LBB2_17:
0xf4: {  	p1 =	sne.s32 s3, $0xC7C0;
	v2 =	vld [tilespmem:s2+$0x640];
	_ =	sdelay $0x2  }
.Ltmp8:
0xf5: {  	(pc) =	sbr.rel @p1 .LBB2_17-.Ltmp8, $3  }
0xf6: {  	_ = 	snop  }
0xf7: {  	v2 =	vadd.f32 v2, v1;
	_ =	sdelay $0x1  }
0xf8: {  	[tilespmem:s2+$0x640] =	vst v2;
	s2 =	sshra.s32 s3, $0x2;
	s3 =	sadd.s32 $0x40, s3  }
0xf9: {  	v2 =	vld [tilespmem:s2+$0x640];
	_ =	sdelay $0x4  }
0xfa: {  	v2 =	vadd.f32 v2, v1;
	_ =	sdelay $0x1  }
0xfb: {  	s31 =	rddreg [dreg:$0x9];
	[tilespmem:s2+$0x640] =	vst v2  }
0xfc: {  	[hbm4b:s31+s11] =	stream.strided.scatter [tilespmem:s0], [sflag:$0x5], $0x3200, s14, s11, $0x38;
	[tilespmem:$0x1F0F0] =	vst v63  }
0xfd: {  	_ =	swait.ge [sflag:s1], $0x3200  }
0xfe: {  	[sflag:s1] =	ssyncset.done $0x0  }
0xff: {  	[sflag:s1] =	ssyncadd.s32 $0xFFFFCE00  }
0x100: {  	[tilespmem:s0], [sflag:$0x5] =	stream.linear.gather [spmem:s17], $0x3200, $0x38;
	[tilespmem:$0x1F0F0] =	vst v63  }
0x101: {  	_ =	swait.ge [sflag:s1], $0x3200  }
0x102: {  	[sflag:s1] =	ssyncset.done $0x0  }
0x103: {  	s3 =	simm.s32 $0x40;
	s2 =	simm.s32 $0x0;
	[sflag:s1] =	ssyncadd.s32 $0xFFFFCE00  }
.LBB2_19:
0x104: {  	p1 =	sne.s32 s3, $0xC7C0;
	v2 =	vld [tilespmem:s2+$0x640];
	_ =	sdelay $0x2  }
.Ltmp9:
0x105: {  	(pc) =	sbr.rel @p1 .LBB2_19-.Ltmp9, $3  }
0x106: {  	_ = 	snop  }
0x107: {  	v2 =	vadd.f32 v2, v1;
	_ =	sdelay $0x1  }
0x108: {  	[tilespmem:s2+$0x640] =	vst v2;
	s2 =	sshra.s32 s3, $0x2;
	s3 =	sadd.s32 $0x40, s3  }
0x109: {  	v2 =	vld [tilespmem:s2+$0x640];
	_ =	sdelay $0x4  }
0x10a: {  	v2 =	vadd.f32 v2, v1;
	_ =	sdelay $0x1  }
0x10b: {  	s31 =	rddreg [dreg:$0xa];
	[tilespmem:s2+$0x640] =	vst v2  }
0x10c: {  	[hbm4b:s31+s11] =	stream.strided.scatter [tilespmem:s0], [sflag:$0x5], $0x3200, s14, s11, $0x38;
	[tilespmem:$0x1F0F0] =	vst v63  }
0x10d: {  	_ =	swait.ge [sflag:s1], $0x3200  }
0x10e: {  	[sflag:s1] =	ssyncset.done $0x0  }
0x10f: {  	[sflag:s1] =	ssyncadd.s32 $0xFFFFCE00  }
0x110: {  	[tilespmem:s0], [sflag:$0x5] =	stream.linear.gather [spmem:s5], $0x3200, $0x38;
	[tilespmem:$0x1F0F0] =	vst v63  }
0x111: {  	_ =	swait.ge [sflag:s1], $0x3200  }
0x112: {  	[sflag:s1] =	ssyncset.done $0x0  }
0x113: {  	s3 =	simm.s32 $0x40;
	s2 =	simm.s32 $0x0;
	[sflag:s1] =	ssyncadd.s32 $0xFFFFCE00  }
.LBB2_21:
0x114: {  	p1 =	sne.s32 s3, $0xC7C0;
	v2 =	vld [tilespmem:s2+$0x640];
	_ =	sdelay $0x2  }
.Ltmp10:
0x115: {  	(pc) =	sbr.rel @p1 .LBB2_21-.Ltmp10, $3  }
0x116: {  	_ = 	snop  }
0x117: {  	v2 =	vadd.f32 v2, v1;
	_ =	sdelay $0x1  }
0x118: {  	[tilespmem:s2+$0x640] =	vst v2;
	s2 =	sshra.s32 s3, $0x2;
	s3 =	sadd.s32 $0x40, s3  }
0x119: {  	v2 =	vld [tilespmem:s2+$0x640];
	_ =	sdelay $0x4  }
0x11a: {  	v2 =	vadd.f32 v2, v1;
	_ =	sdelay $0x1  }
0x11b: {  	s31 =	rddreg [dreg:$0xb];
	[tilespmem:s2+$0x640] =	vst v2  }
0x11c: {  	[hbm4b:s31+s11] =	stream.strided.scatter [tilespmem:s0], [sflag:$0x5], $0x3200, s14, s11, $0x38;
	[tilespmem:$0x1F0F0] =	vst v63  }
0x11d: {  	_ =	swait.ge [sflag:s1], $0x3200  }
0x11e: {  	[sflag:s1] =	ssyncset.done $0x0  }
0x11f: {  	[sflag:s1] =	ssyncadd.s32 $0xFFFFCE00  }
0x120: {  	[tilespmem:s0], [sflag:$0x5] =	stream.linear.gather [spmem:s6], $0x3200, $0x38;
	[tilespmem:$0x1F0F0] =	vst v63  }
0x121: {  	_ =	swait.ge [sflag:s1], $0x3200  }
0x122: {  	[sflag:s1] =	ssyncset.done $0x0  }
0x123: {  	s3 =	simm.s32 $0x40;
	s2 =	simm.s32 $0x0;
	[sflag:s1] =	ssyncadd.s32 $0xFFFFCE00  }
.LBB2_23:
0x124: {  	p1 =	sne.s32 s3, $0xC7C0;
	v2 =	vld [tilespmem:s2+$0x640];
	_ =	sdelay $0x2  }
.Ltmp11:
0x125: {  	(pc) =	sbr.rel @p1 .LBB2_23-.Ltmp11, $3  }
0x126: {  	_ = 	snop  }
0x127: {  	v2 =	vadd.f32 v2, v1;
	_ =	sdelay $0x1  }
0x128: {  	[tilespmem:s2+$0x640] =	vst v2;
	s2 =	sshra.s32 s3, $0x2;
	s3 =	sadd.s32 $0x40, s3  }
0x129: {  	v2 =	vld [tilespmem:s2+$0x640];
	_ =	sdelay $0x4  }
0x12a: {  	v2 =	vadd.f32 v2, v1;
	_ =	sdelay $0x1  }
0x12b: {  	s31 =	rddreg [dreg:$0xc];
	[tilespmem:s2+$0x640] =	vst v2  }
0x12c: {  	[hbm4b:s31+s11] =	stream.strided.scatter [tilespmem:s0], [sflag:$0x5], $0x3200, s14, s11, $0x38;
	[tilespmem:$0x1F0F0] =	vst v63  }
0x12d: {  	_ =	swait.ge [sflag:s1], $0x3200  }
0x12e: {  	[sflag:s1] =	ssyncset.done $0x0  }
0x12f: {  	[sflag:s1] =	ssyncadd.s32 $0xFFFFCE00  }
0x130: {  	[tilespmem:s0], [sflag:$0x5] =	stream.linear.gather [spmem:s26], $0x28A0, $0x38;
	[tilespmem:$0x1F0F0] =	vst v63  }
0x131: {  	_ =	swait.ge [sflag:s1], $0x28A0  }
0x132: {  	[sflag:s1] =	ssyncset.done $0x0  }
0x133: {  	s3 =	simm.s32 $0x40;
	s2 =	simm.s32 $0x0;
	[sflag:s1] =	ssyncadd.s32 $0xFFFFD760  }
.LBB2_25:
0x134: {  	p1 =	sne.s32 s3, $0xA240;
	v2 =	vld [tilespmem:s2+$0x640];
	_ =	sdelay $0x2  }
.Ltmp12:
0x135: {  	(pc) =	sbr.rel @p1 .LBB2_25-.Ltmp12, $3  }
0x136: {  	_ = 	snop  }
0x137: {  	v2 =	vadd.f32 v2, v1;
	_ =	sdelay $0x1  }
0x138: {  	[tilespmem:s2+$0x640] =	vst v2;
	s2 =	sshra.s32 s3, $0x2;
	s3 =	sadd.s32 $0x40, s3  }
0x139: {  	v2 =	vld [tilespmem:s2+$0x640];
	_ =	sdelay $0x4  }
0x13a: {  	v1 =	vadd.f32 v2, v1;
	_ =	sdelay $0x1  }
0x13b: {  	s30 =	rddreg [dreg:$0xd];
	[tilespmem:s2+$0x640] =	vst v1  }
0x13c: {  	[hbm4b:s30+s11] =	stream.strided.scatter [tilespmem:s0], [sflag:$0x5], $0x28A0, s14, s11, $0x38;
	[tilespmem:$0x1F0F0] =	vst v63  }
0x13d: {  	_ =	swait.ge [sflag:s1], $0x28A0  }
0x13e: {  	s29 =	sadd.s32 $0x1, s29;
	s31 =	rddreg [dreg:$0x15]  }
0x13f: {  	p1 =	sne.s32 s29, s31  }
.Ltmp13:
0x140: {  	_ = 	snop;
	(pc) =	sbr.rel @p1 .LBB2_1-.Ltmp13, $3  }
0x141: {  	_ =	sdelay $0x1  }
0x142: {  	[sflag:s1] =	ssyncset.done $0x0  }
0x143: {  	[sflag:s1] =	ssyncadd.s32 $0xFFFFD760  }
0x144: {  	_ =	sfence.sel $0x180000  }
0x145: {  	[bflag:$0x0] =	sbarrier.arrive $0xFFFF  }
0x146: {  	_ =	strace $0x9000004D  }
0x147: {  	s0 =	stileid.u32;
	[bflag:$0x2] =	sbarrier.arrive $0xFFFF  }
0x148: {  	p0 =	sne.s32 s0, $0x0;
	s0 =	rddreg [dreg:$0x4]  }
0x149: {  	s0 =	sadd.s32 @!p0 $0x100000, s0  }
0x14a: {  	[sflag:s0] =	ssyncadd.tile.s32 @!p0 $0x1;
	_ =	shalt  }
.Lfunc_end2:
_tile_overlayer_lowered:
.L_overlay_start_2:
0x14b: {  	(tag) =	ssettag $0x2  }
0x14c: {  	s0 =	rddreg [dreg:$0x0];
	s2 =	stileid.u32  }
0x14d: {  	s1 =	rddreg [dreg:$0x1];
	p0 =	sne.s32 s2, $0x0  }
0x14e: {  	s3 =	rddreg [dreg:$0x2];
	[bflag:$0x3] =	sbarrier.arrive $0xFFFF;
	s2 =	simm.s32 @!p0 $0x1C05  }
0x14f: {  	[timem:s3], [sflag:s2] =	dma.local @!p0 [hbm:s0], s1  }
0x150: {  	s0 =	simm.s32 @!p0 $0x5  }
0x151: {  	_ =	swait.ge @!p0 [sflag:s0], s1  }
0x152: {  	s1 =	ssub.s32 @!p0 $0x0, s1;
	[sflag:s0] =	ssyncset.done @!p0 $0x0  }
0x153: {  	[sflag:s0] =	ssyncadd.s32 @!p0 s1  }
0x154: {  	[bflag:$0x3] =	sbarrier.arrive $0xFFFF  }
0x155: {  	_ =	shalt  }

// kernel: kernel.7.cloned.1.call-start
scs
__scs_entry_jumppad:
0x0: {  	(pc) =	sbr.rel $0x88, $3  }
0x1: {  	(tag) =	ssettag $0x0;
	lr =	simm.s32 $0x1  }
0x2: {  	[smem:$0x3F9C] =	sst lr;
	_ =	strace $0xD0000000  }
0x3: {  	_ = 	snop  }
0x4: {  	_ = 	snop  }
0x5: {  	_ = 	snop  }
0x6: {  	_ = 	snop  }
0x7: {  	_ = 	snop  }
__scs_overlays_trampoline_lowered:
0x8: {  	[smem:$0x3FAB] =	sst s0  }
0x9: {  	[smem:$0x3FAC] =	sst s1  }
0xa: {  	[smem:$0x3FAD] =	sst s2  }
0xb: {  	[smem:$0x3FAE] =	sst s3  }
0xc: {  	[smem:$0x3FAF] =	sst s4  }
0xd: {  	[smem:$0x3FB0] =	sst s5  }
0xe: {  	[smem:$0x3FB1] =	sst s6  }
0xf: {  	[smem:$0x3FB2] =	sst s7  }
0x10: {  	[smem:$0x3FB3] =	sst s8  }
0x11: {  	[smem:$0x3FB4] =	sst s9;
	s0 =	simm.s32 @!p0 $0x0  }
0x12: {  	s1 =	sld [smem:$0x3F9A];
	s0 =	simm.s32 @p0 $0x1  }
0x13: {  	[smem:$0x3FB5] =	sst s0;
	s0 =	simm.s32 @!p1 $0x0  }
0x14: {  	s2 =	sld [smem:$0x3F99];
	s0 =	simm.s32 @p1 $0x1  }
0x15: {  	[smem:$0x3FB6] =	sst s0;
	s0 =	simm.s32 @!p2 $0x0  }
0x16: {  	s3 =	sld [smem:$0x3FDB];
	s0 =	simm.s32 @p2 $0x1  }
0x17: {  	s4 =	simm.s32 $0x1BF5;
	[smem:$0x3FB8] =	sst s0  }
0x18: {  	s0 =	sld [smem:$0x3F9B];
	_ =	swait.ge [sflag:s4], $0x0  }
0x19: {  	s7 =	sld [smem:$0x3F9C]  }
0x1a: {  	s8 =	sadd.s32 $0xFFFFE003, lr  }
0x1b: {  	s9 =	sadd.s32 $0xFFFFFEF7, lr;
	s5 =	simm.s32 $0xFFFFFFFF;
	p2 =	slt.u32 s8, $0xFFFFF086  }
0x1c: {  	p1 =	slt.u32 s9, $0xF7A;
	s5 =	simm.s32 @!p2 $0x0  }
0x1d: {  	s5 =	simm.s32 @p1 $0x1;
	p0 =	seq.s32 s7, s2  }
0x1e: {  	s7 =	smul.u32 @!p0 $0xF7A, s2;
	p2 =	seq.s32 @!p0 s5, $0x0  }
0x1f: {  	s9 =	smul.u32 $0xF7A, s1;
	s8 =	simm.s32 @!p0 $0x1BF5;
	p2 =	por !p2, p0  }
0x20: {  	[sflag:s8] =	ssyncset.s32 @!p0 $0xFFFFF086;
	s6 =	sadd.s32 @!p0 s3, s7;
	s7 =	simm.s32 @!p0 $0x108  }
0x21: {  	s3 =	sadd.s32 s3, s9;
	s6 =	sadd.s32 @!p0 $0x88, s6;
	s7 =	simm.s32 @p2 $0x1082  }
0x22: {  	[simem:s7], [sflag:s8] =	dma.local @!p0 [hbm:s6], $0xF7A  }
0x23: {  	s9 =	sor.u32 $0xD0000000, s2;
	s6 =	simm.s32 $0x108;
	_ =	swait.ge @!p0 [sflag:s8], $0x0  }
0x24: {  	s3 =	sadd.s32 $0x88, s3;
	s6 =	simm.s32 @!p1 $0x1082;
	[sflag:s4] =	ssyncset.s32 $0xFFFFF086  }
0x25: {  	[simem:s6], [sflag:s4] =	dma.local [hbm:s3], $0xF7A  }
0x26: {  	[smem:$0x3F9C] =	sst s1;
	(tag) =	ssettag s2;
	_ =	strace s9  }
0x27: {  	s1 =	sld [smem:$0x3FAC]  }
0x28: {  	s2 =	sld [smem:$0x3FAD]  }
0x29: {  	s4 =	sld [smem:$0x3FAF]  }
0x2a: {  	p0 =	seq.s32 s5, $0x0;
	s5 =	sld [smem:$0x3FB0]  }
0x2b: {  	s6 =	sld [smem:$0x3FB1]  }
0x2c: {  	s7 =	sld [smem:$0x3FB2]  }
0x2d: {  	s3 =	simm.s32 $0x108;
	s8 =	sld [smem:$0x3FB3]  }
0x2e: {  	s3 =	simm.s32 @!p0 $0x1082;
	s9 =	sld [smem:$0x3FB4]  }
0x2f: {  	lr =	sadd.s32 s0, s3;
	s0 =	sld [smem:$0x3FAB]  }
0x30: {  	s3 =	sld [smem:$0x3FAE]  }
0x31: {  	[smem:$0x3FB7] =	sst s10  }
0x32: {  	s10 =	sld [smem:$0x3FB5];
	_ =	sdelay $0x3  }
0x33: {  	p0 =	seq.s32 s10, $0x1;
	s10 =	sld [smem:$0x3FB7];
	_ =	sdelay $0x3  }
0x34: {  	[smem:$0x3FB7] =	sst s10  }
0x35: {  	s10 =	sld [smem:$0x3FB6];
	_ =	sdelay $0x3  }
0x36: {  	p1 =	seq.s32 s10, $0x1;
	s10 =	sld [smem:$0x3FB7];
	_ =	sdelay $0x3  }
0x37: {  	[smem:$0x3FB7] =	sst s10  }
0x38: {  	s10 =	sld [smem:$0x3FB8]  }
0x39: {  	_ = 	snop;
	(pc) =	sbr.ind lr, $3  }
0x3a: {  	_ = 	snop  }
0x3b: {  	_ = 	snop  }
0x3c: {  	p2 =	seq.s32 s10, $0x1;
	s10 =	sld [smem:$0x3FB7]  }
0x3d: {  	_ =	shalt  }
0x3e: {  	_ =	shalt  }
0x3f: {  	_ =	shalt  }
0x40: {  	_ =	shalt  }
0x41: {  	_ =	shalt  }
0x42: {  	_ =	shalt  }
0x43: {  	_ =	shalt  }
0x44: {  	_ =	shalt  }
0x45: {  	_ =	shalt  }
0x46: {  	_ =	shalt  }
0x47: {  	_ =	shalt  }
0x48: {  	_ =	shalt  }
0x49: {  	_ =	shalt  }
0x4a: {  	_ =	shalt  }
0x4b: {  	_ =	shalt  }
0x4c: {  	_ =	shalt  }
0x4d: {  	_ =	shalt  }
0x4e: {  	_ =	shalt  }
0x4f: {  	_ =	shalt  }
0x50: {  	_ =	shalt  }
0x51: {  	_ =	shalt  }
0x52: {  	_ =	shalt  }
0x53: {  	_ =	shalt  }
0x54: {  	_ =	shalt  }
0x55: {  	_ =	shalt  }
0x56: {  	_ =	shalt  }
0x57: {  	_ =	shalt  }
0x58: {  	_ =	shalt  }
0x59: {  	_ =	shalt  }
0x5a: {  	_ =	shalt  }
0x5b: {  	_ =	shalt  }
0x5c: {  	_ =	shalt  }
0x5d: {  	_ =	shalt  }
0x5e: {  	_ =	shalt  }
0x5f: {  	_ =	shalt  }
0x60: {  	_ =	shalt  }
0x61: {  	_ =	shalt  }
0x62: {  	_ =	shalt  }
0x63: {  	_ =	shalt  }
0x64: {  	_ =	shalt  }
0x65: {  	_ =	shalt  }
0x66: {  	_ =	shalt  }
0x67: {  	_ =	shalt  }
0x68: {  	_ =	shalt  }
0x69: {  	_ =	shalt  }
0x6a: {  	_ =	shalt  }
0x6b: {  	_ =	shalt  }
0x6c: {  	_ =	shalt  }
0x6d: {  	_ =	shalt  }
0x6e: {  	_ =	shalt  }
0x6f: {  	_ =	shalt  }
0x70: {  	_ =	shalt  }
0x71: {  	_ =	shalt  }
0x72: {  	_ =	shalt  }
0x73: {  	_ =	shalt  }
0x74: {  	_ =	shalt  }
0x75: {  	_ =	shalt  }
0x76: {  	_ =	shalt  }
0x77: {  	_ =	shalt  }
0x78: {  	_ =	shalt  }
0x79: {  	_ =	shalt  }
0x7a: {  	_ =	shalt  }
0x7b: {  	_ =	shalt  }
0x7c: {  	_ =	shalt  }
0x7d: {  	_ =	shalt  }
0x7e: {  	_ =	shalt  }
0x7f: {  	_ =	shalt  }
0x80: {  	_ =	shalt  }
0x81: {  	_ =	shalt  }
0x82: {  	_ =	shalt  }
0x83: {  	_ =	shalt  }
0x84: {  	_ =	shalt  }
0x85: {  	_ =	shalt  }
0x86: {  	_ =	shalt  }
0x87: {  	_ =	shalt  }
.Lfunc_end0:
.L_simem_size_0:
called_computation_lowered:
.L_overlay_start_0:
0x88: {  	s2 =	sld [smem:$0x3FD9]  }
0x89: {  	s3 =	sld [smem:$0x3FFE];
	_ =	sdelay $0x1  }
0x8a: {  	s1 =	srdreg.scid  }
0x8b: {  	s0 =	sand.u32 $0x1, s1  }
0x8c: {  	s17 =	sshll.u32 s0, $0xA;
	s2 =	sadd.s32 s3, s2  }
0x8d: {  	s2 =	sadd.s32 s2, s17  }
0x8e: {  	[smem:$0x3FC3] =	sst s2  }
0x8f: {  	_ = 	snop  }
0x90: {  	s18 =	sld [smem:$0x3FD0];
	(tm) =	ssettm $0x1  }
0x91: {  	s19 =	sld [smem:$0x3FFB];
	_ =	sdelay $0x3  }
0x92: {  	_ =	strace s19  }
0x93: {  	s2 =	sld [smem:$0x3FFC];
	_ =	sdelay $0x3  }
0x94: {  	_ =	strace s2  }
0x95: {  	s2 =	sld [smem:$0x3FFD];
	_ =	sdelay $0x3  }
0x96: {  	_ =	strace s2  }
0x97: {  	_ =	strace $0x8FFFFFFF  }
0x98: {  	s20 =	sld [smem:$0x3FDB];
	_ =	sdelay $0x1  }
0x99: {  	s4 =	simm.s32 $_scs_section_size  }
0x9a: {  	s5 =	simm.s32 $_size__tile_overlayer_lowered;
	s6 =	simm.s32 $_tile_overlayer_lowered  }
0x9b: {  	s7 =	simm.s32 $0x1BFF;
	s21 =	sshll.u32 s6, $0x1;
	s4 =	sadd.s32 s4, s20  }
0x9c: {  	s22 =	simm.s32 $0x0;
	s5 =	sshll.u32 s5, $0x1;
	s6 =	sadd.s32 s21, s4  }
0x9d: {  	[timem:s22], [sflag:s7] =	dma.local [hbm:s6], s5  }
0x9e: {  	_ =	swait.ge [sflag:s7], s5  }
0x9f: {  	s5 =	ssub.s32 $0x0, s5;
	[sflag:s7] =	ssyncset.done $0x0  }
0xa0: {  	[sflag:s7] =	ssyncadd.s32 s5;
	_ =	sdelay $0x1  }
0xa1: {  	s23 =	simm.s32 $0x1B8B  }
0xa2: {  	_ =	swait.ge [sflag:s23], $0x1  }
0xa3: {  	[sflag:s23] =	ssyncset.done $0x0  }
0xa4: {  	[sflag:s23] =	ssyncadd.s32 $0xFFFFFFFF  }
0xa5: {  	s5 =	sld [smem:$0x0]  }
0xa6: {  	s6 =	sand.u32 $0xFFFFFFFE, s1  }
0xa7: {  	p0 =	sne.s32 s1, s6  }
0xa8: {  	s6 =	sshll.u32 @p0 s6, $0xE  }
0xa9: {  	s6 =	sadd.s32 @p0 $0x11B8D, s6;
	s7 =	sshll.u32 @p0 s5, $0x11  }
0xaa: {  	s6 =	sor.u32 @p0 s7, s6  }
0xab: {  	[sflag:s6] =	ssyncadd.remote.s32 @p0 $0x1;
	_ =	sdelay $0x1  }
0xac: {  	s6 =	simm.s32 @p0 $0x1B8D  }
0xad: {  	_ =	swait.eq @p0 [sflag:s6], $0x1  }
0xae: {  	[sflag:s6] =	ssyncadd.s32 @p0 $0xFFFFFFFF  }
0xaf: {  	s7 =	sshll.u32 @!p0 s1, $0xE  }
0xb0: {  	s7 =	sor.u32 @!p0 $0x4000, s7;
	s6 =	simm.s32 @!p0 $0x1B8D  }
0xb1: {  	s5 =	sshll.u32 @!p0 s5, $0x11;
	s7 =	sadd.s32 @!p0 $0x11B8D, s7;
	_ =	swait.eq @!p0 [sflag:s6], $0x1  }
0xb2: {  	s5 =	sor.u32 @!p0 s5, s7;
	[sflag:s6] =	ssyncadd.s32 @!p0 $0xFFFFFFFF  }
0xb3: {  	s25 =	simm.s32 $0x1B8E;
	s24 =	sld [smem:$0x3FFE];
	[sflag:s5] =	ssyncadd.remote.s32 @!p0 $0x1  }
0xb4: {  	s26 =	simm.s32 $execute0_lowered;
	[smem:$0x3FD2] =	sst s25  }
0xb5: {  	s6 =	sshll.u32 s26, $0x1;
	_ =	strace $0x80000049;
	[dreg:$0x1] =	wrdreg $0xFFFFFFFF  }
0xb6: {  	s28 =	simm.s32 $_size_execute0_lowered;
	s4 =	sadd.s32 s4, s6;
	[dreg:$0x0] =	wrdreg $0x0  }
0xb7: {  	s6 =	sshll.u32 s28, $0x1;
	[dreg:$0x2] =	wrdreg s4  }
0xb8: {  	[dreg:$0x3] =	wrdreg s6  }
0xb9: {  	[dreg:$0x4] =	wrdreg $0xC0  }
0xba: {  	_ =	task [dreg:s22], $0x5FFFF  }
0xbb: {  	[dreg:$0x1] =	wrdreg $0xFFFFFFFF  }
0xbc: {  	[dreg:$0x0] =	wrdreg $0x60  }
0xbd: {  	[dreg:$0x2] =	wrdreg s18  }
0xbe: {  	[dreg:$0x3] =	wrdreg s24  }
0xbf: {  	[dreg:$0x4] =	wrdreg $0x9  }
0xc0: {  	_ =	task.clear_ibuf [dreg:s22], $0x5FFFF;
	_ =	strace $0x90000049  }
0xc1: {  	s29 =	simm.s32 $0x9;
	_ =	strace $0x8000004B  }
0xc2: {  	_ =	swait.ge [sflag:s29], $0x1  }
0xc3: {  	[sflag:s29] =	ssyncadd.s32 $0xFFFFFFFF  }
0xc4: {  	_ =	strace $0x9000004B  }
0xc5: {  	_ =	sfence  }
0xc6: {  	s30 =	sld [smem:$0x0];
	_ =	sdelay $0x2  }
0xc7: {  	s31 =	sshll.u32 s1, $0xD;
	s1 =	sshrl.u32 s1, $0x2  }
0xc8: {  	s4 =	sand.u32 $0x4000, s31;
	s1 =	sadd.s32 s1, s30  }
0xc9: {  	s0 =	sor.u32 s4, s0;
	s1 =	sshll.u32 s1, $0x11  }
0xca: {  	s0 =	sor.u32 s1, s0  }
0xcb: {  	s0 =	sadd.s32 $0x8F2B, s0  }
0xcc: {  	[sflag:s0] =	ssyncadd.remote.s32 $0x1  }
0xcd: {  	_ =	sfence.sel $0xFFFF  }
0xce: {  	[dreg:$0x0] =	wrdreg $0xFFFFFFFF;
	(pc) =	sbr.abs _section_cstart, $3  }
0xcf: {  	[dreg:$0x1] =	wrdreg $0xFFFFFFFF  }
0xd0: {  	_ =	task.clear_ibuf [dreg:s22], $0x2FFFF;
	_ =	strace $0x9FFFFFFF  }
0xd1: {  	(tm) =	ssettm $0x7FFFFFFF  }
tec
execute0_lowered:
.L_overlay_start_1:
0x0: {  	(tag) =	ssettag $0x1  }
0x1: {  	s2 =	rddreg [dreg:$0x0]  }
0x2: {  	s1 =	srdreg.scid;
	s0 =	stileid.u32  }
0x3: {  	s4 =	rddreg [dreg:$0x1];
	s3 =	simm.s32 $0x0;
	s12 =	simm.s32 $0x1  }
0x4: {  	s13 =	simm.s32 $0xDEA8;
	s14 =	simm.s32 $0x2;
	s15 =	simm.s32 $0x3  }
0x5: {  	s16 =	simm.s32 $0x0;
	s5 =	sand.u32 $0x1, s1;
	s1 =	rddreg [dreg:$0x2]  }
0x6: {  	s6 =	sshll.u32 s0, $0x1;
	[smem:$0x7FF] =	sst s3;
	s10 =	smul.u32 $0x30D40, s0  }
0x7: {  	s11 =	sadd.s32 $0x370600, s4;
	s6 =	sor.u32 s5, s6;
	s30 =	smul.u32 $0x186A0, s5  }
0x8: {  	_ =	strace $0x8000004A;
	s8 =	ssub.s32 $0x2, s5;
	s7 =	smul.u32 $0x61A8, s6  }
0x9: {  	s6 =	smul.u32 $0x186A0, s6;
	s9 =	sshrl.u32 s8, $0x1;
	s10 =	sadd.s32 s10, s11  }
0xa: {  	s8 =	ssub.s32 s8, s9;
	s31 =	sadd.s32 s30, s10;
	s9 =	simm.s32 $0x4  }
0xb: {  	s10 =	simm.s32 $0x3E8;
	s7 =	sshrl.u32 s7, $0x3;
	s5 =	sadd.s32 s11, s6  }
0xc: {  	s6 =	smax.u32 s8, $0x1;
	s8 =	sadd.s32 $0x1F40, s31;
	s7 =	sadd.s32 s7, s4  }
0xd: {  	s11 =	simm.s32 $0x61A8;
	s4 =	sadd.s32 $0x1600, s7;
	s7 =	sadd.s32 $0xFA0, s5  }
.LBB2_1:
0xe: {  	[tilespmem:s3], [sflag:$0x4] =	stream.linear.gather [hbm4b:s4+s3], $0x61A8, $0x38;
	[tilespmem:$0x15BA8] =	vst v63  }
0xf: {  	_ =	swait.ge [sflag:s9], $0x61A8  }
0x10: {  	[sflag:s9] =	ssyncset.done $0x0  }
0x11: {  	[sflag:s9] =	ssyncadd.s32 $0xFFFF9E58  }
0x12: {  	[tilespmem:s11], [sflag:$0x1] =	stream.indirect.gather [hbm4b:s2+s10], $0x20, s3, s10, $0xb8;
	[tilespmem:$0x15BA8] =	vst v63  }
0x13: {  	_ =	swait.ge [sflag:s12], $0x7D00  }
0x14: {  	[sflag:s12] =	ssyncset.done $0x0  }
0x15: {  	[sflag:s12] =	ssyncadd.s32 $0xFFFF8300  }
0x16: {  	[hbm4b:s5+s3] =	stream.linear.scatter [tilespmem:s11], [sflag:$0x2], $0x7D00, $0x38;
	[tilespmem:$0x15BA8] =	vst v63  }
0x17: {  	_ = 	snop  }
0x18: {  	[tilespmem:s13], [sflag:$0x1] =	stream.indirect.gather [hbm4b:s2+s10], $0x20, s10, s10, $0xb8;
	[tilespmem:$0x15BA8] =	vst v63  }
0x19: {  	_ =	swait.ge [sflag:s12], $0x7D00  }
0x1a: {  	s17 =	sand.u32 $0x1, s14;
	[sflag:s12] =	ssyncset.done $0x0  }
0x1b: {  	s19 =	sor.u32 $0x2, s17;
	s17 =	smul.u32 $0x1F400, s17;
	[sflag:s12] =	ssyncadd.s32 $0xFFFF8300  }
0x1c: {  	[hbm4b:s7+s3] =	stream.linear.scatter [tilespmem:s13], [sflag:$0x3], $0x7D00, $0x38;
	[tilespmem:$0x15BA8] =	vst v63  }
0x1d: {  	s18 =	simm.s32 $0x7D0;
	_ =	swait.ge [sflag:s19], $0x7D00  }
0x1e: {  	s22 =	simm.s32 $0x3;
	s17 =	sshrl.u32 s17, $0x2;
	[sflag:s19] =	ssyncset.done $0x0  }
0x1f: {  	s21 =	simm.s32 $0x4;
	s20 =	sadd.s32 $0x61A8, s17;
	[sflag:s19] =	ssyncadd.s32 $0xFFFF8300  }
0x20: {  	[tilespmem:s20], [sflag:$0x1] =	stream.indirect.gather [hbm4b:s2+s10], $0x20, s18, s10, $0xb8;
	[tilespmem:$0x15BA8] =	vst v63  }
0x21: {  	s23 =	sand.u32 $0x1, s22;
	s22 =	smov.u32 s8;
	_ =	swait.ge [sflag:s12], $0x7D00  }
0x22: {  	s17 =	sadd.s32 $0xFA0, s8;
	s18 =	simm.s32 $0xBB8;
	[sflag:s12] =	ssyncset.done $0x0  }
.LBB2_2:
0x23: {  	s24 =	sor.u32 $0x2, s23;
	s23 =	smul.u32 $0x1F400, s23  }
0x24: {  	[sflag:s12] =	ssyncadd.s32 $0xFFFF8300;
	s25 =	smov.u32 s21;
	s26 =	sadd.s32 $0x1, s21  }
0x25: {  	[hbm4b:s22+s3] =	stream.linear.scatter [tilespmem:s20], [sflag:s19], $0x7D00, $0x38;
	[tilespmem:$0x15BA8] =	vst v63  }
0x26: {  	p0 =	sne.s32 s21, $0x18;
	_ =	swait.ge [sflag:s24], $0x7D00;
	s19 =	sshrl.u32 s23, $0x2  }
.Ltmp0:
0x27: {  	[sflag:s24] =	ssyncset.done $0x0;
	s20 =	sadd.s32 $0x61A8, s19;
	(pc) =	sbr.rel @p0 .LBB2_2-.Ltmp0, $4  }
0x28: {  	s22 =	smov.u32 s17;
	s19 =	smov.u32 s24;
	[sflag:s24] =	ssyncadd.s32 $0xFFFF8300  }
0x29: {  	[tilespmem:s20], [sflag:$0x1] =	stream.indirect.gather [hbm4b:s2+s10], $0x20, s18, s10, $0xb8;
	[tilespmem:$0x15BA8] =	vst v63  }
0x2a: {  	s17 =	sadd.s32 $0xFA0, s17;
	s21 =	smov.u32 s26;
	_ =	swait.ge [sflag:s12], $0x7D00  }
0x2b: {  	s23 =	sand.u32 $0x1, s25;
	s18 =	sadd.s32 $0x3E8, s18;
	[sflag:s12] =	ssyncset.done $0x0  }
0x2c: {  	s21 =	sor.u32 $0x2, s23;
	s30 =	smul.u32 $0x1F400, s23;
	[sflag:s12] =	ssyncadd.s32 $0xFFFF8300  }
0x2d: {  	[hbm4b:s22+s3] =	stream.linear.scatter [tilespmem:s20], [sflag:s19], $0x7D00, $0x38;
	[tilespmem:$0x15BA8] =	vst v63  }
0x2e: {  	_ =	swait.ge [sflag:s21], $0x7D00  }
0x2f: {  	s31 =	sshrl.u32 s30, $0x2;
	[sflag:s21] =	ssyncset.done $0x0  }
0x30: {  	s19 =	sadd.s32 $0x61A8, s31;
	[sflag:s21] =	ssyncadd.s32 $0xFFFF8300  }
0x31: {  	[tilespmem:s19], [sflag:$0x1] =	stream.indirect.gather [hbm4b:s2+s10], $0x20, s18, s10, $0xb8;
	[tilespmem:$0x15BA8] =	vst v63  }
0x32: {  	_ =	swait.ge [sflag:s12], $0x7D00  }
0x33: {  	[sflag:s12] =	ssyncset.done $0x0  }
0x34: {  	s16 =	sadd.s32 $0x1, s16;
	[sflag:s12] =	ssyncadd.s32 $0xFFFF8300  }
0x35: {  	[hbm4b:s17+s3] =	stream.linear.scatter [tilespmem:s19], [sflag:s21], $0x7D00, $0x38;
	[tilespmem:$0x15BA8] =	vst v63  }
0x36: {  	p0 =	sne.s32 s16, s6;
	_ =	swait.ge [sflag:s14], $0x7D00  }
.Ltmp1:
0x37: {  	[sflag:s14] =	ssyncset.done $0x0;
	(pc) =	sbr.rel @p0 .LBB2_1-.Ltmp1, $4  }
0x38: {  	[sflag:s14] =	ssyncadd.s32 $0xFFFF8300  }
0x39: {  	_ =	swait.ge [sflag:s15], $0x7D00  }
0x3a: {  	[sflag:s15] =	ssyncset.done $0x0  }
0x3b: {  	[sflag:s15] =	ssyncadd.s32 $0xFFFF8300  }
0x3c: {  	_ =	sfence.sel $0x180000  }
0x3d: {  	[bflag:$0x0] =	sbarrier.arrive $0xFFFF  }
0x3e: {  	p0 =	sne.s32 s0, $0x0;
	_ =	strace $0x9000004A  }
0x3f: {  	s0 =	sadd.s32 @!p0 $0x100000, s1;
	[bflag:$0x2] =	sbarrier.arrive $0xFFFF  }
0x40: {  	[sflag:s0] =	ssyncadd.tile.s32 @!p0 $0x1;
	_ =	shalt  }
.Lfunc_end2:
_tile_overlayer_lowered:
.L_overlay_start_2:
0x41: {  	(tag) =	ssettag $0x2  }
0x42: {  	s0 =	rddreg [dreg:$0x0];
	s2 =	stileid.u32  }
0x43: {  	s1 =	rddreg [dreg:$0x1];
	p0 =	sne.s32 s2, $0x0  }
0x44: {  	s3 =	rddreg [dreg:$0x2];
	[bflag:$0x3] =	sbarrier.arrive $0xFFFF;
	s2 =	simm.s32 @!p0 $0x1C04  }
0x45: {  	[timem:s3], [sflag:s2] =	dma.local @!p0 [hbm:s0], s1  }
0x46: {  	s0 =	simm.s32 @!p0 $0x4  }
0x47: {  	_ =	swait.ge @!p0 [sflag:s0], s1  }
0x48: {  	s1 =	ssub.s32 @!p0 $0x0, s1;
	[sflag:s0] =	ssyncset.done @!p0 $0x0  }
0x49: {  	[sflag:s0] =	ssyncadd.s32 @!p0 s1  }
0x4a: {  	[bflag:$0x3] =	sbarrier.arrive $0xFFFF  }
0x4b: {  	_ =	shalt  }

</sc_bundles>
